<compile_context>
chip_gen: v7x
topology: tpu7x:2x2x1
jax: 0.10.2.dev20260603
libtpu: 0.0.44.dev20260713+nightly
codegen_flags: <defaults>
</compile_context>

<pallas_src>
import functools
import math

import jax
import jax.numpy as jnp
from jax import lax
from jax.experimental import pallas as pl
from jax.experimental.pallas import tpu as pltpu
from jax.experimental.pallas import tpu_sc as plsc

N = 10000
E = 320000
HIDDEN = 128
EDGE_FEAT_DIM = 4
NUM_RBF = 16
N_HEADS = 16
HEAD_DIM = HIDDEN // N_HEADS
CUTOFF = 10.0
SCALE = 1.0 / math.sqrt(HEAD_DIM)
OUTER = NUM_RBF * EDGE_FEAT_DIM

TAB = 256
BN = 1000
BE = 2000

NC = 2
NS = 16
NW = NC * NS
EPW = E // NW
CCH = 200
NCH = EPW // CCH
WCH = 104
NWB = N // WCH
WTAIL = N - NWB * WCH

E2 = E // 2
EPW2 = E2 // NW
NCH2 = EPW2 // CCH
SCCH = 200
NSCH = EPW // SCCH

_f32 = jnp.float32


@functools.lru_cache(maxsize=1)
def _sc_mesh():
    return plsc.VectorSubcoreMesh(
        core_axis_name="c", subcore_axis_name="s",
        num_cores=NC, num_subcores=NS)


def _ln(v, g, b):
    mu = jnp.mean(v, axis=1, keepdims=True)
    var = jnp.mean((v - mu) ** 2, axis=1, keepdims=True)
    return (v - mu) * jax.lax.rsqrt(var + 1e-5) * g + b


def _dot(a, b):
    return jnp.dot(a, b, preferred_element_type=_f32)


def _node_pre(h_ref, x_ref, qwT_ref, qb_ref, w1hT_ref, tabA_ref, tabB_ref):
    h = h_ref[...]
    hk = _dot(h, w1hT_ref[...])
    q = _dot(h, qwT_ref[...]) + qb_ref[...]
    xpad = jnp.concatenate(
        [x_ref[...], jnp.zeros((h.shape[0], TAB - HIDDEN - 3), _f32)], axis=1)
    tabA_ref[...] = jnp.concatenate([hk, xpad], axis=1)
    tabB_ref[...] = jnp.concatenate([q, xpad], axis=1)


def _run_node_pre(h, x, qwT, qb, w1hT):
    grid = (N // BN,)
    full = lambda shp: pl.BlockSpec(shp, lambda i: (0, 0))
    return pl.pallas_call(
        _node_pre,
        grid=grid,
        in_specs=[
            pl.BlockSpec((BN, HIDDEN), lambda i: (i, 0)),
            pl.BlockSpec((BN, 3), lambda i: (i, 0)),
            full((HIDDEN, HIDDEN)),
            full((1, HIDDEN)),
            full((HIDDEN, HIDDEN)),
        ],
        out_specs=[
            pl.BlockSpec((BN, TAB), lambda i: (i, 0)),
            pl.BlockSpec((BN, TAB), lambda i: (i, 0)),
        ],
        out_shape=[
            jax.ShapeDtypeStruct((N, TAB), _f32),
            jax.ShapeDtypeStruct((N, TAB), _f32),
        ],
    )(h, x, qwT, qb, w1hT)


def _edge_mlp(gA_ref, gB_ref, ea_ref, w1eT_ref, kvb1_ref, lng_ref, lnb_ref,
              w2T_ref, kvb2_ref, abw1T_ref, abb1_ref, ablng_ref, ablnb_ref,
              abw2T_ref, abb2_ref, combo_ref, v_ref):
    a = gA_ref[...]
    b = gB_ref[...]
    xs = a[:, HIDDEN:HIDDEN + 3]
    xd = b[:, HIDDEN:HIDDEN + 3]
    rel = xd - xs
    d2 = jnp.sum(rel * rel, axis=1, keepdims=True)
    d = jnp.sqrt(d2 + 1e-8)
    delta = CUTOFF / (NUM_RBF - 1)
    off = lax.broadcasted_iota(jnp.int32, (1, NUM_RBF), 1).astype(_f32) * delta
    df = jnp.exp((-0.5 / (delta * delta)) * (d - off) ** 2)
    ci = lax.broadcasted_iota(jnp.int32, (NUM_RBF, OUTER), 1)
    ri = lax.broadcasted_iota(jnp.int32, (NUM_RBF, OUTER), 0)
    Rm = (ci // EDGE_FEAT_DIM == ri).astype(_f32)
    cj = lax.broadcasted_iota(jnp.int32, (EDGE_FEAT_DIM, OUTER), 1)
    rj = lax.broadcasted_iota(jnp.int32, (EDGE_FEAT_DIM, OUTER), 0)
    Sm = (cj % EDGE_FEAT_DIM == rj).astype(_f32)
    ef = _dot(df, Rm) * _dot(ea_ref[...], Sm)
    t1 = a[:, :HIDDEN] + _dot(ef, w1eT_ref[...]) + kvb1_ref[...]
    t1 = jnp.maximum(_ln(t1, lng_ref[...], lnb_ref[...]), 0.0)
    kv = _dot(t1, w2T_ref[...]) + kvb2_ref[...]
    k = kv[:, :HIDDEN]
    v = kv[:, HIDDEN:]
    q = b[:, :HIDDEN]
    di = lax.broadcasted_iota(jnp.int32, (HIDDEN, N_HEADS), 0)
    hi = lax.broadcasted_iota(jnp.int32, (HIDDEN, N_HEADS), 1)
    Hm = (di // HEAD_DIM == hi).astype(_f32)
    logits = _dot(q * k, Hm) * SCALE
    tb = _dot(ef, abw1T_ref[...]) + abb1_ref[...]
    tb = jnp.maximum(_ln(tb, ablng_ref[...], ablnb_ref[...]), 0.0)
    ab = _dot(tb, abw2T_ref[...]) + abb2_ref[...]
    n = rel.shape[0]
    combo_ref[...] = jnp.concatenate(
        [jnp.exp(logits + ab), rel / (d + 1.0),
         jnp.zeros((n, HIDDEN - N_HEADS - 3), _f32)], axis=1)
    v_ref[...] = v


def _run_edge_mlp(gA, gB, ea, w1eT, kvb1, lng, lnb, w2T, kvb2,
                  abw1T, abb1, ablng, ablnb, abw2T, abb2):
    grid = (E2 // BE,)
    full = lambda shp: pl.BlockSpec(shp, lambda i: (0, 0))
    return pl.pallas_call(
        _edge_mlp,
        grid=grid,
        in_specs=[
            pl.BlockSpec((BE, TAB), lambda i: (i, 0)),
            pl.BlockSpec((BE, TAB), lambda i: (i, 0)),
            pl.BlockSpec((BE, EDGE_FEAT_DIM), lambda i: (i, 0)),
            full((OUTER, HIDDEN)),
            full((1, HIDDEN)),
            full((1, HIDDEN)),
            full((1, HIDDEN)),
            full((HIDDEN, 2 * HIDDEN)),
            full((1, 2 * HIDDEN)),
            full((OUTER, HIDDEN)),
            full((1, HIDDEN)),
            full((1, HIDDEN)),
            full((1, HIDDEN)),
            full((HIDDEN, N_HEADS)),
            full((1, N_HEADS)),
        ],
        out_specs=[
            pl.BlockSpec((BE, HIDDEN), lambda i: (i, 0)),
            pl.BlockSpec((BE, HIDDEN), lambda i: (i, 0)),
        ],
        out_shape=[
            jax.ShapeDtypeStruct((E2, HIDDEN), _f32),
            jax.ShapeDtypeStruct((E2, HIDDEN), _f32),
        ],
    )(gA, gB, ea, w1eT, kvb1, lng, lnb, w2T, kvb2,
      abw1T, abb1, ablng, ablnb, abw2T, abb2)


def _sum2(pa_ref, pb_ref, out_ref):
    out_ref[...] = pa_ref[0] + pb_ref[0]


def _run_sum2(parts):
    grid = (N // BN,)
    return pl.pallas_call(
        _sum2,
        grid=grid,
        in_specs=[
            pl.BlockSpec((1, BN, HIDDEN), lambda i: (0, i, 0)),
            pl.BlockSpec((1, BN, HIDDEN), lambda i: (1, i, 0)),
        ],
        out_specs=pl.BlockSpec((BN, HIDDEN), lambda i: (i, 0)),
        out_shape=jax.ShapeDtypeStruct((N, HIDDEN), _f32),
    )(parts, parts)


def _edge2(combo_ref, sg_ref, v_ref, xw1T_ref, xb1_ref, xw2_ref,
           msg_ref, vecp_ref):
    combo = combo_ref[...]
    w = combo[:, :N_HEADS] / (sg_ref[...][:, :N_HEADS] + 1e-16)
    relod = combo[:, N_HEADS:N_HEADS + 3]
    hi = lax.broadcasted_iota(jnp.int32, (N_HEADS, HIDDEN), 0)
    di = lax.broadcasted_iota(jnp.int32, (N_HEADS, HIDDEN), 1)
    Bm = (di // HEAD_DIM == hi).astype(_f32)
    msg = _dot(w, Bm) * v_ref[...]
    m1 = _dot(msg, xw1T_ref[...]) + xb1_ref[...]
    m1 = m1 * jax.nn.sigmoid(m1)
    cc = jnp.sum(m1 * xw2_ref[...], axis=1, keepdims=True)
    coef = jnp.tanh(cc)
    vec = relod * coef
    msg_ref[...] = msg
    vecp_ref[...] = jnp.concatenate(
        [vec, jnp.zeros((vec.shape[0], HIDDEN - 3), _f32)], axis=1)


def _run_edge2(combo, sg, v, xw1T, xb1, xw2):
    grid = (E2 // BE,)
    full = lambda shp: pl.BlockSpec(shp, lambda i: (0, 0))
    return pl.pallas_call(
        _edge2,
        grid=grid,
        in_specs=[
            pl.BlockSpec((BE, HIDDEN), lambda i: (i, 0)),
            pl.BlockSpec((BE, HIDDEN), lambda i: (i, 0)),
            pl.BlockSpec((BE, HIDDEN), lambda i: (i, 0)),
            full((HIDDEN, HIDDEN)),
            full((1, HIDDEN)),
            full((1, HIDDEN)),
        ],
        out_specs=[
            pl.BlockSpec((BE, HIDDEN), lambda i: (i, 0)),
            pl.BlockSpec((BE, HIDDEN), lambda i: (i, 0)),
        ],
        out_shape=[
            jax.ShapeDtypeStruct((E2, HIDDEN), _f32),
            jax.ShapeDtypeStruct((E2, HIDDEN), _f32),
        ],
    )(combo, sg, v, xw1T, xb1, xw2)


def _node_post(pa_ref, pb_ref, va_ref, vb_ref, h_ref, x_ref, mask_ref,
               outwT_ref, outb_ref, nmw1T_ref, nmb1_ref, nmlng_ref,
               nmlnb_ref, nmw2T_ref, nmb2_ref, hnew_ref, xnew_ref):
    agg = pa_ref[0] + pb_ref[0]
    dxv = (va_ref[0] + vb_ref[0])[:, :3]
    h = h_ref[...]
    aggo = _dot(agg, outwT_ref[...]) + outb_ref[...]
    tn = jnp.concatenate([aggo, h], axis=1)
    tn = _dot(tn, nmw1T_ref[...]) + nmb1_ref[...]
    tn = jnp.maximum(_ln(tn, nmlng_ref[...], nmlnb_ref[...]), 0.0)
    tn = _dot(tn, nmw2T_ref[...]) + nmb2_ref[...]
    hnew_ref[...] = h + tn
    xnew_ref[...] = x_ref[...] + dxv * mask_ref[...]


def _run_node_post(parts_a, parts_b, h, x, maskf, outwT, outb, nmw1T, nmb1,
                   nmlng, nmlnb, nmw2T, nmb2):
    grid = (N // BN,)
    full = lambda shp: pl.BlockSpec(shp, lambda i: (0, 0))
    return pl.pallas_call(
        _node_post,
        grid=grid,
        in_specs=[
            pl.BlockSpec((1, BN, HIDDEN), lambda i: (0, i, 0)),
            pl.BlockSpec((1, BN, HIDDEN), lambda i: (0, i, 0)),
            pl.BlockSpec((1, BN, HIDDEN), lambda i: (1, i, 0)),
            pl.BlockSpec((1, BN, HIDDEN), lambda i: (1, i, 0)),
            pl.BlockSpec((BN, HIDDEN), lambda i: (i, 0)),
            pl.BlockSpec((BN, 3), lambda i: (i, 0)),
            pl.BlockSpec((BN, 1), lambda i: (i, 0)),
            full((HIDDEN, HIDDEN)),
            full((1, HIDDEN)),
            full((2 * HIDDEN, HIDDEN)),
            full((1, HIDDEN)),
            full((1, HIDDEN)),
            full((1, HIDDEN)),
            full((HIDDEN, HIDDEN)),
            full((1, HIDDEN)),
        ],
        out_specs=[
            pl.BlockSpec((BN, HIDDEN), lambda i: (i, 0)),
            pl.BlockSpec((BN, 3), lambda i: (i, 0)),
        ],
        out_shape=[
            jax.ShapeDtypeStruct((N, HIDDEN), _f32),
            jax.ShapeDtypeStruct((N, 3), _f32),
        ],
    )(parts_a, parts_b, parts_a, parts_b, h, x, maskf, outwT, outb,
      nmw1T, nmb1, nmlng, nmlnb, nmw2T, nmb2)


def _sc_gather2_body(tabA, tabB, src, dst, gA, gB,
                     idxa, idxb, bufa, bufb, sema, semb):
    wid = lax.axis_index("s") * NC + lax.axis_index("c")
    base0 = wid * EPW2

    def chunk(c, carry):
        base = base0 + c * CCH
        pltpu.sync_copy(src.at[pl.ds(base, CCH)], idxa)
        cpa = pltpu.async_copy(tabA.at[idxa], bufa, sema)
        pltpu.sync_copy(dst.at[pl.ds(base, CCH)], idxb)
        cpb = pltpu.async_copy(tabB.at[idxb], bufb, semb)
        cpa.wait()
        pltpu.sync_copy(bufa, gA.at[pl.ds(base, CCH), :])
        cpb.wait()
        pltpu.sync_copy(bufb, gB.at[pl.ds(base, CCH), :])
        return carry

    lax.fori_loop(0, NCH2, chunk, 0)


def _run_sc_gather2(tabA, tabB, src, dst):
    return pl.kernel(
        _sc_gather2_body,
        out_type=[
            jax.ShapeDtypeStruct((E2, TAB), _f32),
            jax.ShapeDtypeStruct((E2, TAB), _f32),
        ],
        mesh=_sc_mesh(),
        scratch_types=[
            pltpu.VMEM((CCH,), jnp.int32),
            pltpu.VMEM((CCH,), jnp.int32),
            pltpu.VMEM((CCH, TAB), _f32),
            pltpu.VMEM((CCH, TAB), _f32),
            pltpu.SemaphoreType.DMA,
            pltpu.SemaphoreType.DMA,
        ],
    )(tabA, tabB, src, dst)


def _acc_zero(zrows, acc_ref, sid):
    for w in range(NWB // NS):
        r = (sid * (NWB // NS) + w) * WCH
        pltpu.sync_copy(zrows.at[pl.ds(r, WCH), :],
                        acc_ref.at[pl.ds(r, WCH), :])

    @pl.when(sid == 0)
    def _():
        pltpu.sync_copy(zrows.at[pl.ds(NWB * WCH, WTAIL), :],
                        acc_ref.at[pl.ds(NWB * WCH, WTAIL), :])


def _acc_writeback(acc_ref, out, cid, sid, wbuf, tbuf):
    for w in range(NWB // NS):
        r = (sid * (NWB // NS) + w) * WCH
        pltpu.sync_copy(acc_ref.at[pl.ds(r, WCH), :], wbuf)
        pltpu.sync_copy(wbuf, out.at[cid, pl.ds(r, WCH), :])

    @pl.when(sid == 0)
    def _():
        pltpu.sync_copy(acc_ref.at[pl.ds(NWB * WCH, WTAIL), :], tbuf)
        pltpu.sync_copy(tbuf, out.at[cid, pl.ds(NWB * WCH, WTAIL), :])


def _scatter_loop(vals, dst, acc_ref, idxv, bufv, base0, nchunks):
    def chunk(c, carry):
        base = base0 + c * SCCH
        pltpu.sync_copy(dst.at[pl.ds(base, SCCH)], idxv)
        pltpu.sync_copy(vals.at[pl.ds(base, SCCH), :], bufv)
        pltpu.sync_copy(bufv, acc_ref.at[idxv], add=True)
        return carry

    lax.fori_loop(0, nchunks, chunk, 0)


def _sc_scatter_part_body(vals_a, vals_b, dst_a, dst_b, zrows, out, idxv,
                          bufv, wbuf, tbuf, acc_ref):
    cid = lax.axis_index("c")
    sid = lax.axis_index("s")
    _acc_zero(zrows, acc_ref, sid)
    plsc.subcore_barrier()
    base0 = sid * EPW

    @pl.when(cid == 0)
    def _():
        _scatter_loop(vals_a, dst_a, acc_ref, idxv, bufv, base0, NSCH)

    @pl.when(cid == 1)
    def _():
        _scatter_loop(vals_b, dst_b, acc_ref, idxv, bufv, base0, NSCH)

    plsc.subcore_barrier()
    _acc_writeback(acc_ref, out, cid, sid, wbuf, tbuf)


def _run_sc_scatter_part(vals_a, vals_b, dst_a, dst_b, zrows):
    return pl.kernel(
        _sc_scatter_part_body,
        out_type=jax.ShapeDtypeStruct((NC, N, HIDDEN), _f32),
        mesh=_sc_mesh(),
        scratch_types=[
            pltpu.VMEM((SCCH,), jnp.int32),
            pltpu.VMEM((SCCH, HIDDEN), _f32),
            pltpu.VMEM((WCH, HIDDEN), _f32),
            pltpu.VMEM((WTAIL, HIDDEN), _f32),
            pltpu.VMEM_SHARED((N, HIDDEN), _f32),
        ],
    )(vals_a, vals_b, dst_a, dst_b, zrows)


def _sc_scatter_dual_body(ma, va, dst_h, zrows, out, idxv,
                          bufv, wbuf, tbuf, acc_ref):
    cid = lax.axis_index("c")
    sid = lax.axis_index("s")
    _acc_zero(zrows, acc_ref, sid)
    plsc.subcore_barrier()
    base0 = sid * EPW

    @pl.when(cid == 0)
    def _():
        _scatter_loop(ma, dst_h, acc_ref, idxv, bufv, base0, NSCH)

    @pl.when(cid == 1)
    def _():
        _scatter_loop(va, dst_h, acc_ref, idxv, bufv, base0, NSCH)

    plsc.subcore_barrier()
    _acc_writeback(acc_ref, out, cid, sid, wbuf, tbuf)


def _run_sc_scatter_dual(ma, va, dst_h, zrows):
    return pl.kernel(
        _sc_scatter_dual_body,
        out_type=jax.ShapeDtypeStruct((NC, N, HIDDEN), _f32),
        mesh=_sc_mesh(),
        scratch_types=[
            pltpu.VMEM((SCCH,), jnp.int32),
            pltpu.VMEM((SCCH, HIDDEN), _f32),
            pltpu.VMEM((WCH, HIDDEN), _f32),
            pltpu.VMEM((WTAIL, HIDDEN), _f32),
            pltpu.VMEM_SHARED((N, HIDDEN), _f32),
        ],
    )(ma, va, dst_h, zrows)


def _sc_gather1_body(tab, dst, out, idxa, idxb, bufa, bufb, sema, semb):
    wid = lax.axis_index("s") * NC + lax.axis_index("c")
    base0 = wid * EPW2

    def pair(c, carry):
        base = base0 + c * 2 * CCH
        pltpu.sync_copy(dst.at[pl.ds(base, CCH)], idxa)
        cpa = pltpu.async_copy(tab.at[idxa], bufa, sema)
        pltpu.sync_copy(dst.at[pl.ds(base + CCH, CCH)], idxb)
        cpb = pltpu.async_copy(tab.at[idxb], bufb, semb)
        cpa.wait()
        pltpu.sync_copy(bufa, out.at[pl.ds(base, CCH), :])
        cpb.wait()
        pltpu.sync_copy(bufb, out.at[pl.ds(base + CCH, CCH), :])
        return carry

    lax.fori_loop(0, NCH2 // 2, pair, 0)
    base = base0 + (NCH2 - 1) * CCH
    pltpu.sync_copy(dst.at[pl.ds(base, CCH)], idxa)
    pltpu.async_copy(tab.at[idxa], bufa, sema).wait()
    pltpu.sync_copy(bufa, out.at[pl.ds(base, CCH), :])


def _run_sc_gather1(tab, dst):
    return pl.kernel(
        _sc_gather1_body,
        out_type=jax.ShapeDtypeStruct((E2, HIDDEN), _f32),
        mesh=_sc_mesh(),
        scratch_types=[
            pltpu.VMEM((CCH,), jnp.int32),
            pltpu.VMEM((CCH,), jnp.int32),
            pltpu.VMEM((CCH, HIDDEN), _f32),
            pltpu.VMEM((CCH, HIDDEN), _f32),
            pltpu.SemaphoreType.DMA,
            pltpu.SemaphoreType.DMA,
        ],
    )(tab, dst)


def kernel(h, x, edge_index, mask_ligand, edge_attr, params):
    p = params
    row = lambda v: v.reshape(1, -1)
    qwT = p["q_w"].T
    w1hT = p["kv_w1"][:, :HIDDEN].T
    w1eT = p["kv_w1"][:, HIDDEN:].T
    w2T = p["kv_w2"].T
    abw1T = p["ab_w1"].T
    abw2T = p["ab_w2"].T
    outwT = p["out_w"].T
    nmw1T = p["nm_w1"].T
    nmw2T = p["nm_w2"].T
    xw1T = p["x_w1"].T
    maskf = mask_ligand.astype(_f32).reshape(N, 1)
    src = edge_index[0]
    dst = edge_index[1]

    tabA, tabB = _run_node_pre(h, x, qwT, row(p["q_b"]), w1hT)

    zrows = jnp.zeros((N, HIDDEN), _f32)
    src_a, src_b = src[:E2], src[E2:]
    dst_a, dst_b = dst[:E2], dst[E2:]
    ea_a, ea_b = edge_attr[:E2], edge_attr[E2:]

    gA_a, gB_a = _run_sc_gather2(tabA, tabB, src_a, dst_a)
    gA_b, gB_b = _run_sc_gather2(tabA, tabB, src_b, dst_b)

    def mlp(gA, gB, ea):
        return _run_edge_mlp(
            gA, gB, ea, w1eT, row(p["kv_b1"]), row(p["kv_ln_g"]),
            row(p["kv_ln_b"]), w2T, row(p["kv_b2"]), abw1T, row(p["ab_b1"]),
            row(p["ab_ln_g"]), row(p["ab_ln_b"]), abw2T, row(p["ab_b2"]))

    combo_a, v_a = mlp(gA_a, gB_a, ea_a)
    combo_b, v_b = mlp(gA_b, gB_b, ea_b)

    s_parts = _run_sc_scatter_part(combo_a, combo_b, dst_a, dst_b, zrows)
    s = _run_sum2(s_parts)
    sg_a = _run_sc_gather1(s, dst_a)
    sg_b = _run_sc_gather1(s, dst_b)

    xw2r = p["x_w2"].reshape(1, HIDDEN)
    msg_a, vecp_a = _run_edge2(combo_a, sg_a, v_a, xw1T, row(p["x_b1"]), xw2r)
    msg_b, vecp_b = _run_edge2(combo_b, sg_b, v_b, xw1T, row(p["x_b1"]), xw2r)

    parts_a = _run_sc_scatter_dual(msg_a, vecp_a, dst_a, zrows)
    parts_b = _run_sc_scatter_dual(msg_b, vecp_b, dst_b, zrows)

    h_new, x_new = _run_node_post(
        parts_a, parts_b, h, x, maskf, outwT, row(p["out_b"]), nmw1T,
        row(p["nm_b1"]), row(p["nm_ln_g"]), row(p["nm_ln_b"]), nmw2T,
        row(p["nm_b2"]))
    return (h_new, x_new)

# --- scband reference (transcript-rebuilt; emitter-appended) ---
"""Pipeline reference for scband-graph-attn-msg-passing-egnnlayer-55688545960336 (READ-ONLY COPY).

The authoritative reference and input builder live on the scoring server;
editing this copy changes nothing except your own understanding.
"""

import math
import jax, jax.numpy as jnp
import numpy as np

N = 10000
E = 320000
HIDDEN = 128
EDGE_FEAT_DIM = 4
NUM_RBF = 16
N_HEADS = 16
HEAD_DIM = HIDDEN // N_HEADS
CUTOFF = 10.0
SCALE = 1.0 / math.sqrt(HEAD_DIM)
OUTER = NUM_RBF * EDGE_FEAT_DIM


def _linear_params(key, fin, fout, bias=True, gain=1.0):
    kw, kb = jax.random.split(key)
    lim = gain / np.sqrt(fin)
    W = jax.random.uniform(kw, (fout, fin), jnp.float32, -lim, lim)
    if bias:
        b = jnp.zeros((fout,), jnp.float32)
        return W, b
    return W


def setup_inputs(seed: int = 0):
    key = jax.random.key(seed)
    ks = jax.random.split(key, 24)
    h = jax.random.normal(ks[0], (N, HIDDEN), jnp.float32)
    x = jax.random.normal(ks[1], (N, 3), jnp.float32)
    edge_index = jax.random.randint(ks[2], (2, E), 0, N, dtype=jnp.int32)
    mask_ligand = jax.random.bernoulli(ks[3], 0.5, (N,))
    edge_attr = jax.random.normal(ks[4], (E, EDGE_FEAT_DIM), jnp.float32)
    kv_w1, kv_b1 = _linear_params(ks[5], HIDDEN + OUTER, HIDDEN)
    kv_w2, kv_b2 = _linear_params(ks[6], HIDDEN, 2 * HIDDEN)
    q_w, q_b = _linear_params(ks[7], HIDDEN, HIDDEN)
    ab_w1, ab_b1 = _linear_params(ks[8], OUTER, HIDDEN)
    ab_w2, ab_b2 = _linear_params(ks[9], HIDDEN, N_HEADS)
    out_w, out_b = _linear_params(ks[10], HIDDEN, HIDDEN)
    nm_w1, nm_b1 = _linear_params(ks[11], 2 * HIDDEN, HIDDEN)
    nm_w2, nm_b2 = _linear_params(ks[12], HIDDEN, HIDDEN)
    x_w1, x_b1 = _linear_params(ks[13], HIDDEN, HIDDEN)
    x_w2 = _linear_params(ks[14], HIDDEN, 1, bias=False, gain=0.001)
    params = {
        "kv_w1": kv_w1, "kv_b1": kv_b1,
        "kv_ln_g": jnp.ones((HIDDEN,), jnp.float32), "kv_ln_b": jnp.zeros((HIDDEN,), jnp.float32),
        "kv_w2": kv_w2, "kv_b2": kv_b2,
        "q_w": q_w, "q_b": q_b,
        "ab_w1": ab_w1, "ab_b1": ab_b1,
        "ab_ln_g": jnp.ones((HIDDEN,), jnp.float32), "ab_ln_b": jnp.zeros((HIDDEN,), jnp.float32),
        "ab_w2": ab_w2, "ab_b2": ab_b2,
        "out_w": out_w, "out_b": out_b,
        "nm_w1": nm_w1, "nm_b1": nm_b1,
        "nm_ln_g": jnp.ones((HIDDEN,), jnp.float32), "nm_ln_b": jnp.zeros((HIDDEN,), jnp.float32),
        "nm_w2": nm_w2, "nm_b2": nm_b2,
        "x_w1": x_w1, "x_b1": x_b1, "x_w2": x_w2,
    }
    return {"h": h, "x": x, "edge_index": edge_index, "mask_ligand": mask_ligand, "edge_attr": edge_attr, "params": params}


def _layer_norm(v, g, b):
    mu = jnp.mean(v, axis=-1, keepdims=True)
    var = jnp.mean((v - mu) ** 2, axis=-1, keepdims=True)
    return (v - mu) / jnp.sqrt(var + 1e-5) * g + b


def _segment_softmax(logits, seg, num_segments):
    m = jax.ops.segment_max(logits, seg, num_segments=num_segments)
    m = jnp.where(jnp.isfinite(m), m, 0.0)
    ex = jnp.exp(logits - m[seg])
    s = jax.ops.segment_sum(ex, seg, num_segments=num_segments)
    return ex / (s[seg] + 1e-16)


def _forward(h, x, edge_index, mask_ligand, edge_attr, p):
    src, dst = edge_index[0], edge_index[1]
    num_nodes = h.shape[0]
    num_edges = src.shape[0]
    rel = x[dst] - x[src]
    d2 = jnp.sum(rel * rel, axis=-1, keepdims=True)
    d = jnp.sqrt(d2 + 1e-8)
    offset = jnp.linspace(0.0, CUTOFF, NUM_RBF)
    coeff = -0.5 / (offset[1] - offset[0]) ** 2
    d_feat = jnp.exp(coeff * (d - offset[None, :]) ** 2)
    edge_feat = (d_feat[:, :, None] * edge_attr[:, None, :]).reshape(num_edges, -1)
    kv_in = jnp.concatenate([h[src], edge_feat], axis=-1)
    t = kv_in @ p["kv_w1"].T + p["kv_b1"]
    t = jax.nn.relu(_layer_norm(t, p["kv_ln_g"], p["kv_ln_b"]))
    kv = t @ p["kv_w2"].T + p["kv_b2"]
    k_, v_ = jnp.split(kv, 2, axis=-1)
    q = (h[dst] @ p["q_w"].T + p["q_b"]).reshape(num_edges, N_HEADS, HEAD_DIM)
    k_ = k_.reshape(num_edges, N_HEADS, HEAD_DIM)
    v_ = v_.reshape(num_edges, N_HEADS, HEAD_DIM)
    attn_logits = jnp.sum(q * k_, axis=-1) * SCALE
    tb = edge_feat @ p["ab_w1"].T + p["ab_b1"]
    tb = jax.nn.relu(_layer_norm(tb, p["ab_ln_g"], p["ab_ln_b"]))
    attn_bias = tb @ p["ab_w2"].T + p["ab_b2"]
    attn_logits = attn_logits + attn_bias
    attn_weights = _segment_softmax(attn_logits, dst, num_nodes)
    msg = (attn_weights[:, :, None] * v_).reshape(num_edges, HIDDEN)
    agg = jax.ops.segment_sum(msg, dst, num_segments=num_nodes)
    agg = agg @ p["out_w"].T + p["out_b"]
    tn = jnp.concatenate([agg, h], axis=-1) @ p["nm_w1"].T + p["nm_b1"]
    tn = jax.nn.relu(_layer_norm(tn, p["nm_ln_g"], p["nm_ln_b"]))
    h_new = h + (tn @ p["nm_w2"].T + p["nm_b2"])
    coef = jnp.tanh(jax.nn.silu(msg @ p["x_w1"].T + p["x_b1"]) @ p["x_w2"].T)
    vec = rel / (d + 1.0) * coef
    dx = jax.ops.segment_sum(vec, dst, num_segments=num_nodes)
    x_new = x + dx * mask_ligand.astype(x.dtype)[:, None]
    return (h_new, x_new)


def reference(h, x, edge_index, mask_ligand, edge_attr, params):
    return _forward(h, x, edge_index, mask_ligand, edge_attr, params)

if __name__ == "__main__":
    import jax
    _d = setup_inputs()
    print(jax.jit(kernel)(*tuple(_d.values())))

</pallas_src>

<mosaic_0001>
#map = affine_map<(d0, d1) -> (0, 0)>
#map1 = affine_map<(d0, d1) -> (0)>
#map2 = affine_map<(d0, d1) -> (0, 0, 0)>
module attributes {stable_mosaic.version = 14 : i64} {
  func.func @_sc_scatter_part_body(%arg0: i32, %arg1: i32, %arg2: memref<160000x128xf32, #tpu.memory_space<hbm>>, %arg3: memref<160000x128xf32, #tpu.memory_space<hbm>>, %arg4: memref<160000xi32, #tpu.memory_space<hbm>>, %arg5: memref<160000xi32, #tpu.memory_space<hbm>>, %arg6: memref<10000x128xf32, #tpu.memory_space<hbm>>, %arg7: memref<2x10000x128xf32, #tpu.memory_space<hbm>>, %arg8: memref<200xi32, #tpu.memory_space<vmem>>, %arg9: memref<200x128xf32, #tpu.memory_space<vmem>>, %arg10: memref<104x128xf32, #tpu.memory_space<vmem>>, %arg11: memref<16x128xf32, #tpu.memory_space<vmem>>, %arg12: memref<10000x128xf32, #tpu.memory_space<vmem_shared>>) attributes {dimension_semantics = [#tpu.dimension_semantics<core_parallel>, #tpu.dimension_semantics<subcore_parallel>], iteration_bounds = array<i64: 2, 16>, scalar_prefetch = 0 : i64, scratch_operands = 5 : i64, tpu.core_type = #tpu.core_type<sc_vector_subcore>, window_params = [{transform_indices = #map}, {transform_indices = #map}, {transform_indices = #map1}, {transform_indices = #map1}, {transform_indices = #map}, {transform_indices = #map2}]} {
    %mul3A = arith.constant 6 : i32
    %mul3A_0 = arith.muli %arg1, %mul3A : i32
    %add3A = arith.constant 0 : i32
    %add3A_1 = arith.addi %mul3A_0, %add3A : i32
    %mul3A_2 = arith.constant 104 : i32
    %mul3A_3 = arith.muli %add3A_1, %mul3A_2 : i32
    "tpu.region"() ({
      %run_scoped3A = tpu.sem_alloc : memref<!tpu.dma_semaphore, #tpu.memory_space<semaphore_mem>>
      %dma_start3A = arith.constant 0 : i32
      %dma_start3A_90 = tpu.memref_slice %arg12[%mul3A_3, %dma_start3A] : memref<10000x128xf32, #tpu.memory_space<vmem_shared>> -> memref<104x128xf32, #tpu.memory_space<vmem_shared>>
      %dma_start3A_91 = arith.constant 0 : i32
      %dma_start3A_92 = tpu.memref_slice %arg6[%mul3A_3, %dma_start3A_91] : memref<10000x128xf32, #tpu.memory_space<hbm>> -> memref<104x128xf32, #tpu.memory_space<hbm>>
      tpu.enqueue_dma source(%dma_start3A_92 : memref<104x128xf32, #tpu.memory_space<hbm>>) target(%dma_start3A_90 : memref<104x128xf32, #tpu.memory_space<vmem_shared>>) target_semaphore(%run_scoped3A : memref<!tpu.dma_semaphore, #tpu.memory_space<semaphore_mem>>)
      %dma_wait3A = arith.constant 0 : i32
      %dma_wait3A_93 = tpu.memref_slice %arg12[%mul3A_3, %dma_wait3A] : memref<10000x128xf32, #tpu.memory_space<vmem_shared>> -> memref<104x128xf32, #tpu.memory_space<vmem_shared>>
      %dma_wait3A_94 = arith.constant 0 : i32
      %dma_wait3A_95 = tpu.memref_slice %arg6[%mul3A_3, %dma_wait3A_94] : memref<10000x128xf32, #tpu.memory_space<hbm>> -> memref<104x128xf32, #tpu.memory_space<hbm>>
      tpu.wait_dma2 semaphore(%run_scoped3A : memref<!tpu.dma_semaphore, #tpu.memory_space<semaphore_mem>>) src(%dma_wait3A_95 : memref<104x128xf32, #tpu.memory_space<hbm>>) dst(%dma_wait3A_93 : memref<104x128xf32, #tpu.memory_space<vmem_shared>>)
      tpu.yield
    }) : () -> ()
    %mul3A_4 = arith.constant 6 : i32
    %mul3A_5 = arith.muli %arg1, %mul3A_4 : i32
    %add3A_6 = arith.constant 1 : i32
    %add3A_7 = arith.addi %mul3A_5, %add3A_6 : i32
    %mul3A_8 = arith.constant 104 : i32
    %mul3A_9 = arith.muli %add3A_7, %mul3A_8 : i32
    "tpu.region"() ({
      %run_scoped3A = tpu.sem_alloc : memref<!tpu.dma_semaphore, #tpu.memory_space<semaphore_mem>>
      %dma_start3A = arith.constant 0 : i32
      %dma_start3A_90 = tpu.memref_slice %arg12[%mul3A_9, %dma_start3A] : memref<10000x128xf32, #tpu.memory_space<vmem_shared>> -> memref<104x128xf32, #tpu.memory_space<vmem_shared>>
      %dma_start3A_91 = arith.constant 0 : i32
      %dma_start3A_92 = tpu.memref_slice %arg6[%mul3A_9, %dma_start3A_91] : memref<10000x128xf32, #tpu.memory_space<hbm>> -> memref<104x128xf32, #tpu.memory_space<hbm>>
      tpu.enqueue_dma source(%dma_start3A_92 : memref<104x128xf32, #tpu.memory_space<hbm>>) target(%dma_start3A_90 : memref<104x128xf32, #tpu.memory_space<vmem_shared>>) target_semaphore(%run_scoped3A : memref<!tpu.dma_semaphore, #tpu.memory_space<semaphore_mem>>)
      %dma_wait3A = arith.constant 0 : i32
      %dma_wait3A_93 = tpu.memref_slice %arg12[%mul3A_9, %dma_wait3A] : memref<10000x128xf32, #tpu.memory_space<vmem_shared>> -> memref<104x128xf32, #tpu.memory_space<vmem_shared>>
      %dma_wait3A_94 = arith.constant 0 : i32
      %dma_wait3A_95 = tpu.memref_slice %arg6[%mul3A_9, %dma_wait3A_94] : memref<10000x128xf32, #tpu.memory_space<hbm>> -> memref<104x128xf32, #tpu.memory_space<hbm>>
      tpu.wait_dma2 semaphore(%run_scoped3A : memref<!tpu.dma_semaphore, #tpu.memory_space<semaphore_mem>>) src(%dma_wait3A_95 : memref<104x128xf32, #tpu.memory_space<hbm>>) dst(%dma_wait3A_93 : memref<104x128xf32, #tpu.memory_space<vmem_shared>>)
      tpu.yield
    }) : () -> ()
    %mul3A_10 = arith.constant 6 : i32
    %mul3A_11 = arith.muli %arg1, %mul3A_10 : i32
    %add3A_12 = arith.constant 2 : i32
    %add3A_13 = arith.addi %mul3A_11, %add3A_12 : i32
    %mul3A_14 = arith.constant 104 : i32
    %mul3A_15 = arith.muli %add3A_13, %mul3A_14 : i32
    "tpu.region"() ({
      %run_scoped3A = tpu.sem_alloc : memref<!tpu.dma_semaphore, #tpu.memory_space<semaphore_mem>>
      %dma_start3A = arith.constant 0 : i32
      %dma_start3A_90 = tpu.memref_slice %arg12[%mul3A_15, %dma_start3A] : memref<10000x128xf32, #tpu.memory_space<vmem_shared>> -> memref<104x128xf32, #tpu.memory_space<vmem_shared>>
      %dma_start3A_91 = arith.constant 0 : i32
      %dma_start3A_92 = tpu.memref_slice %arg6[%mul3A_15, %dma_start3A_91] : memref<10000x128xf32, #tpu.memory_space<hbm>> -> memref<104x128xf32, #tpu.memory_space<hbm>>
      tpu.enqueue_dma source(%dma_start3A_92 : memref<104x128xf32, #tpu.memory_space<hbm>>) target(%dma_start3A_90 : memref<104x128xf32, #tpu.memory_space<vmem_shared>>) target_semaphore(%run_scoped3A : memref<!tpu.dma_semaphore, #tpu.memory_space<semaphore_mem>>)
      %dma_wait3A = arith.constant 0 : i32
      %dma_wait3A_93 = tpu.memref_slice %arg12[%mul3A_15, %dma_wait3A] : memref<10000x128xf32, #tpu.memory_space<vmem_shared>> -> memref<104x128xf32, #tpu.memory_space<vmem_shared>>
      %dma_wait3A_94 = arith.constant 0 : i32
      %dma_wait3A_95 = tpu.memref_slice %arg6[%mul3A_15, %dma_wait3A_94] : memref<10000x128xf32, #tpu.memory_space<hbm>> -> memref<104x128xf32, #tpu.memory_space<hbm>>
      tpu.wait_dma2 semaphore(%run_scoped3A : memref<!tpu.dma_semaphore, #tpu.memory_space<semaphore_mem>>) src(%dma_wait3A_95 : memref<104x128xf32, #tpu.memory_space<hbm>>) dst(%dma_wait3A_93 : memref<104x128xf32, #tpu.memory_space<vmem_shared>>)
      tpu.yield
    }) : () -> ()
    %mul3A_16 = arith.constant 6 : i32
    %mul3A_17 = arith.muli %arg1, %mul3A_16 : i32
    %add3A_18 = arith.constant 3 : i32
    %add3A_19 = arith.addi %mul3A_17, %add3A_18 : i32
    %mul3A_20 = arith.constant 104 : i32
    %mul3A_21 = arith.muli %add3A_19, %mul3A_20 : i32
    "tpu.region"() ({
      %run_scoped3A = tpu.sem_alloc : memref<!tpu.dma_semaphore, #tpu.memory_space<semaphore_mem>>
      %dma_start3A = arith.constant 0 : i32
      %dma_start3A_90 = tpu.memref_slice %arg12[%mul3A_21, %dma_start3A] : memref<10000x128xf32, #tpu.memory_space<vmem_shared>> -> memref<104x128xf32, #tpu.memory_space<vmem_shared>>
      %dma_start3A_91 = arith.constant 0 : i32
      %dma_start3A_92 = tpu.memref_slice %arg6[%mul3A_21, %dma_start3A_91] : memref<10000x128xf32, #tpu.memory_space<hbm>> -> memref<104x128xf32, #tpu.memory_space<hbm>>
      tpu.enqueue_dma source(%dma_start3A_92 : memref<104x128xf32, #tpu.memory_space<hbm>>) target(%dma_start3A_90 : memref<104x128xf32, #tpu.memory_space<vmem_shared>>) target_semaphore(%run_scoped3A : memref<!tpu.dma_semaphore, #tpu.memory_space<semaphore_mem>>)
      %dma_wait3A = arith.constant 0 : i32
      %dma_wait3A_93 = tpu.memref_slice %arg12[%mul3A_21, %dma_wait3A] : memref<10000x128xf32, #tpu.memory_space<vmem_shared>> -> memref<104x128xf32, #tpu.memory_space<vmem_shared>>
      %dma_wait3A_94 = arith.constant 0 : i32
      %dma_wait3A_95 = tpu.memref_slice %arg6[%mul3A_21, %dma_wait3A_94] : memref<10000x128xf32, #tpu.memory_space<hbm>> -> memref<104x128xf32, #tpu.memory_space<hbm>>
      tpu.wait_dma2 semaphore(%run_scoped3A : memref<!tpu.dma_semaphore, #tpu.memory_space<semaphore_mem>>) src(%dma_wait3A_95 : memref<104x128xf32, #tpu.memory_space<hbm>>) dst(%dma_wait3A_93 : memref<104x128xf32, #tpu.memory_space<vmem_shared>>)
      tpu.yield
    }) : () -> ()
    %mul3A_22 = arith.constant 6 : i32
    %mul3A_23 = arith.muli %arg1, %mul3A_22 : i32
    %add3A_24 = arith.constant 4 : i32
    %add3A_25 = arith.addi %mul3A_23, %add3A_24 : i32
    %mul3A_26 = arith.constant 104 : i32
    %mul3A_27 = arith.muli %add3A_25, %mul3A_26 : i32
    "tpu.region"() ({
      %run_scoped3A = tpu.sem_alloc : memref<!tpu.dma_semaphore, #tpu.memory_space<semaphore_mem>>
      %dma_start3A = arith.constant 0 : i32
      %dma_start3A_90 = tpu.memref_slice %arg12[%mul3A_27, %dma_start3A] : memref<10000x128xf32, #tpu.memory_space<vmem_shared>> -> memref<104x128xf32, #tpu.memory_space<vmem_shared>>
      %dma_start3A_91 = arith.constant 0 : i32
      %dma_start3A_92 = tpu.memref_slice %arg6[%mul3A_27, %dma_start3A_91] : memref<10000x128xf32, #tpu.memory_space<hbm>> -> memref<104x128xf32, #tpu.memory_space<hbm>>
      tpu.enqueue_dma source(%dma_start3A_92 : memref<104x128xf32, #tpu.memory_space<hbm>>) target(%dma_start3A_90 : memref<104x128xf32, #tpu.memory_space<vmem_shared>>) target_semaphore(%run_scoped3A : memref<!tpu.dma_semaphore, #tpu.memory_space<semaphore_mem>>)
      %dma_wait3A = arith.constant 0 : i32
      %dma_wait3A_93 = tpu.memref_slice %arg12[%mul3A_27, %dma_wait3A] : memref<10000x128xf32, #tpu.memory_space<vmem_shared>> -> memref<104x128xf32, #tpu.memory_space<vmem_shared>>
      %dma_wait3A_94 = arith.constant 0 : i32
      %dma_wait3A_95 = tpu.memref_slice %arg6[%mul3A_27, %dma_wait3A_94] : memref<10000x128xf32, #tpu.memory_space<hbm>> -> memref<104x128xf32, #tpu.memory_space<hbm>>
      tpu.wait_dma2 semaphore(%run_scoped3A : memref<!tpu.dma_semaphore, #tpu.memory_space<semaphore_mem>>) src(%dma_wait3A_95 : memref<104x128xf32, #tpu.memory_space<hbm>>) dst(%dma_wait3A_93 : memref<104x128xf32, #tpu.memory_space<vmem_shared>>)
      tpu.yield
    }) : () -> ()
    %mul3A_28 = arith.constant 6 : i32
    %mul3A_29 = arith.muli %arg1, %mul3A_28 : i32
    %add3A_30 = arith.constant 5 : i32
    %add3A_31 = arith.addi %mul3A_29, %add3A_30 : i32
    %mul3A_32 = arith.constant 104 : i32
    %mul3A_33 = arith.muli %add3A_31, %mul3A_32 : i32
    "tpu.region"() ({
      %run_scoped3A = tpu.sem_alloc : memref<!tpu.dma_semaphore, #tpu.memory_space<semaphore_mem>>
      %dma_start3A = arith.constant 0 : i32
      %dma_start3A_90 = tpu.memref_slice %arg12[%mul3A_33, %dma_start3A] : memref<10000x128xf32, #tpu.memory_space<vmem_shared>> -> memref<104x128xf32, #tpu.memory_space<vmem_shared>>
      %dma_start3A_91 = arith.constant 0 : i32
      %dma_start3A_92 = tpu.memref_slice %arg6[%mul3A_33, %dma_start3A_91] : memref<10000x128xf32, #tpu.memory_space<hbm>> -> memref<104x128xf32, #tpu.memory_space<hbm>>
      tpu.enqueue_dma source(%dma_start3A_92 : memref<104x128xf32, #tpu.memory_space<hbm>>) target(%dma_start3A_90 : memref<104x128xf32, #tpu.memory_space<vmem_shared>>) target_semaphore(%run_scoped3A : memref<!tpu.dma_semaphore, #tpu.memory_space<semaphore_mem>>)
      %dma_wait3A = arith.constant 0 : i32
      %dma_wait3A_93 = tpu.memref_slice %arg12[%mul3A_33, %dma_wait3A] : memref<10000x128xf32, #tpu.memory_space<vmem_shared>> -> memref<104x128xf32, #tpu.memory_space<vmem_shared>>
      %dma_wait3A_94 = arith.constant 0 : i32
      %dma_wait3A_95 = tpu.memref_slice %arg6[%mul3A_33, %dma_wait3A_94] : memref<10000x128xf32, #tpu.memory_space<hbm>> -> memref<104x128xf32, #tpu.memory_space<hbm>>
      tpu.wait_dma2 semaphore(%run_scoped3A : memref<!tpu.dma_semaphore, #tpu.memory_space<semaphore_mem>>) src(%dma_wait3A_95 : memref<104x128xf32, #tpu.memory_space<hbm>>) dst(%dma_wait3A_93 : memref<104x128xf32, #tpu.memory_space<vmem_shared>>)
      tpu.yield
    }) : () -> ()
    %eq3A = arith.constant 0 : i32
    %eq3A_34 = arith.cmpi eq, %arg1, %eq3A : i32
    %convert_element_type3A = arith.extui %eq3A_34 : i1 to i32
    %cond3A = arith.constant 0 : i32
    %cond3A_35 = arith.cmpi ne, %convert_element_type3A, %cond3A : i32
    scf.if %cond3A_35 {
      "tpu.region"() ({
        %run_scoped3A = tpu.sem_alloc : memref<!tpu.dma_semaphore, #tpu.memory_space<semaphore_mem>>
        %dma_start3A = arith.constant 9984 : i32
        %dma_start3A_90 = arith.constant 0 : i32
        %dma_start3A_91 = tpu.memref_slice %arg12[%dma_start3A, %dma_start3A_90] : memref<10000x128xf32, #tpu.memory_space<vmem_shared>> -> memref<16x128xf32, #tpu.memory_space<vmem_shared>>
        %dma_start3A_92 = arith.constant 9984 : i32
        %dma_start3A_93 = arith.constant 0 : i32
        %dma_start3A_94 = tpu.memref_slice %arg6[%dma_start3A_92, %dma_start3A_93] : memref<10000x128xf32, #tpu.memory_space<hbm>> -> memref<16x128xf32, #tpu.memory_space<hbm>>
        tpu.enqueue_dma source(%dma_start3A_94 : memref<16x128xf32, #tpu.memory_space<hbm>>) target(%dma_start3A_91 : memref<16x128xf32, #tpu.memory_space<vmem_shared>>) target_semaphore(%run_scoped3A : memref<!tpu.dma_semaphore, #tpu.memory_space<semaphore_mem>>)
        %dma_wait3A = arith.constant 9984 : i32
        %dma_wait3A_95 = arith.constant 0 : i32
        %dma_wait3A_96 = tpu.memref_slice %arg12[%dma_wait3A, %dma_wait3A_95] : memref<10000x128xf32, #tpu.memory_space<vmem_shared>> -> memref<16x128xf32, #tpu.memory_space<vmem_shared>>
        %dma_wait3A_97 = arith.constant 9984 : i32
        %dma_wait3A_98 = arith.constant 0 : i32
        %dma_wait3A_99 = tpu.memref_slice %arg6[%dma_wait3A_97, %dma_wait3A_98] : memref<10000x128xf32, #tpu.memory_space<hbm>> -> memref<16x128xf32, #tpu.memory_space<hbm>>
        tpu.wait_dma2 semaphore(%run_scoped3A : memref<!tpu.dma_semaphore, #tpu.memory_space<semaphore_mem>>) src(%dma_wait3A_99 : memref<16x128xf32, #tpu.memory_space<hbm>>) dst(%dma_wait3A_96 : memref<16x128xf32, #tpu.memory_space<vmem_shared>>)
        tpu.yield
      }) : () -> ()
    } else {
    }
    %barrier3A = arith.constant 0 : index
    tpu.barrier barrier_id(%barrier3A)
    %mul3A_36 = arith.constant 10000 : i32
    %mul3A_37 = arith.muli %arg1, %mul3A_36 : i32
    %eq3A_38 = arith.constant 0 : i32
    %eq3A_39 = arith.cmpi eq, %arg0, %eq3A_38 : i32
    %convert_element_type3A_40 = arith.extui %eq3A_39 : i1 to i32
    %cond3A_41 = arith.constant 0 : i32
    %cond3A_42 = arith.cmpi ne, %convert_element_type3A_40, %cond3A_41 : i32
    scf.if %cond3A_42 {
      %scan3A = arith.constant 0 : i32
      %scan3A_90 = arith.constant 0 : i32
      %scan3A_91 = arith.constant 50 : i32
      %scan3A_92 = arith.addi %scan3A_90, %scan3A_91 : i32
      %scan3A_93 = arith.constant 1 : i32
      scf.for %scan3A_95 = %scan3A_90 to %scan3A_92 step %scan3A_93  : i32 {
        %mul3A_96 = arith.constant 200 : i32
        %mul3A_97 = arith.muli %scan3A_95, %mul3A_96 : i32
        %add3A_98 = arith.addi %mul3A_37, %mul3A_97 : i32
        "tpu.region"() ({
          %run_scoped3A = tpu.sem_alloc : memref<!tpu.dma_semaphore, #tpu.memory_space<semaphore_mem>>
          %dma_start3A = tpu.memref_slice %arg4[%add3A_98] : memref<160000xi32, #tpu.memory_space<hbm>> -> memref<200xi32, #tpu.memory_space<hbm>>
          %dma_start3A_99 = tpu.memref_slice %arg4[%add3A_98] : memref<160000xi32, #tpu.memory_space<hbm>> -> memref<200xi32, #tpu.memory_space<hbm>>
          tpu.enqueue_dma source(%dma_start3A_99 : memref<200xi32, #tpu.memory_space<hbm>>) target(%arg8 : memref<200xi32, #tpu.memory_space<vmem>>) target_semaphore(%run_scoped3A : memref<!tpu.dma_semaphore, #tpu.memory_space<semaphore_mem>>)
          %dma_wait3A = tpu.memref_slice %arg4[%add3A_98] : memref<160000xi32, #tpu.memory_space<hbm>> -> memref<200xi32, #tpu.memory_space<hbm>>
          %dma_wait3A_100 = tpu.memref_slice %arg4[%add3A_98] : memref<160000xi32, #tpu.memory_space<hbm>> -> memref<200xi32, #tpu.memory_space<hbm>>
          tpu.wait_dma2 semaphore(%run_scoped3A : memref<!tpu.dma_semaphore, #tpu.memory_space<semaphore_mem>>) src(%dma_wait3A_100 : memref<200xi32, #tpu.memory_space<hbm>>) dst(%arg8 : memref<200xi32, #tpu.memory_space<vmem>>)
          tpu.yield
        }) : () -> ()
        "tpu.region"() ({
          %run_scoped3A = tpu.sem_alloc : memref<!tpu.dma_semaphore, #tpu.memory_space<semaphore_mem>>
          %dma_start3A = arith.constant 0 : i32
          %dma_start3A_99 = tpu.memref_slice %arg2[%add3A_98, %dma_start3A] : memref<160000x128xf32, #tpu.memory_space<hbm>> -> memref<200x128xf32, #tpu.memory_space<hbm>>
          %dma_start3A_100 = arith.constant 0 : i32
          %dma_start3A_101 = tpu.memref_slice %arg2[%add3A_98, %dma_start3A_100] : memref<160000x128xf32, #tpu.memory_space<hbm>> -> memref<200x128xf32, #tpu.memory_space<hbm>>
          tpu.enqueue_dma source(%dma_start3A_101 : memref<200x128xf32, #tpu.memory_space<hbm>>) target(%arg9 : memref<200x128xf32, #tpu.memory_space<vmem>>) target_semaphore(%run_scoped3A : memref<!tpu.dma_semaphore, #tpu.memory_space<semaphore_mem>>)
          %dma_wait3A = arith.constant 0 : i32
          %dma_wait3A_102 = tpu.memref_slice %arg2[%add3A_98, %dma_wait3A] : memref<160000x128xf32, #tpu.memory_space<hbm>> -> memref<200x128xf32, #tpu.memory_space<hbm>>
          %dma_wait3A_103 = arith.constant 0 : i32
          %dma_wait3A_104 = tpu.memref_slice %arg2[%add3A_98, %dma_wait3A_103] : memref<160000x128xf32, #tpu.memory_space<hbm>> -> memref<200x128xf32, #tpu.memory_space<hbm>>
          tpu.wait_dma2 semaphore(%run_scoped3A : memref<!tpu.dma_semaphore, #tpu.memory_space<semaphore_mem>>) src(%dma_wait3A_104 : memref<200x128xf32, #tpu.memory_space<hbm>>) dst(%arg9 : memref<200x128xf32, #tpu.memory_space<vmem>>)
          tpu.yield
        }) : () -> ()
        "tpu.region"() ({
          %run_scoped3A = tpu.sem_alloc : memref<!tpu.dma_semaphore, #tpu.memory_space<semaphore_mem>>
          %dma_start3A = arith.constant 0 : i32
          %dma_start3A_99 = arith.constant 0 : i32
          %dma_start3A_100 = tpu.memref_slice %arg12[%dma_start3A, %dma_start3A_99] : memref<10000x128xf32, #tpu.memory_space<vmem_shared>> -> memref<10000x128xf32, #tpu.memory_space<vmem_shared>>
          tpu.enqueue_indirect_dma source(%arg9 : memref<200x128xf32, #tpu.memory_space<vmem>>) target(%dma_start3A_100 : memref<10000x128xf32, #tpu.memory_space<vmem_shared>>) offsets(%arg8 : memref<200xi32, #tpu.memory_space<vmem>>) semaphore(%run_scoped3A : memref<!tpu.dma_semaphore, #tpu.memory_space<semaphore_mem>>) {add = true}
          %dma_wait3A = arith.constant 0 : i32
          %dma_wait3A_101 = arith.constant 0 : i32
          %dma_wait3A_102 = tpu.memref_slice %arg12[%dma_wait3A, %dma_wait3A_101] : memref<10000x128xf32, #tpu.memory_space<vmem_shared>> -> memref<10000x128xf32, #tpu.memory_space<vmem_shared>>
          tpu.wait_indirect_dma semaphore(%run_scoped3A : memref<!tpu.dma_semaphore, #tpu.memory_space<semaphore_mem>>) src(%arg9 : memref<200x128xf32, #tpu.memory_space<vmem>>) dst(%dma_wait3A_102 : memref<10000x128xf32, #tpu.memory_space<vmem_shared>>)
          tpu.yield
        }) : () -> ()
      }
      %scan3A_94 = arith.constant 50 : i32
    } else {
    }
    %eq3A_43 = arith.constant 1 : i32
    %eq3A_44 = arith.cmpi eq, %arg0, %eq3A_43 : i32
    %convert_element_type3A_45 = arith.extui %eq3A_44 : i1 to i32
    %cond3A_46 = arith.constant 0 : i32
    %cond3A_47 = arith.cmpi ne, %convert_element_type3A_45, %cond3A_46 : i32
    scf.if %cond3A_47 {
      %scan3A = arith.constant 0 : i32
      %scan3A_90 = arith.constant 0 : i32
      %scan3A_91 = arith.constant 50 : i32
      %scan3A_92 = arith.addi %scan3A_90, %scan3A_91 : i32
      %scan3A_93 = arith.constant 1 : i32
      scf.for %scan3A_95 = %scan3A_90 to %scan3A_92 step %scan3A_93  : i32 {
        %mul3A_96 = arith.constant 200 : i32
        %mul3A_97 = arith.muli %scan3A_95, %mul3A_96 : i32
        %add3A_98 = arith.addi %mul3A_37, %mul3A_97 : i32
        "tpu.region"() ({
          %run_scoped3A = tpu.sem_alloc : memref<!tpu.dma_semaphore, #tpu.memory_space<semaphore_mem>>
          %dma_start3A = tpu.memref_slice %arg5[%add3A_98] : memref<160000xi32, #tpu.memory_space<hbm>> -> memref<200xi32, #tpu.memory_space<hbm>>
          %dma_start3A_99 = tpu.memref_slice %arg5[%add3A_98] : memref<160000xi32, #tpu.memory_space<hbm>> -> memref<200xi32, #tpu.memory_space<hbm>>
          tpu.enqueue_dma source(%dma_start3A_99 : memref<200xi32, #tpu.memory_space<hbm>>) target(%arg8 : memref<200xi32, #tpu.memory_space<vmem>>) target_semaphore(%run_scoped3A : memref<!tpu.dma_semaphore, #tpu.memory_space<semaphore_mem>>)
          %dma_wait3A = tpu.memref_slice %arg5[%add3A_98] : memref<160000xi32, #tpu.memory_space<hbm>> -> memref<200xi32, #tpu.memory_space<hbm>>
          %dma_wait3A_100 = tpu.memref_slice %arg5[%add3A_98] : memref<160000xi32, #tpu.memory_space<hbm>> -> memref<200xi32, #tpu.memory_space<hbm>>
          tpu.wait_dma2 semaphore(%run_scoped3A : memref<!tpu.dma_semaphore, #tpu.memory_space<semaphore_mem>>) src(%dma_wait3A_100 : memref<200xi32, #tpu.memory_space<hbm>>) dst(%arg8 : memref<200xi32, #tpu.memory_space<vmem>>)
          tpu.yield
        }) : () -> ()
        "tpu.region"() ({
          %run_scoped3A = tpu.sem_alloc : memref<!tpu.dma_semaphore, #tpu.memory_space<semaphore_mem>>
          %dma_start3A = arith.constant 0 : i32
          %dma_start3A_99 = tpu.memref_slice %arg3[%add3A_98, %dma_start3A] : memref<160000x128xf32, #tpu.memory_space<hbm>> -> memref<200x128xf32, #tpu.memory_space<hbm>>
          %dma_start3A_100 = arith.constant 0 : i32
          %dma_start3A_101 = tpu.memref_slice %arg3[%add3A_98, %dma_start3A_100] : memref<160000x128xf32, #tpu.memory_space<hbm>> -> memref<200x128xf32, #tpu.memory_space<hbm>>
          tpu.enqueue_dma source(%dma_start3A_101 : memref<200x128xf32, #tpu.memory_space<hbm>>) target(%arg9 : memref<200x128xf32, #tpu.memory_space<vmem>>) target_semaphore(%run_scoped3A : memref<!tpu.dma_semaphore, #tpu.memory_space<semaphore_mem>>)
          %dma_wait3A = arith.constant 0 : i32
          %dma_wait3A_102 = tpu.memref_slice %arg3[%add3A_98, %dma_wait3A] : memref<160000x128xf32, #tpu.memory_space<hbm>> -> memref<200x128xf32, #tpu.memory_space<hbm>>
          %dma_wait3A_103 = arith.constant 0 : i32
          %dma_wait3A_104 = tpu.memref_slice %arg3[%add3A_98, %dma_wait3A_103] : memref<160000x128xf32, #tpu.memory_space<hbm>> -> memref<200x128xf32, #tpu.memory_space<hbm>>
          tpu.wait_dma2 semaphore(%run_scoped3A : memref<!tpu.dma_semaphore, #tpu.memory_space<semaphore_mem>>) src(%dma_wait3A_104 : memref<200x128xf32, #tpu.memory_space<hbm>>) dst(%arg9 : memref<200x128xf32, #tpu.memory_space<vmem>>)
          tpu.yield
        }) : () -> ()
        "tpu.region"() ({
          %run_scoped3A = tpu.sem_alloc : memref<!tpu.dma_semaphore, #tpu.memory_space<semaphore_mem>>
          %dma_start3A = arith.constant 0 : i32
          %dma_start3A_99 = arith.constant 0 : i32
          %dma_start3A_100 = tpu.memref_slice %arg12[%dma_start3A, %dma_start3A_99] : memref<10000x128xf32, #tpu.memory_space<vmem_shared>> -> memref<10000x128xf32, #tpu.memory_space<vmem_shared>>
          tpu.enqueue_indirect_dma source(%arg9 : memref<200x128xf32, #tpu.memory_space<vmem>>) target(%dma_start3A_100 : memref<10000x128xf32, #tpu.memory_space<vmem_shared>>) offsets(%arg8 : memref<200xi32, #tpu.memory_space<vmem>>) semaphore(%run_scoped3A : memref<!tpu.dma_semaphore, #tpu.memory_space<semaphore_mem>>) {add = true}
          %dma_wait3A = arith.constant 0 : i32
          %dma_wait3A_101 = arith.constant 0 : i32
          %dma_wait3A_102 = tpu.memref_slice %arg12[%dma_wait3A, %dma_wait3A_101] : memref<10000x128xf32, #tpu.memory_space<vmem_shared>> -> memref<10000x128xf32, #tpu.memory_space<vmem_shared>>
          tpu.wait_indirect_dma semaphore(%run_scoped3A : memref<!tpu.dma_semaphore, #tpu.memory_space<semaphore_mem>>) src(%arg9 : memref<200x128xf32, #tpu.memory_space<vmem>>) dst(%dma_wait3A_102 : memref<10000x128xf32, #tpu.memory_space<vmem_shared>>)
          tpu.yield
        }) : () -> ()
      }
      %scan3A_94 = arith.constant 50 : i32
    } else {
    }
    %barrier3A_48 = arith.constant 0 : index
    tpu.barrier barrier_id(%barrier3A_48)
    %mul3A_49 = arith.constant 6 : i32
    %mul3A_50 = arith.muli %arg1, %mul3A_49 : i32
    %add3A_51 = arith.constant 0 : i32
    %add3A_52 = arith.addi %mul3A_50, %add3A_51 : i32
    %mul3A_53 = arith.constant 104 : i32
    %mul3A_54 = arith.muli %add3A_52, %mul3A_53 : i32
    "tpu.region"() ({
      %run_scoped3A = tpu.sem_alloc : memref<!tpu.dma_semaphore, #tpu.memory_space<semaphore_mem>>
      %dma_start3A = arith.constant 0 : i32
      %dma_start3A_90 = tpu.memref_slice %arg12[%mul3A_54, %dma_start3A] : memref<10000x128xf32, #tpu.memory_space<vmem_shared>> -> memref<104x128xf32, #tpu.memory_space<vmem_shared>>
      %dma_start3A_91 = arith.constant 0 : i32
      %dma_start3A_92 = tpu.memref_slice %arg12[%mul3A_54, %dma_start3A_91] : memref<10000x128xf32, #tpu.memory_space<vmem_shared>> -> memref<104x128xf32, #tpu.memory_space<vmem_shared>>
      tpu.enqueue_dma source(%dma_start3A_92 : memref<104x128xf32, #tpu.memory_space<vmem_shared>>) target(%arg10 : memref<104x128xf32, #tpu.memory_space<vmem>>) target_semaphore(%run_scoped3A : memref<!tpu.dma_semaphore, #tpu.memory_space<semaphore_mem>>)
      %dma_wait3A = arith.constant 0 : i32
      %dma_wait3A_93 = tpu.memref_slice %arg12[%mul3A_54, %dma_wait3A] : memref<10000x128xf32, #tpu.memory_space<vmem_shared>> -> memref<104x128xf32, #tpu.memory_space<vmem_shared>>
      %dma_wait3A_94 = arith.constant 0 : i32
      %dma_wait3A_95 = tpu.memref_slice %arg12[%mul3A_54, %dma_wait3A_94] : memref<10000x128xf32, #tpu.memory_space<vmem_shared>> -> memref<104x128xf32, #tpu.memory_space<vmem_shared>>
      tpu.wait_dma2 semaphore(%run_scoped3A : memref<!tpu.dma_semaphore, #tpu.memory_space<semaphore_mem>>) src(%dma_wait3A_95 : memref<104x128xf32, #tpu.memory_space<vmem_shared>>) dst(%arg10 : memref<104x128xf32, #tpu.memory_space<vmem>>)
      tpu.yield
    }) : () -> ()
    "tpu.region"() ({
      %run_scoped3A = tpu.sem_alloc : memref<!tpu.dma_semaphore, #tpu.memory_space<semaphore_mem>>
      %dma_start3A = arith.constant 0 : i32
      %dma_start3A_90 = tpu.memref_slice %arg7[%arg0, %mul3A_54, %dma_start3A] : memref<2x10000x128xf32, #tpu.memory_space<hbm>> -> memref<1x104x128xf32, #tpu.memory_space<hbm>>
      %dma_start3A_91 = tpu.memref_squeeze %dma_start3A_90 : memref<1x104x128xf32, #tpu.memory_space<hbm>> -> memref<104x128xf32, #tpu.memory_space<hbm>>
      %dma_start3A_92 = arith.constant 0 : i32
      %dma_start3A_93 = tpu.memref_slice %arg7[%arg0, %mul3A_54, %dma_start3A_92] : memref<2x10000x128xf32, #tpu.memory_space<hbm>> -> memref<1x104x128xf32, #tpu.memory_space<hbm>>
      %dma_start3A_94 = tpu.memref_squeeze %dma_start3A_93 : memref<1x104x128xf32, #tpu.memory_space<hbm>> -> memref<104x128xf32, #tpu.memory_space<hbm>>
      tpu.enqueue_dma source(%arg10 : memref<104x128xf32, #tpu.memory_space<vmem>>) target(%dma_start3A_94 : memref<104x128xf32, #tpu.memory_space<hbm>>) target_semaphore(%run_scoped3A : memref<!tpu.dma_semaphore, #tpu.memory_space<semaphore_mem>>)
      %dma_wait3A = arith.constant 0 : i32
      %dma_wait3A_95 = tpu.memref_slice %arg7[%arg0, %mul3A_54, %dma_wait3A] : memref<2x10000x128xf32, #tpu.memory_space<hbm>> -> memref<1x104x128xf32, #tpu.memory_space<hbm>>
      %dma_wait3A_96 = tpu.memref_squeeze %dma_wait3A_95 : memref<1x104x128xf32, #tpu.memory_space<hbm>> -> memref<104x128xf32, #tpu.memory_space<hbm>>
      %dma_wait3A_97 = arith.constant 0 : i32
      %dma_wait3A_98 = tpu.memref_slice %arg7[%arg0, %mul3A_54, %dma_wait3A_97] : memref<2x10000x128xf32, #tpu.memory_space<hbm>> -> memref<1x104x128xf32, #tpu.memory_space<hbm>>
      %dma_wait3A_99 = tpu.memref_squeeze %dma_wait3A_98 : memref<1x104x128xf32, #tpu.memory_space<hbm>> -> memref<104x128xf32, #tpu.memory_space<hbm>>
      tpu.wait_dma2 semaphore(%run_scoped3A : memref<!tpu.dma_semaphore, #tpu.memory_space<semaphore_mem>>) src(%arg10 : memref<104x128xf32, #tpu.memory_space<vmem>>) dst(%dma_wait3A_99 : memref<104x128xf32, #tpu.memory_space<hbm>>)
      tpu.yield
    }) : () -> ()
    %mul3A_55 = arith.constant 6 : i32
    %mul3A_56 = arith.muli %arg1, %mul3A_55 : i32
    %add3A_57 = arith.constant 1 : i32
    %add3A_58 = arith.addi %mul3A_56, %add3A_57 : i32
    %mul3A_59 = arith.constant 104 : i32
    %mul3A_60 = arith.muli %add3A_58, %mul3A_59 : i32
    "tpu.region"() ({
      %run_scoped3A = tpu.sem_alloc : memref<!tpu.dma_semaphore, #tpu.memory_space<semaphore_mem>>
      %dma_start3A = arith.constant 0 : i32
      %dma_start3A_90 = tpu.memref_slice %arg12[%mul3A_60, %dma_start3A] : memref<10000x128xf32, #tpu.memory_space<vmem_shared>> -> memref<104x128xf32, #tpu.memory_space<vmem_shared>>
      %dma_start3A_91 = arith.constant 0 : i32
      %dma_start3A_92 = tpu.memref_slice %arg12[%mul3A_60, %dma_start3A_91] : memref<10000x128xf32, #tpu.memory_space<vmem_shared>> -> memref<104x128xf32, #tpu.memory_space<vmem_shared>>
      tpu.enqueue_dma source(%dma_start3A_92 : memref<104x128xf32, #tpu.memory_space<vmem_shared>>) target(%arg10 : memref<104x128xf32, #tpu.memory_space<vmem>>) target_semaphore(%run_scoped3A : memref<!tpu.dma_semaphore, #tpu.memory_space<semaphore_mem>>)
      %dma_wait3A = arith.constant 0 : i32
      %dma_wait3A_93 = tpu.memref_slice %arg12[%mul3A_60, %dma_wait3A] : memref<10000x128xf32, #tpu.memory_space<vmem_shared>> -> memref<104x128xf32, #tpu.memory_space<vmem_shared>>
      %dma_wait3A_94 = arith.constant 0 : i32
      %dma_wait3A_95 = tpu.memref_slice %arg12[%mul3A_60, %dma_wait3A_94] : memref<10000x128xf32, #tpu.memory_space<vmem_shared>> -> memref<104x128xf32, #tpu.memory_space<vmem_shared>>
      tpu.wait_dma2 semaphore(%run_scoped3A : memref<!tpu.dma_semaphore, #tpu.memory_space<semaphore_mem>>) src(%dma_wait3A_95 : memref<104x128xf32, #tpu.memory_space<vmem_shared>>) dst(%arg10 : memref<104x128xf32, #tpu.memory_space<vmem>>)
      tpu.yield
    }) : () -> ()
    "tpu.region"() ({
      %run_scoped3A = tpu.sem_alloc : memref<!tpu.dma_semaphore, #tpu.memory_space<semaphore_mem>>
      %dma_start3A = arith.constant 0 : i32
      %dma_start3A_90 = tpu.memref_slice %arg7[%arg0, %mul3A_60, %dma_start3A] : memref<2x10000x128xf32, #tpu.memory_space<hbm>> -> memref<1x104x128xf32, #tpu.memory_space<hbm>>
      %dma_start3A_91 = tpu.memref_squeeze %dma_start3A_90 : memref<1x104x128xf32, #tpu.memory_space<hbm>> -> memref<104x128xf32, #tpu.memory_space<hbm>>
      %dma_start3A_92 = arith.constant 0 : i32
      %dma_start3A_93 = tpu.memref_slice %arg7[%arg0, %mul3A_60, %dma_start3A_92] : memref<2x10000x128xf32, #tpu.memory_space<hbm>> -> memref<1x104x128xf32, #tpu.memory_space<hbm>>
      %dma_start3A_94 = tpu.memref_squeeze %dma_start3A_93 : memref<1x104x128xf32, #tpu.memory_space<hbm>> -> memref<104x128xf32, #tpu.memory_space<hbm>>
      tpu.enqueue_dma source(%arg10 : memref<104x128xf32, #tpu.memory_space<vmem>>) target(%dma_start3A_94 : memref<104x128xf32, #tpu.memory_space<hbm>>) target_semaphore(%run_scoped3A : memref<!tpu.dma_semaphore, #tpu.memory_space<semaphore_mem>>)
      %dma_wait3A = arith.constant 0 : i32
      %dma_wait3A_95 = tpu.memref_slice %arg7[%arg0, %mul3A_60, %dma_wait3A] : memref<2x10000x128xf32, #tpu.memory_space<hbm>> -> memref<1x104x128xf32, #tpu.memory_space<hbm>>
      %dma_wait3A_96 = tpu.memref_squeeze %dma_wait3A_95 : memref<1x104x128xf32, #tpu.memory_space<hbm>> -> memref<104x128xf32, #tpu.memory_space<hbm>>
      %dma_wait3A_97 = arith.constant 0 : i32
      %dma_wait3A_98 = tpu.memref_slice %arg7[%arg0, %mul3A_60, %dma_wait3A_97] : memref<2x10000x128xf32, #tpu.memory_space<hbm>> -> memref<1x104x128xf32, #tpu.memory_space<hbm>>
      %dma_wait3A_99 = tpu.memref_squeeze %dma_wait3A_98 : memref<1x104x128xf32, #tpu.memory_space<hbm>> -> memref<104x128xf32, #tpu.memory_space<hbm>>
      tpu.wait_dma2 semaphore(%run_scoped3A : memref<!tpu.dma_semaphore, #tpu.memory_space<semaphore_mem>>) src(%arg10 : memref<104x128xf32, #tpu.memory_space<vmem>>) dst(%dma_wait3A_99 : memref<104x128xf32, #tpu.memory_space<hbm>>)
      tpu.yield
    }) : () -> ()
    %mul3A_61 = arith.constant 6 : i32
    %mul3A_62 = arith.muli %arg1, %mul3A_61 : i32
    %add3A_63 = arith.constant 2 : i32
    %add3A_64 = arith.addi %mul3A_62, %add3A_63 : i32
    %mul3A_65 = arith.constant 104 : i32
    %mul3A_66 = arith.muli %add3A_64, %mul3A_65 : i32
    "tpu.region"() ({
      %run_scoped3A = tpu.sem_alloc : memref<!tpu.dma_semaphore, #tpu.memory_space<semaphore_mem>>
      %dma_start3A = arith.constant 0 : i32
      %dma_start3A_90 = tpu.memref_slice %arg12[%mul3A_66, %dma_start3A] : memref<10000x128xf32, #tpu.memory_space<vmem_shared>> -> memref<104x128xf32, #tpu.memory_space<vmem_shared>>
      %dma_start3A_91 = arith.constant 0 : i32
      %dma_start3A_92 = tpu.memref_slice %arg12[%mul3A_66, %dma_start3A_91] : memref<10000x128xf32, #tpu.memory_space<vmem_shared>> -> memref<104x128xf32, #tpu.memory_space<vmem_shared>>
      tpu.enqueue_dma source(%dma_start3A_92 : memref<104x128xf32, #tpu.memory_space<vmem_shared>>) target(%arg10 : memref<104x128xf32, #tpu.memory_space<vmem>>) target_semaphore(%run_scoped3A : memref<!tpu.dma_semaphore, #tpu.memory_space<semaphore_mem>>)
      %dma_wait3A = arith.constant 0 : i32
      %dma_wait3A_93 = tpu.memref_slice %arg12[%mul3A_66, %dma_wait3A] : memref<10000x128xf32, #tpu.memory_space<vmem_shared>> -> memref<104x128xf32, #tpu.memory_space<vmem_shared>>
      %dma_wait3A_94 = arith.constant 0 : i32
      %dma_wait3A_95 = tpu.memref_slice %arg12[%mul3A_66, %dma_wait3A_94] : memref<10000x128xf32, #tpu.memory_space<vmem_shared>> -> memref<104x128xf32, #tpu.memory_space<vmem_shared>>
      tpu.wait_dma2 semaphore(%run_scoped3A : memref<!tpu.dma_semaphore, #tpu.memory_space<semaphore_mem>>) src(%dma_wait3A_95 : memref<104x128xf32, #tpu.memory_space<vmem_shared>>) dst(%arg10 : memref<104x128xf32, #tpu.memory_space<vmem>>)
      tpu.yield
    }) : () -> ()
    "tpu.region"() ({
      %run_scoped3A = tpu.sem_alloc : memref<!tpu.dma_semaphore, #tpu.memory_space<semaphore_mem>>
      %dma_start3A = arith.constant 0 : i32
      %dma_start3A_90 = tpu.memref_slice %arg7[%arg0, %mul3A_66, %dma_start3A] : memref<2x10000x128xf32, #tpu.memory_space<hbm>> -> memref<1x104x128xf32, #tpu.memory_space<hbm>>
      %dma_start3A_91 = tpu.memref_squeeze %dma_start3A_90 : memref<1x104x128xf32, #tpu.memory_space<hbm>> -> memref<104x128xf32, #tpu.memory_space<hbm>>
      %dma_start3A_92 = arith.constant 0 : i32
      %dma_start3A_93 = tpu.memref_slice %arg7[%arg0, %mul3A_66, %dma_start3A_92] : memref<2x10000x128xf32, #tpu.memory_space<hbm>> -> memref<1x104x128xf32, #tpu.memory_space<hbm>>
      %dma_start3A_94 = tpu.memref_squeeze %dma_start3A_93 : memref<1x104x128xf32, #tpu.memory_space<hbm>> -> memref<104x128xf32, #tpu.memory_space<hbm>>
      tpu.enqueue_dma source(%arg10 : memref<104x128xf32, #tpu.memory_space<vmem>>) target(%dma_start3A_94 : memref<104x128xf32, #tpu.memory_space<hbm>>) target_semaphore(%run_scoped3A : memref<!tpu.dma_semaphore, #tpu.memory_space<semaphore_mem>>)
      %dma_wait3A = arith.constant 0 : i32
      %dma_wait3A_95 = tpu.memref_slice %arg7[%arg0, %mul3A_66, %dma_wait3A] : memref<2x10000x128xf32, #tpu.memory_space<hbm>> -> memref<1x104x128xf32, #tpu.memory_space<hbm>>
      %dma_wait3A_96 = tpu.memref_squeeze %dma_wait3A_95 : memref<1x104x128xf32, #tpu.memory_space<hbm>> -> memref<104x128xf32, #tpu.memory_space<hbm>>
      %dma_wait3A_97 = arith.constant 0 : i32
      %dma_wait3A_98 = tpu.memref_slice %arg7[%arg0, %mul3A_66, %dma_wait3A_97] : memref<2x10000x128xf32, #tpu.memory_space<hbm>> -> memref<1x104x128xf32, #tpu.memory_space<hbm>>
      %dma_wait3A_99 = tpu.memref_squeeze %dma_wait3A_98 : memref<1x104x128xf32, #tpu.memory_space<hbm>> -> memref<104x128xf32, #tpu.memory_space<hbm>>
      tpu.wait_dma2 semaphore(%run_scoped3A : memref<!tpu.dma_semaphore, #tpu.memory_space<semaphore_mem>>) src(%arg10 : memref<104x128xf32, #tpu.memory_space<vmem>>) dst(%dma_wait3A_99 : memref<104x128xf32, #tpu.memory_space<hbm>>)
      tpu.yield
    }) : () -> ()
    %mul3A_67 = arith.constant 6 : i32
    %mul3A_68 = arith.muli %arg1, %mul3A_67 : i32
    %add3A_69 = arith.constant 3 : i32
    %add3A_70 = arith.addi %mul3A_68, %add3A_69 : i32
    %mul3A_71 = arith.constant 104 : i32
    %mul3A_72 = arith.muli %add3A_70, %mul3A_71 : i32
    "tpu.region"() ({
      %run_scoped3A = tpu.sem_alloc : memref<!tpu.dma_semaphore, #tpu.memory_space<semaphore_mem>>
      %dma_start3A = arith.constant 0 : i32
      %dma_start3A_90 = tpu.memref_slice %arg12[%mul3A_72, %dma_start3A] : memref<10000x128xf32, #tpu.memory_space<vmem_shared>> -> memref<104x128xf32, #tpu.memory_space<vmem_shared>>
      %dma_start3A_91 = arith.constant 0 : i32
      %dma_start3A_92 = tpu.memref_slice %arg12[%mul3A_72, %dma_start3A_91] : memref<10000x128xf32, #tpu.memory_space<vmem_shared>> -> memref<104x128xf32, #tpu.memory_space<vmem_shared>>
      tpu.enqueue_dma source(%dma_start3A_92 : memref<104x128xf32, #tpu.memory_space<vmem_shared>>) target(%arg10 : memref<104x128xf32, #tpu.memory_space<vmem>>) target_semaphore(%run_scoped3A : memref<!tpu.dma_semaphore, #tpu.memory_space<semaphore_mem>>)
      %dma_wait3A = arith.constant 0 : i32
      %dma_wait3A_93 = tpu.memref_slice %arg12[%mul3A_72, %dma_wait3A] : memref<10000x128xf32, #tpu.memory_space<vmem_shared>> -> memref<104x128xf32, #tpu.memory_space<vmem_shared>>
      %dma_wait3A_94 = arith.constant 0 : i32
      %dma_wait3A_95 = tpu.memref_slice %arg12[%mul3A_72, %dma_wait3A_94] : memref<10000x128xf32, #tpu.memory_space<vmem_shared>> -> memref<104x128xf32, #tpu.memory_space<vmem_shared>>
      tpu.wait_dma2 semaphore(%run_scoped3A : memref<!tpu.dma_semaphore, #tpu.memory_space<semaphore_mem>>) src(%dma_wait3A_95 : memref<104x128xf32, #tpu.memory_space<vmem_shared>>) dst(%arg10 : memref<104x128xf32, #tpu.memory_space<vmem>>)
      tpu.yield
    }) : () -> ()
    "tpu.region"() ({
      %run_scoped3A = tpu.sem_alloc : memref<!tpu.dma_semaphore, #tpu.memory_space<semaphore_mem>>
      %dma_start3A = arith.constant 0 : i32
      %dma_start3A_90 = tpu.memref_slice %arg7[%arg0, %mul3A_72, %dma_start3A] : memref<2x10000x128xf32, #tpu.memory_space<hbm>> -> memref<1x104x128xf32, #tpu.memory_space<hbm>>
      %dma_start3A_91 = tpu.memref_squeeze %dma_start3A_90 : memref<1x104x128xf32, #tpu.memory_space<hbm>> -> memref<104x128xf32, #tpu.memory_space<hbm>>
      %dma_start3A_92 = arith.constant 0 : i32
      %dma_start3A_93 = tpu.memref_slice %arg7[%arg0, %mul3A_72, %dma_start3A_92] : memref<2x10000x128xf32, #tpu.memory_space<hbm>> -> memref<1x104x128xf32, #tpu.memory_space<hbm>>
      %dma_start3A_94 = tpu.memref_squeeze %dma_start3A_93 : memref<1x104x128xf32, #tpu.memory_space<hbm>> -> memref<104x128xf32, #tpu.memory_space<hbm>>
      tpu.enqueue_dma source(%arg10 : memref<104x128xf32, #tpu.memory_space<vmem>>) target(%dma_start3A_94 : memref<104x128xf32, #tpu.memory_space<hbm>>) target_semaphore(%run_scoped3A : memref<!tpu.dma_semaphore, #tpu.memory_space<semaphore_mem>>)
      %dma_wait3A = arith.constant 0 : i32
      %dma_wait3A_95 = tpu.memref_slice %arg7[%arg0, %mul3A_72, %dma_wait3A] : memref<2x10000x128xf32, #tpu.memory_space<hbm>> -> memref<1x104x128xf32, #tpu.memory_space<hbm>>
      %dma_wait3A_96 = tpu.memref_squeeze %dma_wait3A_95 : memref<1x104x128xf32, #tpu.memory_space<hbm>> -> memref<104x128xf32, #tpu.memory_space<hbm>>
      %dma_wait3A_97 = arith.constant 0 : i32
      %dma_wait3A_98 = tpu.memref_slice %arg7[%arg0, %mul3A_72, %dma_wait3A_97] : memref<2x10000x128xf32, #tpu.memory_space<hbm>> -> memref<1x104x128xf32, #tpu.memory_space<hbm>>
      %dma_wait3A_99 = tpu.memref_squeeze %dma_wait3A_98 : memref<1x104x128xf32, #tpu.memory_space<hbm>> -> memref<104x128xf32, #tpu.memory_space<hbm>>
      tpu.wait_dma2 semaphore(%run_scoped3A : memref<!tpu.dma_semaphore, #tpu.memory_space<semaphore_mem>>) src(%arg10 : memref<104x128xf32, #tpu.memory_space<vmem>>) dst(%dma_wait3A_99 : memref<104x128xf32, #tpu.memory_space<hbm>>)
      tpu.yield
    }) : () -> ()
    %mul3A_73 = arith.constant 6 : i32
    %mul3A_74 = arith.muli %arg1, %mul3A_73 : i32
    %add3A_75 = arith.constant 4 : i32
    %add3A_76 = arith.addi %mul3A_74, %add3A_75 : i32
    %mul3A_77 = arith.constant 104 : i32
    %mul3A_78 = arith.muli %add3A_76, %mul3A_77 : i32
    "tpu.region"() ({
      %run_scoped3A = tpu.sem_alloc : memref<!tpu.dma_semaphore, #tpu.memory_space<semaphore_mem>>
      %dma_start3A = arith.constant 0 : i32
      %dma_start3A_90 = tpu.memref_slice %arg12[%mul3A_78, %dma_start3A] : memref<10000x128xf32, #tpu.memory_space<vmem_shared>> -> memref<104x128xf32, #tpu.memory_space<vmem_shared>>
      %dma_start3A_91 = arith.constant 0 : i32
      %dma_start3A_92 = tpu.memref_slice %arg12[%mul3A_78, %dma_start3A_91] : memref<10000x128xf32, #tpu.memory_space<vmem_shared>> -> memref<104x128xf32, #tpu.memory_space<vmem_shared>>
      tpu.enqueue_dma source(%dma_start3A_92 : memref<104x128xf32, #tpu.memory_space<vmem_shared>>) target(%arg10 : memref<104x128xf32, #tpu.memory_space<vmem>>) target_semaphore(%run_scoped3A : memref<!tpu.dma_semaphore, #tpu.memory_space<semaphore_mem>>)
      %dma_wait3A = arith.constant 0 : i32
      %dma_wait3A_93 = tpu.memref_slice %arg12[%mul3A_78, %dma_wait3A] : memref<10000x128xf32, #tpu.memory_space<vmem_shared>> -> memref<104x128xf32, #tpu.memory_space<vmem_shared>>
      %dma_wait3A_94 = arith.constant 0 : i32
      %dma_wait3A_95 = tpu.memref_slice %arg12[%mul3A_78, %dma_wait3A_94] : memref<10000x128xf32, #tpu.memory_space<vmem_shared>> -> memref<104x128xf32, #tpu.memory_space<vmem_shared>>
      tpu.wait_dma2 semaphore(%run_scoped3A : memref<!tpu.dma_semaphore, #tpu.memory_space<semaphore_mem>>) src(%dma_wait3A_95 : memref<104x128xf32, #tpu.memory_space<vmem_shared>>) dst(%arg10 : memref<104x128xf32, #tpu.memory_space<vmem>>)
      tpu.yield
    }) : () -> ()
    "tpu.region"() ({
      %run_scoped3A = tpu.sem_alloc : memref<!tpu.dma_semaphore, #tpu.memory_space<semaphore_mem>>
      %dma_start3A = arith.constant 0 : i32
      %dma_start3A_90 = tpu.memref_slice %arg7[%arg0, %mul3A_78, %dma_start3A] : memref<2x10000x128xf32, #tpu.memory_space<hbm>> -> memref<1x104x128xf32, #tpu.memory_space<hbm>>
      %dma_start3A_91 = tpu.memref_squeeze %dma_start3A_90 : memref<1x104x128xf32, #tpu.memory_space<hbm>> -> memref<104x128xf32, #tpu.memory_space<hbm>>
      %dma_start3A_92 = arith.constant 0 : i32
      %dma_start3A_93 = tpu.memref_slice %arg7[%arg0, %mul3A_78, %dma_start3A_92] : memref<2x10000x128xf32, #tpu.memory_space<hbm>> -> memref<1x104x128xf32, #tpu.memory_space<hbm>>
      %dma_start3A_94 = tpu.memref_squeeze %dma_start3A_93 : memref<1x104x128xf32, #tpu.memory_space<hbm>> -> memref<104x128xf32, #tpu.memory_space<hbm>>
      tpu.enqueue_dma source(%arg10 : memref<104x128xf32, #tpu.memory_space<vmem>>) target(%dma_start3A_94 : memref<104x128xf32, #tpu.memory_space<hbm>>) target_semaphore(%run_scoped3A : memref<!tpu.dma_semaphore, #tpu.memory_space<semaphore_mem>>)
      %dma_wait3A = arith.constant 0 : i32
      %dma_wait3A_95 = tpu.memref_slice %arg7[%arg0, %mul3A_78, %dma_wait3A] : memref<2x10000x128xf32, #tpu.memory_space<hbm>> -> memref<1x104x128xf32, #tpu.memory_space<hbm>>
      %dma_wait3A_96 = tpu.memref_squeeze %dma_wait3A_95 : memref<1x104x128xf32, #tpu.memory_space<hbm>> -> memref<104x128xf32, #tpu.memory_space<hbm>>
      %dma_wait3A_97 = arith.constant 0 : i32
      %dma_wait3A_98 = tpu.memref_slice %arg7[%arg0, %mul3A_78, %dma_wait3A_97] : memref<2x10000x128xf32, #tpu.memory_space<hbm>> -> memref<1x104x128xf32, #tpu.memory_space<hbm>>
      %dma_wait3A_99 = tpu.memref_squeeze %dma_wait3A_98 : memref<1x104x128xf32, #tpu.memory_space<hbm>> -> memref<104x128xf32, #tpu.memory_space<hbm>>
      tpu.wait_dma2 semaphore(%run_scoped3A : memref<!tpu.dma_semaphore, #tpu.memory_space<semaphore_mem>>) src(%arg10 : memref<104x128xf32, #tpu.memory_space<vmem>>) dst(%dma_wait3A_99 : memref<104x128xf32, #tpu.memory_space<hbm>>)
      tpu.yield
    }) : () -> ()
    %mul3A_79 = arith.constant 6 : i32
    %mul3A_80 = arith.muli %arg1, %mul3A_79 : i32
    %add3A_81 = arith.constant 5 : i32
    %add3A_82 = arith.addi %mul3A_80, %add3A_81 : i32
    %mul3A_83 = arith.constant 104 : i32
    %mul3A_84 = arith.muli %add3A_82, %mul3A_83 : i32
    "tpu.region"() ({
      %run_scoped3A = tpu.sem_alloc : memref<!tpu.dma_semaphore, #tpu.memory_space<semaphore_mem>>
      %dma_start3A = arith.constant 0 : i32
      %dma_start3A_90 = tpu.memref_slice %arg12[%mul3A_84, %dma_start3A] : memref<10000x128xf32, #tpu.memory_space<vmem_shared>> -> memref<104x128xf32, #tpu.memory_space<vmem_shared>>
      %dma_start3A_91 = arith.constant 0 : i32
      %dma_start3A_92 = tpu.memref_slice %arg12[%mul3A_84, %dma_start3A_91] : memref<10000x128xf32, #tpu.memory_space<vmem_shared>> -> memref<104x128xf32, #tpu.memory_space<vmem_shared>>
      tpu.enqueue_dma source(%dma_start3A_92 : memref<104x128xf32, #tpu.memory_space<vmem_shared>>) target(%arg10 : memref<104x128xf32, #tpu.memory_space<vmem>>) target_semaphore(%run_scoped3A : memref<!tpu.dma_semaphore, #tpu.memory_space<semaphore_mem>>)
      %dma_wait3A = arith.constant 0 : i32
      %dma_wait3A_93 = tpu.memref_slice %arg12[%mul3A_84, %dma_wait3A] : memref<10000x128xf32, #tpu.memory_space<vmem_shared>> -> memref<104x128xf32, #tpu.memory_space<vmem_shared>>
      %dma_wait3A_94 = arith.constant 0 : i32
      %dma_wait3A_95 = tpu.memref_slice %arg12[%mul3A_84, %dma_wait3A_94] : memref<10000x128xf32, #tpu.memory_space<vmem_shared>> -> memref<104x128xf32, #tpu.memory_space<vmem_shared>>
      tpu.wait_dma2 semaphore(%run_scoped3A : memref<!tpu.dma_semaphore, #tpu.memory_space<semaphore_mem>>) src(%dma_wait3A_95 : memref<104x128xf32, #tpu.memory_space<vmem_shared>>) dst(%arg10 : memref<104x128xf32, #tpu.memory_space<vmem>>)
      tpu.yield
    }) : () -> ()
    "tpu.region"() ({
      %run_scoped3A = tpu.sem_alloc : memref<!tpu.dma_semaphore, #tpu.memory_space<semaphore_mem>>
      %dma_start3A = arith.constant 0 : i32
      %dma_start3A_90 = tpu.memref_slice %arg7[%arg0, %mul3A_84, %dma_start3A] : memref<2x10000x128xf32, #tpu.memory_space<hbm>> -> memref<1x104x128xf32, #tpu.memory_space<hbm>>
      %dma_start3A_91 = tpu.memref_squeeze %dma_start3A_90 : memref<1x104x128xf32, #tpu.memory_space<hbm>> -> memref<104x128xf32, #tpu.memory_space<hbm>>
      %dma_start3A_92 = arith.constant 0 : i32
      %dma_start3A_93 = tpu.memref_slice %arg7[%arg0, %mul3A_84, %dma_start3A_92] : memref<2x10000x128xf32, #tpu.memory_space<hbm>> -> memref<1x104x128xf32, #tpu.memory_space<hbm>>
      %dma_start3A_94 = tpu.memref_squeeze %dma_start3A_93 : memref<1x104x128xf32, #tpu.memory_space<hbm>> -> memref<104x128xf32, #tpu.memory_space<hbm>>
      tpu.enqueue_dma source(%arg10 : memref<104x128xf32, #tpu.memory_space<vmem>>) target(%dma_start3A_94 : memref<104x128xf32, #tpu.memory_space<hbm>>) target_semaphore(%run_scoped3A : memref<!tpu.dma_semaphore, #tpu.memory_space<semaphore_mem>>)
      %dma_wait3A = arith.constant 0 : i32
      %dma_wait3A_95 = tpu.memref_slice %arg7[%arg0, %mul3A_84, %dma_wait3A] : memref<2x10000x128xf32, #tpu.memory_space<hbm>> -> memref<1x104x128xf32, #tpu.memory_space<hbm>>
      %dma_wait3A_96 = tpu.memref_squeeze %dma_wait3A_95 : memref<1x104x128xf32, #tpu.memory_space<hbm>> -> memref<104x128xf32, #tpu.memory_space<hbm>>
      %dma_wait3A_97 = arith.constant 0 : i32
      %dma_wait3A_98 = tpu.memref_slice %arg7[%arg0, %mul3A_84, %dma_wait3A_97] : memref<2x10000x128xf32, #tpu.memory_space<hbm>> -> memref<1x104x128xf32, #tpu.memory_space<hbm>>
      %dma_wait3A_99 = tpu.memref_squeeze %dma_wait3A_98 : memref<1x104x128xf32, #tpu.memory_space<hbm>> -> memref<104x128xf32, #tpu.memory_space<hbm>>
      tpu.wait_dma2 semaphore(%run_scoped3A : memref<!tpu.dma_semaphore, #tpu.memory_space<semaphore_mem>>) src(%arg10 : memref<104x128xf32, #tpu.memory_space<vmem>>) dst(%dma_wait3A_99 : memref<104x128xf32, #tpu.memory_space<hbm>>)
      tpu.yield
    }) : () -> ()
    %eq3A_85 = arith.constant 0 : i32
    %eq3A_86 = arith.cmpi eq, %arg1, %eq3A_85 : i32
    %convert_element_type3A_87 = arith.extui %eq3A_86 : i1 to i32
    %cond3A_88 = arith.constant 0 : i32
    %cond3A_89 = arith.cmpi ne, %convert_element_type3A_87, %cond3A_88 : i32
    scf.if %cond3A_89 {
      "tpu.region"() ({
        %run_scoped3A = tpu.sem_alloc : memref<!tpu.dma_semaphore, #tpu.memory_space<semaphore_mem>>
        %dma_start3A = arith.constant 9984 : i32
        %dma_start3A_90 = arith.constant 0 : i32
        %dma_start3A_91 = tpu.memref_slice %arg12[%dma_start3A, %dma_start3A_90] : memref<10000x128xf32, #tpu.memory_space<vmem_shared>> -> memref<16x128xf32, #tpu.memory_space<vmem_shared>>
        %dma_start3A_92 = arith.constant 9984 : i32
        %dma_start3A_93 = arith.constant 0 : i32
        %dma_start3A_94 = tpu.memref_slice %arg12[%dma_start3A_92, %dma_start3A_93] : memref<10000x128xf32, #tpu.memory_space<vmem_shared>> -> memref<16x128xf32, #tpu.memory_space<vmem_shared>>
        tpu.enqueue_dma source(%dma_start3A_94 : memref<16x128xf32, #tpu.memory_space<vmem_shared>>) target(%arg11 : memref<16x128xf32, #tpu.memory_space<vmem>>) target_semaphore(%run_scoped3A : memref<!tpu.dma_semaphore, #tpu.memory_space<semaphore_mem>>)
        %dma_wait3A = arith.constant 9984 : i32
        %dma_wait3A_95 = arith.constant 0 : i32
        %dma_wait3A_96 = tpu.memref_slice %arg12[%dma_wait3A, %dma_wait3A_95] : memref<10000x128xf32, #tpu.memory_space<vmem_shared>> -> memref<16x128xf32, #tpu.memory_space<vmem_shared>>
        %dma_wait3A_97 = arith.constant 9984 : i32
        %dma_wait3A_98 = arith.constant 0 : i32
        %dma_wait3A_99 = tpu.memref_slice %arg12[%dma_wait3A_97, %dma_wait3A_98] : memref<10000x128xf32, #tpu.memory_space<vmem_shared>> -> memref<16x128xf32, #tpu.memory_space<vmem_shared>>
        tpu.wait_dma2 semaphore(%run_scoped3A : memref<!tpu.dma_semaphore, #tpu.memory_space<semaphore_mem>>) src(%dma_wait3A_99 : memref<16x128xf32, #tpu.memory_space<vmem_shared>>) dst(%arg11 : memref<16x128xf32, #tpu.memory_space<vmem>>)
        tpu.yield
      }) : () -> ()
      "tpu.region"() ({
        %run_scoped3A = tpu.sem_alloc : memref<!tpu.dma_semaphore, #tpu.memory_space<semaphore_mem>>
        %dma_start3A = arith.constant 9984 : i32
        %dma_start3A_90 = arith.constant 0 : i32
        %dma_start3A_91 = tpu.memref_slice %arg7[%arg0, %dma_start3A, %dma_start3A_90] : memref<2x10000x128xf32, #tpu.memory_space<hbm>> -> memref<1x16x128xf32, #tpu.memory_space<hbm>>
        %dma_start3A_92 = tpu.memref_squeeze %dma_start3A_91 : memref<1x16x128xf32, #tpu.memory_space<hbm>> -> memref<16x128xf32, #tpu.memory_space<hbm>>
        %dma_start3A_93 = arith.constant 9984 : i32
        %dma_start3A_94 = arith.constant 0 : i32
        %dma_start3A_95 = tpu.memref_slice %arg7[%arg0, %dma_start3A_93, %dma_start3A_94] : memref<2x10000x128xf32, #tpu.memory_space<hbm>> -> memref<1x16x128xf32, #tpu.memory_space<hbm>>
        %dma_start3A_96 = tpu.memref_squeeze %dma_start3A_95 : memref<1x16x128xf32, #tpu.memory_space<hbm>> -> memref<16x128xf32, #tpu.memory_space<hbm>>
        tpu.enqueue_dma source(%arg11 : memref<16x128xf32, #tpu.memory_space<vmem>>) target(%dma_start3A_96 : memref<16x128xf32, #tpu.memory_space<hbm>>) target_semaphore(%run_scoped3A : memref<!tpu.dma_semaphore, #tpu.memory_space<semaphore_mem>>)
        %dma_wait3A = arith.constant 9984 : i32
        %dma_wait3A_97 = arith.constant 0 : i32
        %dma_wait3A_98 = tpu.memref_slice %arg7[%arg0, %dma_wait3A, %dma_wait3A_97] : memref<2x10000x128xf32, #tpu.memory_space<hbm>> -> memref<1x16x128xf32, #tpu.memory_space<hbm>>
        %dma_wait3A_99 = tpu.memref_squeeze %dma_wait3A_98 : memref<1x16x128xf32, #tpu.memory_space<hbm>> -> memref<16x128xf32, #tpu.memory_space<hbm>>
        %dma_wait3A_100 = arith.constant 9984 : i32
        %dma_wait3A_101 = arith.constant 0 : i32
        %dma_wait3A_102 = tpu.memref_slice %arg7[%arg0, %dma_wait3A_100, %dma_wait3A_101] : memref<2x10000x128xf32, #tpu.memory_space<hbm>> -> memref<1x16x128xf32, #tpu.memory_space<hbm>>
        %dma_wait3A_103 = tpu.memref_squeeze %dma_wait3A_102 : memref<1x16x128xf32, #tpu.memory_space<hbm>> -> memref<16x128xf32, #tpu.memory_space<hbm>>
        tpu.wait_dma2 semaphore(%run_scoped3A : memref<!tpu.dma_semaphore, #tpu.memory_space<semaphore_mem>>) src(%arg11 : memref<16x128xf32, #tpu.memory_space<vmem>>) dst(%dma_wait3A_103 : memref<16x128xf32, #tpu.memory_space<hbm>>)
        tpu.yield
      }) : () -> ()
    } else {
    }
    return
  }
}

#map = affine_map<(d0, d1) -> (0, 0)>
#map1 = affine_map<(d0, d1) -> (0)>
module attributes {stable_mosaic.version = 14 : i64} {
  func.func @_sc_gather2_body(%arg0: i32, %arg1: i32, %arg2: memref<10000x256xf32, #tpu.memory_space<hbm>>, %arg3: memref<10000x256xf32, #tpu.memory_space<hbm>>, %arg4: memref<160000xi32, #tpu.memory_space<hbm>>, %arg5: memref<160000xi32, #tpu.memory_space<hbm>>, %arg6: memref<160000x256xf32, #tpu.memory_space<hbm>>, %arg7: memref<160000x256xf32, #tpu.memory_space<hbm>>, %arg8: memref<200xi32, #tpu.memory_space<vmem>>, %arg9: memref<200xi32, #tpu.memory_space<vmem>>, %arg10: memref<200x256xf32, #tpu.memory_space<vmem>>, %arg11: memref<200x256xf32, #tpu.memory_space<vmem>>, %arg12: memref<!tpu.dma_semaphore, #tpu.memory_space<semaphore_mem>>, %arg13: memref<!tpu.dma_semaphore, #tpu.memory_space<semaphore_mem>>) attributes {dimension_semantics = [#tpu.dimension_semantics<core_parallel>, #tpu.dimension_semantics<subcore_parallel>], iteration_bounds = array<i64: 2, 16>, scalar_prefetch = 0 : i64, scratch_operands = 6 : i64, tpu.core_type = #tpu.core_type<sc_vector_subcore>, window_params = [{transform_indices = #map}, {transform_indices = #map}, {transform_indices = #map1}, {transform_indices = #map1}, {transform_indices = #map}, {transform_indices = #map}]} {
    %mul3A = arith.constant 2 : i32
    %mul3A_0 = arith.muli %arg1, %mul3A : i32
    %add3A = arith.addi %mul3A_0, %arg0 : i32
    %mul3A_1 = arith.constant 5000 : i32
    %mul3A_2 = arith.muli %add3A, %mul3A_1 : i32
    %scan3A = arith.constant 0 : i32
    %scan3A_3 = arith.constant 0 : i32
    %scan3A_4 = arith.constant 25 : i32
    %scan3A_5 = arith.addi %scan3A_3, %scan3A_4 : i32
    %scan3A_6 = arith.constant 1 : i32
    scf.for %scan3A_8 = %scan3A_3 to %scan3A_5 step %scan3A_6  : i32 {
      %mul3A_9 = arith.constant 200 : i32
      %mul3A_10 = arith.muli %scan3A_8, %mul3A_9 : i32
      %add3A_11 = arith.addi %mul3A_2, %mul3A_10 : i32
      "tpu.region"() ({
        %run_scoped3A = tpu.sem_alloc : memref<!tpu.dma_semaphore, #tpu.memory_space<semaphore_mem>>
        %dma_start3A_22 = tpu.memref_slice %arg4[%add3A_11] : memref<160000xi32, #tpu.memory_space<hbm>> -> memref<200xi32, #tpu.memory_space<hbm>>
        %dma_start3A_23 = tpu.memref_slice %arg4[%add3A_11] : memref<160000xi32, #tpu.memory_space<hbm>> -> memref<200xi32, #tpu.memory_space<hbm>>
        tpu.enqueue_dma source(%dma_start3A_23 : memref<200xi32, #tpu.memory_space<hbm>>) target(%arg8 : memref<200xi32, #tpu.memory_space<vmem>>) target_semaphore(%run_scoped3A : memref<!tpu.dma_semaphore, #tpu.memory_space<semaphore_mem>>)
        %dma_wait3A_24 = tpu.memref_slice %arg4[%add3A_11] : memref<160000xi32, #tpu.memory_space<hbm>> -> memref<200xi32, #tpu.memory_space<hbm>>
        %dma_wait3A_25 = tpu.memref_slice %arg4[%add3A_11] : memref<160000xi32, #tpu.memory_space<hbm>> -> memref<200xi32, #tpu.memory_space<hbm>>
        tpu.wait_dma2 semaphore(%run_scoped3A : memref<!tpu.dma_semaphore, #tpu.memory_space<semaphore_mem>>) src(%dma_wait3A_25 : memref<200xi32, #tpu.memory_space<hbm>>) dst(%arg8 : memref<200xi32, #tpu.memory_space<vmem>>)
        tpu.yield
      }) : () -> ()
      %dma_start3A = arith.constant 0 : i32
      %dma_start3A_12 = arith.constant 0 : i32
      %dma_start3A_13 = tpu.memref_slice %arg2[%dma_start3A, %dma_start3A_12] : memref<10000x256xf32, #tpu.memory_space<hbm>> -> memref<10000x256xf32, #tpu.memory_space<hbm>>
      tpu.enqueue_indirect_dma source(%dma_start3A_13 : memref<10000x256xf32, #tpu.memory_space<hbm>>) target(%arg10 : memref<200x256xf32, #tpu.memory_space<vmem>>) offsets(%arg8 : memref<200xi32, #tpu.memory_space<vmem>>) semaphore(%arg12 : memref<!tpu.dma_semaphore, #tpu.memory_space<semaphore_mem>>)
      "tpu.region"() ({
        %run_scoped3A = tpu.sem_alloc : memref<!tpu.dma_semaphore, #tpu.memory_space<semaphore_mem>>
        %dma_start3A_22 = tpu.memref_slice %arg5[%add3A_11] : memref<160000xi32, #tpu.memory_space<hbm>> -> memref<200xi32, #tpu.memory_space<hbm>>
        %dma_start3A_23 = tpu.memref_slice %arg5[%add3A_11] : memref<160000xi32, #tpu.memory_space<hbm>> -> memref<200xi32, #tpu.memory_space<hbm>>
        tpu.enqueue_dma source(%dma_start3A_23 : memref<200xi32, #tpu.memory_space<hbm>>) target(%arg9 : memref<200xi32, #tpu.memory_space<vmem>>) target_semaphore(%run_scoped3A : memref<!tpu.dma_semaphore, #tpu.memory_space<semaphore_mem>>)
        %dma_wait3A_24 = tpu.memref_slice %arg5[%add3A_11] : memref<160000xi32, #tpu.memory_space<hbm>> -> memref<200xi32, #tpu.memory_space<hbm>>
        %dma_wait3A_25 = tpu.memref_slice %arg5[%add3A_11] : memref<160000xi32, #tpu.memory_space<hbm>> -> memref<200xi32, #tpu.memory_space<hbm>>
        tpu.wait_dma2 semaphore(%run_scoped3A : memref<!tpu.dma_semaphore, #tpu.memory_space<semaphore_mem>>) src(%dma_wait3A_25 : memref<200xi32, #tpu.memory_space<hbm>>) dst(%arg9 : memref<200xi32, #tpu.memory_space<vmem>>)
        tpu.yield
      }) : () -> ()
      %dma_start3A_14 = arith.constant 0 : i32
      %dma_start3A_15 = arith.constant 0 : i32
      %dma_start3A_16 = tpu.memref_slice %arg3[%dma_start3A_14, %dma_start3A_15] : memref<10000x256xf32, #tpu.memory_space<hbm>> -> memref<10000x256xf32, #tpu.memory_space<hbm>>
      tpu.enqueue_indirect_dma source(%dma_start3A_16 : memref<10000x256xf32, #tpu.memory_space<hbm>>) target(%arg11 : memref<200x256xf32, #tpu.memory_space<vmem>>) offsets(%arg9 : memref<200xi32, #tpu.memory_space<vmem>>) semaphore(%arg13 : memref<!tpu.dma_semaphore, #tpu.memory_space<semaphore_mem>>)
      %dma_wait3A = arith.constant 0 : i32
      %dma_wait3A_17 = arith.constant 0 : i32
      %dma_wait3A_18 = tpu.memref_slice %arg2[%dma_wait3A, %dma_wait3A_17] : memref<10000x256xf32, #tpu.memory_space<hbm>> -> memref<10000x256xf32, #tpu.memory_space<hbm>>
      tpu.wait_indirect_dma semaphore(%arg12 : memref<!tpu.dma_semaphore, #tpu.memory_space<semaphore_mem>>) src(%dma_wait3A_18 : memref<10000x256xf32, #tpu.memory_space<hbm>>) dst(%arg10 : memref<200x256xf32, #tpu.memory_space<vmem>>)
      "tpu.region"() ({
        %run_scoped3A = tpu.sem_alloc : memref<!tpu.dma_semaphore, #tpu.memory_space<semaphore_mem>>
        %dma_start3A_22 = arith.constant 0 : i32
        %dma_start3A_23 = tpu.memref_slice %arg6[%add3A_11, %dma_start3A_22] : memref<160000x256xf32, #tpu.memory_space<hbm>> -> memref<200x256xf32, #tpu.memory_space<hbm>>
        %dma_start3A_24 = arith.constant 0 : i32
        %dma_start3A_25 = tpu.memref_slice %arg6[%add3A_11, %dma_start3A_24] : memref<160000x256xf32, #tpu.memory_space<hbm>> -> memref<200x256xf32, #tpu.memory_space<hbm>>
        tpu.enqueue_dma source(%arg10 : memref<200x256xf32, #tpu.memory_space<vmem>>) target(%dma_start3A_25 : memref<200x256xf32, #tpu.memory_space<hbm>>) target_semaphore(%run_scoped3A : memref<!tpu.dma_semaphore, #tpu.memory_space<semaphore_mem>>)
        %dma_wait3A_26 = arith.constant 0 : i32
        %dma_wait3A_27 = tpu.memref_slice %arg6[%add3A_11, %dma_wait3A_26] : memref<160000x256xf32, #tpu.memory_space<hbm>> -> memref<200x256xf32, #tpu.memory_space<hbm>>
        %dma_wait3A_28 = arith.constant 0 : i32
        %dma_wait3A_29 = tpu.memref_slice %arg6[%add3A_11, %dma_wait3A_28] : memref<160000x256xf32, #tpu.memory_space<hbm>> -> memref<200x256xf32, #tpu.memory_space<hbm>>
        tpu.wait_dma2 semaphore(%run_scoped3A : memref<!tpu.dma_semaphore, #tpu.memory_space<semaphore_mem>>) src(%arg10 : memref<200x256xf32, #tpu.memory_space<vmem>>) dst(%dma_wait3A_29 : memref<200x256xf32, #tpu.memory_space<hbm>>)
        tpu.yield
      }) : () -> ()
      %dma_wait3A_19 = arith.constant 0 : i32
      %dma_wait3A_20 = arith.constant 0 : i32
      %dma_wait3A_21 = tpu.memref_slice %arg3[%dma_wait3A_19, %dma_wait3A_20] : memref<10000x256xf32, #tpu.memory_space<hbm>> -> memref<10000x256xf32, #tpu.memory_space<hbm>>
      tpu.wait_indirect_dma semaphore(%arg13 : memref<!tpu.dma_semaphore, #tpu.memory_space<semaphore_mem>>) src(%dma_wait3A_21 : memref<10000x256xf32, #tpu.memory_space<hbm>>) dst(%arg11 : memref<200x256xf32, #tpu.memory_space<vmem>>)
      "tpu.region"() ({
        %run_scoped3A = tpu.sem_alloc : memref<!tpu.dma_semaphore, #tpu.memory_space<semaphore_mem>>
        %dma_start3A_22 = arith.constant 0 : i32
        %dma_start3A_23 = tpu.memref_slice %arg7[%add3A_11, %dma_start3A_22] : memref<160000x256xf32, #tpu.memory_space<hbm>> -> memref<200x256xf32, #tpu.memory_space<hbm>>
        %dma_start3A_24 = arith.constant 0 : i32
        %dma_start3A_25 = tpu.memref_slice %arg7[%add3A_11, %dma_start3A_24] : memref<160000x256xf32, #tpu.memory_space<hbm>> -> memref<200x256xf32, #tpu.memory_space<hbm>>
        tpu.enqueue_dma source(%arg11 : memref<200x256xf32, #tpu.memory_space<vmem>>) target(%dma_start3A_25 : memref<200x256xf32, #tpu.memory_space<hbm>>) target_semaphore(%run_scoped3A : memref<!tpu.dma_semaphore, #tpu.memory_space<semaphore_mem>>)
        %dma_wait3A_26 = arith.constant 0 : i32
        %dma_wait3A_27 = tpu.memref_slice %arg7[%add3A_11, %dma_wait3A_26] : memref<160000x256xf32, #tpu.memory_space<hbm>> -> memref<200x256xf32, #tpu.memory_space<hbm>>
        %dma_wait3A_28 = arith.constant 0 : i32
        %dma_wait3A_29 = tpu.memref_slice %arg7[%add3A_11, %dma_wait3A_28] : memref<160000x256xf32, #tpu.memory_space<hbm>> -> memref<200x256xf32, #tpu.memory_space<hbm>>
        tpu.wait_dma2 semaphore(%run_scoped3A : memref<!tpu.dma_semaphore, #tpu.memory_space<semaphore_mem>>) src(%arg11 : memref<200x256xf32, #tpu.memory_space<vmem>>) dst(%dma_wait3A_29 : memref<200x256xf32, #tpu.memory_space<hbm>>)
        tpu.yield
      }) : () -> ()
    }
    %scan3A_7 = arith.constant 25 : i32
    return
  }
}

#map = affine_map<(d0, d1) -> (0, 0)>
#map1 = affine_map<(d0, d1) -> (0)>
module attributes {stable_mosaic.version = 14 : i64} {
  func.func @_sc_gather2_body(%arg0: i32, %arg1: i32, %arg2: memref<10000x256xf32, #tpu.memory_space<hbm>>, %arg3: memref<10000x256xf32, #tpu.memory_space<hbm>>, %arg4: memref<160000xi32, #tpu.memory_space<hbm>>, %arg5: memref<160000xi32, #tpu.memory_space<hbm>>, %arg6: memref<160000x256xf32, #tpu.memory_space<hbm>>, %arg7: memref<160000x256xf32, #tpu.memory_space<hbm>>, %arg8: memref<200xi32, #tpu.memory_space<vmem>>, %arg9: memref<200xi32, #tpu.memory_space<vmem>>, %arg10: memref<200x256xf32, #tpu.memory_space<vmem>>, %arg11: memref<200x256xf32, #tpu.memory_space<vmem>>, %arg12: memref<!tpu.dma_semaphore, #tpu.memory_space<semaphore_mem>>, %arg13: memref<!tpu.dma_semaphore, #tpu.memory_space<semaphore_mem>>) attributes {dimension_semantics = [#tpu.dimension_semantics<core_parallel>, #tpu.dimension_semantics<subcore_parallel>], iteration_bounds = array<i64: 2, 16>, scalar_prefetch = 0 : i64, scratch_operands = 6 : i64, tpu.core_type = #tpu.core_type<sc_vector_subcore>, window_params = [{transform_indices = #map}, {transform_indices = #map}, {transform_indices = #map1}, {transform_indices = #map1}, {transform_indices = #map}, {transform_indices = #map}]} {
    %mul3A = arith.constant 2 : i32
    %mul3A_0 = arith.muli %arg1, %mul3A : i32
    %add3A = arith.addi %mul3A_0, %arg0 : i32
    %mul3A_1 = arith.constant 5000 : i32
    %mul3A_2 = arith.muli %add3A, %mul3A_1 : i32
    %scan3A = arith.constant 0 : i32
    %scan3A_3 = arith.constant 0 : i32
    %scan3A_4 = arith.constant 25 : i32
    %scan3A_5 = arith.addi %scan3A_3, %scan3A_4 : i32
    %scan3A_6 = arith.constant 1 : i32
    scf.for %scan3A_8 = %scan3A_3 to %scan3A_5 step %scan3A_6  : i32 {
      %mul3A_9 = arith.constant 200 : i32
      %mul3A_10 = arith.muli %scan3A_8, %mul3A_9 : i32
      %add3A_11 = arith.addi %mul3A_2, %mul3A_10 : i32
      "tpu.region"() ({
        %run_scoped3A = tpu.sem_alloc : memref<!tpu.dma_semaphore, #tpu.memory_space<semaphore_mem>>
        %dma_start3A_22 = tpu.memref_slice %arg4[%add3A_11] : memref<160000xi32, #tpu.memory_space<hbm>> -> memref<200xi32, #tpu.memory_space<hbm>>
        %dma_start3A_23 = tpu.memref_slice %arg4[%add3A_11] : memref<160000xi32, #tpu.memory_space<hbm>> -> memref<200xi32, #tpu.memory_space<hbm>>
        tpu.enqueue_dma source(%dma_start3A_23 : memref<200xi32, #tpu.memory_space<hbm>>) target(%arg8 : memref<200xi32, #tpu.memory_space<vmem>>) target_semaphore(%run_scoped3A : memref<!tpu.dma_semaphore, #tpu.memory_space<semaphore_mem>>)
        %dma_wait3A_24 = tpu.memref_slice %arg4[%add3A_11] : memref<160000xi32, #tpu.memory_space<hbm>> -> memref<200xi32, #tpu.memory_space<hbm>>
        %dma_wait3A_25 = tpu.memref_slice %arg4[%add3A_11] : memref<160000xi32, #tpu.memory_space<hbm>> -> memref<200xi32, #tpu.memory_space<hbm>>
        tpu.wait_dma2 semaphore(%run_scoped3A : memref<!tpu.dma_semaphore, #tpu.memory_space<semaphore_mem>>) src(%dma_wait3A_25 : memref<200xi32, #tpu.memory_space<hbm>>) dst(%arg8 : memref<200xi32, #tpu.memory_space<vmem>>)
        tpu.yield
      }) : () -> ()
      %dma_start3A = arith.constant 0 : i32
      %dma_start3A_12 = arith.constant 0 : i32
      %dma_start3A_13 = tpu.memref_slice %arg2[%dma_start3A, %dma_start3A_12] : memref<10000x256xf32, #tpu.memory_space<hbm>> -> memref<10000x256xf32, #tpu.memory_space<hbm>>
      tpu.enqueue_indirect_dma source(%dma_start3A_13 : memref<10000x256xf32, #tpu.memory_space<hbm>>) target(%arg10 : memref<200x256xf32, #tpu.memory_space<vmem>>) offsets(%arg8 : memref<200xi32, #tpu.memory_space<vmem>>) semaphore(%arg12 : memref<!tpu.dma_semaphore, #tpu.memory_space<semaphore_mem>>)
      "tpu.region"() ({
        %run_scoped3A = tpu.sem_alloc : memref<!tpu.dma_semaphore, #tpu.memory_space<semaphore_mem>>
        %dma_start3A_22 = tpu.memref_slice %arg5[%add3A_11] : memref<160000xi32, #tpu.memory_space<hbm>> -> memref<200xi32, #tpu.memory_space<hbm>>
        %dma_start3A_23 = tpu.memref_slice %arg5[%add3A_11] : memref<160000xi32, #tpu.memory_space<hbm>> -> memref<200xi32, #tpu.memory_space<hbm>>
        tpu.enqueue_dma source(%dma_start3A_23 : memref<200xi32, #tpu.memory_space<hbm>>) target(%arg9 : memref<200xi32, #tpu.memory_space<vmem>>) target_semaphore(%run_scoped3A : memref<!tpu.dma_semaphore, #tpu.memory_space<semaphore_mem>>)
        %dma_wait3A_24 = tpu.memref_slice %arg5[%add3A_11] : memref<160000xi32, #tpu.memory_space<hbm>> -> memref<200xi32, #tpu.memory_space<hbm>>
        %dma_wait3A_25 = tpu.memref_slice %arg5[%add3A_11] : memref<160000xi32, #tpu.memory_space<hbm>> -> memref<200xi32, #tpu.memory_space<hbm>>
        tpu.wait_dma2 semaphore(%run_scoped3A : memref<!tpu.dma_semaphore, #tpu.memory_space<semaphore_mem>>) src(%dma_wait3A_25 : memref<200xi32, #tpu.memory_space<hbm>>) dst(%arg9 : memref<200xi32, #tpu.memory_space<vmem>>)
        tpu.yield
      }) : () -> ()
      %dma_start3A_14 = arith.constant 0 : i32
      %dma_start3A_15 = arith.constant 0 : i32
      %dma_start3A_16 = tpu.memref_slice %arg3[%dma_start3A_14, %dma_start3A_15] : memref<10000x256xf32, #tpu.memory_space<hbm>> -> memref<10000x256xf32, #tpu.memory_space<hbm>>
      tpu.enqueue_indirect_dma source(%dma_start3A_16 : memref<10000x256xf32, #tpu.memory_space<hbm>>) target(%arg11 : memref<200x256xf32, #tpu.memory_space<vmem>>) offsets(%arg9 : memref<200xi32, #tpu.memory_space<vmem>>) semaphore(%arg13 : memref<!tpu.dma_semaphore, #tpu.memory_space<semaphore_mem>>)
      %dma_wait3A = arith.constant 0 : i32
      %dma_wait3A_17 = arith.constant 0 : i32
      %dma_wait3A_18 = tpu.memref_slice %arg2[%dma_wait3A, %dma_wait3A_17] : memref<10000x256xf32, #tpu.memory_space<hbm>> -> memref<10000x256xf32, #tpu.memory_space<hbm>>
      tpu.wait_indirect_dma semaphore(%arg12 : memref<!tpu.dma_semaphore, #tpu.memory_space<semaphore_mem>>) src(%dma_wait3A_18 : memref<10000x256xf32, #tpu.memory_space<hbm>>) dst(%arg10 : memref<200x256xf32, #tpu.memory_space<vmem>>)
      "tpu.region"() ({
        %run_scoped3A = tpu.sem_alloc : memref<!tpu.dma_semaphore, #tpu.memory_space<semaphore_mem>>
        %dma_start3A_22 = arith.constant 0 : i32
        %dma_start3A_23 = tpu.memref_slice %arg6[%add3A_11, %dma_start3A_22] : memref<160000x256xf32, #tpu.memory_space<hbm>> -> memref<200x256xf32, #tpu.memory_space<hbm>>
        %dma_start3A_24 = arith.constant 0 : i32
        %dma_start3A_25 = tpu.memref_slice %arg6[%add3A_11, %dma_start3A_24] : memref<160000x256xf32, #tpu.memory_space<hbm>> -> memref<200x256xf32, #tpu.memory_space<hbm>>
        tpu.enqueue_dma source(%arg10 : memref<200x256xf32, #tpu.memory_space<vmem>>) target(%dma_start3A_25 : memref<200x256xf32, #tpu.memory_space<hbm>>) target_semaphore(%run_scoped3A : memref<!tpu.dma_semaphore, #tpu.memory_space<semaphore_mem>>)
        %dma_wait3A_26 = arith.constant 0 : i32
        %dma_wait3A_27 = tpu.memref_slice %arg6[%add3A_11, %dma_wait3A_26] : memref<160000x256xf32, #tpu.memory_space<hbm>> -> memref<200x256xf32, #tpu.memory_space<hbm>>
        %dma_wait3A_28 = arith.constant 0 : i32
        %dma_wait3A_29 = tpu.memref_slice %arg6[%add3A_11, %dma_wait3A_28] : memref<160000x256xf32, #tpu.memory_space<hbm>> -> memref<200x256xf32, #tpu.memory_space<hbm>>
        tpu.wait_dma2 semaphore(%run_scoped3A : memref<!tpu.dma_semaphore, #tpu.memory_space<semaphore_mem>>) src(%arg10 : memref<200x256xf32, #tpu.memory_space<vmem>>) dst(%dma_wait3A_29 : memref<200x256xf32, #tpu.memory_space<hbm>>)
        tpu.yield
      }) : () -> ()
      %dma_wait3A_19 = arith.constant 0 : i32
      %dma_wait3A_20 = arith.constant 0 : i32
      %dma_wait3A_21 = tpu.memref_slice %arg3[%dma_wait3A_19, %dma_wait3A_20] : memref<10000x256xf32, #tpu.memory_space<hbm>> -> memref<10000x256xf32, #tpu.memory_space<hbm>>
      tpu.wait_indirect_dma semaphore(%arg13 : memref<!tpu.dma_semaphore, #tpu.memory_space<semaphore_mem>>) src(%dma_wait3A_21 : memref<10000x256xf32, #tpu.memory_space<hbm>>) dst(%arg11 : memref<200x256xf32, #tpu.memory_space<vmem>>)
      "tpu.region"() ({
        %run_scoped3A = tpu.sem_alloc : memref<!tpu.dma_semaphore, #tpu.memory_space<semaphore_mem>>
        %dma_start3A_22 = arith.constant 0 : i32
        %dma_start3A_23 = tpu.memref_slice %arg7[%add3A_11, %dma_start3A_22] : memref<160000x256xf32, #tpu.memory_space<hbm>> -> memref<200x256xf32, #tpu.memory_space<hbm>>
        %dma_start3A_24 = arith.constant 0 : i32
        %dma_start3A_25 = tpu.memref_slice %arg7[%add3A_11, %dma_start3A_24] : memref<160000x256xf32, #tpu.memory_space<hbm>> -> memref<200x256xf32, #tpu.memory_space<hbm>>
        tpu.enqueue_dma source(%arg11 : memref<200x256xf32, #tpu.memory_space<vmem>>) target(%dma_start3A_25 : memref<200x256xf32, #tpu.memory_space<hbm>>) target_semaphore(%run_scoped3A : memref<!tpu.dma_semaphore, #tpu.memory_space<semaphore_mem>>)
        %dma_wait3A_26 = arith.constant 0 : i32
        %dma_wait3A_27 = tpu.memref_slice %arg7[%add3A_11, %dma_wait3A_26] : memref<160000x256xf32, #tpu.memory_space<hbm>> -> memref<200x256xf32, #tpu.memory_space<hbm>>
        %dma_wait3A_28 = arith.constant 0 : i32
        %dma_wait3A_29 = tpu.memref_slice %arg7[%add3A_11, %dma_wait3A_28] : memref<160000x256xf32, #tpu.memory_space<hbm>> -> memref<200x256xf32, #tpu.memory_space<hbm>>
        tpu.wait_dma2 semaphore(%run_scoped3A : memref<!tpu.dma_semaphore, #tpu.memory_space<semaphore_mem>>) src(%arg11 : memref<200x256xf32, #tpu.memory_space<vmem>>) dst(%dma_wait3A_29 : memref<200x256xf32, #tpu.memory_space<hbm>>)
        tpu.yield
      }) : () -> ()
    }
    %scan3A_7 = arith.constant 25 : i32
    return
  }
}

#map = affine_map<(d0, d1) -> (0, 0)>
#map1 = affine_map<(d0, d1) -> (0)>
module attributes {stable_mosaic.version = 14 : i64} {
  func.func @_sc_gather1_body(%arg0: i32, %arg1: i32, %arg2: memref<10000x128xf32, #tpu.memory_space<hbm>>, %arg3: memref<160000xi32, #tpu.memory_space<hbm>>, %arg4: memref<160000x128xf32, #tpu.memory_space<hbm>>, %arg5: memref<200xi32, #tpu.memory_space<vmem>>, %arg6: memref<200xi32, #tpu.memory_space<vmem>>, %arg7: memref<200x128xf32, #tpu.memory_space<vmem>>, %arg8: memref<200x128xf32, #tpu.memory_space<vmem>>, %arg9: memref<!tpu.dma_semaphore, #tpu.memory_space<semaphore_mem>>, %arg10: memref<!tpu.dma_semaphore, #tpu.memory_space<semaphore_mem>>) attributes {dimension_semantics = [#tpu.dimension_semantics<core_parallel>, #tpu.dimension_semantics<subcore_parallel>], iteration_bounds = array<i64: 2, 16>, scalar_prefetch = 0 : i64, scratch_operands = 6 : i64, tpu.core_type = #tpu.core_type<sc_vector_subcore>, window_params = [{transform_indices = #map}, {transform_indices = #map1}, {transform_indices = #map}]} {
    %mul3A = arith.constant 2 : i32
    %mul3A_0 = arith.muli %arg1, %mul3A : i32
    %add3A = arith.addi %mul3A_0, %arg0 : i32
    %mul3A_1 = arith.constant 5000 : i32
    %mul3A_2 = arith.muli %add3A, %mul3A_1 : i32
    %scan3A = arith.constant 0 : i32
    %scan3A_3 = arith.constant 0 : i32
    %scan3A_4 = arith.constant 12 : i32
    %scan3A_5 = arith.addi %scan3A_3, %scan3A_4 : i32
    %scan3A_6 = arith.constant 1 : i32
    scf.for %scan3A_14 = %scan3A_3 to %scan3A_5 step %scan3A_6  : i32 {
      %mul3A_15 = arith.constant 2 : i32
      %mul3A_16 = arith.muli %scan3A_14, %mul3A_15 : i32
      %mul3A_17 = arith.constant 200 : i32
      %mul3A_18 = arith.muli %mul3A_16, %mul3A_17 : i32
      %add3A_19 = arith.addi %mul3A_2, %mul3A_18 : i32
      "tpu.region"() ({
        %run_scoped3A = tpu.sem_alloc : memref<!tpu.dma_semaphore, #tpu.memory_space<semaphore_mem>>
        %dma_start3A_36 = tpu.memref_slice %arg3[%add3A_19] : memref<160000xi32, #tpu.memory_space<hbm>> -> memref<200xi32, #tpu.memory_space<hbm>>
        %dma_start3A_37 = tpu.memref_slice %arg3[%add3A_19] : memref<160000xi32, #tpu.memory_space<hbm>> -> memref<200xi32, #tpu.memory_space<hbm>>
        tpu.enqueue_dma source(%dma_start3A_37 : memref<200xi32, #tpu.memory_space<hbm>>) target(%arg5 : memref<200xi32, #tpu.memory_space<vmem>>) target_semaphore(%run_scoped3A : memref<!tpu.dma_semaphore, #tpu.memory_space<semaphore_mem>>)
        %dma_wait3A_38 = tpu.memref_slice %arg3[%add3A_19] : memref<160000xi32, #tpu.memory_space<hbm>> -> memref<200xi32, #tpu.memory_space<hbm>>
        %dma_wait3A_39 = tpu.memref_slice %arg3[%add3A_19] : memref<160000xi32, #tpu.memory_space<hbm>> -> memref<200xi32, #tpu.memory_space<hbm>>
        tpu.wait_dma2 semaphore(%run_scoped3A : memref<!tpu.dma_semaphore, #tpu.memory_space<semaphore_mem>>) src(%dma_wait3A_39 : memref<200xi32, #tpu.memory_space<hbm>>) dst(%arg5 : memref<200xi32, #tpu.memory_space<vmem>>)
        tpu.yield
      }) : () -> ()
      %dma_start3A_20 = arith.constant 0 : i32
      %dma_start3A_21 = arith.constant 0 : i32
      %dma_start3A_22 = tpu.memref_slice %arg2[%dma_start3A_20, %dma_start3A_21] : memref<10000x128xf32, #tpu.memory_space<hbm>> -> memref<10000x128xf32, #tpu.memory_space<hbm>>
      tpu.enqueue_indirect_dma source(%dma_start3A_22 : memref<10000x128xf32, #tpu.memory_space<hbm>>) target(%arg7 : memref<200x128xf32, #tpu.memory_space<vmem>>) offsets(%arg5 : memref<200xi32, #tpu.memory_space<vmem>>) semaphore(%arg9 : memref<!tpu.dma_semaphore, #tpu.memory_space<semaphore_mem>>)
      %add3A_23 = arith.constant 200 : i32
      %add3A_24 = arith.addi %add3A_19, %add3A_23 : i32
      "tpu.region"() ({
        %run_scoped3A = tpu.sem_alloc : memref<!tpu.dma_semaphore, #tpu.memory_space<semaphore_mem>>
        %dma_start3A_36 = tpu.memref_slice %arg3[%add3A_24] : memref<160000xi32, #tpu.memory_space<hbm>> -> memref<200xi32, #tpu.memory_space<hbm>>
        %dma_start3A_37 = tpu.memref_slice %arg3[%add3A_24] : memref<160000xi32, #tpu.memory_space<hbm>> -> memref<200xi32, #tpu.memory_space<hbm>>
        tpu.enqueue_dma source(%dma_start3A_37 : memref<200xi32, #tpu.memory_space<hbm>>) target(%arg6 : memref<200xi32, #tpu.memory_space<vmem>>) target_semaphore(%run_scoped3A : memref<!tpu.dma_semaphore, #tpu.memory_space<semaphore_mem>>)
        %dma_wait3A_38 = tpu.memref_slice %arg3[%add3A_24] : memref<160000xi32, #tpu.memory_space<hbm>> -> memref<200xi32, #tpu.memory_space<hbm>>
        %dma_wait3A_39 = tpu.memref_slice %arg3[%add3A_24] : memref<160000xi32, #tpu.memory_space<hbm>> -> memref<200xi32, #tpu.memory_space<hbm>>
        tpu.wait_dma2 semaphore(%run_scoped3A : memref<!tpu.dma_semaphore, #tpu.memory_space<semaphore_mem>>) src(%dma_wait3A_39 : memref<200xi32, #tpu.memory_space<hbm>>) dst(%arg6 : memref<200xi32, #tpu.memory_space<vmem>>)
        tpu.yield
      }) : () -> ()
      %dma_start3A_25 = arith.constant 0 : i32
      %dma_start3A_26 = arith.constant 0 : i32
      %dma_start3A_27 = tpu.memref_slice %arg2[%dma_start3A_25, %dma_start3A_26] : memref<10000x128xf32, #tpu.memory_space<hbm>> -> memref<10000x128xf32, #tpu.memory_space<hbm>>
      tpu.enqueue_indirect_dma source(%dma_start3A_27 : memref<10000x128xf32, #tpu.memory_space<hbm>>) target(%arg8 : memref<200x128xf32, #tpu.memory_space<vmem>>) offsets(%arg6 : memref<200xi32, #tpu.memory_space<vmem>>) semaphore(%arg10 : memref<!tpu.dma_semaphore, #tpu.memory_space<semaphore_mem>>)
      %dma_wait3A_28 = arith.constant 0 : i32
      %dma_wait3A_29 = arith.constant 0 : i32
      %dma_wait3A_30 = tpu.memref_slice %arg2[%dma_wait3A_28, %dma_wait3A_29] : memref<10000x128xf32, #tpu.memory_space<hbm>> -> memref<10000x128xf32, #tpu.memory_space<hbm>>
      tpu.wait_indirect_dma semaphore(%arg9 : memref<!tpu.dma_semaphore, #tpu.memory_space<semaphore_mem>>) src(%dma_wait3A_30 : memref<10000x128xf32, #tpu.memory_space<hbm>>) dst(%arg7 : memref<200x128xf32, #tpu.memory_space<vmem>>)
      "tpu.region"() ({
        %run_scoped3A = tpu.sem_alloc : memref<!tpu.dma_semaphore, #tpu.memory_space<semaphore_mem>>
        %dma_start3A_36 = arith.constant 0 : i32
        %dma_start3A_37 = tpu.memref_slice %arg4[%add3A_19, %dma_start3A_36] : memref<160000x128xf32, #tpu.memory_space<hbm>> -> memref<200x128xf32, #tpu.memory_space<hbm>>
        %dma_start3A_38 = arith.constant 0 : i32
        %dma_start3A_39 = tpu.memref_slice %arg4[%add3A_19, %dma_start3A_38] : memref<160000x128xf32, #tpu.memory_space<hbm>> -> memref<200x128xf32, #tpu.memory_space<hbm>>
        tpu.enqueue_dma source(%arg7 : memref<200x128xf32, #tpu.memory_space<vmem>>) target(%dma_start3A_39 : memref<200x128xf32, #tpu.memory_space<hbm>>) target_semaphore(%run_scoped3A : memref<!tpu.dma_semaphore, #tpu.memory_space<semaphore_mem>>)
        %dma_wait3A_40 = arith.constant 0 : i32
        %dma_wait3A_41 = tpu.memref_slice %arg4[%add3A_19, %dma_wait3A_40] : memref<160000x128xf32, #tpu.memory_space<hbm>> -> memref<200x128xf32, #tpu.memory_space<hbm>>
        %dma_wait3A_42 = arith.constant 0 : i32
        %dma_wait3A_43 = tpu.memref_slice %arg4[%add3A_19, %dma_wait3A_42] : memref<160000x128xf32, #tpu.memory_space<hbm>> -> memref<200x128xf32, #tpu.memory_space<hbm>>
        tpu.wait_dma2 semaphore(%run_scoped3A : memref<!tpu.dma_semaphore, #tpu.memory_space<semaphore_mem>>) src(%arg7 : memref<200x128xf32, #tpu.memory_space<vmem>>) dst(%dma_wait3A_43 : memref<200x128xf32, #tpu.memory_space<hbm>>)
        tpu.yield
      }) : () -> ()
      %dma_wait3A_31 = arith.constant 0 : i32
      %dma_wait3A_32 = arith.constant 0 : i32
      %dma_wait3A_33 = tpu.memref_slice %arg2[%dma_wait3A_31, %dma_wait3A_32] : memref<10000x128xf32, #tpu.memory_space<hbm>> -> memref<10000x128xf32, #tpu.memory_space<hbm>>
      tpu.wait_indirect_dma semaphore(%arg10 : memref<!tpu.dma_semaphore, #tpu.memory_space<semaphore_mem>>) src(%dma_wait3A_33 : memref<10000x128xf32, #tpu.memory_space<hbm>>) dst(%arg8 : memref<200x128xf32, #tpu.memory_space<vmem>>)
      %add3A_34 = arith.constant 200 : i32
      %add3A_35 = arith.addi %add3A_19, %add3A_34 : i32
      "tpu.region"() ({
        %run_scoped3A = tpu.sem_alloc : memref<!tpu.dma_semaphore, #tpu.memory_space<semaphore_mem>>
        %dma_start3A_36 = arith.constant 0 : i32
        %dma_start3A_37 = tpu.memref_slice %arg4[%add3A_35, %dma_start3A_36] : memref<160000x128xf32, #tpu.memory_space<hbm>> -> memref<200x128xf32, #tpu.memory_space<hbm>>
        %dma_start3A_38 = arith.constant 0 : i32
        %dma_start3A_39 = tpu.memref_slice %arg4[%add3A_35, %dma_start3A_38] : memref<160000x128xf32, #tpu.memory_space<hbm>> -> memref<200x128xf32, #tpu.memory_space<hbm>>
        tpu.enqueue_dma source(%arg8 : memref<200x128xf32, #tpu.memory_space<vmem>>) target(%dma_start3A_39 : memref<200x128xf32, #tpu.memory_space<hbm>>) target_semaphore(%run_scoped3A : memref<!tpu.dma_semaphore, #tpu.memory_space<semaphore_mem>>)
        %dma_wait3A_40 = arith.constant 0 : i32
        %dma_wait3A_41 = tpu.memref_slice %arg4[%add3A_35, %dma_wait3A_40] : memref<160000x128xf32, #tpu.memory_space<hbm>> -> memref<200x128xf32, #tpu.memory_space<hbm>>
        %dma_wait3A_42 = arith.constant 0 : i32
        %dma_wait3A_43 = tpu.memref_slice %arg4[%add3A_35, %dma_wait3A_42] : memref<160000x128xf32, #tpu.memory_space<hbm>> -> memref<200x128xf32, #tpu.memory_space<hbm>>
        tpu.wait_dma2 semaphore(%run_scoped3A : memref<!tpu.dma_semaphore, #tpu.memory_space<semaphore_mem>>) src(%arg8 : memref<200x128xf32, #tpu.memory_space<vmem>>) dst(%dma_wait3A_43 : memref<200x128xf32, #tpu.memory_space<hbm>>)
        tpu.yield
      }) : () -> ()
    }
    %scan3A_7 = arith.constant 12 : i32
    %add3A_8 = arith.constant 4800 : i32
    %add3A_9 = arith.addi %mul3A_2, %add3A_8 : i32
    "tpu.region"() ({
      %run_scoped3A = tpu.sem_alloc : memref<!tpu.dma_semaphore, #tpu.memory_space<semaphore_mem>>
      %dma_start3A_14 = tpu.memref_slice %arg3[%add3A_9] : memref<160000xi32, #tpu.memory_space<hbm>> -> memref<200xi32, #tpu.memory_space<hbm>>
      %dma_start3A_15 = tpu.memref_slice %arg3[%add3A_9] : memref<160000xi32, #tpu.memory_space<hbm>> -> memref<200xi32, #tpu.memory_space<hbm>>
      tpu.enqueue_dma source(%dma_start3A_15 : memref<200xi32, #tpu.memory_space<hbm>>) target(%arg5 : memref<200xi32, #tpu.memory_space<vmem>>) target_semaphore(%run_scoped3A : memref<!tpu.dma_semaphore, #tpu.memory_space<semaphore_mem>>)
      %dma_wait3A_16 = tpu.memref_slice %arg3[%add3A_9] : memref<160000xi32, #tpu.memory_space<hbm>> -> memref<200xi32, #tpu.memory_space<hbm>>
      %dma_wait3A_17 = tpu.memref_slice %arg3[%add3A_9] : memref<160000xi32, #tpu.memory_space<hbm>> -> memref<200xi32, #tpu.memory_space<hbm>>
      tpu.wait_dma2 semaphore(%run_scoped3A : memref<!tpu.dma_semaphore, #tpu.memory_space<semaphore_mem>>) src(%dma_wait3A_17 : memref<200xi32, #tpu.memory_space<hbm>>) dst(%arg5 : memref<200xi32, #tpu.memory_space<vmem>>)
      tpu.yield
    }) : () -> ()
    %dma_start3A = arith.constant 0 : i32
    %dma_start3A_10 = arith.constant 0 : i32
    %dma_start3A_11 = tpu.memref_slice %arg2[%dma_start3A, %dma_start3A_10] : memref<10000x128xf32, #tpu.memory_space<hbm>> -> memref<10000x128xf32, #tpu.memory_space<hbm>>
    tpu.enqueue_indirect_dma source(%dma_start3A_11 : memref<10000x128xf32, #tpu.memory_space<hbm>>) target(%arg7 : memref<200x128xf32, #tpu.memory_space<vmem>>) offsets(%arg5 : memref<200xi32, #tpu.memory_space<vmem>>) semaphore(%arg9 : memref<!tpu.dma_semaphore, #tpu.memory_space<semaphore_mem>>)
    %dma_wait3A = arith.constant 0 : i32
    %dma_wait3A_12 = arith.constant 0 : i32
    %dma_wait3A_13 = tpu.memref_slice %arg2[%dma_wait3A, %dma_wait3A_12] : memref<10000x128xf32, #tpu.memory_space<hbm>> -> memref<10000x128xf32, #tpu.memory_space<hbm>>
    tpu.wait_indirect_dma semaphore(%arg9 : memref<!tpu.dma_semaphore, #tpu.memory_space<semaphore_mem>>) src(%dma_wait3A_13 : memref<10000x128xf32, #tpu.memory_space<hbm>>) dst(%arg7 : memref<200x128xf32, #tpu.memory_space<vmem>>)
    "tpu.region"() ({
      %run_scoped3A = tpu.sem_alloc : memref<!tpu.dma_semaphore, #tpu.memory_space<semaphore_mem>>
      %dma_start3A_14 = arith.constant 0 : i32
      %dma_start3A_15 = tpu.memref_slice %arg4[%add3A_9, %dma_start3A_14] : memref<160000x128xf32, #tpu.memory_space<hbm>> -> memref<200x128xf32, #tpu.memory_space<hbm>>
      %dma_start3A_16 = arith.constant 0 : i32
      %dma_start3A_17 = tpu.memref_slice %arg4[%add3A_9, %dma_start3A_16] : memref<160000x128xf32, #tpu.memory_space<hbm>> -> memref<200x128xf32, #tpu.memory_space<hbm>>
      tpu.enqueue_dma source(%arg7 : memref<200x128xf32, #tpu.memory_space<vmem>>) target(%dma_start3A_17 : memref<200x128xf32, #tpu.memory_space<hbm>>) target_semaphore(%run_scoped3A : memref<!tpu.dma_semaphore, #tpu.memory_space<semaphore_mem>>)
      %dma_wait3A_18 = arith.constant 0 : i32
      %dma_wait3A_19 = tpu.memref_slice %arg4[%add3A_9, %dma_wait3A_18] : memref<160000x128xf32, #tpu.memory_space<hbm>> -> memref<200x128xf32, #tpu.memory_space<hbm>>
      %dma_wait3A_20 = arith.constant 0 : i32
      %dma_wait3A_21 = tpu.memref_slice %arg4[%add3A_9, %dma_wait3A_20] : memref<160000x128xf32, #tpu.memory_space<hbm>> -> memref<200x128xf32, #tpu.memory_space<hbm>>
      tpu.wait_dma2 semaphore(%run_scoped3A : memref<!tpu.dma_semaphore, #tpu.memory_space<semaphore_mem>>) src(%arg7 : memref<200x128xf32, #tpu.memory_space<vmem>>) dst(%dma_wait3A_21 : memref<200x128xf32, #tpu.memory_space<hbm>>)
      tpu.yield
    }) : () -> ()
    return
  }
}

#map = affine_map<(d0, d1) -> (0, 0)>
#map1 = affine_map<(d0, d1) -> (0)>
module attributes {stable_mosaic.version = 14 : i64} {
  func.func @_sc_gather1_body(%arg0: i32, %arg1: i32, %arg2: memref<10000x128xf32, #tpu.memory_space<hbm>>, %arg3: memref<160000xi32, #tpu.memory_space<hbm>>, %arg4: memref<160000x128xf32, #tpu.memory_space<hbm>>, %arg5: memref<200xi32, #tpu.memory_space<vmem>>, %arg6: memref<200xi32, #tpu.memory_space<vmem>>, %arg7: memref<200x128xf32, #tpu.memory_space<vmem>>, %arg8: memref<200x128xf32, #tpu.memory_space<vmem>>, %arg9: memref<!tpu.dma_semaphore, #tpu.memory_space<semaphore_mem>>, %arg10: memref<!tpu.dma_semaphore, #tpu.memory_space<semaphore_mem>>) attributes {dimension_semantics = [#tpu.dimension_semantics<core_parallel>, #tpu.dimension_semantics<subcore_parallel>], iteration_bounds = array<i64: 2, 16>, scalar_prefetch = 0 : i64, scratch_operands = 6 : i64, tpu.core_type = #tpu.core_type<sc_vector_subcore>, window_params = [{transform_indices = #map}, {transform_indices = #map1}, {transform_indices = #map}]} {
    %mul3A = arith.constant 2 : i32
    %mul3A_0 = arith.muli %arg1, %mul3A : i32
    %add3A = arith.addi %mul3A_0, %arg0 : i32
    %mul3A_1 = arith.constant 5000 : i32
    %mul3A_2 = arith.muli %add3A, %mul3A_1 : i32
    %scan3A = arith.constant 0 : i32
    %scan3A_3 = arith.constant 0 : i32
    %scan3A_4 = arith.constant 12 : i32
    %scan3A_5 = arith.addi %scan3A_3, %scan3A_4 : i32
    %scan3A_6 = arith.constant 1 : i32
    scf.for %scan3A_14 = %scan3A_3 to %scan3A_5 step %scan3A_6  : i32 {
      %mul3A_15 = arith.constant 2 : i32
      %mul3A_16 = arith.muli %scan3A_14, %mul3A_15 : i32
      %mul3A_17 = arith.constant 200 : i32
      %mul3A_18 = arith.muli %mul3A_16, %mul3A_17 : i32
      %add3A_19 = arith.addi %mul3A_2, %mul3A_18 : i32
      "tpu.region"() ({
        %run_scoped3A = tpu.sem_alloc : memref<!tpu.dma_semaphore, #tpu.memory_space<semaphore_mem>>
        %dma_start3A_36 = tpu.memref_slice %arg3[%add3A_19] : memref<160000xi32, #tpu.memory_space<hbm>> -> memref<200xi32, #tpu.memory_space<hbm>>
        %dma_start3A_37 = tpu.memref_slice %arg3[%add3A_19] : memref<160000xi32, #tpu.memory_space<hbm>> -> memref<200xi32, #tpu.memory_space<hbm>>
        tpu.enqueue_dma source(%dma_start3A_37 : memref<200xi32, #tpu.memory_space<hbm>>) target(%arg5 : memref<200xi32, #tpu.memory_space<vmem>>) target_semaphore(%run_scoped3A : memref<!tpu.dma_semaphore, #tpu.memory_space<semaphore_mem>>)
        %dma_wait3A_38 = tpu.memref_slice %arg3[%add3A_19] : memref<160000xi32, #tpu.memory_space<hbm>> -> memref<200xi32, #tpu.memory_space<hbm>>
        %dma_wait3A_39 = tpu.memref_slice %arg3[%add3A_19] : memref<160000xi32, #tpu.memory_space<hbm>> -> memref<200xi32, #tpu.memory_space<hbm>>
        tpu.wait_dma2 semaphore(%run_scoped3A : memref<!tpu.dma_semaphore, #tpu.memory_space<semaphore_mem>>) src(%dma_wait3A_39 : memref<200xi32, #tpu.memory_space<hbm>>) dst(%arg5 : memref<200xi32, #tpu.memory_space<vmem>>)
        tpu.yield
      }) : () -> ()
      %dma_start3A_20 = arith.constant 0 : i32
      %dma_start3A_21 = arith.constant 0 : i32
      %dma_start3A_22 = tpu.memref_slice %arg2[%dma_start3A_20, %dma_start3A_21] : memref<10000x128xf32, #tpu.memory_space<hbm>> -> memref<10000x128xf32, #tpu.memory_space<hbm>>
      tpu.enqueue_indirect_dma source(%dma_start3A_22 : memref<10000x128xf32, #tpu.memory_space<hbm>>) target(%arg7 : memref<200x128xf32, #tpu.memory_space<vmem>>) offsets(%arg5 : memref<200xi32, #tpu.memory_space<vmem>>) semaphore(%arg9 : memref<!tpu.dma_semaphore, #tpu.memory_space<semaphore_mem>>)
      %add3A_23 = arith.constant 200 : i32
      %add3A_24 = arith.addi %add3A_19, %add3A_23 : i32
      "tpu.region"() ({
        %run_scoped3A = tpu.sem_alloc : memref<!tpu.dma_semaphore, #tpu.memory_space<semaphore_mem>>
        %dma_start3A_36 = tpu.memref_slice %arg3[%add3A_24] : memref<160000xi32, #tpu.memory_space<hbm>> -> memref<200xi32, #tpu.memory_space<hbm>>
        %dma_start3A_37 = tpu.memref_slice %arg3[%add3A_24] : memref<160000xi32, #tpu.memory_space<hbm>> -> memref<200xi32, #tpu.memory_space<hbm>>
        tpu.enqueue_dma source(%dma_start3A_37 : memref<200xi32, #tpu.memory_space<hbm>>) target(%arg6 : memref<200xi32, #tpu.memory_space<vmem>>) target_semaphore(%run_scoped3A : memref<!tpu.dma_semaphore, #tpu.memory_space<semaphore_mem>>)
        %dma_wait3A_38 = tpu.memref_slice %arg3[%add3A_24] : memref<160000xi32, #tpu.memory_space<hbm>> -> memref<200xi32, #tpu.memory_space<hbm>>
        %dma_wait3A_39 = tpu.memref_slice %arg3[%add3A_24] : memref<160000xi32, #tpu.memory_space<hbm>> -> memref<200xi32, #tpu.memory_space<hbm>>
        tpu.wait_dma2 semaphore(%run_scoped3A : memref<!tpu.dma_semaphore, #tpu.memory_space<semaphore_mem>>) src(%dma_wait3A_39 : memref<200xi32, #tpu.memory_space<hbm>>) dst(%arg6 : memref<200xi32, #tpu.memory_space<vmem>>)
        tpu.yield
      }) : () -> ()
      %dma_start3A_25 = arith.constant 0 : i32
      %dma_start3A_26 = arith.constant 0 : i32
      %dma_start3A_27 = tpu.memref_slice %arg2[%dma_start3A_25, %dma_start3A_26] : memref<10000x128xf32, #tpu.memory_space<hbm>> -> memref<10000x128xf32, #tpu.memory_space<hbm>>
      tpu.enqueue_indirect_dma source(%dma_start3A_27 : memref<10000x128xf32, #tpu.memory_space<hbm>>) target(%arg8 : memref<200x128xf32, #tpu.memory_space<vmem>>) offsets(%arg6 : memref<200xi32, #tpu.memory_space<vmem>>) semaphore(%arg10 : memref<!tpu.dma_semaphore, #tpu.memory_space<semaphore_mem>>)
      %dma_wait3A_28 = arith.constant 0 : i32
      %dma_wait3A_29 = arith.constant 0 : i32
      %dma_wait3A_30 = tpu.memref_slice %arg2[%dma_wait3A_28, %dma_wait3A_29] : memref<10000x128xf32, #tpu.memory_space<hbm>> -> memref<10000x128xf32, #tpu.memory_space<hbm>>
      tpu.wait_indirect_dma semaphore(%arg9 : memref<!tpu.dma_semaphore, #tpu.memory_space<semaphore_mem>>) src(%dma_wait3A_30 : memref<10000x128xf32, #tpu.memory_space<hbm>>) dst(%arg7 : memref<200x128xf32, #tpu.memory_space<vmem>>)
      "tpu.region"() ({
        %run_scoped3A = tpu.sem_alloc : memref<!tpu.dma_semaphore, #tpu.memory_space<semaphore_mem>>
        %dma_start3A_36 = arith.constant 0 : i32
        %dma_start3A_37 = tpu.memref_slice %arg4[%add3A_19, %dma_start3A_36] : memref<160000x128xf32, #tpu.memory_space<hbm>> -> memref<200x128xf32, #tpu.memory_space<hbm>>
        %dma_start3A_38 = arith.constant 0 : i32
        %dma_start3A_39 = tpu.memref_slice %arg4[%add3A_19, %dma_start3A_38] : memref<160000x128xf32, #tpu.memory_space<hbm>> -> memref<200x128xf32, #tpu.memory_space<hbm>>
        tpu.enqueue_dma source(%arg7 : memref<200x128xf32, #tpu.memory_space<vmem>>) target(%dma_start3A_39 : memref<200x128xf32, #tpu.memory_space<hbm>>) target_semaphore(%run_scoped3A : memref<!tpu.dma_semaphore, #tpu.memory_space<semaphore_mem>>)
        %dma_wait3A_40 = arith.constant 0 : i32
        %dma_wait3A_41 = tpu.memref_slice %arg4[%add3A_19, %dma_wait3A_40] : memref<160000x128xf32, #tpu.memory_space<hbm>> -> memref<200x128xf32, #tpu.memory_space<hbm>>
        %dma_wait3A_42 = arith.constant 0 : i32
        %dma_wait3A_43 = tpu.memref_slice %arg4[%add3A_19, %dma_wait3A_42] : memref<160000x128xf32, #tpu.memory_space<hbm>> -> memref<200x128xf32, #tpu.memory_space<hbm>>
        tpu.wait_dma2 semaphore(%run_scoped3A : memref<!tpu.dma_semaphore, #tpu.memory_space<semaphore_mem>>) src(%arg7 : memref<200x128xf32, #tpu.memory_space<vmem>>) dst(%dma_wait3A_43 : memref<200x128xf32, #tpu.memory_space<hbm>>)
        tpu.yield
      }) : () -> ()
      %dma_wait3A_31 = arith.constant 0 : i32
      %dma_wait3A_32 = arith.constant 0 : i32
      %dma_wait3A_33 = tpu.memref_slice %arg2[%dma_wait3A_31, %dma_wait3A_32] : memref<10000x128xf32, #tpu.memory_space<hbm>> -> memref<10000x128xf32, #tpu.memory_space<hbm>>
      tpu.wait_indirect_dma semaphore(%arg10 : memref<!tpu.dma_semaphore, #tpu.memory_space<semaphore_mem>>) src(%dma_wait3A_33 : memref<10000x128xf32, #tpu.memory_space<hbm>>) dst(%arg8 : memref<200x128xf32, #tpu.memory_space<vmem>>)
      %add3A_34 = arith.constant 200 : i32
      %add3A_35 = arith.addi %add3A_19, %add3A_34 : i32
      "tpu.region"() ({
        %run_scoped3A = tpu.sem_alloc : memref<!tpu.dma_semaphore, #tpu.memory_space<semaphore_mem>>
        %dma_start3A_36 = arith.constant 0 : i32
        %dma_start3A_37 = tpu.memref_slice %arg4[%add3A_35, %dma_start3A_36] : memref<160000x128xf32, #tpu.memory_space<hbm>> -> memref<200x128xf32, #tpu.memory_space<hbm>>
        %dma_start3A_38 = arith.constant 0 : i32
        %dma_start3A_39 = tpu.memref_slice %arg4[%add3A_35, %dma_start3A_38] : memref<160000x128xf32, #tpu.memory_space<hbm>> -> memref<200x128xf32, #tpu.memory_space<hbm>>
        tpu.enqueue_dma source(%arg8 : memref<200x128xf32, #tpu.memory_space<vmem>>) target(%dma_start3A_39 : memref<200x128xf32, #tpu.memory_space<hbm>>) target_semaphore(%run_scoped3A : memref<!tpu.dma_semaphore, #tpu.memory_space<semaphore_mem>>)
        %dma_wait3A_40 = arith.constant 0 : i32
        %dma_wait3A_41 = tpu.memref_slice %arg4[%add3A_35, %dma_wait3A_40] : memref<160000x128xf32, #tpu.memory_space<hbm>> -> memref<200x128xf32, #tpu.memory_space<hbm>>
        %dma_wait3A_42 = arith.constant 0 : i32
        %dma_wait3A_43 = tpu.memref_slice %arg4[%add3A_35, %dma_wait3A_42] : memref<160000x128xf32, #tpu.memory_space<hbm>> -> memref<200x128xf32, #tpu.memory_space<hbm>>
        tpu.wait_dma2 semaphore(%run_scoped3A : memref<!tpu.dma_semaphore, #tpu.memory_space<semaphore_mem>>) src(%arg8 : memref<200x128xf32, #tpu.memory_space<vmem>>) dst(%dma_wait3A_43 : memref<200x128xf32, #tpu.memory_space<hbm>>)
        tpu.yield
      }) : () -> ()
    }
    %scan3A_7 = arith.constant 12 : i32
    %add3A_8 = arith.constant 4800 : i32
    %add3A_9 = arith.addi %mul3A_2, %add3A_8 : i32
    "tpu.region"() ({
      %run_scoped3A = tpu.sem_alloc : memref<!tpu.dma_semaphore, #tpu.memory_space<semaphore_mem>>
      %dma_start3A_14 = tpu.memref_slice %arg3[%add3A_9] : memref<160000xi32, #tpu.memory_space<hbm>> -> memref<200xi32, #tpu.memory_space<hbm>>
      %dma_start3A_15 = tpu.memref_slice %arg3[%add3A_9] : memref<160000xi32, #tpu.memory_space<hbm>> -> memref<200xi32, #tpu.memory_space<hbm>>
      tpu.enqueue_dma source(%dma_start3A_15 : memref<200xi32, #tpu.memory_space<hbm>>) target(%arg5 : memref<200xi32, #tpu.memory_space<vmem>>) target_semaphore(%run_scoped3A : memref<!tpu.dma_semaphore, #tpu.memory_space<semaphore_mem>>)
      %dma_wait3A_16 = tpu.memref_slice %arg3[%add3A_9] : memref<160000xi32, #tpu.memory_space<hbm>> -> memref<200xi32, #tpu.memory_space<hbm>>
      %dma_wait3A_17 = tpu.memref_slice %arg3[%add3A_9] : memref<160000xi32, #tpu.memory_space<hbm>> -> memref<200xi32, #tpu.memory_space<hbm>>
      tpu.wait_dma2 semaphore(%run_scoped3A : memref<!tpu.dma_semaphore, #tpu.memory_space<semaphore_mem>>) src(%dma_wait3A_17 : memref<200xi32, #tpu.memory_space<hbm>>) dst(%arg5 : memref<200xi32, #tpu.memory_space<vmem>>)
      tpu.yield
    }) : () -> ()
    %dma_start3A = arith.constant 0 : i32
    %dma_start3A_10 = arith.constant 0 : i32
    %dma_start3A_11 = tpu.memref_slice %arg2[%dma_start3A, %dma_start3A_10] : memref<10000x128xf32, #tpu.memory_space<hbm>> -> memref<10000x128xf32, #tpu.memory_space<hbm>>
    tpu.enqueue_indirect_dma source(%dma_start3A_11 : memref<10000x128xf32, #tpu.memory_space<hbm>>) target(%arg7 : memref<200x128xf32, #tpu.memory_space<vmem>>) offsets(%arg5 : memref<200xi32, #tpu.memory_space<vmem>>) semaphore(%arg9 : memref<!tpu.dma_semaphore, #tpu.memory_space<semaphore_mem>>)
    %dma_wait3A = arith.constant 0 : i32
    %dma_wait3A_12 = arith.constant 0 : i32
    %dma_wait3A_13 = tpu.memref_slice %arg2[%dma_wait3A, %dma_wait3A_12] : memref<10000x128xf32, #tpu.memory_space<hbm>> -> memref<10000x128xf32, #tpu.memory_space<hbm>>
    tpu.wait_indirect_dma semaphore(%arg9 : memref<!tpu.dma_semaphore, #tpu.memory_space<semaphore_mem>>) src(%dma_wait3A_13 : memref<10000x128xf32, #tpu.memory_space<hbm>>) dst(%arg7 : memref<200x128xf32, #tpu.memory_space<vmem>>)
    "tpu.region"() ({
      %run_scoped3A = tpu.sem_alloc : memref<!tpu.dma_semaphore, #tpu.memory_space<semaphore_mem>>
      %dma_start3A_14 = arith.constant 0 : i32
      %dma_start3A_15 = tpu.memref_slice %arg4[%add3A_9, %dma_start3A_14] : memref<160000x128xf32, #tpu.memory_space<hbm>> -> memref<200x128xf32, #tpu.memory_space<hbm>>
      %dma_start3A_16 = arith.constant 0 : i32
      %dma_start3A_17 = tpu.memref_slice %arg4[%add3A_9, %dma_start3A_16] : memref<160000x128xf32, #tpu.memory_space<hbm>> -> memref<200x128xf32, #tpu.memory_space<hbm>>
      tpu.enqueue_dma source(%arg7 : memref<200x128xf32, #tpu.memory_space<vmem>>) target(%dma_start3A_17 : memref<200x128xf32, #tpu.memory_space<hbm>>) target_semaphore(%run_scoped3A : memref<!tpu.dma_semaphore, #tpu.memory_space<semaphore_mem>>)
      %dma_wait3A_18 = arith.constant 0 : i32
      %dma_wait3A_19 = tpu.memref_slice %arg4[%add3A_9, %dma_wait3A_18] : memref<160000x128xf32, #tpu.memory_space<hbm>> -> memref<200x128xf32, #tpu.memory_space<hbm>>
      %dma_wait3A_20 = arith.constant 0 : i32
      %dma_wait3A_21 = tpu.memref_slice %arg4[%add3A_9, %dma_wait3A_20] : memref<160000x128xf32, #tpu.memory_space<hbm>> -> memref<200x128xf32, #tpu.memory_space<hbm>>
      tpu.wait_dma2 semaphore(%run_scoped3A : memref<!tpu.dma_semaphore, #tpu.memory_space<semaphore_mem>>) src(%arg7 : memref<200x128xf32, #tpu.memory_space<vmem>>) dst(%dma_wait3A_21 : memref<200x128xf32, #tpu.memory_space<hbm>>)
      tpu.yield
    }) : () -> ()
    return
  }
}

#map = affine_map<(d0, d1) -> (0, 0)>
#map1 = affine_map<(d0, d1) -> (0)>
#map2 = affine_map<(d0, d1) -> (0, 0, 0)>
module attributes {stable_mosaic.version = 14 : i64} {
  func.func @_sc_scatter_dual_body(%arg0: i32, %arg1: i32, %arg2: memref<160000x128xf32, #tpu.memory_space<hbm>>, %arg3: memref<160000x128xf32, #tpu.memory_space<hbm>>, %arg4: memref<160000xi32, #tpu.memory_space<hbm>>, %arg5: memref<10000x128xf32, #tpu.memory_space<hbm>>, %arg6: memref<2x10000x128xf32, #tpu.memory_space<hbm>>, %arg7: memref<200xi32, #tpu.memory_space<vmem>>, %arg8: memref<200x128xf32, #tpu.memory_space<vmem>>, %arg9: memref<104x128xf32, #tpu.memory_space<vmem>>, %arg10: memref<16x128xf32, #tpu.memory_space<vmem>>, %arg11: memref<10000x128xf32, #tpu.memory_space<vmem_shared>>) attributes {dimension_semantics = [#tpu.dimension_semantics<core_parallel>, #tpu.dimension_semantics<subcore_parallel>], iteration_bounds = array<i64: 2, 16>, scalar_prefetch = 0 : i64, scratch_operands = 5 : i64, tpu.core_type = #tpu.core_type<sc_vector_subcore>, window_params = [{transform_indices = #map}, {transform_indices = #map}, {transform_indices = #map1}, {transform_indices = #map}, {transform_indices = #map2}]} {
    %mul3A = arith.constant 6 : i32
    %mul3A_0 = arith.muli %arg1, %mul3A : i32
    %add3A = arith.constant 0 : i32
    %add3A_1 = arith.addi %mul3A_0, %add3A : i32
    %mul3A_2 = arith.constant 104 : i32
    %mul3A_3 = arith.muli %add3A_1, %mul3A_2 : i32
    "tpu.region"() ({
      %run_scoped3A = tpu.sem_alloc : memref<!tpu.dma_semaphore, #tpu.memory_space<semaphore_mem>>
      %dma_start3A = arith.constant 0 : i32
      %dma_start3A_90 = tpu.memref_slice %arg11[%mul3A_3, %dma_start3A] : memref<10000x128xf32, #tpu.memory_space<vmem_shared>> -> memref<104x128xf32, #tpu.memory_space<vmem_shared>>
      %dma_start3A_91 = arith.constant 0 : i32
      %dma_start3A_92 = tpu.memref_slice %arg5[%mul3A_3, %dma_start3A_91] : memref<10000x128xf32, #tpu.memory_space<hbm>> -> memref<104x128xf32, #tpu.memory_space<hbm>>
      tpu.enqueue_dma source(%dma_start3A_92 : memref<104x128xf32, #tpu.memory_space<hbm>>) target(%dma_start3A_90 : memref<104x128xf32, #tpu.memory_space<vmem_shared>>) target_semaphore(%run_scoped3A : memref<!tpu.dma_semaphore, #tpu.memory_space<semaphore_mem>>)
      %dma_wait3A = arith.constant 0 : i32
      %dma_wait3A_93 = tpu.memref_slice %arg11[%mul3A_3, %dma_wait3A] : memref<10000x128xf32, #tpu.memory_space<vmem_shared>> -> memref<104x128xf32, #tpu.memory_space<vmem_shared>>
      %dma_wait3A_94 = arith.constant 0 : i32
      %dma_wait3A_95 = tpu.memref_slice %arg5[%mul3A_3, %dma_wait3A_94] : memref<10000x128xf32, #tpu.memory_space<hbm>> -> memref<104x128xf32, #tpu.memory_space<hbm>>
      tpu.wait_dma2 semaphore(%run_scoped3A : memref<!tpu.dma_semaphore, #tpu.memory_space<semaphore_mem>>) src(%dma_wait3A_95 : memref<104x128xf32, #tpu.memory_space<hbm>>) dst(%dma_wait3A_93 : memref<104x128xf32, #tpu.memory_space<vmem_shared>>)
      tpu.yield
    }) : () -> ()
    %mul3A_4 = arith.constant 6 : i32
    %mul3A_5 = arith.muli %arg1, %mul3A_4 : i32
    %add3A_6 = arith.constant 1 : i32
    %add3A_7 = arith.addi %mul3A_5, %add3A_6 : i32
    %mul3A_8 = arith.constant 104 : i32
    %mul3A_9 = arith.muli %add3A_7, %mul3A_8 : i32
    "tpu.region"() ({
      %run_scoped3A = tpu.sem_alloc : memref<!tpu.dma_semaphore, #tpu.memory_space<semaphore_mem>>
      %dma_start3A = arith.constant 0 : i32
      %dma_start3A_90 = tpu.memref_slice %arg11[%mul3A_9, %dma_start3A] : memref<10000x128xf32, #tpu.memory_space<vmem_shared>> -> memref<104x128xf32, #tpu.memory_space<vmem_shared>>
      %dma_start3A_91 = arith.constant 0 : i32
      %dma_start3A_92 = tpu.memref_slice %arg5[%mul3A_9, %dma_start3A_91] : memref<10000x128xf32, #tpu.memory_space<hbm>> -> memref<104x128xf32, #tpu.memory_space<hbm>>
      tpu.enqueue_dma source(%dma_start3A_92 : memref<104x128xf32, #tpu.memory_space<hbm>>) target(%dma_start3A_90 : memref<104x128xf32, #tpu.memory_space<vmem_shared>>) target_semaphore(%run_scoped3A : memref<!tpu.dma_semaphore, #tpu.memory_space<semaphore_mem>>)
      %dma_wait3A = arith.constant 0 : i32
      %dma_wait3A_93 = tpu.memref_slice %arg11[%mul3A_9, %dma_wait3A] : memref<10000x128xf32, #tpu.memory_space<vmem_shared>> -> memref<104x128xf32, #tpu.memory_space<vmem_shared>>
      %dma_wait3A_94 = arith.constant 0 : i32
      %dma_wait3A_95 = tpu.memref_slice %arg5[%mul3A_9, %dma_wait3A_94] : memref<10000x128xf32, #tpu.memory_space<hbm>> -> memref<104x128xf32, #tpu.memory_space<hbm>>
      tpu.wait_dma2 semaphore(%run_scoped3A : memref<!tpu.dma_semaphore, #tpu.memory_space<semaphore_mem>>) src(%dma_wait3A_95 : memref<104x128xf32, #tpu.memory_space<hbm>>) dst(%dma_wait3A_93 : memref<104x128xf32, #tpu.memory_space<vmem_shared>>)
      tpu.yield
    }) : () -> ()
    %mul3A_10 = arith.constant 6 : i32
    %mul3A_11 = arith.muli %arg1, %mul3A_10 : i32
    %add3A_12 = arith.constant 2 : i32
    %add3A_13 = arith.addi %mul3A_11, %add3A_12 : i32
    %mul3A_14 = arith.constant 104 : i32
    %mul3A_15 = arith.muli %add3A_13, %mul3A_14 : i32
    "tpu.region"() ({
      %run_scoped3A = tpu.sem_alloc : memref<!tpu.dma_semaphore, #tpu.memory_space<semaphore_mem>>
      %dma_start3A = arith.constant 0 : i32
      %dma_start3A_90 = tpu.memref_slice %arg11[%mul3A_15, %dma_start3A] : memref<10000x128xf32, #tpu.memory_space<vmem_shared>> -> memref<104x128xf32, #tpu.memory_space<vmem_shared>>
      %dma_start3A_91 = arith.constant 0 : i32
      %dma_start3A_92 = tpu.memref_slice %arg5[%mul3A_15, %dma_start3A_91] : memref<10000x128xf32, #tpu.memory_space<hbm>> -> memref<104x128xf32, #tpu.memory_space<hbm>>
      tpu.enqueue_dma source(%dma_start3A_92 : memref<104x128xf32, #tpu.memory_space<hbm>>) target(%dma_start3A_90 : memref<104x128xf32, #tpu.memory_space<vmem_shared>>) target_semaphore(%run_scoped3A : memref<!tpu.dma_semaphore, #tpu.memory_space<semaphore_mem>>)
      %dma_wait3A = arith.constant 0 : i32
      %dma_wait3A_93 = tpu.memref_slice %arg11[%mul3A_15, %dma_wait3A] : memref<10000x128xf32, #tpu.memory_space<vmem_shared>> -> memref<104x128xf32, #tpu.memory_space<vmem_shared>>
      %dma_wait3A_94 = arith.constant 0 : i32
      %dma_wait3A_95 = tpu.memref_slice %arg5[%mul3A_15, %dma_wait3A_94] : memref<10000x128xf32, #tpu.memory_space<hbm>> -> memref<104x128xf32, #tpu.memory_space<hbm>>
      tpu.wait_dma2 semaphore(%run_scoped3A : memref<!tpu.dma_semaphore, #tpu.memory_space<semaphore_mem>>) src(%dma_wait3A_95 : memref<104x128xf32, #tpu.memory_space<hbm>>) dst(%dma_wait3A_93 : memref<104x128xf32, #tpu.memory_space<vmem_shared>>)
      tpu.yield
    }) : () -> ()
    %mul3A_16 = arith.constant 6 : i32
    %mul3A_17 = arith.muli %arg1, %mul3A_16 : i32
    %add3A_18 = arith.constant 3 : i32
    %add3A_19 = arith.addi %mul3A_17, %add3A_18 : i32
    %mul3A_20 = arith.constant 104 : i32
    %mul3A_21 = arith.muli %add3A_19, %mul3A_20 : i32
    "tpu.region"() ({
      %run_scoped3A = tpu.sem_alloc : memref<!tpu.dma_semaphore, #tpu.memory_space<semaphore_mem>>
      %dma_start3A = arith.constant 0 : i32
      %dma_start3A_90 = tpu.memref_slice %arg11[%mul3A_21, %dma_start3A] : memref<10000x128xf32, #tpu.memory_space<vmem_shared>> -> memref<104x128xf32, #tpu.memory_space<vmem_shared>>
      %dma_start3A_91 = arith.constant 0 : i32
      %dma_start3A_92 = tpu.memref_slice %arg5[%mul3A_21, %dma_start3A_91] : memref<10000x128xf32, #tpu.memory_space<hbm>> -> memref<104x128xf32, #tpu.memory_space<hbm>>
      tpu.enqueue_dma source(%dma_start3A_92 : memref<104x128xf32, #tpu.memory_space<hbm>>) target(%dma_start3A_90 : memref<104x128xf32, #tpu.memory_space<vmem_shared>>) target_semaphore(%run_scoped3A : memref<!tpu.dma_semaphore, #tpu.memory_space<semaphore_mem>>)
      %dma_wait3A = arith.constant 0 : i32
      %dma_wait3A_93 = tpu.memref_slice %arg11[%mul3A_21, %dma_wait3A] : memref<10000x128xf32, #tpu.memory_space<vmem_shared>> -> memref<104x128xf32, #tpu.memory_space<vmem_shared>>
      %dma_wait3A_94 = arith.constant 0 : i32
      %dma_wait3A_95 = tpu.memref_slice %arg5[%mul3A_21, %dma_wait3A_94] : memref<10000x128xf32, #tpu.memory_space<hbm>> -> memref<104x128xf32, #tpu.memory_space<hbm>>
      tpu.wait_dma2 semaphore(%run_scoped3A : memref<!tpu.dma_semaphore, #tpu.memory_space<semaphore_mem>>) src(%dma_wait3A_95 : memref<104x128xf32, #tpu.memory_space<hbm>>) dst(%dma_wait3A_93 : memref<104x128xf32, #tpu.memory_space<vmem_shared>>)
      tpu.yield
    }) : () -> ()
    %mul3A_22 = arith.constant 6 : i32
    %mul3A_23 = arith.muli %arg1, %mul3A_22 : i32
    %add3A_24 = arith.constant 4 : i32
    %add3A_25 = arith.addi %mul3A_23, %add3A_24 : i32
    %mul3A_26 = arith.constant 104 : i32
    %mul3A_27 = arith.muli %add3A_25, %mul3A_26 : i32
    "tpu.region"() ({
      %run_scoped3A = tpu.sem_alloc : memref<!tpu.dma_semaphore, #tpu.memory_space<semaphore_mem>>
      %dma_start3A = arith.constant 0 : i32
      %dma_start3A_90 = tpu.memref_slice %arg11[%mul3A_27, %dma_start3A] : memref<10000x128xf32, #tpu.memory_space<vmem_shared>> -> memref<104x128xf32, #tpu.memory_space<vmem_shared>>
      %dma_start3A_91 = arith.constant 0 : i32
      %dma_start3A_92 = tpu.memref_slice %arg5[%mul3A_27, %dma_start3A_91] : memref<10000x128xf32, #tpu.memory_space<hbm>> -> memref<104x128xf32, #tpu.memory_space<hbm>>
      tpu.enqueue_dma source(%dma_start3A_92 : memref<104x128xf32, #tpu.memory_space<hbm>>) target(%dma_start3A_90 : memref<104x128xf32, #tpu.memory_space<vmem_shared>>) target_semaphore(%run_scoped3A : memref<!tpu.dma_semaphore, #tpu.memory_space<semaphore_mem>>)
      %dma_wait3A = arith.constant 0 : i32
      %dma_wait3A_93 = tpu.memref_slice %arg11[%mul3A_27, %dma_wait3A] : memref<10000x128xf32, #tpu.memory_space<vmem_shared>> -> memref<104x128xf32, #tpu.memory_space<vmem_shared>>
      %dma_wait3A_94 = arith.constant 0 : i32
      %dma_wait3A_95 = tpu.memref_slice %arg5[%mul3A_27, %dma_wait3A_94] : memref<10000x128xf32, #tpu.memory_space<hbm>> -> memref<104x128xf32, #tpu.memory_space<hbm>>
      tpu.wait_dma2 semaphore(%run_scoped3A : memref<!tpu.dma_semaphore, #tpu.memory_space<semaphore_mem>>) src(%dma_wait3A_95 : memref<104x128xf32, #tpu.memory_space<hbm>>) dst(%dma_wait3A_93 : memref<104x128xf32, #tpu.memory_space<vmem_shared>>)
      tpu.yield
    }) : () -> ()
    %mul3A_28 = arith.constant 6 : i32
    %mul3A_29 = arith.muli %arg1, %mul3A_28 : i32
    %add3A_30 = arith.constant 5 : i32
    %add3A_31 = arith.addi %mul3A_29, %add3A_30 : i32
    %mul3A_32 = arith.constant 104 : i32
    %mul3A_33 = arith.muli %add3A_31, %mul3A_32 : i32
    "tpu.region"() ({
      %run_scoped3A = tpu.sem_alloc : memref<!tpu.dma_semaphore, #tpu.memory_space<semaphore_mem>>
      %dma_start3A = arith.constant 0 : i32
      %dma_start3A_90 = tpu.memref_slice %arg11[%mul3A_33, %dma_start3A] : memref<10000x128xf32, #tpu.memory_space<vmem_shared>> -> memref<104x128xf32, #tpu.memory_space<vmem_shared>>
      %dma_start3A_91 = arith.constant 0 : i32
      %dma_start3A_92 = tpu.memref_slice %arg5[%mul3A_33, %dma_start3A_91] : memref<10000x128xf32, #tpu.memory_space<hbm>> -> memref<104x128xf32, #tpu.memory_space<hbm>>
      tpu.enqueue_dma source(%dma_start3A_92 : memref<104x128xf32, #tpu.memory_space<hbm>>) target(%dma_start3A_90 : memref<104x128xf32, #tpu.memory_space<vmem_shared>>) target_semaphore(%run_scoped3A : memref<!tpu.dma_semaphore, #tpu.memory_space<semaphore_mem>>)
      %dma_wait3A = arith.constant 0 : i32
      %dma_wait3A_93 = tpu.memref_slice %arg11[%mul3A_33, %dma_wait3A] : memref<10000x128xf32, #tpu.memory_space<vmem_shared>> -> memref<104x128xf32, #tpu.memory_space<vmem_shared>>
      %dma_wait3A_94 = arith.constant 0 : i32
      %dma_wait3A_95 = tpu.memref_slice %arg5[%mul3A_33, %dma_wait3A_94] : memref<10000x128xf32, #tpu.memory_space<hbm>> -> memref<104x128xf32, #tpu.memory_space<hbm>>
      tpu.wait_dma2 semaphore(%run_scoped3A : memref<!tpu.dma_semaphore, #tpu.memory_space<semaphore_mem>>) src(%dma_wait3A_95 : memref<104x128xf32, #tpu.memory_space<hbm>>) dst(%dma_wait3A_93 : memref<104x128xf32, #tpu.memory_space<vmem_shared>>)
      tpu.yield
    }) : () -> ()
    %eq3A = arith.constant 0 : i32
    %eq3A_34 = arith.cmpi eq, %arg1, %eq3A : i32
    %convert_element_type3A = arith.extui %eq3A_34 : i1 to i32
    %cond3A = arith.constant 0 : i32
    %cond3A_35 = arith.cmpi ne, %convert_element_type3A, %cond3A : i32
    scf.if %cond3A_35 {
      "tpu.region"() ({
        %run_scoped3A = tpu.sem_alloc : memref<!tpu.dma_semaphore, #tpu.memory_space<semaphore_mem>>
        %dma_start3A = arith.constant 9984 : i32
        %dma_start3A_90 = arith.constant 0 : i32
        %dma_start3A_91 = tpu.memref_slice %arg11[%dma_start3A, %dma_start3A_90] : memref<10000x128xf32, #tpu.memory_space<vmem_shared>> -> memref<16x128xf32, #tpu.memory_space<vmem_shared>>
        %dma_start3A_92 = arith.constant 9984 : i32
        %dma_start3A_93 = arith.constant 0 : i32
        %dma_start3A_94 = tpu.memref_slice %arg5[%dma_start3A_92, %dma_start3A_93] : memref<10000x128xf32, #tpu.memory_space<hbm>> -> memref<16x128xf32, #tpu.memory_space<hbm>>
        tpu.enqueue_dma source(%dma_start3A_94 : memref<16x128xf32, #tpu.memory_space<hbm>>) target(%dma_start3A_91 : memref<16x128xf32, #tpu.memory_space<vmem_shared>>) target_semaphore(%run_scoped3A : memref<!tpu.dma_semaphore, #tpu.memory_space<semaphore_mem>>)
        %dma_wait3A = arith.constant 9984 : i32
        %dma_wait3A_95 = arith.constant 0 : i32
        %dma_wait3A_96 = tpu.memref_slice %arg11[%dma_wait3A, %dma_wait3A_95] : memref<10000x128xf32, #tpu.memory_space<vmem_shared>> -> memref<16x128xf32, #tpu.memory_space<vmem_shared>>
        %dma_wait3A_97 = arith.constant 9984 : i32
        %dma_wait3A_98 = arith.constant 0 : i32
        %dma_wait3A_99 = tpu.memref_slice %arg5[%dma_wait3A_97, %dma_wait3A_98] : memref<10000x128xf32, #tpu.memory_space<hbm>> -> memref<16x128xf32, #tpu.memory_space<hbm>>
        tpu.wait_dma2 semaphore(%run_scoped3A : memref<!tpu.dma_semaphore, #tpu.memory_space<semaphore_mem>>) src(%dma_wait3A_99 : memref<16x128xf32, #tpu.memory_space<hbm>>) dst(%dma_wait3A_96 : memref<16x128xf32, #tpu.memory_space<vmem_shared>>)
        tpu.yield
      }) : () -> ()
    } else {
    }
    %barrier3A = arith.constant 0 : index
    tpu.barrier barrier_id(%barrier3A)
    %mul3A_36 = arith.constant 10000 : i32
    %mul3A_37 = arith.muli %arg1, %mul3A_36 : i32
    %eq3A_38 = arith.constant 0 : i32
    %eq3A_39 = arith.cmpi eq, %arg0, %eq3A_38 : i32
    %convert_element_type3A_40 = arith.extui %eq3A_39 : i1 to i32
    %cond3A_41 = arith.constant 0 : i32
    %cond3A_42 = arith.cmpi ne, %convert_element_type3A_40, %cond3A_41 : i32
    scf.if %cond3A_42 {
      %scan3A = arith.constant 0 : i32
      %scan3A_90 = arith.constant 0 : i32
      %scan3A_91 = arith.constant 50 : i32
      %scan3A_92 = arith.addi %scan3A_90, %scan3A_91 : i32
      %scan3A_93 = arith.constant 1 : i32
      scf.for %scan3A_95 = %scan3A_90 to %scan3A_92 step %scan3A_93  : i32 {
        %mul3A_96 = arith.constant 200 : i32
        %mul3A_97 = arith.muli %scan3A_95, %mul3A_96 : i32
        %add3A_98 = arith.addi %mul3A_37, %mul3A_97 : i32
        "tpu.region"() ({
          %run_scoped3A = tpu.sem_alloc : memref<!tpu.dma_semaphore, #tpu.memory_space<semaphore_mem>>
          %dma_start3A = tpu.memref_slice %arg4[%add3A_98] : memref<160000xi32, #tpu.memory_space<hbm>> -> memref<200xi32, #tpu.memory_space<hbm>>
          %dma_start3A_99 = tpu.memref_slice %arg4[%add3A_98] : memref<160000xi32, #tpu.memory_space<hbm>> -> memref<200xi32, #tpu.memory_space<hbm>>
          tpu.enqueue_dma source(%dma_start3A_99 : memref<200xi32, #tpu.memory_space<hbm>>) target(%arg7 : memref<200xi32, #tpu.memory_space<vmem>>) target_semaphore(%run_scoped3A : memref<!tpu.dma_semaphore, #tpu.memory_space<semaphore_mem>>)
          %dma_wait3A = tpu.memref_slice %arg4[%add3A_98] : memref<160000xi32, #tpu.memory_space<hbm>> -> memref<200xi32, #tpu.memory_space<hbm>>
          %dma_wait3A_100 = tpu.memref_slice %arg4[%add3A_98] : memref<160000xi32, #tpu.memory_space<hbm>> -> memref<200xi32, #tpu.memory_space<hbm>>
          tpu.wait_dma2 semaphore(%run_scoped3A : memref<!tpu.dma_semaphore, #tpu.memory_space<semaphore_mem>>) src(%dma_wait3A_100 : memref<200xi32, #tpu.memory_space<hbm>>) dst(%arg7 : memref<200xi32, #tpu.memory_space<vmem>>)
          tpu.yield
        }) : () -> ()
        "tpu.region"() ({
          %run_scoped3A = tpu.sem_alloc : memref<!tpu.dma_semaphore, #tpu.memory_space<semaphore_mem>>
          %dma_start3A = arith.constant 0 : i32
          %dma_start3A_99 = tpu.memref_slice %arg2[%add3A_98, %dma_start3A] : memref<160000x128xf32, #tpu.memory_space<hbm>> -> memref<200x128xf32, #tpu.memory_space<hbm>>
          %dma_start3A_100 = arith.constant 0 : i32
          %dma_start3A_101 = tpu.memref_slice %arg2[%add3A_98, %dma_start3A_100] : memref<160000x128xf32, #tpu.memory_space<hbm>> -> memref<200x128xf32, #tpu.memory_space<hbm>>
          tpu.enqueue_dma source(%dma_start3A_101 : memref<200x128xf32, #tpu.memory_space<hbm>>) target(%arg8 : memref<200x128xf32, #tpu.memory_space<vmem>>) target_semaphore(%run_scoped3A : memref<!tpu.dma_semaphore, #tpu.memory_space<semaphore_mem>>)
          %dma_wait3A = arith.constant 0 : i32
          %dma_wait3A_102 = tpu.memref_slice %arg2[%add3A_98, %dma_wait3A] : memref<160000x128xf32, #tpu.memory_space<hbm>> -> memref<200x128xf32, #tpu.memory_space<hbm>>
          %dma_wait3A_103 = arith.constant 0 : i32
          %dma_wait3A_104 = tpu.memref_slice %arg2[%add3A_98, %dma_wait3A_103] : memref<160000x128xf32, #tpu.memory_space<hbm>> -> memref<200x128xf32, #tpu.memory_space<hbm>>
          tpu.wait_dma2 semaphore(%run_scoped3A : memref<!tpu.dma_semaphore, #tpu.memory_space<semaphore_mem>>) src(%dma_wait3A_104 : memref<200x128xf32, #tpu.memory_space<hbm>>) dst(%arg8 : memref<200x128xf32, #tpu.memory_space<vmem>>)
          tpu.yield
        }) : () -> ()
        "tpu.region"() ({
          %run_scoped3A = tpu.sem_alloc : memref<!tpu.dma_semaphore, #tpu.memory_space<semaphore_mem>>
          %dma_start3A = arith.constant 0 : i32
          %dma_start3A_99 = arith.constant 0 : i32
          %dma_start3A_100 = tpu.memref_slice %arg11[%dma_start3A, %dma_start3A_99] : memref<10000x128xf32, #tpu.memory_space<vmem_shared>> -> memref<10000x128xf32, #tpu.memory_space<vmem_shared>>
          tpu.enqueue_indirect_dma source(%arg8 : memref<200x128xf32, #tpu.memory_space<vmem>>) target(%dma_start3A_100 : memref<10000x128xf32, #tpu.memory_space<vmem_shared>>) offsets(%arg7 : memref<200xi32, #tpu.memory_space<vmem>>) semaphore(%run_scoped3A : memref<!tpu.dma_semaphore, #tpu.memory_space<semaphore_mem>>) {add = true}
          %dma_wait3A = arith.constant 0 : i32
          %dma_wait3A_101 = arith.constant 0 : i32
          %dma_wait3A_102 = tpu.memref_slice %arg11[%dma_wait3A, %dma_wait3A_101] : memref<10000x128xf32, #tpu.memory_space<vmem_shared>> -> memref<10000x128xf32, #tpu.memory_space<vmem_shared>>
          tpu.wait_indirect_dma semaphore(%run_scoped3A : memref<!tpu.dma_semaphore, #tpu.memory_space<semaphore_mem>>) src(%arg8 : memref<200x128xf32, #tpu.memory_space<vmem>>) dst(%dma_wait3A_102 : memref<10000x128xf32, #tpu.memory_space<vmem_shared>>)
          tpu.yield
        }) : () -> ()
      }
      %scan3A_94 = arith.constant 50 : i32
    } else {
    }
    %eq3A_43 = arith.constant 1 : i32
    %eq3A_44 = arith.cmpi eq, %arg0, %eq3A_43 : i32
    %convert_element_type3A_45 = arith.extui %eq3A_44 : i1 to i32
    %cond3A_46 = arith.constant 0 : i32
    %cond3A_47 = arith.cmpi ne, %convert_element_type3A_45, %cond3A_46 : i32
    scf.if %cond3A_47 {
      %scan3A = arith.constant 0 : i32
      %scan3A_90 = arith.constant 0 : i32
      %scan3A_91 = arith.constant 50 : i32
      %scan3A_92 = arith.addi %scan3A_90, %scan3A_91 : i32
      %scan3A_93 = arith.constant 1 : i32
      scf.for %scan3A_95 = %scan3A_90 to %scan3A_92 step %scan3A_93  : i32 {
        %mul3A_96 = arith.constant 200 : i32
        %mul3A_97 = arith.muli %scan3A_95, %mul3A_96 : i32
        %add3A_98 = arith.addi %mul3A_37, %mul3A_97 : i32
        "tpu.region"() ({
          %run_scoped3A = tpu.sem_alloc : memref<!tpu.dma_semaphore, #tpu.memory_space<semaphore_mem>>
          %dma_start3A = tpu.memref_slice %arg4[%add3A_98] : memref<160000xi32, #tpu.memory_space<hbm>> -> memref<200xi32, #tpu.memory_space<hbm>>
          %dma_start3A_99 = tpu.memref_slice %arg4[%add3A_98] : memref<160000xi32, #tpu.memory_space<hbm>> -> memref<200xi32, #tpu.memory_space<hbm>>
          tpu.enqueue_dma source(%dma_start3A_99 : memref<200xi32, #tpu.memory_space<hbm>>) target(%arg7 : memref<200xi32, #tpu.memory_space<vmem>>) target_semaphore(%run_scoped3A : memref<!tpu.dma_semaphore, #tpu.memory_space<semaphore_mem>>)
          %dma_wait3A = tpu.memref_slice %arg4[%add3A_98] : memref<160000xi32, #tpu.memory_space<hbm>> -> memref<200xi32, #tpu.memory_space<hbm>>
          %dma_wait3A_100 = tpu.memref_slice %arg4[%add3A_98] : memref<160000xi32, #tpu.memory_space<hbm>> -> memref<200xi32, #tpu.memory_space<hbm>>
          tpu.wait_dma2 semaphore(%run_scoped3A : memref<!tpu.dma_semaphore, #tpu.memory_space<semaphore_mem>>) src(%dma_wait3A_100 : memref<200xi32, #tpu.memory_space<hbm>>) dst(%arg7 : memref<200xi32, #tpu.memory_space<vmem>>)
          tpu.yield
        }) : () -> ()
        "tpu.region"() ({
          %run_scoped3A = tpu.sem_alloc : memref<!tpu.dma_semaphore, #tpu.memory_space<semaphore_mem>>
          %dma_start3A = arith.constant 0 : i32
          %dma_start3A_99 = tpu.memref_slice %arg3[%add3A_98, %dma_start3A] : memref<160000x128xf32, #tpu.memory_space<hbm>> -> memref<200x128xf32, #tpu.memory_space<hbm>>
          %dma_start3A_100 = arith.constant 0 : i32
          %dma_start3A_101 = tpu.memref_slice %arg3[%add3A_98, %dma_start3A_100] : memref<160000x128xf32, #tpu.memory_space<hbm>> -> memref<200x128xf32, #tpu.memory_space<hbm>>
          tpu.enqueue_dma source(%dma_start3A_101 : memref<200x128xf32, #tpu.memory_space<hbm>>) target(%arg8 : memref<200x128xf32, #tpu.memory_space<vmem>>) target_semaphore(%run_scoped3A : memref<!tpu.dma_semaphore, #tpu.memory_space<semaphore_mem>>)
          %dma_wait3A = arith.constant 0 : i32
          %dma_wait3A_102 = tpu.memref_slice %arg3[%add3A_98, %dma_wait3A] : memref<160000x128xf32, #tpu.memory_space<hbm>> -> memref<200x128xf32, #tpu.memory_space<hbm>>
          %dma_wait3A_103 = arith.constant 0 : i32
          %dma_wait3A_104 = tpu.memref_slice %arg3[%add3A_98, %dma_wait3A_103] : memref<160000x128xf32, #tpu.memory_space<hbm>> -> memref<200x128xf32, #tpu.memory_space<hbm>>
          tpu.wait_dma2 semaphore(%run_scoped3A : memref<!tpu.dma_semaphore, #tpu.memory_space<semaphore_mem>>) src(%dma_wait3A_104 : memref<200x128xf32, #tpu.memory_space<hbm>>) dst(%arg8 : memref<200x128xf32, #tpu.memory_space<vmem>>)
          tpu.yield
        }) : () -> ()
        "tpu.region"() ({
          %run_scoped3A = tpu.sem_alloc : memref<!tpu.dma_semaphore, #tpu.memory_space<semaphore_mem>>
          %dma_start3A = arith.constant 0 : i32
          %dma_start3A_99 = arith.constant 0 : i32
          %dma_start3A_100 = tpu.memref_slice %arg11[%dma_start3A, %dma_start3A_99] : memref<10000x128xf32, #tpu.memory_space<vmem_shared>> -> memref<10000x128xf32, #tpu.memory_space<vmem_shared>>
          tpu.enqueue_indirect_dma source(%arg8 : memref<200x128xf32, #tpu.memory_space<vmem>>) target(%dma_start3A_100 : memref<10000x128xf32, #tpu.memory_space<vmem_shared>>) offsets(%arg7 : memref<200xi32, #tpu.memory_space<vmem>>) semaphore(%run_scoped3A : memref<!tpu.dma_semaphore, #tpu.memory_space<semaphore_mem>>) {add = true}
          %dma_wait3A = arith.constant 0 : i32
          %dma_wait3A_101 = arith.constant 0 : i32
          %dma_wait3A_102 = tpu.memref_slice %arg11[%dma_wait3A, %dma_wait3A_101] : memref<10000x128xf32, #tpu.memory_space<vmem_shared>> -> memref<10000x128xf32, #tpu.memory_space<vmem_shared>>
          tpu.wait_indirect_dma semaphore(%run_scoped3A : memref<!tpu.dma_semaphore, #tpu.memory_space<semaphore_mem>>) src(%arg8 : memref<200x128xf32, #tpu.memory_space<vmem>>) dst(%dma_wait3A_102 : memref<10000x128xf32, #tpu.memory_space<vmem_shared>>)
          tpu.yield
        }) : () -> ()
      }
      %scan3A_94 = arith.constant 50 : i32
    } else {
    }
    %barrier3A_48 = arith.constant 0 : index
    tpu.barrier barrier_id(%barrier3A_48)
    %mul3A_49 = arith.constant 6 : i32
    %mul3A_50 = arith.muli %arg1, %mul3A_49 : i32
    %add3A_51 = arith.constant 0 : i32
    %add3A_52 = arith.addi %mul3A_50, %add3A_51 : i32
    %mul3A_53 = arith.constant 104 : i32
    %mul3A_54 = arith.muli %add3A_52, %mul3A_53 : i32
    "tpu.region"() ({
      %run_scoped3A = tpu.sem_alloc : memref<!tpu.dma_semaphore, #tpu.memory_space<semaphore_mem>>
      %dma_start3A = arith.constant 0 : i32
      %dma_start3A_90 = tpu.memref_slice %arg11[%mul3A_54, %dma_start3A] : memref<10000x128xf32, #tpu.memory_space<vmem_shared>> -> memref<104x128xf32, #tpu.memory_space<vmem_shared>>
      %dma_start3A_91 = arith.constant 0 : i32
      %dma_start3A_92 = tpu.memref_slice %arg11[%mul3A_54, %dma_start3A_91] : memref<10000x128xf32, #tpu.memory_space<vmem_shared>> -> memref<104x128xf32, #tpu.memory_space<vmem_shared>>
      tpu.enqueue_dma source(%dma_start3A_92 : memref<104x128xf32, #tpu.memory_space<vmem_shared>>) target(%arg9 : memref<104x128xf32, #tpu.memory_space<vmem>>) target_semaphore(%run_scoped3A : memref<!tpu.dma_semaphore, #tpu.memory_space<semaphore_mem>>)
      %dma_wait3A = arith.constant 0 : i32
      %dma_wait3A_93 = tpu.memref_slice %arg11[%mul3A_54, %dma_wait3A] : memref<10000x128xf32, #tpu.memory_space<vmem_shared>> -> memref<104x128xf32, #tpu.memory_space<vmem_shared>>
      %dma_wait3A_94 = arith.constant 0 : i32
      %dma_wait3A_95 = tpu.memref_slice %arg11[%mul3A_54, %dma_wait3A_94] : memref<10000x128xf32, #tpu.memory_space<vmem_shared>> -> memref<104x128xf32, #tpu.memory_space<vmem_shared>>
      tpu.wait_dma2 semaphore(%run_scoped3A : memref<!tpu.dma_semaphore, #tpu.memory_space<semaphore_mem>>) src(%dma_wait3A_95 : memref<104x128xf32, #tpu.memory_space<vmem_shared>>) dst(%arg9 : memref<104x128xf32, #tpu.memory_space<vmem>>)
      tpu.yield
    }) : () -> ()
    "tpu.region"() ({
      %run_scoped3A = tpu.sem_alloc : memref<!tpu.dma_semaphore, #tpu.memory_space<semaphore_mem>>
      %dma_start3A = arith.constant 0 : i32
      %dma_start3A_90 = tpu.memref_slice %arg6[%arg0, %mul3A_54, %dma_start3A] : memref<2x10000x128xf32, #tpu.memory_space<hbm>> -> memref<1x104x128xf32, #tpu.memory_space<hbm>>
      %dma_start3A_91 = tpu.memref_squeeze %dma_start3A_90 : memref<1x104x128xf32, #tpu.memory_space<hbm>> -> memref<104x128xf32, #tpu.memory_space<hbm>>
      %dma_start3A_92 = arith.constant 0 : i32
      %dma_start3A_93 = tpu.memref_slice %arg6[%arg0, %mul3A_54, %dma_start3A_92] : memref<2x10000x128xf32, #tpu.memory_space<hbm>> -> memref<1x104x128xf32, #tpu.memory_space<hbm>>
      %dma_start3A_94 = tpu.memref_squeeze %dma_start3A_93 : memref<1x104x128xf32, #tpu.memory_space<hbm>> -> memref<104x128xf32, #tpu.memory_space<hbm>>
      tpu.enqueue_dma source(%arg9 : memref<104x128xf32, #tpu.memory_space<vmem>>) target(%dma_start3A_94 : memref<104x128xf32, #tpu.memory_space<hbm>>) target_semaphore(%run_scoped3A : memref<!tpu.dma_semaphore, #tpu.memory_space<semaphore_mem>>)
      %dma_wait3A = arith.constant 0 : i32
      %dma_wait3A_95 = tpu.memref_slice %arg6[%arg0, %mul3A_54, %dma_wait3A] : memref<2x10000x128xf32, #tpu.memory_space<hbm>> -> memref<1x104x128xf32, #tpu.memory_space<hbm>>
      %dma_wait3A_96 = tpu.memref_squeeze %dma_wait3A_95 : memref<1x104x128xf32, #tpu.memory_space<hbm>> -> memref<104x128xf32, #tpu.memory_space<hbm>>
      %dma_wait3A_97 = arith.constant 0 : i32
      %dma_wait3A_98 = tpu.memref_slice %arg6[%arg0, %mul3A_54, %dma_wait3A_97] : memref<2x10000x128xf32, #tpu.memory_space<hbm>> -> memref<1x104x128xf32, #tpu.memory_space<hbm>>
      %dma_wait3A_99 = tpu.memref_squeeze %dma_wait3A_98 : memref<1x104x128xf32, #tpu.memory_space<hbm>> -> memref<104x128xf32, #tpu.memory_space<hbm>>
      tpu.wait_dma2 semaphore(%run_scoped3A : memref<!tpu.dma_semaphore, #tpu.memory_space<semaphore_mem>>) src(%arg9 : memref<104x128xf32, #tpu.memory_space<vmem>>) dst(%dma_wait3A_99 : memref<104x128xf32, #tpu.memory_space<hbm>>)
      tpu.yield
    }) : () -> ()
    %mul3A_55 = arith.constant 6 : i32
    %mul3A_56 = arith.muli %arg1, %mul3A_55 : i32
    %add3A_57 = arith.constant 1 : i32
    %add3A_58 = arith.addi %mul3A_56, %add3A_57 : i32
    %mul3A_59 = arith.constant 104 : i32
    %mul3A_60 = arith.muli %add3A_58, %mul3A_59 : i32
    "tpu.region"() ({
      %run_scoped3A = tpu.sem_alloc : memref<!tpu.dma_semaphore, #tpu.memory_space<semaphore_mem>>
      %dma_start3A = arith.constant 0 : i32
      %dma_start3A_90 = tpu.memref_slice %arg11[%mul3A_60, %dma_start3A] : memref<10000x128xf32, #tpu.memory_space<vmem_shared>> -> memref<104x128xf32, #tpu.memory_space<vmem_shared>>
      %dma_start3A_91 = arith.constant 0 : i32
      %dma_start3A_92 = tpu.memref_slice %arg11[%mul3A_60, %dma_start3A_91] : memref<10000x128xf32, #tpu.memory_space<vmem_shared>> -> memref<104x128xf32, #tpu.memory_space<vmem_shared>>
      tpu.enqueue_dma source(%dma_start3A_92 : memref<104x128xf32, #tpu.memory_space<vmem_shared>>) target(%arg9 : memref<104x128xf32, #tpu.memory_space<vmem>>) target_semaphore(%run_scoped3A : memref<!tpu.dma_semaphore, #tpu.memory_space<semaphore_mem>>)
      %dma_wait3A = arith.constant 0 : i32
      %dma_wait3A_93 = tpu.memref_slice %arg11[%mul3A_60, %dma_wait3A] : memref<10000x128xf32, #tpu.memory_space<vmem_shared>> -> memref<104x128xf32, #tpu.memory_space<vmem_shared>>
      %dma_wait3A_94 = arith.constant 0 : i32
      %dma_wait3A_95 = tpu.memref_slice %arg11[%mul3A_60, %dma_wait3A_94] : memref<10000x128xf32, #tpu.memory_space<vmem_shared>> -> memref<104x128xf32, #tpu.memory_space<vmem_shared>>
      tpu.wait_dma2 semaphore(%run_scoped3A : memref<!tpu.dma_semaphore, #tpu.memory_space<semaphore_mem>>) src(%dma_wait3A_95 : memref<104x128xf32, #tpu.memory_space<vmem_shared>>) dst(%arg9 : memref<104x128xf32, #tpu.memory_space<vmem>>)
      tpu.yield
    }) : () -> ()
    "tpu.region"() ({
      %run_scoped3A = tpu.sem_alloc : memref<!tpu.dma_semaphore, #tpu.memory_space<semaphore_mem>>
      %dma_start3A = arith.constant 0 : i32
      %dma_start3A_90 = tpu.memref_slice %arg6[%arg0, %mul3A_60, %dma_start3A] : memref<2x10000x128xf32, #tpu.memory_space<hbm>> -> memref<1x104x128xf32, #tpu.memory_space<hbm>>
      %dma_start3A_91 = tpu.memref_squeeze %dma_start3A_90 : memref<1x104x128xf32, #tpu.memory_space<hbm>> -> memref<104x128xf32, #tpu.memory_space<hbm>>
      %dma_start3A_92 = arith.constant 0 : i32
      %dma_start3A_93 = tpu.memref_slice %arg6[%arg0, %mul3A_60, %dma_start3A_92] : memref<2x10000x128xf32, #tpu.memory_space<hbm>> -> memref<1x104x128xf32, #tpu.memory_space<hbm>>
      %dma_start3A_94 = tpu.memref_squeeze %dma_start3A_93 : memref<1x104x128xf32, #tpu.memory_space<hbm>> -> memref<104x128xf32, #tpu.memory_space<hbm>>
      tpu.enqueue_dma source(%arg9 : memref<104x128xf32, #tpu.memory_space<vmem>>) target(%dma_start3A_94 : memref<104x128xf32, #tpu.memory_space<hbm>>) target_semaphore(%run_scoped3A : memref<!tpu.dma_semaphore, #tpu.memory_space<semaphore_mem>>)
      %dma_wait3A = arith.constant 0 : i32
      %dma_wait3A_95 = tpu.memref_slice %arg6[%arg0, %mul3A_60, %dma_wait3A] : memref<2x10000x128xf32, #tpu.memory_space<hbm>> -> memref<1x104x128xf32, #tpu.memory_space<hbm>>
      %dma_wait3A_96 = tpu.memref_squeeze %dma_wait3A_95 : memref<1x104x128xf32, #tpu.memory_space<hbm>> -> memref<104x128xf32, #tpu.memory_space<hbm>>
      %dma_wait3A_97 = arith.constant 0 : i32
      %dma_wait3A_98 = tpu.memref_slice %arg6[%arg0, %mul3A_60, %dma_wait3A_97] : memref<2x10000x128xf32, #tpu.memory_space<hbm>> -> memref<1x104x128xf32, #tpu.memory_space<hbm>>
      %dma_wait3A_99 = tpu.memref_squeeze %dma_wait3A_98 : memref<1x104x128xf32, #tpu.memory_space<hbm>> -> memref<104x128xf32, #tpu.memory_space<hbm>>
      tpu.wait_dma2 semaphore(%run_scoped3A : memref<!tpu.dma_semaphore, #tpu.memory_space<semaphore_mem>>) src(%arg9 : memref<104x128xf32, #tpu.memory_space<vmem>>) dst(%dma_wait3A_99 : memref<104x128xf32, #tpu.memory_space<hbm>>)
      tpu.yield
    }) : () -> ()
    %mul3A_61 = arith.constant 6 : i32
    %mul3A_62 = arith.muli %arg1, %mul3A_61 : i32
    %add3A_63 = arith.constant 2 : i32
    %add3A_64 = arith.addi %mul3A_62, %add3A_63 : i32
    %mul3A_65 = arith.constant 104 : i32
    %mul3A_66 = arith.muli %add3A_64, %mul3A_65 : i32
    "tpu.region"() ({
      %run_scoped3A = tpu.sem_alloc : memref<!tpu.dma_semaphore, #tpu.memory_space<semaphore_mem>>
      %dma_start3A = arith.constant 0 : i32
      %dma_start3A_90 = tpu.memref_slice %arg11[%mul3A_66, %dma_start3A] : memref<10000x128xf32, #tpu.memory_space<vmem_shared>> -> memref<104x128xf32, #tpu.memory_space<vmem_shared>>
      %dma_start3A_91 = arith.constant 0 : i32
      %dma_start3A_92 = tpu.memref_slice %arg11[%mul3A_66, %dma_start3A_91] : memref<10000x128xf32, #tpu.memory_space<vmem_shared>> -> memref<104x128xf32, #tpu.memory_space<vmem_shared>>
      tpu.enqueue_dma source(%dma_start3A_92 : memref<104x128xf32, #tpu.memory_space<vmem_shared>>) target(%arg9 : memref<104x128xf32, #tpu.memory_space<vmem>>) target_semaphore(%run_scoped3A : memref<!tpu.dma_semaphore, #tpu.memory_space<semaphore_mem>>)
      %dma_wait3A = arith.constant 0 : i32
      %dma_wait3A_93 = tpu.memref_slice %arg11[%mul3A_66, %dma_wait3A] : memref<10000x128xf32, #tpu.memory_space<vmem_shared>> -> memref<104x128xf32, #tpu.memory_space<vmem_shared>>
      %dma_wait3A_94 = arith.constant 0 : i32
      %dma_wait3A_95 = tpu.memref_slice %arg11[%mul3A_66, %dma_wait3A_94] : memref<10000x128xf32, #tpu.memory_space<vmem_shared>> -> memref<104x128xf32, #tpu.memory_space<vmem_shared>>
      tpu.wait_dma2 semaphore(%run_scoped3A : memref<!tpu.dma_semaphore, #tpu.memory_space<semaphore_mem>>) src(%dma_wait3A_95 : memref<104x128xf32, #tpu.memory_space<vmem_shared>>) dst(%arg9 : memref<104x128xf32, #tpu.memory_space<vmem>>)
      tpu.yield
    }) : () -> ()
    "tpu.region"() ({
      %run_scoped3A = tpu.sem_alloc : memref<!tpu.dma_semaphore, #tpu.memory_space<semaphore_mem>>
      %dma_start3A = arith.constant 0 : i32
      %dma_start3A_90 = tpu.memref_slice %arg6[%arg0, %mul3A_66, %dma_start3A] : memref<2x10000x128xf32, #tpu.memory_space<hbm>> -> memref<1x104x128xf32, #tpu.memory_space<hbm>>
      %dma_start3A_91 = tpu.memref_squeeze %dma_start3A_90 : memref<1x104x128xf32, #tpu.memory_space<hbm>> -> memref<104x128xf32, #tpu.memory_space<hbm>>
      %dma_start3A_92 = arith.constant 0 : i32
      %dma_start3A_93 = tpu.memref_slice %arg6[%arg0, %mul3A_66, %dma_start3A_92] : memref<2x10000x128xf32, #tpu.memory_space<hbm>> -> memref<1x104x128xf32, #tpu.memory_space<hbm>>
      %dma_start3A_94 = tpu.memref_squeeze %dma_start3A_93 : memref<1x104x128xf32, #tpu.memory_space<hbm>> -> memref<104x128xf32, #tpu.memory_space<hbm>>
      tpu.enqueue_dma source(%arg9 : memref<104x128xf32, #tpu.memory_space<vmem>>) target(%dma_start3A_94 : memref<104x128xf32, #tpu.memory_space<hbm>>) target_semaphore(%run_scoped3A : memref<!tpu.dma_semaphore, #tpu.memory_space<semaphore_mem>>)
      %dma_wait3A = arith.constant 0 : i32
      %dma_wait3A_95 = tpu.memref_slice %arg6[%arg0, %mul3A_66, %dma_wait3A] : memref<2x10000x128xf32, #tpu.memory_space<hbm>> -> memref<1x104x128xf32, #tpu.memory_space<hbm>>
      %dma_wait3A_96 = tpu.memref_squeeze %dma_wait3A_95 : memref<1x104x128xf32, #tpu.memory_space<hbm>> -> memref<104x128xf32, #tpu.memory_space<hbm>>
      %dma_wait3A_97 = arith.constant 0 : i32
      %dma_wait3A_98 = tpu.memref_slice %arg6[%arg0, %mul3A_66, %dma_wait3A_97] : memref<2x10000x128xf32, #tpu.memory_space<hbm>> -> memref<1x104x128xf32, #tpu.memory_space<hbm>>
      %dma_wait3A_99 = tpu.memref_squeeze %dma_wait3A_98 : memref<1x104x128xf32, #tpu.memory_space<hbm>> -> memref<104x128xf32, #tpu.memory_space<hbm>>
      tpu.wait_dma2 semaphore(%run_scoped3A : memref<!tpu.dma_semaphore, #tpu.memory_space<semaphore_mem>>) src(%arg9 : memref<104x128xf32, #tpu.memory_space<vmem>>) dst(%dma_wait3A_99 : memref<104x128xf32, #tpu.memory_space<hbm>>)
      tpu.yield
    }) : () -> ()
    %mul3A_67 = arith.constant 6 : i32
    %mul3A_68 = arith.muli %arg1, %mul3A_67 : i32
    %add3A_69 = arith.constant 3 : i32
    %add3A_70 = arith.addi %mul3A_68, %add3A_69 : i32
    %mul3A_71 = arith.constant 104 : i32
    %mul3A_72 = arith.muli %add3A_70, %mul3A_71 : i32
    "tpu.region"() ({
      %run_scoped3A = tpu.sem_alloc : memref<!tpu.dma_semaphore, #tpu.memory_space<semaphore_mem>>
      %dma_start3A = arith.constant 0 : i32
      %dma_start3A_90 = tpu.memref_slice %arg11[%mul3A_72, %dma_start3A] : memref<10000x128xf32, #tpu.memory_space<vmem_shared>> -> memref<104x128xf32, #tpu.memory_space<vmem_shared>>
      %dma_start3A_91 = arith.constant 0 : i32
      %dma_start3A_92 = tpu.memref_slice %arg11[%mul3A_72, %dma_start3A_91] : memref<10000x128xf32, #tpu.memory_space<vmem_shared>> -> memref<104x128xf32, #tpu.memory_space<vmem_shared>>
      tpu.enqueue_dma source(%dma_start3A_92 : memref<104x128xf32, #tpu.memory_space<vmem_shared>>) target(%arg9 : memref<104x128xf32, #tpu.memory_space<vmem>>) target_semaphore(%run_scoped3A : memref<!tpu.dma_semaphore, #tpu.memory_space<semaphore_mem>>)
      %dma_wait3A = arith.constant 0 : i32
      %dma_wait3A_93 = tpu.memref_slice %arg11[%mul3A_72, %dma_wait3A] : memref<10000x128xf32, #tpu.memory_space<vmem_shared>> -> memref<104x128xf32, #tpu.memory_space<vmem_shared>>
      %dma_wait3A_94 = arith.constant 0 : i32
      %dma_wait3A_95 = tpu.memref_slice %arg11[%mul3A_72, %dma_wait3A_94] : memref<10000x128xf32, #tpu.memory_space<vmem_shared>> -> memref<104x128xf32, #tpu.memory_space<vmem_shared>>
      tpu.wait_dma2 semaphore(%run_scoped3A : memref<!tpu.dma_semaphore, #tpu.memory_space<semaphore_mem>>) src(%dma_wait3A_95 : memref<104x128xf32, #tpu.memory_space<vmem_shared>>) dst(%arg9 : memref<104x128xf32, #tpu.memory_space<vmem>>)
      tpu.yield
    }) : () -> ()
    "tpu.region"() ({
      %run_scoped3A = tpu.sem_alloc : memref<!tpu.dma_semaphore, #tpu.memory_space<semaphore_mem>>
      %dma_start3A = arith.constant 0 : i32
      %dma_start3A_90 = tpu.memref_slice %arg6[%arg0, %mul3A_72, %dma_start3A] : memref<2x10000x128xf32, #tpu.memory_space<hbm>> -> memref<1x104x128xf32, #tpu.memory_space<hbm>>
      %dma_start3A_91 = tpu.memref_squeeze %dma_start3A_90 : memref<1x104x128xf32, #tpu.memory_space<hbm>> -> memref<104x128xf32, #tpu.memory_space<hbm>>
      %dma_start3A_92 = arith.constant 0 : i32
      %dma_start3A_93 = tpu.memref_slice %arg6[%arg0, %mul3A_72, %dma_start3A_92] : memref<2x10000x128xf32, #tpu.memory_space<hbm>> -> memref<1x104x128xf32, #tpu.memory_space<hbm>>
      %dma_start3A_94 = tpu.memref_squeeze %dma_start3A_93 : memref<1x104x128xf32, #tpu.memory_space<hbm>> -> memref<104x128xf32, #tpu.memory_space<hbm>>
      tpu.enqueue_dma source(%arg9 : memref<104x128xf32, #tpu.memory_space<vmem>>) target(%dma_start3A_94 : memref<104x128xf32, #tpu.memory_space<hbm>>) target_semaphore(%run_scoped3A : memref<!tpu.dma_semaphore, #tpu.memory_space<semaphore_mem>>)
      %dma_wait3A = arith.constant 0 : i32
      %dma_wait3A_95 = tpu.memref_slice %arg6[%arg0, %mul3A_72, %dma_wait3A] : memref<2x10000x128xf32, #tpu.memory_space<hbm>> -> memref<1x104x128xf32, #tpu.memory_space<hbm>>
      %dma_wait3A_96 = tpu.memref_squeeze %dma_wait3A_95 : memref<1x104x128xf32, #tpu.memory_space<hbm>> -> memref<104x128xf32, #tpu.memory_space<hbm>>
      %dma_wait3A_97 = arith.constant 0 : i32
      %dma_wait3A_98 = tpu.memref_slice %arg6[%arg0, %mul3A_72, %dma_wait3A_97] : memref<2x10000x128xf32, #tpu.memory_space<hbm>> -> memref<1x104x128xf32, #tpu.memory_space<hbm>>
      %dma_wait3A_99 = tpu.memref_squeeze %dma_wait3A_98 : memref<1x104x128xf32, #tpu.memory_space<hbm>> -> memref<104x128xf32, #tpu.memory_space<hbm>>
      tpu.wait_dma2 semaphore(%run_scoped3A : memref<!tpu.dma_semaphore, #tpu.memory_space<semaphore_mem>>) src(%arg9 : memref<104x128xf32, #tpu.memory_space<vmem>>) dst(%dma_wait3A_99 : memref<104x128xf32, #tpu.memory_space<hbm>>)
      tpu.yield
    }) : () -> ()
    %mul3A_73 = arith.constant 6 : i32
    %mul3A_74 = arith.muli %arg1, %mul3A_73 : i32
    %add3A_75 = arith.constant 4 : i32
    %add3A_76 = arith.addi %mul3A_74, %add3A_75 : i32
    %mul3A_77 = arith.constant 104 : i32
    %mul3A_78 = arith.muli %add3A_76, %mul3A_77 : i32
    "tpu.region"() ({
      %run_scoped3A = tpu.sem_alloc : memref<!tpu.dma_semaphore, #tpu.memory_space<semaphore_mem>>
      %dma_start3A = arith.constant 0 : i32
      %dma_start3A_90 = tpu.memref_slice %arg11[%mul3A_78, %dma_start3A] : memref<10000x128xf32, #tpu.memory_space<vmem_shared>> -> memref<104x128xf32, #tpu.memory_space<vmem_shared>>
      %dma_start3A_91 = arith.constant 0 : i32
      %dma_start3A_92 = tpu.memref_slice %arg11[%mul3A_78, %dma_start3A_91] : memref<10000x128xf32, #tpu.memory_space<vmem_shared>> -> memref<104x128xf32, #tpu.memory_space<vmem_shared>>
      tpu.enqueue_dma source(%dma_start3A_92 : memref<104x128xf32, #tpu.memory_space<vmem_shared>>) target(%arg9 : memref<104x128xf32, #tpu.memory_space<vmem>>) target_semaphore(%run_scoped3A : memref<!tpu.dma_semaphore, #tpu.memory_space<semaphore_mem>>)
      %dma_wait3A = arith.constant 0 : i32
      %dma_wait3A_93 = tpu.memref_slice %arg11[%mul3A_78, %dma_wait3A] : memref<10000x128xf32, #tpu.memory_space<vmem_shared>> -> memref<104x128xf32, #tpu.memory_space<vmem_shared>>
      %dma_wait3A_94 = arith.constant 0 : i32
      %dma_wait3A_95 = tpu.memref_slice %arg11[%mul3A_78, %dma_wait3A_94] : memref<10000x128xf32, #tpu.memory_space<vmem_shared>> -> memref<104x128xf32, #tpu.memory_space<vmem_shared>>
      tpu.wait_dma2 semaphore(%run_scoped3A : memref<!tpu.dma_semaphore, #tpu.memory_space<semaphore_mem>>) src(%dma_wait3A_95 : memref<104x128xf32, #tpu.memory_space<vmem_shared>>) dst(%arg9 : memref<104x128xf32, #tpu.memory_space<vmem>>)
      tpu.yield
    }) : () -> ()
    "tpu.region"() ({
      %run_scoped3A = tpu.sem_alloc : memref<!tpu.dma_semaphore, #tpu.memory_space<semaphore_mem>>
      %dma_start3A = arith.constant 0 : i32
      %dma_start3A_90 = tpu.memref_slice %arg6[%arg0, %mul3A_78, %dma_start3A] : memref<2x10000x128xf32, #tpu.memory_space<hbm>> -> memref<1x104x128xf32, #tpu.memory_space<hbm>>
      %dma_start3A_91 = tpu.memref_squeeze %dma_start3A_90 : memref<1x104x128xf32, #tpu.memory_space<hbm>> -> memref<104x128xf32, #tpu.memory_space<hbm>>
      %dma_start3A_92 = arith.constant 0 : i32
      %dma_start3A_93 = tpu.memref_slice %arg6[%arg0, %mul3A_78, %dma_start3A_92] : memref<2x10000x128xf32, #tpu.memory_space<hbm>> -> memref<1x104x128xf32, #tpu.memory_space<hbm>>
      %dma_start3A_94 = tpu.memref_squeeze %dma_start3A_93 : memref<1x104x128xf32, #tpu.memory_space<hbm>> -> memref<104x128xf32, #tpu.memory_space<hbm>>
      tpu.enqueue_dma source(%arg9 : memref<104x128xf32, #tpu.memory_space<vmem>>) target(%dma_start3A_94 : memref<104x128xf32, #tpu.memory_space<hbm>>) target_semaphore(%run_scoped3A : memref<!tpu.dma_semaphore, #tpu.memory_space<semaphore_mem>>)
      %dma_wait3A = arith.constant 0 : i32
      %dma_wait3A_95 = tpu.memref_slice %arg6[%arg0, %mul3A_78, %dma_wait3A] : memref<2x10000x128xf32, #tpu.memory_space<hbm>> -> memref<1x104x128xf32, #tpu.memory_space<hbm>>
      %dma_wait3A_96 = tpu.memref_squeeze %dma_wait3A_95 : memref<1x104x128xf32, #tpu.memory_space<hbm>> -> memref<104x128xf32, #tpu.memory_space<hbm>>
      %dma_wait3A_97 = arith.constant 0 : i32
      %dma_wait3A_98 = tpu.memref_slice %arg6[%arg0, %mul3A_78, %dma_wait3A_97] : memref<2x10000x128xf32, #tpu.memory_space<hbm>> -> memref<1x104x128xf32, #tpu.memory_space<hbm>>
      %dma_wait3A_99 = tpu.memref_squeeze %dma_wait3A_98 : memref<1x104x128xf32, #tpu.memory_space<hbm>> -> memref<104x128xf32, #tpu.memory_space<hbm>>
      tpu.wait_dma2 semaphore(%run_scoped3A : memref<!tpu.dma_semaphore, #tpu.memory_space<semaphore_mem>>) src(%arg9 : memref<104x128xf32, #tpu.memory_space<vmem>>) dst(%dma_wait3A_99 : memref<104x128xf32, #tpu.memory_space<hbm>>)
      tpu.yield
    }) : () -> ()
    %mul3A_79 = arith.constant 6 : i32
    %mul3A_80 = arith.muli %arg1, %mul3A_79 : i32
    %add3A_81 = arith.constant 5 : i32
    %add3A_82 = arith.addi %mul3A_80, %add3A_81 : i32
    %mul3A_83 = arith.constant 104 : i32
    %mul3A_84 = arith.muli %add3A_82, %mul3A_83 : i32
    "tpu.region"() ({
      %run_scoped3A = tpu.sem_alloc : memref<!tpu.dma_semaphore, #tpu.memory_space<semaphore_mem>>
      %dma_start3A = arith.constant 0 : i32
      %dma_start3A_90 = tpu.memref_slice %arg11[%mul3A_84, %dma_start3A] : memref<10000x128xf32, #tpu.memory_space<vmem_shared>> -> memref<104x128xf32, #tpu.memory_space<vmem_shared>>
      %dma_start3A_91 = arith.constant 0 : i32
      %dma_start3A_92 = tpu.memref_slice %arg11[%mul3A_84, %dma_start3A_91] : memref<10000x128xf32, #tpu.memory_space<vmem_shared>> -> memref<104x128xf32, #tpu.memory_space<vmem_shared>>
      tpu.enqueue_dma source(%dma_start3A_92 : memref<104x128xf32, #tpu.memory_space<vmem_shared>>) target(%arg9 : memref<104x128xf32, #tpu.memory_space<vmem>>) target_semaphore(%run_scoped3A : memref<!tpu.dma_semaphore, #tpu.memory_space<semaphore_mem>>)
      %dma_wait3A = arith.constant 0 : i32
      %dma_wait3A_93 = tpu.memref_slice %arg11[%mul3A_84, %dma_wait3A] : memref<10000x128xf32, #tpu.memory_space<vmem_shared>> -> memref<104x128xf32, #tpu.memory_space<vmem_shared>>
      %dma_wait3A_94 = arith.constant 0 : i32
      %dma_wait3A_95 = tpu.memref_slice %arg11[%mul3A_84, %dma_wait3A_94] : memref<10000x128xf32, #tpu.memory_space<vmem_shared>> -> memref<104x128xf32, #tpu.memory_space<vmem_shared>>
      tpu.wait_dma2 semaphore(%run_scoped3A : memref<!tpu.dma_semaphore, #tpu.memory_space<semaphore_mem>>) src(%dma_wait3A_95 : memref<104x128xf32, #tpu.memory_space<vmem_shared>>) dst(%arg9 : memref<104x128xf32, #tpu.memory_space<vmem>>)
      tpu.yield
    }) : () -> ()
    "tpu.region"() ({
      %run_scoped3A = tpu.sem_alloc : memref<!tpu.dma_semaphore, #tpu.memory_space<semaphore_mem>>
      %dma_start3A = arith.constant 0 : i32
      %dma_start3A_90 = tpu.memref_slice %arg6[%arg0, %mul3A_84, %dma_start3A] : memref<2x10000x128xf32, #tpu.memory_space<hbm>> -> memref<1x104x128xf32, #tpu.memory_space<hbm>>
      %dma_start3A_91 = tpu.memref_squeeze %dma_start3A_90 : memref<1x104x128xf32, #tpu.memory_space<hbm>> -> memref<104x128xf32, #tpu.memory_space<hbm>>
      %dma_start3A_92 = arith.constant 0 : i32
      %dma_start3A_93 = tpu.memref_slice %arg6[%arg0, %mul3A_84, %dma_start3A_92] : memref<2x10000x128xf32, #tpu.memory_space<hbm>> -> memref<1x104x128xf32, #tpu.memory_space<hbm>>
      %dma_start3A_94 = tpu.memref_squeeze %dma_start3A_93 : memref<1x104x128xf32, #tpu.memory_space<hbm>> -> memref<104x128xf32, #tpu.memory_space<hbm>>
      tpu.enqueue_dma source(%arg9 : memref<104x128xf32, #tpu.memory_space<vmem>>) target(%dma_start3A_94 : memref<104x128xf32, #tpu.memory_space<hbm>>) target_semaphore(%run_scoped3A : memref<!tpu.dma_semaphore, #tpu.memory_space<semaphore_mem>>)
      %dma_wait3A = arith.constant 0 : i32
      %dma_wait3A_95 = tpu.memref_slice %arg6[%arg0, %mul3A_84, %dma_wait3A] : memref<2x10000x128xf32, #tpu.memory_space<hbm>> -> memref<1x104x128xf32, #tpu.memory_space<hbm>>
      %dma_wait3A_96 = tpu.memref_squeeze %dma_wait3A_95 : memref<1x104x128xf32, #tpu.memory_space<hbm>> -> memref<104x128xf32, #tpu.memory_space<hbm>>
      %dma_wait3A_97 = arith.constant 0 : i32
      %dma_wait3A_98 = tpu.memref_slice %arg6[%arg0, %mul3A_84, %dma_wait3A_97] : memref<2x10000x128xf32, #tpu.memory_space<hbm>> -> memref<1x104x128xf32, #tpu.memory_space<hbm>>
      %dma_wait3A_99 = tpu.memref_squeeze %dma_wait3A_98 : memref<1x104x128xf32, #tpu.memory_space<hbm>> -> memref<104x128xf32, #tpu.memory_space<hbm>>
      tpu.wait_dma2 semaphore(%run_scoped3A : memref<!tpu.dma_semaphore, #tpu.memory_space<semaphore_mem>>) src(%arg9 : memref<104x128xf32, #tpu.memory_space<vmem>>) dst(%dma_wait3A_99 : memref<104x128xf32, #tpu.memory_space<hbm>>)
      tpu.yield
    }) : () -> ()
    %eq3A_85 = arith.constant 0 : i32
    %eq3A_86 = arith.cmpi eq, %arg1, %eq3A_85 : i32
    %convert_element_type3A_87 = arith.extui %eq3A_86 : i1 to i32
    %cond3A_88 = arith.constant 0 : i32
    %cond3A_89 = arith.cmpi ne, %convert_element_type3A_87, %cond3A_88 : i32
    scf.if %cond3A_89 {
      "tpu.region"() ({
        %run_scoped3A = tpu.sem_alloc : memref<!tpu.dma_semaphore, #tpu.memory_space<semaphore_mem>>
        %dma_start3A = arith.constant 9984 : i32
        %dma_start3A_90 = arith.constant 0 : i32
        %dma_start3A_91 = tpu.memref_slice %arg11[%dma_start3A, %dma_start3A_90] : memref<10000x128xf32, #tpu.memory_space<vmem_shared>> -> memref<16x128xf32, #tpu.memory_space<vmem_shared>>
        %dma_start3A_92 = arith.constant 9984 : i32
        %dma_start3A_93 = arith.constant 0 : i32
        %dma_start3A_94 = tpu.memref_slice %arg11[%dma_start3A_92, %dma_start3A_93] : memref<10000x128xf32, #tpu.memory_space<vmem_shared>> -> memref<16x128xf32, #tpu.memory_space<vmem_shared>>
        tpu.enqueue_dma source(%dma_start3A_94 : memref<16x128xf32, #tpu.memory_space<vmem_shared>>) target(%arg10 : memref<16x128xf32, #tpu.memory_space<vmem>>) target_semaphore(%run_scoped3A : memref<!tpu.dma_semaphore, #tpu.memory_space<semaphore_mem>>)
        %dma_wait3A = arith.constant 9984 : i32
        %dma_wait3A_95 = arith.constant 0 : i32
        %dma_wait3A_96 = tpu.memref_slice %arg11[%dma_wait3A, %dma_wait3A_95] : memref<10000x128xf32, #tpu.memory_space<vmem_shared>> -> memref<16x128xf32, #tpu.memory_space<vmem_shared>>
        %dma_wait3A_97 = arith.constant 9984 : i32
        %dma_wait3A_98 = arith.constant 0 : i32
        %dma_wait3A_99 = tpu.memref_slice %arg11[%dma_wait3A_97, %dma_wait3A_98] : memref<10000x128xf32, #tpu.memory_space<vmem_shared>> -> memref<16x128xf32, #tpu.memory_space<vmem_shared>>
        tpu.wait_dma2 semaphore(%run_scoped3A : memref<!tpu.dma_semaphore, #tpu.memory_space<semaphore_mem>>) src(%dma_wait3A_99 : memref<16x128xf32, #tpu.memory_space<vmem_shared>>) dst(%arg10 : memref<16x128xf32, #tpu.memory_space<vmem>>)
        tpu.yield
      }) : () -> ()
      "tpu.region"() ({
        %run_scoped3A = tpu.sem_alloc : memref<!tpu.dma_semaphore, #tpu.memory_space<semaphore_mem>>
        %dma_start3A = arith.constant 9984 : i32
        %dma_start3A_90 = arith.constant 0 : i32
        %dma_start3A_91 = tpu.memref_slice %arg6[%arg0, %dma_start3A, %dma_start3A_90] : memref<2x10000x128xf32, #tpu.memory_space<hbm>> -> memref<1x16x128xf32, #tpu.memory_space<hbm>>
        %dma_start3A_92 = tpu.memref_squeeze %dma_start3A_91 : memref<1x16x128xf32, #tpu.memory_space<hbm>> -> memref<16x128xf32, #tpu.memory_space<hbm>>
        %dma_start3A_93 = arith.constant 9984 : i32
        %dma_start3A_94 = arith.constant 0 : i32
        %dma_start3A_95 = tpu.memref_slice %arg6[%arg0, %dma_start3A_93, %dma_start3A_94] : memref<2x10000x128xf32, #tpu.memory_space<hbm>> -> memref<1x16x128xf32, #tpu.memory_space<hbm>>
        %dma_start3A_96 = tpu.memref_squeeze %dma_start3A_95 : memref<1x16x128xf32, #tpu.memory_space<hbm>> -> memref<16x128xf32, #tpu.memory_space<hbm>>
        tpu.enqueue_dma source(%arg10 : memref<16x128xf32, #tpu.memory_space<vmem>>) target(%dma_start3A_96 : memref<16x128xf32, #tpu.memory_space<hbm>>) target_semaphore(%run_scoped3A : memref<!tpu.dma_semaphore, #tpu.memory_space<semaphore_mem>>)
        %dma_wait3A = arith.constant 9984 : i32
        %dma_wait3A_97 = arith.constant 0 : i32
        %dma_wait3A_98 = tpu.memref_slice %arg6[%arg0, %dma_wait3A, %dma_wait3A_97] : memref<2x10000x128xf32, #tpu.memory_space<hbm>> -> memref<1x16x128xf32, #tpu.memory_space<hbm>>
        %dma_wait3A_99 = tpu.memref_squeeze %dma_wait3A_98 : memref<1x16x128xf32, #tpu.memory_space<hbm>> -> memref<16x128xf32, #tpu.memory_space<hbm>>
        %dma_wait3A_100 = arith.constant 9984 : i32
        %dma_wait3A_101 = arith.constant 0 : i32
        %dma_wait3A_102 = tpu.memref_slice %arg6[%arg0, %dma_wait3A_100, %dma_wait3A_101] : memref<2x10000x128xf32, #tpu.memory_space<hbm>> -> memref<1x16x128xf32, #tpu.memory_space<hbm>>
        %dma_wait3A_103 = tpu.memref_squeeze %dma_wait3A_102 : memref<1x16x128xf32, #tpu.memory_space<hbm>> -> memref<16x128xf32, #tpu.memory_space<hbm>>
        tpu.wait_dma2 semaphore(%run_scoped3A : memref<!tpu.dma_semaphore, #tpu.memory_space<semaphore_mem>>) src(%arg10 : memref<16x128xf32, #tpu.memory_space<vmem>>) dst(%dma_wait3A_103 : memref<16x128xf32, #tpu.memory_space<hbm>>)
        tpu.yield
      }) : () -> ()
    } else {
    }
    return
  }
}

#map = affine_map<(d0, d1) -> (0, 0)>
#map1 = affine_map<(d0, d1) -> (0)>
#map2 = affine_map<(d0, d1) -> (0, 0, 0)>
module attributes {stable_mosaic.version = 14 : i64} {
  func.func @_sc_scatter_dual_body(%arg0: i32, %arg1: i32, %arg2: memref<160000x128xf32, #tpu.memory_space<hbm>>, %arg3: memref<160000x128xf32, #tpu.memory_space<hbm>>, %arg4: memref<160000xi32, #tpu.memory_space<hbm>>, %arg5: memref<10000x128xf32, #tpu.memory_space<hbm>>, %arg6: memref<2x10000x128xf32, #tpu.memory_space<hbm>>, %arg7: memref<200xi32, #tpu.memory_space<vmem>>, %arg8: memref<200x128xf32, #tpu.memory_space<vmem>>, %arg9: memref<104x128xf32, #tpu.memory_space<vmem>>, %arg10: memref<16x128xf32, #tpu.memory_space<vmem>>, %arg11: memref<10000x128xf32, #tpu.memory_space<vmem_shared>>) attributes {dimension_semantics = [#tpu.dimension_semantics<core_parallel>, #tpu.dimension_semantics<subcore_parallel>], iteration_bounds = array<i64: 2, 16>, scalar_prefetch = 0 : i64, scratch_operands = 5 : i64, tpu.core_type = #tpu.core_type<sc_vector_subcore>, window_params = [{transform_indices = #map}, {transform_indices = #map}, {transform_indices = #map1}, {transform_indices = #map}, {transform_indices = #map2}]} {
    %mul3A = arith.constant 6 : i32
    %mul3A_0 = arith.muli %arg1, %mul3A : i32
    %add3A = arith.constant 0 : i32
    %add3A_1 = arith.addi %mul3A_0, %add3A : i32
    %mul3A_2 = arith.constant 104 : i32
    %mul3A_3 = arith.muli %add3A_1, %mul3A_2 : i32
    "tpu.region"() ({
      %run_scoped3A = tpu.sem_alloc : memref<!tpu.dma_semaphore, #tpu.memory_space<semaphore_mem>>
      %dma_start3A = arith.constant 0 : i32
      %dma_start3A_90 = tpu.memref_slice %arg11[%mul3A_3, %dma_start3A] : memref<10000x128xf32, #tpu.memory_space<vmem_shared>> -> memref<104x128xf32, #tpu.memory_space<vmem_shared>>
      %dma_start3A_91 = arith.constant 0 : i32
      %dma_start3A_92 = tpu.memref_slice %arg5[%mul3A_3, %dma_start3A_91] : memref<10000x128xf32, #tpu.memory_space<hbm>> -> memref<104x128xf32, #tpu.memory_space<hbm>>
      tpu.enqueue_dma source(%dma_start3A_92 : memref<104x128xf32, #tpu.memory_space<hbm>>) target(%dma_start3A_90 : memref<104x128xf32, #tpu.memory_space<vmem_shared>>) target_semaphore(%run_scoped3A : memref<!tpu.dma_semaphore, #tpu.memory_space<semaphore_mem>>)
      %dma_wait3A = arith.constant 0 : i32
      %dma_wait3A_93 = tpu.memref_slice %arg11[%mul3A_3, %dma_wait3A] : memref<10000x128xf32, #tpu.memory_space<vmem_shared>> -> memref<104x128xf32, #tpu.memory_space<vmem_shared>>
      %dma_wait3A_94 = arith.constant 0 : i32
      %dma_wait3A_95 = tpu.memref_slice %arg5[%mul3A_3, %dma_wait3A_94] : memref<10000x128xf32, #tpu.memory_space<hbm>> -> memref<104x128xf32, #tpu.memory_space<hbm>>
      tpu.wait_dma2 semaphore(%run_scoped3A : memref<!tpu.dma_semaphore, #tpu.memory_space<semaphore_mem>>) src(%dma_wait3A_95 : memref<104x128xf32, #tpu.memory_space<hbm>>) dst(%dma_wait3A_93 : memref<104x128xf32, #tpu.memory_space<vmem_shared>>)
      tpu.yield
    }) : () -> ()
    %mul3A_4 = arith.constant 6 : i32
    %mul3A_5 = arith.muli %arg1, %mul3A_4 : i32
    %add3A_6 = arith.constant 1 : i32
    %add3A_7 = arith.addi %mul3A_5, %add3A_6 : i32
    %mul3A_8 = arith.constant 104 : i32
    %mul3A_9 = arith.muli %add3A_7, %mul3A_8 : i32
    "tpu.region"() ({
      %run_scoped3A = tpu.sem_alloc : memref<!tpu.dma_semaphore, #tpu.memory_space<semaphore_mem>>
      %dma_start3A = arith.constant 0 : i32
      %dma_start3A_90 = tpu.memref_slice %arg11[%mul3A_9, %dma_start3A] : memref<10000x128xf32, #tpu.memory_space<vmem_shared>> -> memref<104x128xf32, #tpu.memory_space<vmem_shared>>
      %dma_start3A_91 = arith.constant 0 : i32
      %dma_start3A_92 = tpu.memref_slice %arg5[%mul3A_9, %dma_start3A_91] : memref<10000x128xf32, #tpu.memory_space<hbm>> -> memref<104x128xf32, #tpu.memory_space<hbm>>
      tpu.enqueue_dma source(%dma_start3A_92 : memref<104x128xf32, #tpu.memory_space<hbm>>) target(%dma_start3A_90 : memref<104x128xf32, #tpu.memory_space<vmem_shared>>) target_semaphore(%run_scoped3A : memref<!tpu.dma_semaphore, #tpu.memory_space<semaphore_mem>>)
      %dma_wait3A = arith.constant 0 : i32
      %dma_wait3A_93 = tpu.memref_slice %arg11[%mul3A_9, %dma_wait3A] : memref<10000x128xf32, #tpu.memory_space<vmem_shared>> -> memref<104x128xf32, #tpu.memory_space<vmem_shared>>
      %dma_wait3A_94 = arith.constant 0 : i32
      %dma_wait3A_95 = tpu.memref_slice %arg5[%mul3A_9, %dma_wait3A_94] : memref<10000x128xf32, #tpu.memory_space<hbm>> -> memref<104x128xf32, #tpu.memory_space<hbm>>
      tpu.wait_dma2 semaphore(%run_scoped3A : memref<!tpu.dma_semaphore, #tpu.memory_space<semaphore_mem>>) src(%dma_wait3A_95 : memref<104x128xf32, #tpu.memory_space<hbm>>) dst(%dma_wait3A_93 : memref<104x128xf32, #tpu.memory_space<vmem_shared>>)
      tpu.yield
    }) : () -> ()
    %mul3A_10 = arith.constant 6 : i32
    %mul3A_11 = arith.muli %arg1, %mul3A_10 : i32
    %add3A_12 = arith.constant 2 : i32
    %add3A_13 = arith.addi %mul3A_11, %add3A_12 : i32
    %mul3A_14 = arith.constant 104 : i32
    %mul3A_15 = arith.muli %add3A_13, %mul3A_14 : i32
    "tpu.region"() ({
      %run_scoped3A = tpu.sem_alloc : memref<!tpu.dma_semaphore, #tpu.memory_space<semaphore_mem>>
      %dma_start3A = arith.constant 0 : i32
      %dma_start3A_90 = tpu.memref_slice %arg11[%mul3A_15, %dma_start3A] : memref<10000x128xf32, #tpu.memory_space<vmem_shared>> -> memref<104x128xf32, #tpu.memory_space<vmem_shared>>
      %dma_start3A_91 = arith.constant 0 : i32
      %dma_start3A_92 = tpu.memref_slice %arg5[%mul3A_15, %dma_start3A_91] : memref<10000x128xf32, #tpu.memory_space<hbm>> -> memref<104x128xf32, #tpu.memory_space<hbm>>
      tpu.enqueue_dma source(%dma_start3A_92 : memref<104x128xf32, #tpu.memory_space<hbm>>) target(%dma_start3A_90 : memref<104x128xf32, #tpu.memory_space<vmem_shared>>) target_semaphore(%run_scoped3A : memref<!tpu.dma_semaphore, #tpu.memory_space<semaphore_mem>>)
      %dma_wait3A = arith.constant 0 : i32
      %dma_wait3A_93 = tpu.memref_slice %arg11[%mul3A_15, %dma_wait3A] : memref<10000x128xf32, #tpu.memory_space<vmem_shared>> -> memref<104x128xf32, #tpu.memory_space<vmem_shared>>
      %dma_wait3A_94 = arith.constant 0 : i32
      %dma_wait3A_95 = tpu.memref_slice %arg5[%mul3A_15, %dma_wait3A_94] : memref<10000x128xf32, #tpu.memory_space<hbm>> -> memref<104x128xf32, #tpu.memory_space<hbm>>
      tpu.wait_dma2 semaphore(%run_scoped3A : memref<!tpu.dma_semaphore, #tpu.memory_space<semaphore_mem>>) src(%dma_wait3A_95 : memref<104x128xf32, #tpu.memory_space<hbm>>) dst(%dma_wait3A_93 : memref<104x128xf32, #tpu.memory_space<vmem_shared>>)
      tpu.yield
    }) : () -> ()
    %mul3A_16 = arith.constant 6 : i32
    %mul3A_17 = arith.muli %arg1, %mul3A_16 : i32
    %add3A_18 = arith.constant 3 : i32
    %add3A_19 = arith.addi %mul3A_17, %add3A_18 : i32
    %mul3A_20 = arith.constant 104 : i32
    %mul3A_21 = arith.muli %add3A_19, %mul3A_20 : i32
    "tpu.region"() ({
      %run_scoped3A = tpu.sem_alloc : memref<!tpu.dma_semaphore, #tpu.memory_space<semaphore_mem>>
      %dma_start3A = arith.constant 0 : i32
      %dma_start3A_90 = tpu.memref_slice %arg11[%mul3A_21, %dma_start3A] : memref<10000x128xf32, #tpu.memory_space<vmem_shared>> -> memref<104x128xf32, #tpu.memory_space<vmem_shared>>
      %dma_start3A_91 = arith.constant 0 : i32
      %dma_start3A_92 = tpu.memref_slice %arg5[%mul3A_21, %dma_start3A_91] : memref<10000x128xf32, #tpu.memory_space<hbm>> -> memref<104x128xf32, #tpu.memory_space<hbm>>
      tpu.enqueue_dma source(%dma_start3A_92 : memref<104x128xf32, #tpu.memory_space<hbm>>) target(%dma_start3A_90 : memref<104x128xf32, #tpu.memory_space<vmem_shared>>) target_semaphore(%run_scoped3A : memref<!tpu.dma_semaphore, #tpu.memory_space<semaphore_mem>>)
      %dma_wait3A = arith.constant 0 : i32
      %dma_wait3A_93 = tpu.memref_slice %arg11[%mul3A_21, %dma_wait3A] : memref<10000x128xf32, #tpu.memory_space<vmem_shared>> -> memref<104x128xf32, #tpu.memory_space<vmem_shared>>
      %dma_wait3A_94 = arith.constant 0 : i32
      %dma_wait3A_95 = tpu.memref_slice %arg5[%mul3A_21, %dma_wait3A_94] : memref<10000x128xf32, #tpu.memory_space<hbm>> -> memref<104x128xf32, #tpu.memory_space<hbm>>
      tpu.wait_dma2 semaphore(%run_scoped3A : memref<!tpu.dma_semaphore, #tpu.memory_space<semaphore_mem>>) src(%dma_wait3A_95 : memref<104x128xf32, #tpu.memory_space<hbm>>) dst(%dma_wait3A_93 : memref<104x128xf32, #tpu.memory_space<vmem_shared>>)
      tpu.yield
    }) : () -> ()
    %mul3A_22 = arith.constant 6 : i32
    %mul3A_23 = arith.muli %arg1, %mul3A_22 : i32
    %add3A_24 = arith.constant 4 : i32
    %add3A_25 = arith.addi %mul3A_23, %add3A_24 : i32
    %mul3A_26 = arith.constant 104 : i32
    %mul3A_27 = arith.muli %add3A_25, %mul3A_26 : i32
    "tpu.region"() ({
      %run_scoped3A = tpu.sem_alloc : memref<!tpu.dma_semaphore, #tpu.memory_space<semaphore_mem>>
      %dma_start3A = arith.constant 0 : i32
      %dma_start3A_90 = tpu.memref_slice %arg11[%mul3A_27, %dma_start3A] : memref<10000x128xf32, #tpu.memory_space<vmem_shared>> -> memref<104x128xf32, #tpu.memory_space<vmem_shared>>
      %dma_start3A_91 = arith.constant 0 : i32
      %dma_start3A_92 = tpu.memref_slice %arg5[%mul3A_27, %dma_start3A_91] : memref<10000x128xf32, #tpu.memory_space<hbm>> -> memref<104x128xf32, #tpu.memory_space<hbm>>
      tpu.enqueue_dma source(%dma_start3A_92 : memref<104x128xf32, #tpu.memory_space<hbm>>) target(%dma_start3A_90 : memref<104x128xf32, #tpu.memory_space<vmem_shared>>) target_semaphore(%run_scoped3A : memref<!tpu.dma_semaphore, #tpu.memory_space<semaphore_mem>>)
      %dma_wait3A = arith.constant 0 : i32
      %dma_wait3A_93 = tpu.memref_slice %arg11[%mul3A_27, %dma_wait3A] : memref<10000x128xf32, #tpu.memory_space<vmem_shared>> -> memref<104x128xf32, #tpu.memory_space<vmem_shared>>
      %dma_wait3A_94 = arith.constant 0 : i32
      %dma_wait3A_95 = tpu.memref_slice %arg5[%mul3A_27, %dma_wait3A_94] : memref<10000x128xf32, #tpu.memory_space<hbm>> -> memref<104x128xf32, #tpu.memory_space<hbm>>
      tpu.wait_dma2 semaphore(%run_scoped3A : memref<!tpu.dma_semaphore, #tpu.memory_space<semaphore_mem>>) src(%dma_wait3A_95 : memref<104x128xf32, #tpu.memory_space<hbm>>) dst(%dma_wait3A_93 : memref<104x128xf32, #tpu.memory_space<vmem_shared>>)
      tpu.yield
    }) : () -> ()
    %mul3A_28 = arith.constant 6 : i32
    %mul3A_29 = arith.muli %arg1, %mul3A_28 : i32
    %add3A_30 = arith.constant 5 : i32
    %add3A_31 = arith.addi %mul3A_29, %add3A_30 : i32
    %mul3A_32 = arith.constant 104 : i32
    %mul3A_33 = arith.muli %add3A_31, %mul3A_32 : i32
    "tpu.region"() ({
      %run_scoped3A = tpu.sem_alloc : memref<!tpu.dma_semaphore, #tpu.memory_space<semaphore_mem>>
      %dma_start3A = arith.constant 0 : i32
      %dma_start3A_90 = tpu.memref_slice %arg11[%mul3A_33, %dma_start3A] : memref<10000x128xf32, #tpu.memory_space<vmem_shared>> -> memref<104x128xf32, #tpu.memory_space<vmem_shared>>
      %dma_start3A_91 = arith.constant 0 : i32
      %dma_start3A_92 = tpu.memref_slice %arg5[%mul3A_33, %dma_start3A_91] : memref<10000x128xf32, #tpu.memory_space<hbm>> -> memref<104x128xf32, #tpu.memory_space<hbm>>
      tpu.enqueue_dma source(%dma_start3A_92 : memref<104x128xf32, #tpu.memory_space<hbm>>) target(%dma_start3A_90 : memref<104x128xf32, #tpu.memory_space<vmem_shared>>) target_semaphore(%run_scoped3A : memref<!tpu.dma_semaphore, #tpu.memory_space<semaphore_mem>>)
      %dma_wait3A = arith.constant 0 : i32
      %dma_wait3A_93 = tpu.memref_slice %arg11[%mul3A_33, %dma_wait3A] : memref<10000x128xf32, #tpu.memory_space<vmem_shared>> -> memref<104x128xf32, #tpu.memory_space<vmem_shared>>
      %dma_wait3A_94 = arith.constant 0 : i32
      %dma_wait3A_95 = tpu.memref_slice %arg5[%mul3A_33, %dma_wait3A_94] : memref<10000x128xf32, #tpu.memory_space<hbm>> -> memref<104x128xf32, #tpu.memory_space<hbm>>
      tpu.wait_dma2 semaphore(%run_scoped3A : memref<!tpu.dma_semaphore, #tpu.memory_space<semaphore_mem>>) src(%dma_wait3A_95 : memref<104x128xf32, #tpu.memory_space<hbm>>) dst(%dma_wait3A_93 : memref<104x128xf32, #tpu.memory_space<vmem_shared>>)
      tpu.yield
    }) : () -> ()
    %eq3A = arith.constant 0 : i32
    %eq3A_34 = arith.cmpi eq, %arg1, %eq3A : i32
    %convert_element_type3A = arith.extui %eq3A_34 : i1 to i32
    %cond3A = arith.constant 0 : i32
    %cond3A_35 = arith.cmpi ne, %convert_element_type3A, %cond3A : i32
    scf.if %cond3A_35 {
      "tpu.region"() ({
        %run_scoped3A = tpu.sem_alloc : memref<!tpu.dma_semaphore, #tpu.memory_space<semaphore_mem>>
        %dma_start3A = arith.constant 9984 : i32
        %dma_start3A_90 = arith.constant 0 : i32
        %dma_start3A_91 = tpu.memref_slice %arg11[%dma_start3A, %dma_start3A_90] : memref<10000x128xf32, #tpu.memory_space<vmem_shared>> -> memref<16x128xf32, #tpu.memory_space<vmem_shared>>
        %dma_start3A_92 = arith.constant 9984 : i32
        %dma_start3A_93 = arith.constant 0 : i32
        %dma_start3A_94 = tpu.memref_slice %arg5[%dma_start3A_92, %dma_start3A_93] : memref<10000x128xf32, #tpu.memory_space<hbm>> -> memref<16x128xf32, #tpu.memory_space<hbm>>
        tpu.enqueue_dma source(%dma_start3A_94 : memref<16x128xf32, #tpu.memory_space<hbm>>) target(%dma_start3A_91 : memref<16x128xf32, #tpu.memory_space<vmem_shared>>) target_semaphore(%run_scoped3A : memref<!tpu.dma_semaphore, #tpu.memory_space<semaphore_mem>>)
        %dma_wait3A = arith.constant 9984 : i32
        %dma_wait3A_95 = arith.constant 0 : i32
        %dma_wait3A_96 = tpu.memref_slice %arg11[%dma_wait3A, %dma_wait3A_95] : memref<10000x128xf32, #tpu.memory_space<vmem_shared>> -> memref<16x128xf32, #tpu.memory_space<vmem_shared>>
        %dma_wait3A_97 = arith.constant 9984 : i32
        %dma_wait3A_98 = arith.constant 0 : i32
        %dma_wait3A_99 = tpu.memref_slice %arg5[%dma_wait3A_97, %dma_wait3A_98] : memref<10000x128xf32, #tpu.memory_space<hbm>> -> memref<16x128xf32, #tpu.memory_space<hbm>>
        tpu.wait_dma2 semaphore(%run_scoped3A : memref<!tpu.dma_semaphore, #tpu.memory_space<semaphore_mem>>) src(%dma_wait3A_99 : memref<16x128xf32, #tpu.memory_space<hbm>>) dst(%dma_wait3A_96 : memref<16x128xf32, #tpu.memory_space<vmem_shared>>)
        tpu.yield
      }) : () -> ()
    } else {
    }
    %barrier3A = arith.constant 0 : index
    tpu.barrier barrier_id(%barrier3A)
    %mul3A_36 = arith.constant 10000 : i32
    %mul3A_37 = arith.muli %arg1, %mul3A_36 : i32
    %eq3A_38 = arith.constant 0 : i32
    %eq3A_39 = arith.cmpi eq, %arg0, %eq3A_38 : i32
    %convert_element_type3A_40 = arith.extui %eq3A_39 : i1 to i32
    %cond3A_41 = arith.constant 0 : i32
    %cond3A_42 = arith.cmpi ne, %convert_element_type3A_40, %cond3A_41 : i32
    scf.if %cond3A_42 {
      %scan3A = arith.constant 0 : i32
      %scan3A_90 = arith.constant 0 : i32
      %scan3A_91 = arith.constant 50 : i32
      %scan3A_92 = arith.addi %scan3A_90, %scan3A_91 : i32
      %scan3A_93 = arith.constant 1 : i32
      scf.for %scan3A_95 = %scan3A_90 to %scan3A_92 step %scan3A_93  : i32 {
        %mul3A_96 = arith.constant 200 : i32
        %mul3A_97 = arith.muli %scan3A_95, %mul3A_96 : i32
        %add3A_98 = arith.addi %mul3A_37, %mul3A_97 : i32
        "tpu.region"() ({
          %run_scoped3A = tpu.sem_alloc : memref<!tpu.dma_semaphore, #tpu.memory_space<semaphore_mem>>
          %dma_start3A = tpu.memref_slice %arg4[%add3A_98] : memref<160000xi32, #tpu.memory_space<hbm>> -> memref<200xi32, #tpu.memory_space<hbm>>
          %dma_start3A_99 = tpu.memref_slice %arg4[%add3A_98] : memref<160000xi32, #tpu.memory_space<hbm>> -> memref<200xi32, #tpu.memory_space<hbm>>
          tpu.enqueue_dma source(%dma_start3A_99 : memref<200xi32, #tpu.memory_space<hbm>>) target(%arg7 : memref<200xi32, #tpu.memory_space<vmem>>) target_semaphore(%run_scoped3A : memref<!tpu.dma_semaphore, #tpu.memory_space<semaphore_mem>>)
          %dma_wait3A = tpu.memref_slice %arg4[%add3A_98] : memref<160000xi32, #tpu.memory_space<hbm>> -> memref<200xi32, #tpu.memory_space<hbm>>
          %dma_wait3A_100 = tpu.memref_slice %arg4[%add3A_98] : memref<160000xi32, #tpu.memory_space<hbm>> -> memref<200xi32, #tpu.memory_space<hbm>>
          tpu.wait_dma2 semaphore(%run_scoped3A : memref<!tpu.dma_semaphore, #tpu.memory_space<semaphore_mem>>) src(%dma_wait3A_100 : memref<200xi32, #tpu.memory_space<hbm>>) dst(%arg7 : memref<200xi32, #tpu.memory_space<vmem>>)
          tpu.yield
        }) : () -> ()
        "tpu.region"() ({
          %run_scoped3A = tpu.sem_alloc : memref<!tpu.dma_semaphore, #tpu.memory_space<semaphore_mem>>
          %dma_start3A = arith.constant 0 : i32
          %dma_start3A_99 = tpu.memref_slice %arg2[%add3A_98, %dma_start3A] : memref<160000x128xf32, #tpu.memory_space<hbm>> -> memref<200x128xf32, #tpu.memory_space<hbm>>
          %dma_start3A_100 = arith.constant 0 : i32
          %dma_start3A_101 = tpu.memref_slice %arg2[%add3A_98, %dma_start3A_100] : memref<160000x128xf32, #tpu.memory_space<hbm>> -> memref<200x128xf32, #tpu.memory_space<hbm>>
          tpu.enqueue_dma source(%dma_start3A_101 : memref<200x128xf32, #tpu.memory_space<hbm>>) target(%arg8 : memref<200x128xf32, #tpu.memory_space<vmem>>) target_semaphore(%run_scoped3A : memref<!tpu.dma_semaphore, #tpu.memory_space<semaphore_mem>>)
          %dma_wait3A = arith.constant 0 : i32
          %dma_wait3A_102 = tpu.memref_slice %arg2[%add3A_98, %dma_wait3A] : memref<160000x128xf32, #tpu.memory_space<hbm>> -> memref<200x128xf32, #tpu.memory_space<hbm>>
          %dma_wait3A_103 = arith.constant 0 : i32
          %dma_wait3A_104 = tpu.memref_slice %arg2[%add3A_98, %dma_wait3A_103] : memref<160000x128xf32, #tpu.memory_space<hbm>> -> memref<200x128xf32, #tpu.memory_space<hbm>>
          tpu.wait_dma2 semaphore(%run_scoped3A : memref<!tpu.dma_semaphore, #tpu.memory_space<semaphore_mem>>) src(%dma_wait3A_104 : memref<200x128xf32, #tpu.memory_space<hbm>>) dst(%arg8 : memref<200x128xf32, #tpu.memory_space<vmem>>)
          tpu.yield
        }) : () -> ()
        "tpu.region"() ({
          %run_scoped3A = tpu.sem_alloc : memref<!tpu.dma_semaphore, #tpu.memory_space<semaphore_mem>>
          %dma_start3A = arith.constant 0 : i32
          %dma_start3A_99 = arith.constant 0 : i32
          %dma_start3A_100 = tpu.memref_slice %arg11[%dma_start3A, %dma_start3A_99] : memref<10000x128xf32, #tpu.memory_space<vmem_shared>> -> memref<10000x128xf32, #tpu.memory_space<vmem_shared>>
          tpu.enqueue_indirect_dma source(%arg8 : memref<200x128xf32, #tpu.memory_space<vmem>>) target(%dma_start3A_100 : memref<10000x128xf32, #tpu.memory_space<vmem_shared>>) offsets(%arg7 : memref<200xi32, #tpu.memory_space<vmem>>) semaphore(%run_scoped3A : memref<!tpu.dma_semaphore, #tpu.memory_space<semaphore_mem>>) {add = true}
          %dma_wait3A = arith.constant 0 : i32
          %dma_wait3A_101 = arith.constant 0 : i32
          %dma_wait3A_102 = tpu.memref_slice %arg11[%dma_wait3A, %dma_wait3A_101] : memref<10000x128xf32, #tpu.memory_space<vmem_shared>> -> memref<10000x128xf32, #tpu.memory_space<vmem_shared>>
          tpu.wait_indirect_dma semaphore(%run_scoped3A : memref<!tpu.dma_semaphore, #tpu.memory_space<semaphore_mem>>) src(%arg8 : memref<200x128xf32, #tpu.memory_space<vmem>>) dst(%dma_wait3A_102 : memref<10000x128xf32, #tpu.memory_space<vmem_shared>>)
          tpu.yield
        }) : () -> ()
      }
      %scan3A_94 = arith.constant 50 : i32
    } else {
    }
    %eq3A_43 = arith.constant 1 : i32
    %eq3A_44 = arith.cmpi eq, %arg0, %eq3A_43 : i32
    %convert_element_type3A_45 = arith.extui %eq3A_44 : i1 to i32
    %cond3A_46 = arith.constant 0 : i32
    %cond3A_47 = arith.cmpi ne, %convert_element_type3A_45, %cond3A_46 : i32
    scf.if %cond3A_47 {
      %scan3A = arith.constant 0 : i32
      %scan3A_90 = arith.constant 0 : i32
      %scan3A_91 = arith.constant 50 : i32
      %scan3A_92 = arith.addi %scan3A_90, %scan3A_91 : i32
      %scan3A_93 = arith.constant 1 : i32
      scf.for %scan3A_95 = %scan3A_90 to %scan3A_92 step %scan3A_93  : i32 {
        %mul3A_96 = arith.constant 200 : i32
        %mul3A_97 = arith.muli %scan3A_95, %mul3A_96 : i32
        %add3A_98 = arith.addi %mul3A_37, %mul3A_97 : i32
        "tpu.region"() ({
          %run_scoped3A = tpu.sem_alloc : memref<!tpu.dma_semaphore, #tpu.memory_space<semaphore_mem>>
          %dma_start3A = tpu.memref_slice %arg4[%add3A_98] : memref<160000xi32, #tpu.memory_space<hbm>> -> memref<200xi32, #tpu.memory_space<hbm>>
          %dma_start3A_99 = tpu.memref_slice %arg4[%add3A_98] : memref<160000xi32, #tpu.memory_space<hbm>> -> memref<200xi32, #tpu.memory_space<hbm>>
          tpu.enqueue_dma source(%dma_start3A_99 : memref<200xi32, #tpu.memory_space<hbm>>) target(%arg7 : memref<200xi32, #tpu.memory_space<vmem>>) target_semaphore(%run_scoped3A : memref<!tpu.dma_semaphore, #tpu.memory_space<semaphore_mem>>)
          %dma_wait3A = tpu.memref_slice %arg4[%add3A_98] : memref<160000xi32, #tpu.memory_space<hbm>> -> memref<200xi32, #tpu.memory_space<hbm>>
          %dma_wait3A_100 = tpu.memref_slice %arg4[%add3A_98] : memref<160000xi32, #tpu.memory_space<hbm>> -> memref<200xi32, #tpu.memory_space<hbm>>
          tpu.wait_dma2 semaphore(%run_scoped3A : memref<!tpu.dma_semaphore, #tpu.memory_space<semaphore_mem>>) src(%dma_wait3A_100 : memref<200xi32, #tpu.memory_space<hbm>>) dst(%arg7 : memref<200xi32, #tpu.memory_space<vmem>>)
          tpu.yield
        }) : () -> ()
        "tpu.region"() ({
          %run_scoped3A = tpu.sem_alloc : memref<!tpu.dma_semaphore, #tpu.memory_space<semaphore_mem>>
          %dma_start3A = arith.constant 0 : i32
          %dma_start3A_99 = tpu.memref_slice %arg3[%add3A_98, %dma_start3A] : memref<160000x128xf32, #tpu.memory_space<hbm>> -> memref<200x128xf32, #tpu.memory_space<hbm>>
          %dma_start3A_100 = arith.constant 0 : i32
          %dma_start3A_101 = tpu.memref_slice %arg3[%add3A_98, %dma_start3A_100] : memref<160000x128xf32, #tpu.memory_space<hbm>> -> memref<200x128xf32, #tpu.memory_space<hbm>>
          tpu.enqueue_dma source(%dma_start3A_101 : memref<200x128xf32, #tpu.memory_space<hbm>>) target(%arg8 : memref<200x128xf32, #tpu.memory_space<vmem>>) target_semaphore(%run_scoped3A : memref<!tpu.dma_semaphore, #tpu.memory_space<semaphore_mem>>)
          %dma_wait3A = arith.constant 0 : i32
          %dma_wait3A_102 = tpu.memref_slice %arg3[%add3A_98, %dma_wait3A] : memref<160000x128xf32, #tpu.memory_space<hbm>> -> memref<200x128xf32, #tpu.memory_space<hbm>>
          %dma_wait3A_103 = arith.constant 0 : i32
          %dma_wait3A_104 = tpu.memref_slice %arg3[%add3A_98, %dma_wait3A_103] : memref<160000x128xf32, #tpu.memory_space<hbm>> -> memref<200x128xf32, #tpu.memory_space<hbm>>
          tpu.wait_dma2 semaphore(%run_scoped3A : memref<!tpu.dma_semaphore, #tpu.memory_space<semaphore_mem>>) src(%dma_wait3A_104 : memref<200x128xf32, #tpu.memory_space<hbm>>) dst(%arg8 : memref<200x128xf32, #tpu.memory_space<vmem>>)
          tpu.yield
        }) : () -> ()
        "tpu.region"() ({
          %run_scoped3A = tpu.sem_alloc : memref<!tpu.dma_semaphore, #tpu.memory_space<semaphore_mem>>
          %dma_start3A = arith.constant 0 : i32
          %dma_start3A_99 = arith.constant 0 : i32
          %dma_start3A_100 = tpu.memref_slice %arg11[%dma_start3A, %dma_start3A_99] : memref<10000x128xf32, #tpu.memory_space<vmem_shared>> -> memref<10000x128xf32, #tpu.memory_space<vmem_shared>>
          tpu.enqueue_indirect_dma source(%arg8 : memref<200x128xf32, #tpu.memory_space<vmem>>) target(%dma_start3A_100 : memref<10000x128xf32, #tpu.memory_space<vmem_shared>>) offsets(%arg7 : memref<200xi32, #tpu.memory_space<vmem>>) semaphore(%run_scoped3A : memref<!tpu.dma_semaphore, #tpu.memory_space<semaphore_mem>>) {add = true}
          %dma_wait3A = arith.constant 0 : i32
          %dma_wait3A_101 = arith.constant 0 : i32
          %dma_wait3A_102 = tpu.memref_slice %arg11[%dma_wait3A, %dma_wait3A_101] : memref<10000x128xf32, #tpu.memory_space<vmem_shared>> -> memref<10000x128xf32, #tpu.memory_space<vmem_shared>>
          tpu.wait_indirect_dma semaphore(%run_scoped3A : memref<!tpu.dma_semaphore, #tpu.memory_space<semaphore_mem>>) src(%arg8 : memref<200x128xf32, #tpu.memory_space<vmem>>) dst(%dma_wait3A_102 : memref<10000x128xf32, #tpu.memory_space<vmem_shared>>)
          tpu.yield
        }) : () -> ()
      }
      %scan3A_94 = arith.constant 50 : i32
    } else {
    }
    %barrier3A_48 = arith.constant 0 : index
    tpu.barrier barrier_id(%barrier3A_48)
    %mul3A_49 = arith.constant 6 : i32
    %mul3A_50 = arith.muli %arg1, %mul3A_49 : i32
    %add3A_51 = arith.constant 0 : i32
    %add3A_52 = arith.addi %mul3A_50, %add3A_51 : i32
    %mul3A_53 = arith.constant 104 : i32
    %mul3A_54 = arith.muli %add3A_52, %mul3A_53 : i32
    "tpu.region"() ({
      %run_scoped3A = tpu.sem_alloc : memref<!tpu.dma_semaphore, #tpu.memory_space<semaphore_mem>>
      %dma_start3A = arith.constant 0 : i32
      %dma_start3A_90 = tpu.memref_slice %arg11[%mul3A_54, %dma_start3A] : memref<10000x128xf32, #tpu.memory_space<vmem_shared>> -> memref<104x128xf32, #tpu.memory_space<vmem_shared>>
      %dma_start3A_91 = arith.constant 0 : i32
      %dma_start3A_92 = tpu.memref_slice %arg11[%mul3A_54, %dma_start3A_91] : memref<10000x128xf32, #tpu.memory_space<vmem_shared>> -> memref<104x128xf32, #tpu.memory_space<vmem_shared>>
      tpu.enqueue_dma source(%dma_start3A_92 : memref<104x128xf32, #tpu.memory_space<vmem_shared>>) target(%arg9 : memref<104x128xf32, #tpu.memory_space<vmem>>) target_semaphore(%run_scoped3A : memref<!tpu.dma_semaphore, #tpu.memory_space<semaphore_mem>>)
      %dma_wait3A = arith.constant 0 : i32
      %dma_wait3A_93 = tpu.memref_slice %arg11[%mul3A_54, %dma_wait3A] : memref<10000x128xf32, #tpu.memory_space<vmem_shared>> -> memref<104x128xf32, #tpu.memory_space<vmem_shared>>
      %dma_wait3A_94 = arith.constant 0 : i32
      %dma_wait3A_95 = tpu.memref_slice %arg11[%mul3A_54, %dma_wait3A_94] : memref<10000x128xf32, #tpu.memory_space<vmem_shared>> -> memref<104x128xf32, #tpu.memory_space<vmem_shared>>
      tpu.wait_dma2 semaphore(%run_scoped3A : memref<!tpu.dma_semaphore, #tpu.memory_space<semaphore_mem>>) src(%dma_wait3A_95 : memref<104x128xf32, #tpu.memory_space<vmem_shared>>) dst(%arg9 : memref<104x128xf32, #tpu.memory_space<vmem>>)
      tpu.yield
    }) : () -> ()
    "tpu.region"() ({
      %run_scoped3A = tpu.sem_alloc : memref<!tpu.dma_semaphore, #tpu.memory_space<semaphore_mem>>
      %dma_start3A = arith.constant 0 : i32
      %dma_start3A_90 = tpu.memref_slice %arg6[%arg0, %mul3A_54, %dma_start3A] : memref<2x10000x128xf32, #tpu.memory_space<hbm>> -> memref<1x104x128xf32, #tpu.memory_space<hbm>>
      %dma_start3A_91 = tpu.memref_squeeze %dma_start3A_90 : memref<1x104x128xf32, #tpu.memory_space<hbm>> -> memref<104x128xf32, #tpu.memory_space<hbm>>
      %dma_start3A_92 = arith.constant 0 : i32
      %dma_start3A_93 = tpu.memref_slice %arg6[%arg0, %mul3A_54, %dma_start3A_92] : memref<2x10000x128xf32, #tpu.memory_space<hbm>> -> memref<1x104x128xf32, #tpu.memory_space<hbm>>
      %dma_start3A_94 = tpu.memref_squeeze %dma_start3A_93 : memref<1x104x128xf32, #tpu.memory_space<hbm>> -> memref<104x128xf32, #tpu.memory_space<hbm>>
      tpu.enqueue_dma source(%arg9 : memref<104x128xf32, #tpu.memory_space<vmem>>) target(%dma_start3A_94 : memref<104x128xf32, #tpu.memory_space<hbm>>) target_semaphore(%run_scoped3A : memref<!tpu.dma_semaphore, #tpu.memory_space<semaphore_mem>>)
      %dma_wait3A = arith.constant 0 : i32
      %dma_wait3A_95 = tpu.memref_slice %arg6[%arg0, %mul3A_54, %dma_wait3A] : memref<2x10000x128xf32, #tpu.memory_space<hbm>> -> memref<1x104x128xf32, #tpu.memory_space<hbm>>
      %dma_wait3A_96 = tpu.memref_squeeze %dma_wait3A_95 : memref<1x104x128xf32, #tpu.memory_space<hbm>> -> memref<104x128xf32, #tpu.memory_space<hbm>>
      %dma_wait3A_97 = arith.constant 0 : i32
      %dma_wait3A_98 = tpu.memref_slice %arg6[%arg0, %mul3A_54, %dma_wait3A_97] : memref<2x10000x128xf32, #tpu.memory_space<hbm>> -> memref<1x104x128xf32, #tpu.memory_space<hbm>>
      %dma_wait3A_99 = tpu.memref_squeeze %dma_wait3A_98 : memref<1x104x128xf32, #tpu.memory_space<hbm>> -> memref<104x128xf32, #tpu.memory_space<hbm>>
      tpu.wait_dma2 semaphore(%run_scoped3A : memref<!tpu.dma_semaphore, #tpu.memory_space<semaphore_mem>>) src(%arg9 : memref<104x128xf32, #tpu.memory_space<vmem>>) dst(%dma_wait3A_99 : memref<104x128xf32, #tpu.memory_space<hbm>>)
      tpu.yield
    }) : () -> ()
    %mul3A_55 = arith.constant 6 : i32
    %mul3A_56 = arith.muli %arg1, %mul3A_55 : i32
    %add3A_57 = arith.constant 1 : i32
    %add3A_58 = arith.addi %mul3A_56, %add3A_57 : i32
    %mul3A_59 = arith.constant 104 : i32
    %mul3A_60 = arith.muli %add3A_58, %mul3A_59 : i32
    "tpu.region"() ({
      %run_scoped3A = tpu.sem_alloc : memref<!tpu.dma_semaphore, #tpu.memory_space<semaphore_mem>>
      %dma_start3A = arith.constant 0 : i32
      %dma_start3A_90 = tpu.memref_slice %arg11[%mul3A_60, %dma_start3A] : memref<10000x128xf32, #tpu.memory_space<vmem_shared>> -> memref<104x128xf32, #tpu.memory_space<vmem_shared>>
      %dma_start3A_91 = arith.constant 0 : i32
      %dma_start3A_92 = tpu.memref_slice %arg11[%mul3A_60, %dma_start3A_91] : memref<10000x128xf32, #tpu.memory_space<vmem_shared>> -> memref<104x128xf32, #tpu.memory_space<vmem_shared>>
      tpu.enqueue_dma source(%dma_start3A_92 : memref<104x128xf32, #tpu.memory_space<vmem_shared>>) target(%arg9 : memref<104x128xf32, #tpu.memory_space<vmem>>) target_semaphore(%run_scoped3A : memref<!tpu.dma_semaphore, #tpu.memory_space<semaphore_mem>>)
      %dma_wait3A = arith.constant 0 : i32
      %dma_wait3A_93 = tpu.memref_slice %arg11[%mul3A_60, %dma_wait3A] : memref<10000x128xf32, #tpu.memory_space<vmem_shared>> -> memref<104x128xf32, #tpu.memory_space<vmem_shared>>
      %dma_wait3A_94 = arith.constant 0 : i32
      %dma_wait3A_95 = tpu.memref_slice %arg11[%mul3A_60, %dma_wait3A_94] : memref<10000x128xf32, #tpu.memory_space<vmem_shared>> -> memref<104x128xf32, #tpu.memory_space<vmem_shared>>
      tpu.wait_dma2 semaphore(%run_scoped3A : memref<!tpu.dma_semaphore, #tpu.memory_space<semaphore_mem>>) src(%dma_wait3A_95 : memref<104x128xf32, #tpu.memory_space<vmem_shared>>) dst(%arg9 : memref<104x128xf32, #tpu.memory_space<vmem>>)
      tpu.yield
    }) : () -> ()
    "tpu.region"() ({
      %run_scoped3A = tpu.sem_alloc : memref<!tpu.dma_semaphore, #tpu.memory_space<semaphore_mem>>
      %dma_start3A = arith.constant 0 : i32
      %dma_start3A_90 = tpu.memref_slice %arg6[%arg0, %mul3A_60, %dma_start3A] : memref<2x10000x128xf32, #tpu.memory_space<hbm>> -> memref<1x104x128xf32, #tpu.memory_space<hbm>>
      %dma_start3A_91 = tpu.memref_squeeze %dma_start3A_90 : memref<1x104x128xf32, #tpu.memory_space<hbm>> -> memref<104x128xf32, #tpu.memory_space<hbm>>
      %dma_start3A_92 = arith.constant 0 : i32
      %dma_start3A_93 = tpu.memref_slice %arg6[%arg0, %mul3A_60, %dma_start3A_92] : memref<2x10000x128xf32, #tpu.memory_space<hbm>> -> memref<1x104x128xf32, #tpu.memory_space<hbm>>
      %dma_start3A_94 = tpu.memref_squeeze %dma_start3A_93 : memref<1x104x128xf32, #tpu.memory_space<hbm>> -> memref<104x128xf32, #tpu.memory_space<hbm>>
      tpu.enqueue_dma source(%arg9 : memref<104x128xf32, #tpu.memory_space<vmem>>) target(%dma_start3A_94 : memref<104x128xf32, #tpu.memory_space<hbm>>) target_semaphore(%run_scoped3A : memref<!tpu.dma_semaphore, #tpu.memory_space<semaphore_mem>>)
      %dma_wait3A = arith.constant 0 : i32
      %dma_wait3A_95 = tpu.memref_slice %arg6[%arg0, %mul3A_60, %dma_wait3A] : memref<2x10000x128xf32, #tpu.memory_space<hbm>> -> memref<1x104x128xf32, #tpu.memory_space<hbm>>
      %dma_wait3A_96 = tpu.memref_squeeze %dma_wait3A_95 : memref<1x104x128xf32, #tpu.memory_space<hbm>> -> memref<104x128xf32, #tpu.memory_space<hbm>>
      %dma_wait3A_97 = arith.constant 0 : i32
      %dma_wait3A_98 = tpu.memref_slice %arg6[%arg0, %mul3A_60, %dma_wait3A_97] : memref<2x10000x128xf32, #tpu.memory_space<hbm>> -> memref<1x104x128xf32, #tpu.memory_space<hbm>>
      %dma_wait3A_99 = tpu.memref_squeeze %dma_wait3A_98 : memref<1x104x128xf32, #tpu.memory_space<hbm>> -> memref<104x128xf32, #tpu.memory_space<hbm>>
      tpu.wait_dma2 semaphore(%run_scoped3A : memref<!tpu.dma_semaphore, #tpu.memory_space<semaphore_mem>>) src(%arg9 : memref<104x128xf32, #tpu.memory_space<vmem>>) dst(%dma_wait3A_99 : memref<104x128xf32, #tpu.memory_space<hbm>>)
      tpu.yield
    }) : () -> ()
    %mul3A_61 = arith.constant 6 : i32
    %mul3A_62 = arith.muli %arg1, %mul3A_61 : i32
    %add3A_63 = arith.constant 2 : i32
    %add3A_64 = arith.addi %mul3A_62, %add3A_63 : i32
    %mul3A_65 = arith.constant 104 : i32
    %mul3A_66 = arith.muli %add3A_64, %mul3A_65 : i32
    "tpu.region"() ({
      %run_scoped3A = tpu.sem_alloc : memref<!tpu.dma_semaphore, #tpu.memory_space<semaphore_mem>>
      %dma_start3A = arith.constant 0 : i32
      %dma_start3A_90 = tpu.memref_slice %arg11[%mul3A_66, %dma_start3A] : memref<10000x128xf32, #tpu.memory_space<vmem_shared>> -> memref<104x128xf32, #tpu.memory_space<vmem_shared>>
      %dma_start3A_91 = arith.constant 0 : i32
      %dma_start3A_92 = tpu.memref_slice %arg11[%mul3A_66, %dma_start3A_91] : memref<10000x128xf32, #tpu.memory_space<vmem_shared>> -> memref<104x128xf32, #tpu.memory_space<vmem_shared>>
      tpu.enqueue_dma source(%dma_start3A_92 : memref<104x128xf32, #tpu.memory_space<vmem_shared>>) target(%arg9 : memref<104x128xf32, #tpu.memory_space<vmem>>) target_semaphore(%run_scoped3A : memref<!tpu.dma_semaphore, #tpu.memory_space<semaphore_mem>>)
      %dma_wait3A = arith.constant 0 : i32
      %dma_wait3A_93 = tpu.memref_slice %arg11[%mul3A_66, %dma_wait3A] : memref<10000x128xf32, #tpu.memory_space<vmem_shared>> -> memref<104x128xf32, #tpu.memory_space<vmem_shared>>
      %dma_wait3A_94 = arith.constant 0 : i32
      %dma_wait3A_95 = tpu.memref_slice %arg11[%mul3A_66, %dma_wait3A_94] : memref<10000x128xf32, #tpu.memory_space<vmem_shared>> -> memref<104x128xf32, #tpu.memory_space<vmem_shared>>
      tpu.wait_dma2 semaphore(%run_scoped3A : memref<!tpu.dma_semaphore, #tpu.memory_space<semaphore_mem>>) src(%dma_wait3A_95 : memref<104x128xf32, #tpu.memory_space<vmem_shared>>) dst(%arg9 : memref<104x128xf32, #tpu.memory_space<vmem>>)
      tpu.yield
    }) : () -> ()
    "tpu.region"() ({
      %run_scoped3A = tpu.sem_alloc : memref<!tpu.dma_semaphore, #tpu.memory_space<semaphore_mem>>
      %dma_start3A = arith.constant 0 : i32
      %dma_start3A_90 = tpu.memref_slice %arg6[%arg0, %mul3A_66, %dma_start3A] : memref<2x10000x128xf32, #tpu.memory_space<hbm>> -> memref<1x104x128xf32, #tpu.memory_space<hbm>>
      %dma_start3A_91 = tpu.memref_squeeze %dma_start3A_90 : memref<1x104x128xf32, #tpu.memory_space<hbm>> -> memref<104x128xf32, #tpu.memory_space<hbm>>
      %dma_start3A_92 = arith.constant 0 : i32
      %dma_start3A_93 = tpu.memref_slice %arg6[%arg0, %mul3A_66, %dma_start3A_92] : memref<2x10000x128xf32, #tpu.memory_space<hbm>> -> memref<1x104x128xf32, #tpu.memory_space<hbm>>
      %dma_start3A_94 = tpu.memref_squeeze %dma_start3A_93 : memref<1x104x128xf32, #tpu.memory_space<hbm>> -> memref<104x128xf32, #tpu.memory_space<hbm>>
      tpu.enqueue_dma source(%arg9 : memref<104x128xf32, #tpu.memory_space<vmem>>) target(%dma_start3A_94 : memref<104x128xf32, #tpu.memory_space<hbm>>) target_semaphore(%run_scoped3A : memref<!tpu.dma_semaphore, #tpu.memory_space<semaphore_mem>>)
      %dma_wait3A = arith.constant 0 : i32
      %dma_wait3A_95 = tpu.memref_slice %arg6[%arg0, %mul3A_66, %dma_wait3A] : memref<2x10000x128xf32, #tpu.memory_space<hbm>> -> memref<1x104x128xf32, #tpu.memory_space<hbm>>
      %dma_wait3A_96 = tpu.memref_squeeze %dma_wait3A_95 : memref<1x104x128xf32, #tpu.memory_space<hbm>> -> memref<104x128xf32, #tpu.memory_space<hbm>>
      %dma_wait3A_97 = arith.constant 0 : i32
      %dma_wait3A_98 = tpu.memref_slice %arg6[%arg0, %mul3A_66, %dma_wait3A_97] : memref<2x10000x128xf32, #tpu.memory_space<hbm>> -> memref<1x104x128xf32, #tpu.memory_space<hbm>>
      %dma_wait3A_99 = tpu.memref_squeeze %dma_wait3A_98 : memref<1x104x128xf32, #tpu.memory_space<hbm>> -> memref<104x128xf32, #tpu.memory_space<hbm>>
      tpu.wait_dma2 semaphore(%run_scoped3A : memref<!tpu.dma_semaphore, #tpu.memory_space<semaphore_mem>>) src(%arg9 : memref<104x128xf32, #tpu.memory_space<vmem>>) dst(%dma_wait3A_99 : memref<104x128xf32, #tpu.memory_space<hbm>>)
      tpu.yield
    }) : () -> ()
    %mul3A_67 = arith.constant 6 : i32
    %mul3A_68 = arith.muli %arg1, %mul3A_67 : i32
    %add3A_69 = arith.constant 3 : i32
    %add3A_70 = arith.addi %mul3A_68, %add3A_69 : i32
    %mul3A_71 = arith.constant 104 : i32
    %mul3A_72 = arith.muli %add3A_70, %mul3A_71 : i32
    "tpu.region"() ({
      %run_scoped3A = tpu.sem_alloc : memref<!tpu.dma_semaphore, #tpu.memory_space<semaphore_mem>>
      %dma_start3A = arith.constant 0 : i32
      %dma_start3A_90 = tpu.memref_slice %arg11[%mul3A_72, %dma_start3A] : memref<10000x128xf32, #tpu.memory_space<vmem_shared>> -> memref<104x128xf32, #tpu.memory_space<vmem_shared>>
      %dma_start3A_91 = arith.constant 0 : i32
      %dma_start3A_92 = tpu.memref_slice %arg11[%mul3A_72, %dma_start3A_91] : memref<10000x128xf32, #tpu.memory_space<vmem_shared>> -> memref<104x128xf32, #tpu.memory_space<vmem_shared>>
      tpu.enqueue_dma source(%dma_start3A_92 : memref<104x128xf32, #tpu.memory_space<vmem_shared>>) target(%arg9 : memref<104x128xf32, #tpu.memory_space<vmem>>) target_semaphore(%run_scoped3A : memref<!tpu.dma_semaphore, #tpu.memory_space<semaphore_mem>>)
      %dma_wait3A = arith.constant 0 : i32
      %dma_wait3A_93 = tpu.memref_slice %arg11[%mul3A_72, %dma_wait3A] : memref<10000x128xf32, #tpu.memory_space<vmem_shared>> -> memref<104x128xf32, #tpu.memory_space<vmem_shared>>
      %dma_wait3A_94 = arith.constant 0 : i32
      %dma_wait3A_95 = tpu.memref_slice %arg11[%mul3A_72, %dma_wait3A_94] : memref<10000x128xf32, #tpu.memory_space<vmem_shared>> -> memref<104x128xf32, #tpu.memory_space<vmem_shared>>
      tpu.wait_dma2 semaphore(%run_scoped3A : memref<!tpu.dma_semaphore, #tpu.memory_space<semaphore_mem>>) src(%dma_wait3A_95 : memref<104x128xf32, #tpu.memory_space<vmem_shared>>) dst(%arg9 : memref<104x128xf32, #tpu.memory_space<vmem>>)
      tpu.yield
    }) : () -> ()
    "tpu.region"() ({
      %run_scoped3A = tpu.sem_alloc : memref<!tpu.dma_semaphore, #tpu.memory_space<semaphore_mem>>
      %dma_start3A = arith.constant 0 : i32
      %dma_start3A_90 = tpu.memref_slice %arg6[%arg0, %mul3A_72, %dma_start3A] : memref<2x10000x128xf32, #tpu.memory_space<hbm>> -> memref<1x104x128xf32, #tpu.memory_space<hbm>>
      %dma_start3A_91 = tpu.memref_squeeze %dma_start3A_90 : memref<1x104x128xf32, #tpu.memory_space<hbm>> -> memref<104x128xf32, #tpu.memory_space<hbm>>
      %dma_start3A_92 = arith.constant 0 : i32
      %dma_start3A_93 = tpu.memref_slice %arg6[%arg0, %mul3A_72, %dma_start3A_92] : memref<2x10000x128xf32, #tpu.memory_space<hbm>> -> memref<1x104x128xf32, #tpu.memory_space<hbm>>
      %dma_start3A_94 = tpu.memref_squeeze %dma_start3A_93 : memref<1x104x128xf32, #tpu.memory_space<hbm>> -> memref<104x128xf32, #tpu.memory_space<hbm>>
      tpu.enqueue_dma source(%arg9 : memref<104x128xf32, #tpu.memory_space<vmem>>) target(%dma_start3A_94 : memref<104x128xf32, #tpu.memory_space<hbm>>) target_semaphore(%run_scoped3A : memref<!tpu.dma_semaphore, #tpu.memory_space<semaphore_mem>>)
      %dma_wait3A = arith.constant 0 : i32
      %dma_wait3A_95 = tpu.memref_slice %arg6[%arg0, %mul3A_72, %dma_wait3A] : memref<2x10000x128xf32, #tpu.memory_space<hbm>> -> memref<1x104x128xf32, #tpu.memory_space<hbm>>
      %dma_wait3A_96 = tpu.memref_squeeze %dma_wait3A_95 : memref<1x104x128xf32, #tpu.memory_space<hbm>> -> memref<104x128xf32, #tpu.memory_space<hbm>>
      %dma_wait3A_97 = arith.constant 0 : i32
      %dma_wait3A_98 = tpu.memref_slice %arg6[%arg0, %mul3A_72, %dma_wait3A_97] : memref<2x10000x128xf32, #tpu.memory_space<hbm>> -> memref<1x104x128xf32, #tpu.memory_space<hbm>>
      %dma_wait3A_99 = tpu.memref_squeeze %dma_wait3A_98 : memref<1x104x128xf32, #tpu.memory_space<hbm>> -> memref<104x128xf32, #tpu.memory_space<hbm>>
      tpu.wait_dma2 semaphore(%run_scoped3A : memref<!tpu.dma_semaphore, #tpu.memory_space<semaphore_mem>>) src(%arg9 : memref<104x128xf32, #tpu.memory_space<vmem>>) dst(%dma_wait3A_99 : memref<104x128xf32, #tpu.memory_space<hbm>>)
      tpu.yield
    }) : () -> ()
    %mul3A_73 = arith.constant 6 : i32
    %mul3A_74 = arith.muli %arg1, %mul3A_73 : i32
    %add3A_75 = arith.constant 4 : i32
    %add3A_76 = arith.addi %mul3A_74, %add3A_75 : i32
    %mul3A_77 = arith.constant 104 : i32
    %mul3A_78 = arith.muli %add3A_76, %mul3A_77 : i32
    "tpu.region"() ({
      %run_scoped3A = tpu.sem_alloc : memref<!tpu.dma_semaphore, #tpu.memory_space<semaphore_mem>>
      %dma_start3A = arith.constant 0 : i32
      %dma_start3A_90 = tpu.memref_slice %arg11[%mul3A_78, %dma_start3A] : memref<10000x128xf32, #tpu.memory_space<vmem_shared>> -> memref<104x128xf32, #tpu.memory_space<vmem_shared>>
      %dma_start3A_91 = arith.constant 0 : i32
      %dma_start3A_92 = tpu.memref_slice %arg11[%mul3A_78, %dma_start3A_91] : memref<10000x128xf32, #tpu.memory_space<vmem_shared>> -> memref<104x128xf32, #tpu.memory_space<vmem_shared>>
      tpu.enqueue_dma source(%dma_start3A_92 : memref<104x128xf32, #tpu.memory_space<vmem_shared>>) target(%arg9 : memref<104x128xf32, #tpu.memory_space<vmem>>) target_semaphore(%run_scoped3A : memref<!tpu.dma_semaphore, #tpu.memory_space<semaphore_mem>>)
      %dma_wait3A = arith.constant 0 : i32
      %dma_wait3A_93 = tpu.memref_slice %arg11[%mul3A_78, %dma_wait3A] : memref<10000x128xf32, #tpu.memory_space<vmem_shared>> -> memref<104x128xf32, #tpu.memory_space<vmem_shared>>
      %dma_wait3A_94 = arith.constant 0 : i32
      %dma_wait3A_95 = tpu.memref_slice %arg11[%mul3A_78, %dma_wait3A_94] : memref<10000x128xf32, #tpu.memory_space<vmem_shared>> -> memref<104x128xf32, #tpu.memory_space<vmem_shared>>
      tpu.wait_dma2 semaphore(%run_scoped3A : memref<!tpu.dma_semaphore, #tpu.memory_space<semaphore_mem>>) src(%dma_wait3A_95 : memref<104x128xf32, #tpu.memory_space<vmem_shared>>) dst(%arg9 : memref<104x128xf32, #tpu.memory_space<vmem>>)
      tpu.yield
    }) : () -> ()
    "tpu.region"() ({
      %run_scoped3A = tpu.sem_alloc : memref<!tpu.dma_semaphore, #tpu.memory_space<semaphore_mem>>
      %dma_start3A = arith.constant 0 : i32
      %dma_start3A_90 = tpu.memref_slice %arg6[%arg0, %mul3A_78, %dma_start3A] : memref<2x10000x128xf32, #tpu.memory_space<hbm>> -> memref<1x104x128xf32, #tpu.memory_space<hbm>>
      %dma_start3A_91 = tpu.memref_squeeze %dma_start3A_90 : memref<1x104x128xf32, #tpu.memory_space<hbm>> -> memref<104x128xf32, #tpu.memory_space<hbm>>
      %dma_start3A_92 = arith.constant 0 : i32
      %dma_start3A_93 = tpu.memref_slice %arg6[%arg0, %mul3A_78, %dma_start3A_92] : memref<2x10000x128xf32, #tpu.memory_space<hbm>> -> memref<1x104x128xf32, #tpu.memory_space<hbm>>
      %dma_start3A_94 = tpu.memref_squeeze %dma_start3A_93 : memref<1x104x128xf32, #tpu.memory_space<hbm>> -> memref<104x128xf32, #tpu.memory_space<hbm>>
      tpu.enqueue_dma source(%arg9 : memref<104x128xf32, #tpu.memory_space<vmem>>) target(%dma_start3A_94 : memref<104x128xf32, #tpu.memory_space<hbm>>) target_semaphore(%run_scoped3A : memref<!tpu.dma_semaphore, #tpu.memory_space<semaphore_mem>>)
      %dma_wait3A = arith.constant 0 : i32
      %dma_wait3A_95 = tpu.memref_slice %arg6[%arg0, %mul3A_78, %dma_wait3A] : memref<2x10000x128xf32, #tpu.memory_space<hbm>> -> memref<1x104x128xf32, #tpu.memory_space<hbm>>
      %dma_wait3A_96 = tpu.memref_squeeze %dma_wait3A_95 : memref<1x104x128xf32, #tpu.memory_space<hbm>> -> memref<104x128xf32, #tpu.memory_space<hbm>>
      %dma_wait3A_97 = arith.constant 0 : i32
      %dma_wait3A_98 = tpu.memref_slice %arg6[%arg0, %mul3A_78, %dma_wait3A_97] : memref<2x10000x128xf32, #tpu.memory_space<hbm>> -> memref<1x104x128xf32, #tpu.memory_space<hbm>>
      %dma_wait3A_99 = tpu.memref_squeeze %dma_wait3A_98 : memref<1x104x128xf32, #tpu.memory_space<hbm>> -> memref<104x128xf32, #tpu.memory_space<hbm>>
      tpu.wait_dma2 semaphore(%run_scoped3A : memref<!tpu.dma_semaphore, #tpu.memory_space<semaphore_mem>>) src(%arg9 : memref<104x128xf32, #tpu.memory_space<vmem>>) dst(%dma_wait3A_99 : memref<104x128xf32, #tpu.memory_space<hbm>>)
      tpu.yield
    }) : () -> ()
    %mul3A_79 = arith.constant 6 : i32
    %mul3A_80 = arith.muli %arg1, %mul3A_79 : i32
    %add3A_81 = arith.constant 5 : i32
    %add3A_82 = arith.addi %mul3A_80, %add3A_81 : i32
    %mul3A_83 = arith.constant 104 : i32
    %mul3A_84 = arith.muli %add3A_82, %mul3A_83 : i32
    "tpu.region"() ({
      %run_scoped3A = tpu.sem_alloc : memref<!tpu.dma_semaphore, #tpu.memory_space<semaphore_mem>>
      %dma_start3A = arith.constant 0 : i32
      %dma_start3A_90 = tpu.memref_slice %arg11[%mul3A_84, %dma_start3A] : memref<10000x128xf32, #tpu.memory_space<vmem_shared>> -> memref<104x128xf32, #tpu.memory_space<vmem_shared>>
      %dma_start3A_91 = arith.constant 0 : i32
      %dma_start3A_92 = tpu.memref_slice %arg11[%mul3A_84, %dma_start3A_91] : memref<10000x128xf32, #tpu.memory_space<vmem_shared>> -> memref<104x128xf32, #tpu.memory_space<vmem_shared>>
      tpu.enqueue_dma source(%dma_start3A_92 : memref<104x128xf32, #tpu.memory_space<vmem_shared>>) target(%arg9 : memref<104x128xf32, #tpu.memory_space<vmem>>) target_semaphore(%run_scoped3A : memref<!tpu.dma_semaphore, #tpu.memory_space<semaphore_mem>>)
      %dma_wait3A = arith.constant 0 : i32
      %dma_wait3A_93 = tpu.memref_slice %arg11[%mul3A_84, %dma_wait3A] : memref<10000x128xf32, #tpu.memory_space<vmem_shared>> -> memref<104x128xf32, #tpu.memory_space<vmem_shared>>
      %dma_wait3A_94 = arith.constant 0 : i32
      %dma_wait3A_95 = tpu.memref_slice %arg11[%mul3A_84, %dma_wait3A_94] : memref<10000x128xf32, #tpu.memory_space<vmem_shared>> -> memref<104x128xf32, #tpu.memory_space<vmem_shared>>
      tpu.wait_dma2 semaphore(%run_scoped3A : memref<!tpu.dma_semaphore, #tpu.memory_space<semaphore_mem>>) src(%dma_wait3A_95 : memref<104x128xf32, #tpu.memory_space<vmem_shared>>) dst(%arg9 : memref<104x128xf32, #tpu.memory_space<vmem>>)
      tpu.yield
    }) : () -> ()
    "tpu.region"() ({
      %run_scoped3A = tpu.sem_alloc : memref<!tpu.dma_semaphore, #tpu.memory_space<semaphore_mem>>
      %dma_start3A = arith.constant 0 : i32
      %dma_start3A_90 = tpu.memref_slice %arg6[%arg0, %mul3A_84, %dma_start3A] : memref<2x10000x128xf32, #tpu.memory_space<hbm>> -> memref<1x104x128xf32, #tpu.memory_space<hbm>>
      %dma_start3A_91 = tpu.memref_squeeze %dma_start3A_90 : memref<1x104x128xf32, #tpu.memory_space<hbm>> -> memref<104x128xf32, #tpu.memory_space<hbm>>
      %dma_start3A_92 = arith.constant 0 : i32
      %dma_start3A_93 = tpu.memref_slice %arg6[%arg0, %mul3A_84, %dma_start3A_92] : memref<2x10000x128xf32, #tpu.memory_space<hbm>> -> memref<1x104x128xf32, #tpu.memory_space<hbm>>
      %dma_start3A_94 = tpu.memref_squeeze %dma_start3A_93 : memref<1x104x128xf32, #tpu.memory_space<hbm>> -> memref<104x128xf32, #tpu.memory_space<hbm>>
      tpu.enqueue_dma source(%arg9 : memref<104x128xf32, #tpu.memory_space<vmem>>) target(%dma_start3A_94 : memref<104x128xf32, #tpu.memory_space<hbm>>) target_semaphore(%run_scoped3A : memref<!tpu.dma_semaphore, #tpu.memory_space<semaphore_mem>>)
      %dma_wait3A = arith.constant 0 : i32
      %dma_wait3A_95 = tpu.memref_slice %arg6[%arg0, %mul3A_84, %dma_wait3A] : memref<2x10000x128xf32, #tpu.memory_space<hbm>> -> memref<1x104x128xf32, #tpu.memory_space<hbm>>
      %dma_wait3A_96 = tpu.memref_squeeze %dma_wait3A_95 : memref<1x104x128xf32, #tpu.memory_space<hbm>> -> memref<104x128xf32, #tpu.memory_space<hbm>>
      %dma_wait3A_97 = arith.constant 0 : i32
      %dma_wait3A_98 = tpu.memref_slice %arg6[%arg0, %mul3A_84, %dma_wait3A_97] : memref<2x10000x128xf32, #tpu.memory_space<hbm>> -> memref<1x104x128xf32, #tpu.memory_space<hbm>>
      %dma_wait3A_99 = tpu.memref_squeeze %dma_wait3A_98 : memref<1x104x128xf32, #tpu.memory_space<hbm>> -> memref<104x128xf32, #tpu.memory_space<hbm>>
      tpu.wait_dma2 semaphore(%run_scoped3A : memref<!tpu.dma_semaphore, #tpu.memory_space<semaphore_mem>>) src(%arg9 : memref<104x128xf32, #tpu.memory_space<vmem>>) dst(%dma_wait3A_99 : memref<104x128xf32, #tpu.memory_space<hbm>>)
      tpu.yield
    }) : () -> ()
    %eq3A_85 = arith.constant 0 : i32
    %eq3A_86 = arith.cmpi eq, %arg1, %eq3A_85 : i32
    %convert_element_type3A_87 = arith.extui %eq3A_86 : i1 to i32
    %cond3A_88 = arith.constant 0 : i32
    %cond3A_89 = arith.cmpi ne, %convert_element_type3A_87, %cond3A_88 : i32
    scf.if %cond3A_89 {
      "tpu.region"() ({
        %run_scoped3A = tpu.sem_alloc : memref<!tpu.dma_semaphore, #tpu.memory_space<semaphore_mem>>
        %dma_start3A = arith.constant 9984 : i32
        %dma_start3A_90 = arith.constant 0 : i32
        %dma_start3A_91 = tpu.memref_slice %arg11[%dma_start3A, %dma_start3A_90] : memref<10000x128xf32, #tpu.memory_space<vmem_shared>> -> memref<16x128xf32, #tpu.memory_space<vmem_shared>>
        %dma_start3A_92 = arith.constant 9984 : i32
        %dma_start3A_93 = arith.constant 0 : i32
        %dma_start3A_94 = tpu.memref_slice %arg11[%dma_start3A_92, %dma_start3A_93] : memref<10000x128xf32, #tpu.memory_space<vmem_shared>> -> memref<16x128xf32, #tpu.memory_space<vmem_shared>>
        tpu.enqueue_dma source(%dma_start3A_94 : memref<16x128xf32, #tpu.memory_space<vmem_shared>>) target(%arg10 : memref<16x128xf32, #tpu.memory_space<vmem>>) target_semaphore(%run_scoped3A : memref<!tpu.dma_semaphore, #tpu.memory_space<semaphore_mem>>)
        %dma_wait3A = arith.constant 9984 : i32
        %dma_wait3A_95 = arith.constant 0 : i32
        %dma_wait3A_96 = tpu.memref_slice %arg11[%dma_wait3A, %dma_wait3A_95] : memref<10000x128xf32, #tpu.memory_space<vmem_shared>> -> memref<16x128xf32, #tpu.memory_space<vmem_shared>>
        %dma_wait3A_97 = arith.constant 9984 : i32
        %dma_wait3A_98 = arith.constant 0 : i32
        %dma_wait3A_99 = tpu.memref_slice %arg11[%dma_wait3A_97, %dma_wait3A_98] : memref<10000x128xf32, #tpu.memory_space<vmem_shared>> -> memref<16x128xf32, #tpu.memory_space<vmem_shared>>
        tpu.wait_dma2 semaphore(%run_scoped3A : memref<!tpu.dma_semaphore, #tpu.memory_space<semaphore_mem>>) src(%dma_wait3A_99 : memref<16x128xf32, #tpu.memory_space<vmem_shared>>) dst(%arg10 : memref<16x128xf32, #tpu.memory_space<vmem>>)
        tpu.yield
      }) : () -> ()
      "tpu.region"() ({
        %run_scoped3A = tpu.sem_alloc : memref<!tpu.dma_semaphore, #tpu.memory_space<semaphore_mem>>
        %dma_start3A = arith.constant 9984 : i32
        %dma_start3A_90 = arith.constant 0 : i32
        %dma_start3A_91 = tpu.memref_slice %arg6[%arg0, %dma_start3A, %dma_start3A_90] : memref<2x10000x128xf32, #tpu.memory_space<hbm>> -> memref<1x16x128xf32, #tpu.memory_space<hbm>>
        %dma_start3A_92 = tpu.memref_squeeze %dma_start3A_91 : memref<1x16x128xf32, #tpu.memory_space<hbm>> -> memref<16x128xf32, #tpu.memory_space<hbm>>
        %dma_start3A_93 = arith.constant 9984 : i32
        %dma_start3A_94 = arith.constant 0 : i32
        %dma_start3A_95 = tpu.memref_slice %arg6[%arg0, %dma_start3A_93, %dma_start3A_94] : memref<2x10000x128xf32, #tpu.memory_space<hbm>> -> memref<1x16x128xf32, #tpu.memory_space<hbm>>
        %dma_start3A_96 = tpu.memref_squeeze %dma_start3A_95 : memref<1x16x128xf32, #tpu.memory_space<hbm>> -> memref<16x128xf32, #tpu.memory_space<hbm>>
        tpu.enqueue_dma source(%arg10 : memref<16x128xf32, #tpu.memory_space<vmem>>) target(%dma_start3A_96 : memref<16x128xf32, #tpu.memory_space<hbm>>) target_semaphore(%run_scoped3A : memref<!tpu.dma_semaphore, #tpu.memory_space<semaphore_mem>>)
        %dma_wait3A = arith.constant 9984 : i32
        %dma_wait3A_97 = arith.constant 0 : i32
        %dma_wait3A_98 = tpu.memref_slice %arg6[%arg0, %dma_wait3A, %dma_wait3A_97] : memref<2x10000x128xf32, #tpu.memory_space<hbm>> -> memref<1x16x128xf32, #tpu.memory_space<hbm>>
        %dma_wait3A_99 = tpu.memref_squeeze %dma_wait3A_98 : memref<1x16x128xf32, #tpu.memory_space<hbm>> -> memref<16x128xf32, #tpu.memory_space<hbm>>
        %dma_wait3A_100 = arith.constant 9984 : i32
        %dma_wait3A_101 = arith.constant 0 : i32
        %dma_wait3A_102 = tpu.memref_slice %arg6[%arg0, %dma_wait3A_100, %dma_wait3A_101] : memref<2x10000x128xf32, #tpu.memory_space<hbm>> -> memref<1x16x128xf32, #tpu.memory_space<hbm>>
        %dma_wait3A_103 = tpu.memref_squeeze %dma_wait3A_102 : memref<1x16x128xf32, #tpu.memory_space<hbm>> -> memref<16x128xf32, #tpu.memory_space<hbm>>
        tpu.wait_dma2 semaphore(%run_scoped3A : memref<!tpu.dma_semaphore, #tpu.memory_space<semaphore_mem>>) src(%arg10 : memref<16x128xf32, #tpu.memory_space<vmem>>) dst(%dma_wait3A_103 : memref<16x128xf32, #tpu.memory_space<hbm>>)
        tpu.yield
      }) : () -> ()
    } else {
    }
    return
  }
}

module attributes {stable_mosaic.version = 14 : i64} {
  func.func @_node_pre(%arg0: i32, %arg1: memref<1000x128xf32, #tpu.memory_space<vmem>>, %arg2: memref<1000x3xf32, #tpu.memory_space<vmem>>, %arg3: memref<128x128xf32, #tpu.memory_space<vmem>>, %arg4: memref<1x128xf32, #tpu.memory_space<vmem>>, %arg5: memref<128x128xf32, #tpu.memory_space<vmem>>, %arg6: memref<1000x256xf32, #tpu.memory_space<vmem>>, %arg7: memref<1000x256xf32, #tpu.memory_space<vmem>>) attributes {dimension_semantics = [#tpu.dimension_semantics<arbitrary>], iteration_bounds = array<i64: 10>, scalar_prefetch = 0 : i64, scratch_operands = 0 : i64, tpu.core_type = #tpu.core_type<tc>, window_params = [{transform_indices = @transform_0, window_bounds = array<i64: 1000, 128>}, {transform_indices = @transform_1, window_bounds = array<i64: 1000, 3>}, {pipeline_mode = #tpu.pipeline_mode<synchronous>, transform_indices = @transform_2, window_bounds = array<i64: 128, 128>}, {pipeline_mode = #tpu.pipeline_mode<synchronous>, transform_indices = @transform_3, window_bounds = array<i64: 1, 128>}, {pipeline_mode = #tpu.pipeline_mode<synchronous>, transform_indices = @transform_4, window_bounds = array<i64: 128, 128>}, {transform_indices = @transform_5, window_bounds = array<i64: 1000, 256>}, {transform_indices = @transform_6, window_bounds = array<i64: 1000, 256>}]} {
    %get3A = arith.constant 0 : index
    %get3A_0 = arith.constant 0 : index
    %get3A_1 = vector.load %arg1[%get3A, %get3A_0] : memref<1000x128xf32, #tpu.memory_space<vmem>>, vector<1000x128xf32>
    %get3A_2 = arith.constant 0 : index
    %get3A_3 = arith.constant 0 : index
    %get3A_4 = vector.load %arg5[%get3A_2, %get3A_3] : memref<128x128xf32, #tpu.memory_space<vmem>>, vector<128x128xf32>
    %dot_general3A = arith.constant dense<0.000000e+00> : vector<1000x128xf32>
    %dot_general3A_5 = tpu.matmul %get3A_1, %get3A_4, %dot_general3A {dimension_numbers = #tpu.dot_dimension_numbers<[1], [0], [0], [1], [0, 0, 1, 1], [], []>, transpose_lhs_hint = false} : vector<1000x128xf32>, vector<128x128xf32>, vector<1000x128xf32> -> vector<1000x128xf32>
    %get3A_6 = arith.constant 0 : index
    %get3A_7 = arith.constant 0 : index
    %get3A_8 = vector.load %arg3[%get3A_6, %get3A_7] : memref<128x128xf32, #tpu.memory_space<vmem>>, vector<128x128xf32>
    %dot_general3A_9 = arith.constant dense<0.000000e+00> : vector<1000x128xf32>
    %dot_general3A_10 = tpu.matmul %get3A_1, %get3A_8, %dot_general3A_9 {dimension_numbers = #tpu.dot_dimension_numbers<[1], [0], [0], [1], [0, 0, 1, 1], [], []>, transpose_lhs_hint = false} : vector<1000x128xf32>, vector<128x128xf32>, vector<1000x128xf32> -> vector<1000x128xf32>
    %get3A_11 = arith.constant 0 : index
    %get3A_12 = arith.constant 0 : index
    %get3A_13 = vector.load %arg4[%get3A_11, %get3A_12] : memref<1x128xf32, #tpu.memory_space<vmem>>, vector<1x128xf32>
    %add3A = vector.broadcast %get3A_13 : vector<1x128xf32> to vector<1000x128xf32>
    %add3A_14 = arith.addf %dot_general3A_10, %add3A : vector<1000x128xf32>
    %get3A_15 = arith.constant 0 : index
    %get3A_16 = arith.constant 0 : index
    %get3A_17 = vector.load %arg2[%get3A_15, %get3A_16] : memref<1000x3xf32, #tpu.memory_space<vmem>>, vector<1000x3xf32>
    %broadcast_in_dim3A = arith.constant 0.000000e+00 : f32
    %broadcast_in_dim3A_18 = vector.broadcast %broadcast_in_dim3A : f32 to vector<1000x125xf32>
    %concatenate3A = tpu.concatenate %get3A_17, %broadcast_in_dim3A_18 in 1 : vector<1000x3xf32>, vector<1000x125xf32> -> vector<1000x128xf32>
    %concatenate3A_19 = tpu.concatenate %dot_general3A_5, %concatenate3A in 1 : vector<1000x128xf32>, vector<1000x128xf32> -> vector<1000x256xf32>
    %swap3A = arith.constant 0 : index
    %swap3A_20 = arith.constant 0 : index
    %swap3A_21 = vector.load %arg6[%swap3A, %swap3A_20] : memref<1000x256xf32, #tpu.memory_space<vmem>>, vector<1000x256xf32>
    tpu.vector_store %arg6[%swap3A, %swap3A_20], %concatenate3A_19 {strides = array<i32>} : memref<1000x256xf32, #tpu.memory_space<vmem>>, vector<1000x256xf32>,
    %concatenate3A_22 = tpu.concatenate %add3A_14, %concatenate3A in 1 : vector<1000x128xf32>, vector<1000x128xf32> -> vector<1000x256xf32>
    %swap3A_23 = arith.constant 0 : index
    %swap3A_24 = arith.constant 0 : index
    %swap3A_25 = vector.load %arg7[%swap3A_23, %swap3A_24] : memref<1000x256xf32, #tpu.memory_space<vmem>>, vector<1000x256xf32>
    tpu.vector_store %arg7[%swap3A_23, %swap3A_24], %concatenate3A_22 {strides = array<i32>} : memref<1000x256xf32, #tpu.memory_space<vmem>>, vector<1000x256xf32>,
    return
  }
  func.func @transform_0(%arg0: i32) -> (i32, i32) {
    %c0_i32 = arith.constant 0 : i32
    %c0_i32_0 = arith.constant 0 : i32
    return %arg0, %c0_i32 : i32, i32
  }
  func.func @transform_1(%arg0: i32) -> (i32, i32) {
    %c0_i32 = arith.constant 0 : i32
    %c0_i32_0 = arith.constant 0 : i32
    return %arg0, %c0_i32 : i32, i32
  }
  func.func @transform_2(%arg0: i32) -> (i32, i32) {
    %c0_i32 = arith.constant 0 : i32
    %c0_i32_0 = arith.constant 0 : i32
    %c0_i32_1 = arith.constant 0 : i32
    return %c0_i32, %c0_i32_0 : i32, i32
  }
  func.func @transform_3(%arg0: i32) -> (i32, i32) {
    %c0_i32 = arith.constant 0 : i32
    %c0_i32_0 = arith.constant 0 : i32
    %c0_i32_1 = arith.constant 0 : i32
    return %c0_i32, %c0_i32_0 : i32, i32
  }
  func.func @transform_4(%arg0: i32) -> (i32, i32) {
    %c0_i32 = arith.constant 0 : i32
    %c0_i32_0 = arith.constant 0 : i32
    %c0_i32_1 = arith.constant 0 : i32
    return %c0_i32, %c0_i32_0 : i32, i32
  }
  func.func @transform_5(%arg0: i32) -> (i32, i32) {
    %c0_i32 = arith.constant 0 : i32
    %c0_i32_0 = arith.constant 0 : i32
    return %arg0, %c0_i32 : i32, i32
  }
  func.func @transform_6(%arg0: i32) -> (i32, i32) {
    %c0_i32 = arith.constant 0 : i32
    %c0_i32_0 = arith.constant 0 : i32
    return %arg0, %c0_i32 : i32, i32
  }
}

module attributes {stable_mosaic.version = 14 : i64} {
  func.func @_edge_mlp(%arg0: i32, %arg1: memref<2000x256xf32, #tpu.memory_space<vmem>>, %arg2: memref<2000x256xf32, #tpu.memory_space<vmem>>, %arg3: memref<2000x4xf32, #tpu.memory_space<vmem>>, %arg4: memref<64x128xf32, #tpu.memory_space<vmem>>, %arg5: memref<1x128xf32, #tpu.memory_space<vmem>>, %arg6: memref<1x128xf32, #tpu.memory_space<vmem>>, %arg7: memref<1x128xf32, #tpu.memory_space<vmem>>, %arg8: memref<128x256xf32, #tpu.memory_space<vmem>>, %arg9: memref<1x256xf32, #tpu.memory_space<vmem>>, %arg10: memref<64x128xf32, #tpu.memory_space<vmem>>, %arg11: memref<1x128xf32, #tpu.memory_space<vmem>>, %arg12: memref<1x128xf32, #tpu.memory_space<vmem>>, %arg13: memref<1x128xf32, #tpu.memory_space<vmem>>, %arg14: memref<128x16xf32, #tpu.memory_space<vmem>>, %arg15: memref<1x16xf32, #tpu.memory_space<vmem>>, %arg16: memref<2000x128xf32, #tpu.memory_space<vmem>>, %arg17: memref<2000x128xf32, #tpu.memory_space<vmem>>) attributes {dimension_semantics = [#tpu.dimension_semantics<arbitrary>], iteration_bounds = array<i64: 80>, scalar_prefetch = 0 : i64, scratch_operands = 0 : i64, tpu.core_type = #tpu.core_type<tc>, window_params = [{transform_indices = @transform_0, window_bounds = array<i64: 2000, 256>}, {transform_indices = @transform_1, window_bounds = array<i64: 2000, 256>}, {transform_indices = @transform_2, window_bounds = array<i64: 2000, 4>}, {pipeline_mode = #tpu.pipeline_mode<synchronous>, transform_indices = @transform_3, window_bounds = array<i64: 64, 128>}, {pipeline_mode = #tpu.pipeline_mode<synchronous>, transform_indices = @transform_4, window_bounds = array<i64: 1, 128>}, {pipeline_mode = #tpu.pipeline_mode<synchronous>, transform_indices = @transform_5, window_bounds = array<i64: 1, 128>}, {pipeline_mode = #tpu.pipeline_mode<synchronous>, transform_indices = @transform_6, window_bounds = array<i64: 1, 128>}, {pipeline_mode = #tpu.pipeline_mode<synchronous>, transform_indices = @transform_7, window_bounds = array<i64: 128, 256>}, {pipeline_mode = #tpu.pipeline_mode<synchronous>, transform_indices = @transform_8, window_bounds = array<i64: 1, 256>}, {pipeline_mode = #tpu.pipeline_mode<synchronous>, transform_indices = @transform_9, window_bounds = array<i64: 64, 128>}, {pipeline_mode = #tpu.pipeline_mode<synchronous>, transform_indices = @transform_10, window_bounds = array<i64: 1, 128>}, {pipeline_mode = #tpu.pipeline_mode<synchronous>, transform_indices = @transform_11, window_bounds = array<i64: 1, 128>}, {pipeline_mode = #tpu.pipeline_mode<synchronous>, transform_indices = @transform_12, window_bounds = array<i64: 1, 128>}, {pipeline_mode = #tpu.pipeline_mode<synchronous>, transform_indices = @transform_13, window_bounds = array<i64: 128, 16>}, {pipeline_mode = #tpu.pipeline_mode<synchronous>, transform_indices = @transform_14, window_bounds = array<i64: 1, 16>}, {transform_indices = @transform_15, window_bounds = array<i64: 2000, 128>}, {transform_indices = @transform_16, window_bounds = array<i64: 2000, 128>}]} {
    %get3A = arith.constant 0 : index
    %get3A_0 = arith.constant 0 : index
    %get3A_1 = vector.load %arg1[%get3A, %get3A_0] : memref<2000x256xf32, #tpu.memory_space<vmem>>, vector<2000x256xf32>
    %get3A_2 = arith.constant 0 : index
    %get3A_3 = arith.constant 0 : index
    %get3A_4 = vector.load %arg2[%get3A_2, %get3A_3] : memref<2000x256xf32, #tpu.memory_space<vmem>>, vector<2000x256xf32>
    %slice3A = vector.extract_strided_slice %get3A_1 {offsets = [0, 128], sizes = [2000, 3], strides = [1, 1]} : vector<2000x256xf32> to vector<2000x3xf32>
    %slice3A_5 = vector.extract_strided_slice %get3A_4 {offsets = [0, 128], sizes = [2000, 3], strides = [1, 1]} : vector<2000x256xf32> to vector<2000x3xf32>
    %sub3A = arith.subf %slice3A_5, %slice3A : vector<2000x3xf32>
    %mul3A = arith.mulf %sub3A, %sub3A : vector<2000x3xf32>
    %reduce_sum3A = arith.constant dense<0.000000e+00> : vector<2000xf32>
    %reduce_sum3A_6 = vector.multi_reduction <add>, %mul3A, %reduce_sum3A [1] : vector<2000x3xf32> to vector<2000xf32>
    %broadcast_in_dim3A = vector.shape_cast %reduce_sum3A_6 : vector<2000xf32> to vector<2000x1xf32>
    %add3A = arith.constant 9.99999993E-9 : f32
    %add3A_7 = vector.broadcast %add3A : f32 to vector<2000x1xf32>
    %add3A_8 = arith.addf %broadcast_in_dim3A, %add3A_7 : vector<2000x1xf32>
    %sqrt3A = math.sqrt %add3A_8 : vector<2000x1xf32>
    %iota3A = tpu.iota {dimensions = array<i32: 1>} : vector<1x16xi32>
    %convert_element_type3A = arith.sitofp %iota3A : vector<1x16xi32> to vector<1x16xf32>
    %mul3A_9 = arith.constant 0.666666686 : f32
    %mul3A_10 = vector.broadcast %mul3A_9 : f32 to vector<1x16xf32>
    %mul3A_11 = arith.mulf %convert_element_type3A, %mul3A_10 : vector<1x16xf32>
    %sub3A_12 = vector.broadcast %sqrt3A : vector<2000x1xf32> to vector<2000x16xf32>
    %sub3A_13 = vector.broadcast %mul3A_11 : vector<1x16xf32> to vector<2000x16xf32>
    %sub3A_14 = arith.subf %sub3A_12, %sub3A_13 : vector<2000x16xf32>
    %integer_pow3A = arith.mulf %sub3A_14, %sub3A_14 : vector<2000x16xf32>
    %mul3A_15 = arith.constant -1.125000e+00 : f32
    %mul3A_16 = vector.broadcast %mul3A_15 : f32 to vector<2000x16xf32>
    %mul3A_17 = arith.mulf %mul3A_16, %integer_pow3A : vector<2000x16xf32>
    %exp3A = math.exp %mul3A_17 : vector<2000x16xf32>
    %iota3A_18 = tpu.iota {dimensions = array<i32: 1>} : vector<16x64xi32>
    %iota3A_19 = tpu.iota {dimensions = array<i32: 0>} : vector<16x64xi32>
    %jit3A = arith.constant 4 : i32
    %div3A = vector.broadcast %jit3A : i32 to vector<16x64xi32>
    %div3A_20 = arith.divsi %iota3A_18, %div3A : vector<16x64xi32>
    %sign3A = arith.constant 0 : i32
    %sign3A_21 = vector.broadcast %sign3A : i32 to vector<16x64xi32>
    %sign3A_22 = arith.cmpi sgt, %iota3A_18, %sign3A_21 : vector<16x64xi32>
    %sign3A_23 = arith.extui %sign3A_22 : vector<16x64xi1> to vector<16x64xi32>
    %sign3A_24 = arith.constant 0 : i32
    %sign3A_25 = vector.broadcast %sign3A_24 : i32 to vector<16x64xi32>
    %sign3A_26 = arith.cmpi slt, %iota3A_18, %sign3A_25 : vector<16x64xi32>
    %sign3A_27 = arith.extui %sign3A_26 : vector<16x64xi1> to vector<16x64xi32>
    %sign3A_28 = arith.subi %sign3A_23, %sign3A_27 : vector<16x64xi32>
    %sign3A_29 = arith.constant 0 : i32
    %sign3A_30 = arith.cmpi sgt, %jit3A, %sign3A_29 : i32
    %sign3A_31 = arith.extui %sign3A_30 : i1 to i32
    %sign3A_32 = arith.constant 0 : i32
    %sign3A_33 = arith.cmpi slt, %jit3A, %sign3A_32 : i32
    %sign3A_34 = arith.extui %sign3A_33 : i1 to i32
    %sign3A_35 = arith.subi %sign3A_31, %sign3A_34 : i32
    %ne3A = vector.broadcast %sign3A_35 : i32 to vector<16x64xi32>
    %ne3A_36 = arith.cmpi ne, %sign3A_28, %ne3A : vector<16x64xi32>
    %rem3A = vector.broadcast %jit3A : i32 to vector<16x64xi32>
    %rem3A_37 = arith.remsi %iota3A_18, %rem3A : vector<16x64xi32>
    %ne3A_38 = arith.constant 0 : i32
    %ne3A_39 = vector.broadcast %ne3A_38 : i32 to vector<16x64xi32>
    %ne3A_40 = arith.cmpi ne, %rem3A_37, %ne3A_39 : vector<16x64xi32>
    %and3A = arith.andi %ne3A_36, %ne3A_40 : vector<16x64xi1>
    %sub3A_41 = arith.constant 1 : i32
    %sub3A_42 = vector.broadcast %sub3A_41 : i32 to vector<16x64xi32>
    %sub3A_43 = arith.subi %div3A_20, %sub3A_42 : vector<16x64xi32>
    %select_n3A = arith.select %and3A, %sub3A_43, %div3A_20 : vector<16x64xi1>, vector<16x64xi32>
    %eq3A = arith.cmpi eq, %select_n3A, %iota3A_19 : vector<16x64xi32>
    %convert_element_type3A_44 = arith.extui %eq3A : vector<16x64xi1> to vector<16x64xi32>
    %convert_element_type3A_45 = arith.sitofp %convert_element_type3A_44 : vector<16x64xi32> to vector<16x64xf32>
    %iota3A_46 = tpu.iota {dimensions = array<i32: 1>} : vector<4x64xi32>
    %iota3A_47 = tpu.iota {dimensions = array<i32: 0>} : vector<4x64xi32>
    %jit3A_48 = arith.constant 4 : i32
    %eq3A_49 = arith.constant 0 : i32
    %eq3A_50 = arith.cmpi eq, %jit3A_48, %eq3A_49 : i32
    %jit3A_51 = arith.constant 1 : i32
    %select_n3A_52 = arith.select %eq3A_50, %jit3A_51, %jit3A_48 : i32
    %rem3A_53 = vector.broadcast %select_n3A_52 : i32 to vector<4x64xi32>
    %rem3A_54 = arith.remsi %iota3A_46, %rem3A_53 : vector<4x64xi32>
    %ne3A_55 = arith.constant 0 : i32
    %ne3A_56 = vector.broadcast %ne3A_55 : i32 to vector<4x64xi32>
    %ne3A_57 = arith.cmpi ne, %rem3A_54, %ne3A_56 : vector<4x64xi32>
    %lt3A = arith.constant 0 : i32
    %lt3A_58 = vector.broadcast %lt3A : i32 to vector<4x64xi32>
    %lt3A_59 = arith.cmpi slt, %rem3A_54, %lt3A_58 : vector<4x64xi32>
    %lt3A_60 = arith.constant 0 : i32
    %lt3A_61 = arith.cmpi slt, %select_n3A_52, %lt3A_60 : i32
    %ne3A_62 = vector.broadcast %lt3A_61 : i1 to vector<4x64xi1>
    %ne3A_63 = vector.broadcast %ne3A_62 : vector<4x64xi1> to vector<4x64xi1>
    %ne3A_64 = arith.xori %lt3A_59, %ne3A_63 : vector<4x64xi1>
    %and3A_65 = arith.andi %ne3A_64, %ne3A_57 : vector<4x64xi1>
    %add3A_66 = vector.broadcast %select_n3A_52 : i32 to vector<4x64xi32>
    %add3A_67 = arith.addi %rem3A_54, %add3A_66 : vector<4x64xi32>
    %select_n3A_68 = arith.select %and3A_65, %add3A_67, %rem3A_54 : vector<4x64xi1>, vector<4x64xi32>
    %eq3A_69 = arith.cmpi eq, %select_n3A_68, %iota3A_47 : vector<4x64xi32>
    %convert_element_type3A_70 = arith.extui %eq3A_69 : vector<4x64xi1> to vector<4x64xi32>
    %convert_element_type3A_71 = arith.sitofp %convert_element_type3A_70 : vector<4x64xi32> to vector<4x64xf32>
    %dot_general3A = arith.constant dense<0.000000e+00> : vector<2000x64xf32>
    %dot_general3A_72 = tpu.matmul %exp3A, %convert_element_type3A_45, %dot_general3A {dimension_numbers = #tpu.dot_dimension_numbers<[1], [0], [0], [1], [0, 0, 1, 1], [], []>, transpose_lhs_hint = false} : vector<2000x16xf32>, vector<16x64xf32>, vector<2000x64xf32> -> vector<2000x64xf32>
    %get3A_73 = arith.constant 0 : index
    %get3A_74 = arith.constant 0 : index
    %get3A_75 = vector.load %arg3[%get3A_73, %get3A_74] : memref<2000x4xf32, #tpu.memory_space<vmem>>, vector<2000x4xf32>
    %dot_general3A_76 = arith.constant dense<0.000000e+00> : vector<2000x64xf32>
    %dot_general3A_77 = tpu.matmul %get3A_75, %convert_element_type3A_71, %dot_general3A_76 {dimension_numbers = #tpu.dot_dimension_numbers<[1], [0], [0], [1], [0, 0, 1, 1], [], []>, transpose_lhs_hint = false} : vector<2000x4xf32>, vector<4x64xf32>, vector<2000x64xf32> -> vector<2000x64xf32>
    %mul3A_78 = arith.mulf %dot_general3A_72, %dot_general3A_77 : vector<2000x64xf32>
    %slice3A_79 = vector.extract_strided_slice %get3A_1 {offsets = [0, 0], sizes = [2000, 128], strides = [1, 1]} : vector<2000x256xf32> to vector<2000x128xf32>
    %get3A_80 = arith.constant 0 : index
    %get3A_81 = arith.constant 0 : index
    %get3A_82 = vector.load %arg4[%get3A_80, %get3A_81] : memref<64x128xf32, #tpu.memory_space<vmem>>, vector<64x128xf32>
    %dot_general3A_83 = arith.constant dense<0.000000e+00> : vector<2000x128xf32>
    %dot_general3A_84 = tpu.matmul %mul3A_78, %get3A_82, %dot_general3A_83 {dimension_numbers = #tpu.dot_dimension_numbers<[1], [0], [0], [1], [0, 0, 1, 1], [], []>, transpose_lhs_hint = false} : vector<2000x64xf32>, vector<64x128xf32>, vector<2000x128xf32> -> vector<2000x128xf32>
    %add3A_85 = arith.addf %slice3A_79, %dot_general3A_84 : vector<2000x128xf32>
    %get3A_86 = arith.constant 0 : index
    %get3A_87 = arith.constant 0 : index
    %get3A_88 = vector.load %arg5[%get3A_86, %get3A_87] : memref<1x128xf32, #tpu.memory_space<vmem>>, vector<1x128xf32>
    %add3A_89 = vector.broadcast %get3A_88 : vector<1x128xf32> to vector<2000x128xf32>
    %add3A_90 = arith.addf %add3A_85, %add3A_89 : vector<2000x128xf32>
    %get3A_91 = arith.constant 0 : index
    %get3A_92 = arith.constant 0 : index
    %get3A_93 = vector.load %arg6[%get3A_91, %get3A_92] : memref<1x128xf32, #tpu.memory_space<vmem>>, vector<1x128xf32>
    %get3A_94 = arith.constant 0 : index
    %get3A_95 = arith.constant 0 : index
    %get3A_96 = vector.load %arg7[%get3A_94, %get3A_95] : memref<1x128xf32, #tpu.memory_space<vmem>>, vector<1x128xf32>
    %reduce_sum3A_97 = arith.constant dense<0.000000e+00> : vector<2000xf32>
    %reduce_sum3A_98 = vector.multi_reduction <add>, %add3A_90, %reduce_sum3A_97 [1] : vector<2000x128xf32> to vector<2000xf32>
    %broadcast_in_dim3A_99 = vector.shape_cast %reduce_sum3A_98 : vector<2000xf32> to vector<2000x1xf32>
    %div3A_100 = arith.constant 1.280000e+02 : f32
    %div3A_101 = vector.broadcast %div3A_100 : f32 to vector<2000x1xf32>
    %div3A_102 = arith.divf %broadcast_in_dim3A_99, %div3A_101 : vector<2000x1xf32>
    %sub3A_103 = vector.broadcast %div3A_102 : vector<2000x1xf32> to vector<2000x128xf32>
    %sub3A_104 = arith.subf %add3A_90, %sub3A_103 : vector<2000x128xf32>
    %integer_pow3A_105 = arith.mulf %sub3A_104, %sub3A_104 : vector<2000x128xf32>
    %reduce_sum3A_106 = arith.constant dense<0.000000e+00> : vector<2000xf32>
    %reduce_sum3A_107 = vector.multi_reduction <add>, %integer_pow3A_105, %reduce_sum3A_106 [1] : vector<2000x128xf32> to vector<2000xf32>
    %broadcast_in_dim3A_108 = vector.shape_cast %reduce_sum3A_107 : vector<2000xf32> to vector<2000x1xf32>
    %div3A_109 = arith.constant 1.280000e+02 : f32
    %div3A_110 = vector.broadcast %div3A_109 : f32 to vector<2000x1xf32>
    %div3A_111 = arith.divf %broadcast_in_dim3A_108, %div3A_110 : vector<2000x1xf32>
    %sub3A_112 = vector.broadcast %div3A_102 : vector<2000x1xf32> to vector<2000x128xf32>
    %sub3A_113 = arith.subf %add3A_90, %sub3A_112 : vector<2000x128xf32>
    %add3A_114 = arith.constant 9.99999974E-6 : f32
    %add3A_115 = vector.broadcast %add3A_114 : f32 to vector<2000x1xf32>
    %add3A_116 = arith.addf %div3A_111, %add3A_115 : vector<2000x1xf32>
    %rsqrt3A = math.rsqrt %add3A_116 : vector<2000x1xf32>
    %mul3A_117 = vector.broadcast %rsqrt3A : vector<2000x1xf32> to vector<2000x128xf32>
    %mul3A_118 = arith.mulf %sub3A_113, %mul3A_117 : vector<2000x128xf32>
    %mul3A_119 = vector.broadcast %get3A_93 : vector<1x128xf32> to vector<2000x128xf32>
    %mul3A_120 = arith.mulf %mul3A_118, %mul3A_119 : vector<2000x128xf32>
    %add3A_121 = vector.broadcast %get3A_96 : vector<1x128xf32> to vector<2000x128xf32>
    %add3A_122 = arith.addf %mul3A_120, %add3A_121 : vector<2000x128xf32>
    %max3A = arith.constant 0.000000e+00 : f32
    %max3A_123 = vector.broadcast %max3A : f32 to vector<2000x128xf32>
    %max3A_124 = arith.maximumf %add3A_122, %max3A_123 : vector<2000x128xf32>
    %get3A_125 = arith.constant 0 : index
    %get3A_126 = arith.constant 0 : index
    %get3A_127 = vector.load %arg8[%get3A_125, %get3A_126] : memref<128x256xf32, #tpu.memory_space<vmem>>, vector<128x256xf32>
    %dot_general3A_128 = arith.constant dense<0.000000e+00> : vector<2000x256xf32>
    %dot_general3A_129 = tpu.matmul %max3A_124, %get3A_127, %dot_general3A_128 {dimension_numbers = #tpu.dot_dimension_numbers<[1], [0], [0], [1], [0, 0, 1, 1], [], []>, transpose_lhs_hint = false} : vector<2000x128xf32>, vector<128x256xf32>, vector<2000x256xf32> -> vector<2000x256xf32>
    %get3A_130 = arith.constant 0 : index
    %get3A_131 = arith.constant 0 : index
    %get3A_132 = vector.load %arg9[%get3A_130, %get3A_131] : memref<1x256xf32, #tpu.memory_space<vmem>>, vector<1x256xf32>
    %add3A_133 = vector.broadcast %get3A_132 : vector<1x256xf32> to vector<2000x256xf32>
    %add3A_134 = arith.addf %dot_general3A_129, %add3A_133 : vector<2000x256xf32>
    %slice3A_135 = vector.extract_strided_slice %add3A_134 {offsets = [0, 0], sizes = [2000, 128], strides = [1, 1]} : vector<2000x256xf32> to vector<2000x128xf32>
    %slice3A_136 = vector.extract_strided_slice %add3A_134 {offsets = [0, 128], sizes = [2000, 128], strides = [1, 1]} : vector<2000x256xf32> to vector<2000x128xf32>
    %slice3A_137 = vector.extract_strided_slice %get3A_4 {offsets = [0, 0], sizes = [2000, 128], strides = [1, 1]} : vector<2000x256xf32> to vector<2000x128xf32>
    %iota3A_138 = tpu.iota {dimensions = array<i32: 0>} : vector<128x16xi32>
    %iota3A_139 = tpu.iota {dimensions = array<i32: 1>} : vector<128x16xi32>
    %jit3A_140 = arith.constant 8 : i32
    %div3A_141 = vector.broadcast %jit3A_140 : i32 to vector<128x16xi32>
    %div3A_142 = arith.divsi %iota3A_138, %div3A_141 : vector<128x16xi32>
    %sign3A_143 = arith.constant 0 : i32
    %sign3A_144 = vector.broadcast %sign3A_143 : i32 to vector<128x16xi32>
    %sign3A_145 = arith.cmpi sgt, %iota3A_138, %sign3A_144 : vector<128x16xi32>
    %sign3A_146 = arith.extui %sign3A_145 : vector<128x16xi1> to vector<128x16xi32>
    %sign3A_147 = arith.constant 0 : i32
    %sign3A_148 = vector.broadcast %sign3A_147 : i32 to vector<128x16xi32>
    %sign3A_149 = arith.cmpi slt, %iota3A_138, %sign3A_148 : vector<128x16xi32>
    %sign3A_150 = arith.extui %sign3A_149 : vector<128x16xi1> to vector<128x16xi32>
    %sign3A_151 = arith.subi %sign3A_146, %sign3A_150 : vector<128x16xi32>
    %sign3A_152 = arith.constant 0 : i32
    %sign3A_153 = arith.cmpi sgt, %jit3A_140, %sign3A_152 : i32
    %sign3A_154 = arith.extui %sign3A_153 : i1 to i32
    %sign3A_155 = arith.constant 0 : i32
    %sign3A_156 = arith.cmpi slt, %jit3A_140, %sign3A_155 : i32
    %sign3A_157 = arith.extui %sign3A_156 : i1 to i32
    %sign3A_158 = arith.subi %sign3A_154, %sign3A_157 : i32
    %ne3A_159 = vector.broadcast %sign3A_158 : i32 to vector<128x16xi32>
    %ne3A_160 = arith.cmpi ne, %sign3A_151, %ne3A_159 : vector<128x16xi32>
    %rem3A_161 = vector.broadcast %jit3A_140 : i32 to vector<128x16xi32>
    %rem3A_162 = arith.remsi %iota3A_138, %rem3A_161 : vector<128x16xi32>
    %ne3A_163 = arith.constant 0 : i32
    %ne3A_164 = vector.broadcast %ne3A_163 : i32 to vector<128x16xi32>
    %ne3A_165 = arith.cmpi ne, %rem3A_162, %ne3A_164 : vector<128x16xi32>
    %and3A_166 = arith.andi %ne3A_160, %ne3A_165 : vector<128x16xi1>
    %sub3A_167 = arith.constant 1 : i32
    %sub3A_168 = vector.broadcast %sub3A_167 : i32 to vector<128x16xi32>
    %sub3A_169 = arith.subi %div3A_142, %sub3A_168 : vector<128x16xi32>
    %select_n3A_170 = arith.select %and3A_166, %sub3A_169, %div3A_142 : vector<128x16xi1>, vector<128x16xi32>
    %eq3A_171 = arith.cmpi eq, %select_n3A_170, %iota3A_139 : vector<128x16xi32>
    %convert_element_type3A_172 = arith.extui %eq3A_171 : vector<128x16xi1> to vector<128x16xi32>
    %convert_element_type3A_173 = arith.sitofp %convert_element_type3A_172 : vector<128x16xi32> to vector<128x16xf32>
    %mul3A_174 = arith.mulf %slice3A_137, %slice3A_135 : vector<2000x128xf32>
    %dot_general3A_175 = arith.constant dense<0.000000e+00> : vector<2000x16xf32>
    %dot_general3A_176 = tpu.matmul %mul3A_174, %convert_element_type3A_173, %dot_general3A_175 {dimension_numbers = #tpu.dot_dimension_numbers<[1], [0], [0], [1], [0, 0, 1, 1], [], []>, transpose_lhs_hint = false} : vector<2000x128xf32>, vector<128x16xf32>, vector<2000x16xf32> -> vector<2000x16xf32>
    %mul3A_177 = arith.constant 0.353553385 : f32
    %mul3A_178 = vector.broadcast %mul3A_177 : f32 to vector<2000x16xf32>
    %mul3A_179 = arith.mulf %dot_general3A_176, %mul3A_178 : vector<2000x16xf32>
    %get3A_180 = arith.constant 0 : index
    %get3A_181 = arith.constant 0 : index
    %get3A_182 = vector.load %arg10[%get3A_180, %get3A_181] : memref<64x128xf32, #tpu.memory_space<vmem>>, vector<64x128xf32>
    %dot_general3A_183 = arith.constant dense<0.000000e+00> : vector<2000x128xf32>
    %dot_general3A_184 = tpu.matmul %mul3A_78, %get3A_182, %dot_general3A_183 {dimension_numbers = #tpu.dot_dimension_numbers<[1], [0], [0], [1], [0, 0, 1, 1], [], []>, transpose_lhs_hint = false} : vector<2000x64xf32>, vector<64x128xf32>, vector<2000x128xf32> -> vector<2000x128xf32>
    %get3A_185 = arith.constant 0 : index
    %get3A_186 = arith.constant 0 : index
    %get3A_187 = vector.load %arg11[%get3A_185, %get3A_186] : memref<1x128xf32, #tpu.memory_space<vmem>>, vector<1x128xf32>
    %add3A_188 = vector.broadcast %get3A_187 : vector<1x128xf32> to vector<2000x128xf32>
    %add3A_189 = arith.addf %dot_general3A_184, %add3A_188 : vector<2000x128xf32>
    %get3A_190 = arith.constant 0 : index
    %get3A_191 = arith.constant 0 : index
    %get3A_192 = vector.load %arg12[%get3A_190, %get3A_191] : memref<1x128xf32, #tpu.memory_space<vmem>>, vector<1x128xf32>
    %get3A_193 = arith.constant 0 : index
    %get3A_194 = arith.constant 0 : index
    %get3A_195 = vector.load %arg13[%get3A_193, %get3A_194] : memref<1x128xf32, #tpu.memory_space<vmem>>, vector<1x128xf32>
    %reduce_sum3A_196 = arith.constant dense<0.000000e+00> : vector<2000xf32>
    %reduce_sum3A_197 = vector.multi_reduction <add>, %add3A_189, %reduce_sum3A_196 [1] : vector<2000x128xf32> to vector<2000xf32>
    %broadcast_in_dim3A_198 = vector.shape_cast %reduce_sum3A_197 : vector<2000xf32> to vector<2000x1xf32>
    %div3A_199 = arith.constant 1.280000e+02 : f32
    %div3A_200 = vector.broadcast %div3A_199 : f32 to vector<2000x1xf32>
    %div3A_201 = arith.divf %broadcast_in_dim3A_198, %div3A_200 : vector<2000x1xf32>
    %sub3A_202 = vector.broadcast %div3A_201 : vector<2000x1xf32> to vector<2000x128xf32>
    %sub3A_203 = arith.subf %add3A_189, %sub3A_202 : vector<2000x128xf32>
    %integer_pow3A_204 = arith.mulf %sub3A_203, %sub3A_203 : vector<2000x128xf32>
    %reduce_sum3A_205 = arith.constant dense<0.000000e+00> : vector<2000xf32>
    %reduce_sum3A_206 = vector.multi_reduction <add>, %integer_pow3A_204, %reduce_sum3A_205 [1] : vector<2000x128xf32> to vector<2000xf32>
    %broadcast_in_dim3A_207 = vector.shape_cast %reduce_sum3A_206 : vector<2000xf32> to vector<2000x1xf32>
    %div3A_208 = arith.constant 1.280000e+02 : f32
    %div3A_209 = vector.broadcast %div3A_208 : f32 to vector<2000x1xf32>
    %div3A_210 = arith.divf %broadcast_in_dim3A_207, %div3A_209 : vector<2000x1xf32>
    %sub3A_211 = vector.broadcast %div3A_201 : vector<2000x1xf32> to vector<2000x128xf32>
    %sub3A_212 = arith.subf %add3A_189, %sub3A_211 : vector<2000x128xf32>
    %add3A_213 = arith.constant 9.99999974E-6 : f32
    %add3A_214 = vector.broadcast %add3A_213 : f32 to vector<2000x1xf32>
    %add3A_215 = arith.addf %div3A_210, %add3A_214 : vector<2000x1xf32>
    %rsqrt3A_216 = math.rsqrt %add3A_215 : vector<2000x1xf32>
    %mul3A_217 = vector.broadcast %rsqrt3A_216 : vector<2000x1xf32> to vector<2000x128xf32>
    %mul3A_218 = arith.mulf %sub3A_212, %mul3A_217 : vector<2000x128xf32>
    %mul3A_219 = vector.broadcast %get3A_192 : vector<1x128xf32> to vector<2000x128xf32>
    %mul3A_220 = arith.mulf %mul3A_218, %mul3A_219 : vector<2000x128xf32>
    %add3A_221 = vector.broadcast %get3A_195 : vector<1x128xf32> to vector<2000x128xf32>
    %add3A_222 = arith.addf %mul3A_220, %add3A_221 : vector<2000x128xf32>
    %max3A_223 = arith.constant 0.000000e+00 : f32
    %max3A_224 = vector.broadcast %max3A_223 : f32 to vector<2000x128xf32>
    %max3A_225 = arith.maximumf %add3A_222, %max3A_224 : vector<2000x128xf32>
    %get3A_226 = arith.constant 0 : index
    %get3A_227 = arith.constant 0 : index
    %get3A_228 = vector.load %arg14[%get3A_226, %get3A_227] : memref<128x16xf32, #tpu.memory_space<vmem>>, vector<128x16xf32>
    %dot_general3A_229 = arith.constant dense<0.000000e+00> : vector<2000x16xf32>
    %dot_general3A_230 = tpu.matmul %max3A_225, %get3A_228, %dot_general3A_229 {dimension_numbers = #tpu.dot_dimension_numbers<[1], [0], [0], [1], [0, 0, 1, 1], [], []>, transpose_lhs_hint = false} : vector<2000x128xf32>, vector<128x16xf32>, vector<2000x16xf32> -> vector<2000x16xf32>
    %get3A_231 = arith.constant 0 : index
    %get3A_232 = arith.constant 0 : index
    %get3A_233 = vector.load %arg15[%get3A_231, %get3A_232] : memref<1x16xf32, #tpu.memory_space<vmem>>, vector<1x16xf32>
    %add3A_234 = vector.broadcast %get3A_233 : vector<1x16xf32> to vector<2000x16xf32>
    %add3A_235 = arith.addf %dot_general3A_230, %add3A_234 : vector<2000x16xf32>
    %add3A_236 = arith.addf %mul3A_179, %add3A_235 : vector<2000x16xf32>
    %exp3A_237 = math.exp %add3A_236 : vector<2000x16xf32>
    %add3A_238 = arith.constant 1.000000e+00 : f32
    %add3A_239 = vector.broadcast %add3A_238 : f32 to vector<2000x1xf32>
    %add3A_240 = arith.addf %sqrt3A, %add3A_239 : vector<2000x1xf32>
    %div3A_241 = vector.broadcast %add3A_240 : vector<2000x1xf32> to vector<2000x3xf32>
    %div3A_242 = arith.divf %sub3A, %div3A_241 : vector<2000x3xf32>
    %broadcast_in_dim3A_243 = arith.constant 0.000000e+00 : f32
    %broadcast_in_dim3A_244 = vector.broadcast %broadcast_in_dim3A_243 : f32 to vector<2000x109xf32>
    %concatenate3A = tpu.concatenate %exp3A_237, %div3A_242, %broadcast_in_dim3A_244 in 1 : vector<2000x16xf32>, vector<2000x3xf32>, vector<2000x109xf32> -> vector<2000x128xf32>
    %swap3A = arith.constant 0 : index
    %swap3A_245 = arith.constant 0 : index
    %swap3A_246 = vector.load %arg16[%swap3A, %swap3A_245] : memref<2000x128xf32, #tpu.memory_space<vmem>>, vector<2000x128xf32>
    tpu.vector_store %arg16[%swap3A, %swap3A_245], %concatenate3A {strides = array<i32>} : memref<2000x128xf32, #tpu.memory_space<vmem>>, vector<2000x128xf32>,
    %swap3A_247 = arith.constant 0 : index
    %swap3A_248 = arith.constant 0 : index
    %swap3A_249 = vector.load %arg17[%swap3A_247, %swap3A_248] : memref<2000x128xf32, #tpu.memory_space<vmem>>, vector<2000x128xf32>
    tpu.vector_store %arg17[%swap3A_247, %swap3A_248], %slice3A_136 {strides = array<i32>} : memref<2000x128xf32, #tpu.memory_space<vmem>>, vector<2000x128xf32>,
    return
  }
  func.func @transform_0(%arg0: i32) -> (i32, i32) {
    %c0_i32 = arith.constant 0 : i32
    %c0_i32_0 = arith.constant 0 : i32
    return %arg0, %c0_i32 : i32, i32
  }
  func.func @transform_1(%arg0: i32) -> (i32, i32) {
    %c0_i32 = arith.constant 0 : i32
    %c0_i32_0 = arith.constant 0 : i32
    return %arg0, %c0_i32 : i32, i32
  }
  func.func @transform_2(%arg0: i32) -> (i32, i32) {
    %c0_i32 = arith.constant 0 : i32
    %c0_i32_0 = arith.constant 0 : i32
    return %arg0, %c0_i32 : i32, i32
  }
  func.func @transform_3(%arg0: i32) -> (i32, i32) {
    %c0_i32 = arith.constant 0 : i32
    %c0_i32_0 = arith.constant 0 : i32
    %c0_i32_1 = arith.constant 0 : i32
    return %c0_i32, %c0_i32_0 : i32, i32
  }
  func.func @transform_4(%arg0: i32) -> (i32, i32) {
    %c0_i32 = arith.constant 0 : i32
    %c0_i32_0 = arith.constant 0 : i32
    %c0_i32_1 = arith.constant 0 : i32
    return %c0_i32, %c0_i32_0 : i32, i32
  }
  func.func @transform_5(%arg0: i32) -> (i32, i32) {
    %c0_i32 = arith.constant 0 : i32
    %c0_i32_0 = arith.constant 0 : i32
    %c0_i32_1 = arith.constant 0 : i32
    return %c0_i32, %c0_i32_0 : i32, i32
  }
  func.func @transform_6(%arg0: i32) -> (i32, i32) {
    %c0_i32 = arith.constant 0 : i32
    %c0_i32_0 = arith.constant 0 : i32
    %c0_i32_1 = arith.constant 0 : i32
    return %c0_i32, %c0_i32_0 : i32, i32
  }
  func.func @transform_7(%arg0: i32) -> (i32, i32) {
    %c0_i32 = arith.constant 0 : i32
    %c0_i32_0 = arith.constant 0 : i32
    %c0_i32_1 = arith.constant 0 : i32
    return %c0_i32, %c0_i32_0 : i32, i32
  }
  func.func @transform_8(%arg0: i32) -> (i32, i32) {
    %c0_i32 = arith.constant 0 : i32
    %c0_i32_0 = arith.constant 0 : i32
    %c0_i32_1 = arith.constant 0 : i32
    return %c0_i32, %c0_i32_0 : i32, i32
  }
  func.func @transform_9(%arg0: i32) -> (i32, i32) {
    %c0_i32 = arith.constant 0 : i32
    %c0_i32_0 = arith.constant 0 : i32
    %c0_i32_1 = arith.constant 0 : i32
    return %c0_i32, %c0_i32_0 : i32, i32
  }
  func.func @transform_10(%arg0: i32) -> (i32, i32) {
    %c0_i32 = arith.constant 0 : i32
    %c0_i32_0 = arith.constant 0 : i32
    %c0_i32_1 = arith.constant 0 : i32
    return %c0_i32, %c0_i32_0 : i32, i32
  }
  func.func @transform_11(%arg0: i32) -> (i32, i32) {
    %c0_i32 = arith.constant 0 : i32
    %c0_i32_0 = arith.constant 0 : i32
    %c0_i32_1 = arith.constant 0 : i32
    return %c0_i32, %c0_i32_0 : i32, i32
  }
  func.func @transform_12(%arg0: i32) -> (i32, i32) {
    %c0_i32 = arith.constant 0 : i32
    %c0_i32_0 = arith.constant 0 : i32
    %c0_i32_1 = arith.constant 0 : i32
    return %c0_i32, %c0_i32_0 : i32, i32
  }
  func.func @transform_13(%arg0: i32) -> (i32, i32) {
    %c0_i32 = arith.constant 0 : i32
    %c0_i32_0 = arith.constant 0 : i32
    %c0_i32_1 = arith.constant 0 : i32
    return %c0_i32, %c0_i32_0 : i32, i32
  }
  func.func @transform_14(%arg0: i32) -> (i32, i32) {
    %c0_i32 = arith.constant 0 : i32
    %c0_i32_0 = arith.constant 0 : i32
    %c0_i32_1 = arith.constant 0 : i32
    return %c0_i32, %c0_i32_0 : i32, i32
  }
  func.func @transform_15(%arg0: i32) -> (i32, i32) {
    %c0_i32 = arith.constant 0 : i32
    %c0_i32_0 = arith.constant 0 : i32
    return %arg0, %c0_i32 : i32, i32
  }
  func.func @transform_16(%arg0: i32) -> (i32, i32) {
    %c0_i32 = arith.constant 0 : i32
    %c0_i32_0 = arith.constant 0 : i32
    return %arg0, %c0_i32 : i32, i32
  }
}

module attributes {stable_mosaic.version = 14 : i64} {
  func.func @_sum2(%arg0: i32, %arg1: memref<1x1000x128xf32, #tpu.memory_space<vmem>>, %arg2: memref<1x1000x128xf32, #tpu.memory_space<vmem>>, %arg3: memref<1000x128xf32, #tpu.memory_space<vmem>>) attributes {dimension_semantics = [#tpu.dimension_semantics<arbitrary>], iteration_bounds = array<i64: 10>, scalar_prefetch = 0 : i64, scratch_operands = 0 : i64, tpu.core_type = #tpu.core_type<tc>, window_params = [{transform_indices = @transform_0, window_bounds = array<i64: 1, 1000, 128>}, {transform_indices = @transform_1, window_bounds = array<i64: 1, 1000, 128>}, {transform_indices = @transform_2, window_bounds = array<i64: 1000, 128>}]} {
    %get3A = arith.constant 0 : index
    %get3A_0 = arith.constant 0 : index
    %get3A_1 = arith.constant 0 : index
    %get3A_2 = vector.load %arg1[%get3A, %get3A_0, %get3A_1] : memref<1x1000x128xf32, #tpu.memory_space<vmem>>, vector<1x1000x128xf32>
    %get3A_3 = vector.shape_cast %get3A_2 : vector<1x1000x128xf32> to vector<1000x128xf32>
    %get3A_4 = arith.constant 0 : index
    %get3A_5 = arith.constant 0 : index
    %get3A_6 = arith.constant 0 : index
    %get3A_7 = vector.load %arg2[%get3A_4, %get3A_5, %get3A_6] : memref<1x1000x128xf32, #tpu.memory_space<vmem>>, vector<1x1000x128xf32>
    %get3A_8 = vector.shape_cast %get3A_7 : vector<1x1000x128xf32> to vector<1000x128xf32>
    %add3A = arith.addf %get3A_3, %get3A_8 : vector<1000x128xf32>
    %swap3A = arith.constant 0 : index
    %swap3A_9 = arith.constant 0 : index
    %swap3A_10 = vector.load %arg3[%swap3A, %swap3A_9] : memref<1000x128xf32, #tpu.memory_space<vmem>>, vector<1000x128xf32>
    tpu.vector_store %arg3[%swap3A, %swap3A_9], %add3A {strides = array<i32>} : memref<1000x128xf32, #tpu.memory_space<vmem>>, vector<1000x128xf32>,
    return
  }
  func.func @transform_0(%arg0: i32) -> (i32, i32, i32) {
    %c0_i32 = arith.constant 0 : i32
    %c0_i32_0 = arith.constant 0 : i32
    %c0_i32_1 = arith.constant 0 : i32
    return %c0_i32, %arg0, %c0_i32_0 : i32, i32, i32
  }
  func.func @transform_1(%arg0: i32) -> (i32, i32, i32) {
    %c1_i32 = arith.constant 1 : i32
    %c0_i32 = arith.constant 0 : i32
    %c0_i32_0 = arith.constant 0 : i32
    return %c1_i32, %arg0, %c0_i32 : i32, i32, i32
  }
  func.func @transform_2(%arg0: i32) -> (i32, i32) {
    %c0_i32 = arith.constant 0 : i32
    %c0_i32_0 = arith.constant 0 : i32
    return %arg0, %c0_i32 : i32, i32
  }
}

module attributes {stable_mosaic.version = 14 : i64} {
  func.func @_edge2(%arg0: i32, %arg1: memref<2000x128xf32, #tpu.memory_space<vmem>>, %arg2: memref<2000x128xf32, #tpu.memory_space<vmem>>, %arg3: memref<2000x128xf32, #tpu.memory_space<vmem>>, %arg4: memref<128x128xf32, #tpu.memory_space<vmem>>, %arg5: memref<1x128xf32, #tpu.memory_space<vmem>>, %arg6: memref<1x128xf32, #tpu.memory_space<vmem>>, %arg7: memref<2000x128xf32, #tpu.memory_space<vmem>>, %arg8: memref<2000x128xf32, #tpu.memory_space<vmem>>) attributes {dimension_semantics = [#tpu.dimension_semantics<arbitrary>], iteration_bounds = array<i64: 80>, scalar_prefetch = 0 : i64, scratch_operands = 0 : i64, tpu.core_type = #tpu.core_type<tc>, window_params = [{transform_indices = @transform_0, window_bounds = array<i64: 2000, 128>}, {transform_indices = @transform_1, window_bounds = array<i64: 2000, 128>}, {transform_indices = @transform_2, window_bounds = array<i64: 2000, 128>}, {pipeline_mode = #tpu.pipeline_mode<synchronous>, transform_indices = @transform_3, window_bounds = array<i64: 128, 128>}, {pipeline_mode = #tpu.pipeline_mode<synchronous>, transform_indices = @transform_4, window_bounds = array<i64: 1, 128>}, {pipeline_mode = #tpu.pipeline_mode<synchronous>, transform_indices = @transform_5, window_bounds = array<i64: 1, 128>}, {transform_indices = @transform_6, window_bounds = array<i64: 2000, 128>}, {transform_indices = @transform_7, window_bounds = array<i64: 2000, 128>}]} {
    %get3A = arith.constant 0 : index
    %get3A_0 = arith.constant 0 : index
    %get3A_1 = vector.load %arg1[%get3A, %get3A_0] : memref<2000x128xf32, #tpu.memory_space<vmem>>, vector<2000x128xf32>
    %slice3A = vector.extract_strided_slice %get3A_1 {offsets = [0, 0], sizes = [2000, 16], strides = [1, 1]} : vector<2000x128xf32> to vector<2000x16xf32>
    %get3A_2 = arith.constant 0 : index
    %get3A_3 = arith.constant 0 : index
    %get3A_4 = vector.load %arg2[%get3A_2, %get3A_3] : memref<2000x128xf32, #tpu.memory_space<vmem>>, vector<2000x128xf32>
    %slice3A_5 = vector.extract_strided_slice %get3A_4 {offsets = [0, 0], sizes = [2000, 16], strides = [1, 1]} : vector<2000x128xf32> to vector<2000x16xf32>
    %add3A = arith.constant 1.000000e-16 : f32
    %add3A_6 = vector.broadcast %add3A : f32 to vector<2000x16xf32>
    %add3A_7 = arith.addf %slice3A_5, %add3A_6 : vector<2000x16xf32>
    %div3A = arith.divf %slice3A, %add3A_7 : vector<2000x16xf32>
    %slice3A_8 = vector.extract_strided_slice %get3A_1 {offsets = [0, 16], sizes = [2000, 3], strides = [1, 1]} : vector<2000x128xf32> to vector<2000x3xf32>
    %iota3A = tpu.iota {dimensions = array<i32: 0>} : vector<16x128xi32>
    %iota3A_9 = tpu.iota {dimensions = array<i32: 1>} : vector<16x128xi32>
    %jit3A = arith.constant 8 : i32
    %div3A_10 = vector.broadcast %jit3A : i32 to vector<16x128xi32>
    %div3A_11 = arith.divsi %iota3A_9, %div3A_10 : vector<16x128xi32>
    %sign3A = arith.constant 0 : i32
    %sign3A_12 = vector.broadcast %sign3A : i32 to vector<16x128xi32>
    %sign3A_13 = arith.cmpi sgt, %iota3A_9, %sign3A_12 : vector<16x128xi32>
    %sign3A_14 = arith.extui %sign3A_13 : vector<16x128xi1> to vector<16x128xi32>
    %sign3A_15 = arith.constant 0 : i32
    %sign3A_16 = vector.broadcast %sign3A_15 : i32 to vector<16x128xi32>
    %sign3A_17 = arith.cmpi slt, %iota3A_9, %sign3A_16 : vector<16x128xi32>
    %sign3A_18 = arith.extui %sign3A_17 : vector<16x128xi1> to vector<16x128xi32>
    %sign3A_19 = arith.subi %sign3A_14, %sign3A_18 : vector<16x128xi32>
    %sign3A_20 = arith.constant 0 : i32
    %sign3A_21 = arith.cmpi sgt, %jit3A, %sign3A_20 : i32
    %sign3A_22 = arith.extui %sign3A_21 : i1 to i32
    %sign3A_23 = arith.constant 0 : i32
    %sign3A_24 = arith.cmpi slt, %jit3A, %sign3A_23 : i32
    %sign3A_25 = arith.extui %sign3A_24 : i1 to i32
    %sign3A_26 = arith.subi %sign3A_22, %sign3A_25 : i32
    %ne3A = vector.broadcast %sign3A_26 : i32 to vector<16x128xi32>
    %ne3A_27 = arith.cmpi ne, %sign3A_19, %ne3A : vector<16x128xi32>
    %rem3A = vector.broadcast %jit3A : i32 to vector<16x128xi32>
    %rem3A_28 = arith.remsi %iota3A_9, %rem3A : vector<16x128xi32>
    %ne3A_29 = arith.constant 0 : i32
    %ne3A_30 = vector.broadcast %ne3A_29 : i32 to vector<16x128xi32>
    %ne3A_31 = arith.cmpi ne, %rem3A_28, %ne3A_30 : vector<16x128xi32>
    %and3A = arith.andi %ne3A_27, %ne3A_31 : vector<16x128xi1>
    %sub3A = arith.constant 1 : i32
    %sub3A_32 = vector.broadcast %sub3A : i32 to vector<16x128xi32>
    %sub3A_33 = arith.subi %div3A_11, %sub3A_32 : vector<16x128xi32>
    %select_n3A = arith.select %and3A, %sub3A_33, %div3A_11 : vector<16x128xi1>, vector<16x128xi32>
    %eq3A = arith.cmpi eq, %select_n3A, %iota3A : vector<16x128xi32>
    %convert_element_type3A = arith.extui %eq3A : vector<16x128xi1> to vector<16x128xi32>
    %convert_element_type3A_34 = arith.sitofp %convert_element_type3A : vector<16x128xi32> to vector<16x128xf32>
    %dot_general3A = arith.constant dense<0.000000e+00> : vector<2000x128xf32>
    %dot_general3A_35 = tpu.matmul %div3A, %convert_element_type3A_34, %dot_general3A {dimension_numbers = #tpu.dot_dimension_numbers<[1], [0], [0], [1], [0, 0, 1, 1], [], []>, transpose_lhs_hint = false} : vector<2000x16xf32>, vector<16x128xf32>, vector<2000x128xf32> -> vector<2000x128xf32>
    %get3A_36 = arith.constant 0 : index
    %get3A_37 = arith.constant 0 : index
    %get3A_38 = vector.load %arg3[%get3A_36, %get3A_37] : memref<2000x128xf32, #tpu.memory_space<vmem>>, vector<2000x128xf32>
    %mul3A = arith.mulf %dot_general3A_35, %get3A_38 : vector<2000x128xf32>
    %get3A_39 = arith.constant 0 : index
    %get3A_40 = arith.constant 0 : index
    %get3A_41 = vector.load %arg4[%get3A_39, %get3A_40] : memref<128x128xf32, #tpu.memory_space<vmem>>, vector<128x128xf32>
    %dot_general3A_42 = arith.constant dense<0.000000e+00> : vector<2000x128xf32>
    %dot_general3A_43 = tpu.matmul %mul3A, %get3A_41, %dot_general3A_42 {dimension_numbers = #tpu.dot_dimension_numbers<[1], [0], [0], [1], [0, 0, 1, 1], [], []>, transpose_lhs_hint = false} : vector<2000x128xf32>, vector<128x128xf32>, vector<2000x128xf32> -> vector<2000x128xf32>
    %get3A_44 = arith.constant 0 : index
    %get3A_45 = arith.constant 0 : index
    %get3A_46 = vector.load %arg5[%get3A_44, %get3A_45] : memref<1x128xf32, #tpu.memory_space<vmem>>, vector<1x128xf32>
    %add3A_47 = vector.broadcast %get3A_46 : vector<1x128xf32> to vector<2000x128xf32>
    %add3A_48 = arith.addf %dot_general3A_43, %add3A_47 : vector<2000x128xf32>
    %logistic3A = arith.negf %add3A_48 : vector<2000x128xf32>
    %logistic3A_49 = math.exp %logistic3A : vector<2000x128xf32>
    %logistic3A_50 = arith.constant 1.000000e+00 : f32
    %logistic3A_51 = vector.broadcast %logistic3A_50 : f32 to vector<2000x128xf32>
    %logistic3A_52 = arith.addf %logistic3A_51, %logistic3A_49 : vector<2000x128xf32>
    %logistic3A_53 = arith.divf %logistic3A_51, %logistic3A_52 : vector<2000x128xf32>
    %mul3A_54 = arith.mulf %add3A_48, %logistic3A_53 : vector<2000x128xf32>
    %get3A_55 = arith.constant 0 : index
    %get3A_56 = arith.constant 0 : index
    %get3A_57 = vector.load %arg6[%get3A_55, %get3A_56] : memref<1x128xf32, #tpu.memory_space<vmem>>, vector<1x128xf32>
    %mul3A_58 = vector.broadcast %get3A_57 : vector<1x128xf32> to vector<2000x128xf32>
    %mul3A_59 = arith.mulf %mul3A_54, %mul3A_58 : vector<2000x128xf32>
    %reduce_sum3A = arith.constant dense<0.000000e+00> : vector<2000xf32>
    %reduce_sum3A_60 = vector.multi_reduction <add>, %mul3A_59, %reduce_sum3A [1] : vector<2000x128xf32> to vector<2000xf32>
    %broadcast_in_dim3A = vector.shape_cast %reduce_sum3A_60 : vector<2000xf32> to vector<2000x1xf32>
    %tanh3A = math.tanh %broadcast_in_dim3A : vector<2000x1xf32>
    %mul3A_61 = vector.broadcast %tanh3A : vector<2000x1xf32> to vector<2000x3xf32>
    %mul3A_62 = arith.mulf %slice3A_8, %mul3A_61 : vector<2000x3xf32>
    %swap3A = arith.constant 0 : index
    %swap3A_63 = arith.constant 0 : index
    %swap3A_64 = vector.load %arg7[%swap3A, %swap3A_63] : memref<2000x128xf32, #tpu.memory_space<vmem>>, vector<2000x128xf32>
    tpu.vector_store %arg7[%swap3A, %swap3A_63], %mul3A {strides = array<i32>} : memref<2000x128xf32, #tpu.memory_space<vmem>>, vector<2000x128xf32>,
    %broadcast_in_dim3A_65 = arith.constant 0.000000e+00 : f32
    %broadcast_in_dim3A_66 = vector.broadcast %broadcast_in_dim3A_65 : f32 to vector<2000x125xf32>
    %concatenate3A = tpu.concatenate %mul3A_62, %broadcast_in_dim3A_66 in 1 : vector<2000x3xf32>, vector<2000x125xf32> -> vector<2000x128xf32>
    %swap3A_67 = arith.constant 0 : index
    %swap3A_68 = arith.constant 0 : index
    %swap3A_69 = vector.load %arg8[%swap3A_67, %swap3A_68] : memref<2000x128xf32, #tpu.memory_space<vmem>>, vector<2000x128xf32>
    tpu.vector_store %arg8[%swap3A_67, %swap3A_68], %concatenate3A {strides = array<i32>} : memref<2000x128xf32, #tpu.memory_space<vmem>>, vector<2000x128xf32>,
    return
  }
  func.func @transform_0(%arg0: i32) -> (i32, i32) {
    %c0_i32 = arith.constant 0 : i32
    %c0_i32_0 = arith.constant 0 : i32
    return %arg0, %c0_i32 : i32, i32
  }
  func.func @transform_1(%arg0: i32) -> (i32, i32) {
    %c0_i32 = arith.constant 0 : i32
    %c0_i32_0 = arith.constant 0 : i32
    return %arg0, %c0_i32 : i32, i32
  }
  func.func @transform_2(%arg0: i32) -> (i32, i32) {
    %c0_i32 = arith.constant 0 : i32
    %c0_i32_0 = arith.constant 0 : i32
    return %arg0, %c0_i32 : i32, i32
  }
  func.func @transform_3(%arg0: i32) -> (i32, i32) {
    %c0_i32 = arith.constant 0 : i32
    %c0_i32_0 = arith.constant 0 : i32
    %c0_i32_1 = arith.constant 0 : i32
    return %c0_i32, %c0_i32_0 : i32, i32
  }
  func.func @transform_4(%arg0: i32) -> (i32, i32) {
    %c0_i32 = arith.constant 0 : i32
    %c0_i32_0 = arith.constant 0 : i32
    %c0_i32_1 = arith.constant 0 : i32
    return %c0_i32, %c0_i32_0 : i32, i32
  }
  func.func @transform_5(%arg0: i32) -> (i32, i32) {
    %c0_i32 = arith.constant 0 : i32
    %c0_i32_0 = arith.constant 0 : i32
    %c0_i32_1 = arith.constant 0 : i32
    return %c0_i32, %c0_i32_0 : i32, i32
  }
  func.func @transform_6(%arg0: i32) -> (i32, i32) {
    %c0_i32 = arith.constant 0 : i32
    %c0_i32_0 = arith.constant 0 : i32
    return %arg0, %c0_i32 : i32, i32
  }
  func.func @transform_7(%arg0: i32) -> (i32, i32) {
    %c0_i32 = arith.constant 0 : i32
    %c0_i32_0 = arith.constant 0 : i32
    return %arg0, %c0_i32 : i32, i32
  }
}

module attributes {stable_mosaic.version = 14 : i64} {
  func.func @_node_post(%arg0: i32, %arg1: memref<1x1000x128xf32, #tpu.memory_space<vmem>>, %arg2: memref<1x1000x128xf32, #tpu.memory_space<vmem>>, %arg3: memref<1x1000x128xf32, #tpu.memory_space<vmem>>, %arg4: memref<1x1000x128xf32, #tpu.memory_space<vmem>>, %arg5: memref<1000x128xf32, #tpu.memory_space<vmem>>, %arg6: memref<1000x3xf32, #tpu.memory_space<vmem>>, %arg7: memref<1000x1xf32, #tpu.memory_space<vmem>>, %arg8: memref<128x128xf32, #tpu.memory_space<vmem>>, %arg9: memref<1x128xf32, #tpu.memory_space<vmem>>, %arg10: memref<256x128xf32, #tpu.memory_space<vmem>>, %arg11: memref<1x128xf32, #tpu.memory_space<vmem>>, %arg12: memref<1x128xf32, #tpu.memory_space<vmem>>, %arg13: memref<1x128xf32, #tpu.memory_space<vmem>>, %arg14: memref<128x128xf32, #tpu.memory_space<vmem>>, %arg15: memref<1x128xf32, #tpu.memory_space<vmem>>, %arg16: memref<1000x128xf32, #tpu.memory_space<vmem>>, %arg17: memref<1000x3xf32, #tpu.memory_space<vmem>>) attributes {dimension_semantics = [#tpu.dimension_semantics<arbitrary>], iteration_bounds = array<i64: 10>, scalar_prefetch = 0 : i64, scratch_operands = 0 : i64, tpu.core_type = #tpu.core_type<tc>, window_params = [{transform_indices = @transform_0, window_bounds = array<i64: 1, 1000, 128>}, {transform_indices = @transform_1, window_bounds = array<i64: 1, 1000, 128>}, {transform_indices = @transform_2, window_bounds = array<i64: 1, 1000, 128>}, {transform_indices = @transform_3, window_bounds = array<i64: 1, 1000, 128>}, {transform_indices = @transform_4, window_bounds = array<i64: 1000, 128>}, {transform_indices = @transform_5, window_bounds = array<i64: 1000, 3>}, {transform_indices = @transform_6, window_bounds = array<i64: 1000, 1>}, {pipeline_mode = #tpu.pipeline_mode<synchronous>, transform_indices = @transform_7, window_bounds = array<i64: 128, 128>}, {pipeline_mode = #tpu.pipeline_mode<synchronous>, transform_indices = @transform_8, window_bounds = array<i64: 1, 128>}, {pipeline_mode = #tpu.pipeline_mode<synchronous>, transform_indices = @transform_9, window_bounds = array<i64: 256, 128>}, {pipeline_mode = #tpu.pipeline_mode<synchronous>, transform_indices = @transform_10, window_bounds = array<i64: 1, 128>}, {pipeline_mode = #tpu.pipeline_mode<synchronous>, transform_indices = @transform_11, window_bounds = array<i64: 1, 128>}, {pipeline_mode = #tpu.pipeline_mode<synchronous>, transform_indices = @transform_12, window_bounds = array<i64: 1, 128>}, {pipeline_mode = #tpu.pipeline_mode<synchronous>, transform_indices = @transform_13, window_bounds = array<i64: 128, 128>}, {pipeline_mode = #tpu.pipeline_mode<synchronous>, transform_indices = @transform_14, window_bounds = array<i64: 1, 128>}, {transform_indices = @transform_15, window_bounds = array<i64: 1000, 128>}, {transform_indices = @transform_16, window_bounds = array<i64: 1000, 3>}]} {
    %get3A = arith.constant 0 : index
    %get3A_0 = arith.constant 0 : index
    %get3A_1 = arith.constant 0 : index
    %get3A_2 = vector.load %arg1[%get3A, %get3A_0, %get3A_1] : memref<1x1000x128xf32, #tpu.memory_space<vmem>>, vector<1x1000x128xf32>
    %get3A_3 = vector.shape_cast %get3A_2 : vector<1x1000x128xf32> to vector<1000x128xf32>
    %get3A_4 = arith.constant 0 : index
    %get3A_5 = arith.constant 0 : index
    %get3A_6 = arith.constant 0 : index
    %get3A_7 = vector.load %arg2[%get3A_4, %get3A_5, %get3A_6] : memref<1x1000x128xf32, #tpu.memory_space<vmem>>, vector<1x1000x128xf32>
    %get3A_8 = vector.shape_cast %get3A_7 : vector<1x1000x128xf32> to vector<1000x128xf32>
    %add3A = arith.addf %get3A_3, %get3A_8 : vector<1000x128xf32>
    %get3A_9 = arith.constant 0 : index
    %get3A_10 = arith.constant 0 : index
    %get3A_11 = arith.constant 0 : index
    %get3A_12 = vector.load %arg3[%get3A_9, %get3A_10, %get3A_11] : memref<1x1000x128xf32, #tpu.memory_space<vmem>>, vector<1x1000x128xf32>
    %get3A_13 = vector.shape_cast %get3A_12 : vector<1x1000x128xf32> to vector<1000x128xf32>
    %get3A_14 = arith.constant 0 : index
    %get3A_15 = arith.constant 0 : index
    %get3A_16 = arith.constant 0 : index
    %get3A_17 = vector.load %arg4[%get3A_14, %get3A_15, %get3A_16] : memref<1x1000x128xf32, #tpu.memory_space<vmem>>, vector<1x1000x128xf32>
    %get3A_18 = vector.shape_cast %get3A_17 : vector<1x1000x128xf32> to vector<1000x128xf32>
    %add3A_19 = arith.addf %get3A_13, %get3A_18 : vector<1000x128xf32>
    %slice3A = vector.extract_strided_slice %add3A_19 {offsets = [0, 0], sizes = [1000, 3], strides = [1, 1]} : vector<1000x128xf32> to vector<1000x3xf32>
    %get3A_20 = arith.constant 0 : index
    %get3A_21 = arith.constant 0 : index
    %get3A_22 = vector.load %arg5[%get3A_20, %get3A_21] : memref<1000x128xf32, #tpu.memory_space<vmem>>, vector<1000x128xf32>
    %get3A_23 = arith.constant 0 : index
    %get3A_24 = arith.constant 0 : index
    %get3A_25 = vector.load %arg8[%get3A_23, %get3A_24] : memref<128x128xf32, #tpu.memory_space<vmem>>, vector<128x128xf32>
    %dot_general3A = arith.constant dense<0.000000e+00> : vector<1000x128xf32>
    %dot_general3A_26 = tpu.matmul %add3A, %get3A_25, %dot_general3A {dimension_numbers = #tpu.dot_dimension_numbers<[1], [0], [0], [1], [0, 0, 1, 1], [], []>, transpose_lhs_hint = false} : vector<1000x128xf32>, vector<128x128xf32>, vector<1000x128xf32> -> vector<1000x128xf32>
    %get3A_27 = arith.constant 0 : index
    %get3A_28 = arith.constant 0 : index
    %get3A_29 = vector.load %arg9[%get3A_27, %get3A_28] : memref<1x128xf32, #tpu.memory_space<vmem>>, vector<1x128xf32>
    %add3A_30 = vector.broadcast %get3A_29 : vector<1x128xf32> to vector<1000x128xf32>
    %add3A_31 = arith.addf %dot_general3A_26, %add3A_30 : vector<1000x128xf32>
    %concatenate3A = tpu.concatenate %add3A_31, %get3A_22 in 1 : vector<1000x128xf32>, vector<1000x128xf32> -> vector<1000x256xf32>
    %get3A_32 = arith.constant 0 : index
    %get3A_33 = arith.constant 0 : index
    %get3A_34 = vector.load %arg10[%get3A_32, %get3A_33] : memref<256x128xf32, #tpu.memory_space<vmem>>, vector<256x128xf32>
    %dot_general3A_35 = arith.constant dense<0.000000e+00> : vector<1000x128xf32>
    %dot_general3A_36 = tpu.matmul %concatenate3A, %get3A_34, %dot_general3A_35 {dimension_numbers = #tpu.dot_dimension_numbers<[1], [0], [0], [1], [0, 0, 1, 1], [], []>, transpose_lhs_hint = false} : vector<1000x256xf32>, vector<256x128xf32>, vector<1000x128xf32> -> vector<1000x128xf32>
    %get3A_37 = arith.constant 0 : index
    %get3A_38 = arith.constant 0 : index
    %get3A_39 = vector.load %arg11[%get3A_37, %get3A_38] : memref<1x128xf32, #tpu.memory_space<vmem>>, vector<1x128xf32>
    %add3A_40 = vector.broadcast %get3A_39 : vector<1x128xf32> to vector<1000x128xf32>
    %add3A_41 = arith.addf %dot_general3A_36, %add3A_40 : vector<1000x128xf32>
    %get3A_42 = arith.constant 0 : index
    %get3A_43 = arith.constant 0 : index
    %get3A_44 = vector.load %arg12[%get3A_42, %get3A_43] : memref<1x128xf32, #tpu.memory_space<vmem>>, vector<1x128xf32>
    %get3A_45 = arith.constant 0 : index
    %get3A_46 = arith.constant 0 : index
    %get3A_47 = vector.load %arg13[%get3A_45, %get3A_46] : memref<1x128xf32, #tpu.memory_space<vmem>>, vector<1x128xf32>
    %reduce_sum3A = arith.constant dense<0.000000e+00> : vector<1000xf32>
    %reduce_sum3A_48 = vector.multi_reduction <add>, %add3A_41, %reduce_sum3A [1] : vector<1000x128xf32> to vector<1000xf32>
    %broadcast_in_dim3A = vector.shape_cast %reduce_sum3A_48 : vector<1000xf32> to vector<1000x1xf32>
    %div3A = arith.constant 1.280000e+02 : f32
    %div3A_49 = vector.broadcast %div3A : f32 to vector<1000x1xf32>
    %div3A_50 = arith.divf %broadcast_in_dim3A, %div3A_49 : vector<1000x1xf32>
    %sub3A = vector.broadcast %div3A_50 : vector<1000x1xf32> to vector<1000x128xf32>
    %sub3A_51 = arith.subf %add3A_41, %sub3A : vector<1000x128xf32>
    %integer_pow3A = arith.mulf %sub3A_51, %sub3A_51 : vector<1000x128xf32>
    %reduce_sum3A_52 = arith.constant dense<0.000000e+00> : vector<1000xf32>
    %reduce_sum3A_53 = vector.multi_reduction <add>, %integer_pow3A, %reduce_sum3A_52 [1] : vector<1000x128xf32> to vector<1000xf32>
    %broadcast_in_dim3A_54 = vector.shape_cast %reduce_sum3A_53 : vector<1000xf32> to vector<1000x1xf32>
    %div3A_55 = arith.constant 1.280000e+02 : f32
    %div3A_56 = vector.broadcast %div3A_55 : f32 to vector<1000x1xf32>
    %div3A_57 = arith.divf %broadcast_in_dim3A_54, %div3A_56 : vector<1000x1xf32>
    %sub3A_58 = vector.broadcast %div3A_50 : vector<1000x1xf32> to vector<1000x128xf32>
    %sub3A_59 = arith.subf %add3A_41, %sub3A_58 : vector<1000x128xf32>
    %add3A_60 = arith.constant 9.99999974E-6 : f32
    %add3A_61 = vector.broadcast %add3A_60 : f32 to vector<1000x1xf32>
    %add3A_62 = arith.addf %div3A_57, %add3A_61 : vector<1000x1xf32>
    %rsqrt3A = math.rsqrt %add3A_62 : vector<1000x1xf32>
    %mul3A = vector.broadcast %rsqrt3A : vector<1000x1xf32> to vector<1000x128xf32>
    %mul3A_63 = arith.mulf %sub3A_59, %mul3A : vector<1000x128xf32>
    %mul3A_64 = vector.broadcast %get3A_44 : vector<1x128xf32> to vector<1000x128xf32>
    %mul3A_65 = arith.mulf %mul3A_63, %mul3A_64 : vector<1000x128xf32>
    %add3A_66 = vector.broadcast %get3A_47 : vector<1x128xf32> to vector<1000x128xf32>
    %add3A_67 = arith.addf %mul3A_65, %add3A_66 : vector<1000x128xf32>
    %max3A = arith.constant 0.000000e+00 : f32
    %max3A_68 = vector.broadcast %max3A : f32 to vector<1000x128xf32>
    %max3A_69 = arith.maximumf %add3A_67, %max3A_68 : vector<1000x128xf32>
    %get3A_70 = arith.constant 0 : index
    %get3A_71 = arith.constant 0 : index
    %get3A_72 = vector.load %arg14[%get3A_70, %get3A_71] : memref<128x128xf32, #tpu.memory_space<vmem>>, vector<128x128xf32>
    %dot_general3A_73 = arith.constant dense<0.000000e+00> : vector<1000x128xf32>
    %dot_general3A_74 = tpu.matmul %max3A_69, %get3A_72, %dot_general3A_73 {dimension_numbers = #tpu.dot_dimension_numbers<[1], [0], [0], [1], [0, 0, 1, 1], [], []>, transpose_lhs_hint = false} : vector<1000x128xf32>, vector<128x128xf32>, vector<1000x128xf32> -> vector<1000x128xf32>
    %get3A_75 = arith.constant 0 : index
    %get3A_76 = arith.constant 0 : index
    %get3A_77 = vector.load %arg15[%get3A_75, %get3A_76] : memref<1x128xf32, #tpu.memory_space<vmem>>, vector<1x128xf32>
    %add3A_78 = vector.broadcast %get3A_77 : vector<1x128xf32> to vector<1000x128xf32>
    %add3A_79 = arith.addf %dot_general3A_74, %add3A_78 : vector<1000x128xf32>
    %add3A_80 = arith.addf %get3A_22, %add3A_79 : vector<1000x128xf32>
    %swap3A = arith.constant 0 : index
    %swap3A_81 = arith.constant 0 : index
    %swap3A_82 = vector.load %arg16[%swap3A, %swap3A_81] : memref<1000x128xf32, #tpu.memory_space<vmem>>, vector<1000x128xf32>
    tpu.vector_store %arg16[%swap3A, %swap3A_81], %add3A_80 {strides = array<i32>} : memref<1000x128xf32, #tpu.memory_space<vmem>>, vector<1000x128xf32>,
    %get3A_83 = arith.constant 0 : index
    %get3A_84 = arith.constant 0 : index
    %get3A_85 = vector.load %arg6[%get3A_83, %get3A_84] : memref<1000x3xf32, #tpu.memory_space<vmem>>, vector<1000x3xf32>
    %get3A_86 = arith.constant 0 : index
    %get3A_87 = arith.constant 0 : index
    %get3A_88 = vector.load %arg7[%get3A_86, %get3A_87] : memref<1000x1xf32, #tpu.memory_space<vmem>>, vector<1000x1xf32>
    %mul3A_89 = vector.broadcast %get3A_88 : vector<1000x1xf32> to vector<1000x3xf32>
    %mul3A_90 = arith.mulf %slice3A, %mul3A_89 : vector<1000x3xf32>
    %add3A_91 = arith.addf %get3A_85, %mul3A_90 : vector<1000x3xf32>
    %swap3A_92 = arith.constant 0 : index
    %swap3A_93 = arith.constant 0 : index
    %swap3A_94 = vector.load %arg17[%swap3A_92, %swap3A_93] : memref<1000x3xf32, #tpu.memory_space<vmem>>, vector<1000x3xf32>
    tpu.vector_store %arg17[%swap3A_92, %swap3A_93], %add3A_91 {strides = array<i32>} : memref<1000x3xf32, #tpu.memory_space<vmem>>, vector<1000x3xf32>,
    return
  }
  func.func @transform_0(%arg0: i32) -> (i32, i32, i32) {
    %c0_i32 = arith.constant 0 : i32
    %c0_i32_0 = arith.constant 0 : i32
    %c0_i32_1 = arith.constant 0 : i32
    return %c0_i32, %arg0, %c0_i32_0 : i32, i32, i32
  }
  func.func @transform_1(%arg0: i32) -> (i32, i32, i32) {
    %c0_i32 = arith.constant 0 : i32
    %c0_i32_0 = arith.constant 0 : i32
    %c0_i32_1 = arith.constant 0 : i32
    return %c0_i32, %arg0, %c0_i32_0 : i32, i32, i32
  }
  func.func @transform_2(%arg0: i32) -> (i32, i32, i32) {
    %c1_i32 = arith.constant 1 : i32
    %c0_i32 = arith.constant 0 : i32
    %c0_i32_0 = arith.constant 0 : i32
    return %c1_i32, %arg0, %c0_i32 : i32, i32, i32
  }
  func.func @transform_3(%arg0: i32) -> (i32, i32, i32) {
    %c1_i32 = arith.constant 1 : i32
    %c0_i32 = arith.constant 0 : i32
    %c0_i32_0 = arith.constant 0 : i32
    return %c1_i32, %arg0, %c0_i32 : i32, i32, i32
  }
  func.func @transform_4(%arg0: i32) -> (i32, i32) {
    %c0_i32 = arith.constant 0 : i32
    %c0_i32_0 = arith.constant 0 : i32
    return %arg0, %c0_i32 : i32, i32
  }
  func.func @transform_5(%arg0: i32) -> (i32, i32) {
    %c0_i32 = arith.constant 0 : i32
    %c0_i32_0 = arith.constant 0 : i32
    return %arg0, %c0_i32 : i32, i32
  }
  func.func @transform_6(%arg0: i32) -> (i32, i32) {
    %c0_i32 = arith.constant 0 : i32
    %c0_i32_0 = arith.constant 0 : i32
    return %arg0, %c0_i32 : i32, i32
  }
  func.func @transform_7(%arg0: i32) -> (i32, i32) {
    %c0_i32 = arith.constant 0 : i32
    %c0_i32_0 = arith.constant 0 : i32
    %c0_i32_1 = arith.constant 0 : i32
    return %c0_i32, %c0_i32_0 : i32, i32
  }
  func.func @transform_8(%arg0: i32) -> (i32, i32) {
    %c0_i32 = arith.constant 0 : i32
    %c0_i32_0 = arith.constant 0 : i32
    %c0_i32_1 = arith.constant 0 : i32
    return %c0_i32, %c0_i32_0 : i32, i32
  }
  func.func @transform_9(%arg0: i32) -> (i32, i32) {
    %c0_i32 = arith.constant 0 : i32
    %c0_i32_0 = arith.constant 0 : i32
    %c0_i32_1 = arith.constant 0 : i32
    return %c0_i32, %c0_i32_0 : i32, i32
  }
  func.func @transform_10(%arg0: i32) -> (i32, i32) {
    %c0_i32 = arith.constant 0 : i32
    %c0_i32_0 = arith.constant 0 : i32
    %c0_i32_1 = arith.constant 0 : i32
    return %c0_i32, %c0_i32_0 : i32, i32
  }
  func.func @transform_11(%arg0: i32) -> (i32, i32) {
    %c0_i32 = arith.constant 0 : i32
    %c0_i32_0 = arith.constant 0 : i32
    %c0_i32_1 = arith.constant 0 : i32
    return %c0_i32, %c0_i32_0 : i32, i32
  }
  func.func @transform_12(%arg0: i32) -> (i32, i32) {
    %c0_i32 = arith.constant 0 : i32
    %c0_i32_0 = arith.constant 0 : i32
    %c0_i32_1 = arith.constant 0 : i32
    return %c0_i32, %c0_i32_0 : i32, i32
  }
  func.func @transform_13(%arg0: i32) -> (i32, i32) {
    %c0_i32 = arith.constant 0 : i32
    %c0_i32_0 = arith.constant 0 : i32
    %c0_i32_1 = arith.constant 0 : i32
    return %c0_i32, %c0_i32_0 : i32, i32
  }
  func.func @transform_14(%arg0: i32) -> (i32, i32) {
    %c0_i32 = arith.constant 0 : i32
    %c0_i32_0 = arith.constant 0 : i32
    %c0_i32_1 = arith.constant 0 : i32
    return %c0_i32, %c0_i32_0 : i32, i32
  }
  func.func @transform_15(%arg0: i32) -> (i32, i32) {
    %c0_i32 = arith.constant 0 : i32
    %c0_i32_0 = arith.constant 0 : i32
    return %arg0, %c0_i32 : i32, i32
  }
  func.func @transform_16(%arg0: i32) -> (i32, i32) {
    %c0_i32 = arith.constant 0 : i32
    %c0_i32_0 = arith.constant 0 : i32
    return %arg0, %c0_i32 : i32, i32
  }
}

</mosaic_0001>

<sc_bundles>
// kernel: kernel.16.cloned.1.call-start
scs
__scs_entry_jumppad:
0x0: {  	(pc) =	sbr.rel $0x88, $3  }
0x1: {  	(tag) =	ssettag $0x0;
	lr =	simm.s32 $0x1  }
0x2: {  	[smem:$0x3F83] =	sst lr;
	_ =	strace $0xD0000000  }
0x3: {  	_ = 	snop  }
0x4: {  	_ = 	snop  }
0x5: {  	_ = 	snop  }
0x6: {  	_ = 	snop  }
0x7: {  	_ = 	snop  }
__scs_overlays_trampoline_lowered:
0x8: {  	[smem:$0x3F92] =	sst s0  }
0x9: {  	[smem:$0x3F93] =	sst s1  }
0xa: {  	[smem:$0x3F94] =	sst s2  }
0xb: {  	[smem:$0x3F95] =	sst s3  }
0xc: {  	[smem:$0x3F96] =	sst s4  }
0xd: {  	[smem:$0x3F97] =	sst s5  }
0xe: {  	[smem:$0x3F98] =	sst s6  }
0xf: {  	[smem:$0x3F99] =	sst s7  }
0x10: {  	[smem:$0x3F9A] =	sst s8  }
0x11: {  	[smem:$0x3F9B] =	sst s9;
	s0 =	simm.s32 @!p0 $0x0  }
0x12: {  	s1 =	sld [smem:$0x3F81];
	s0 =	simm.s32 @p0 $0x1  }
0x13: {  	[smem:$0x3F9C] =	sst s0;
	s0 =	simm.s32 @!p1 $0x0  }
0x14: {  	s2 =	sld [smem:$0x3F80];
	s0 =	simm.s32 @p1 $0x1  }
0x15: {  	[smem:$0x3F9D] =	sst s0;
	s0 =	simm.s32 @!p2 $0x0  }
0x16: {  	s3 =	sld [smem:$0x3FDB];
	s0 =	simm.s32 @p2 $0x1  }
0x17: {  	s4 =	simm.s32 $0x1BF5;
	[smem:$0x3F9F] =	sst s0  }
0x18: {  	s0 =	sld [smem:$0x3F82];
	_ =	swait.ge [sflag:s4], $0x0  }
0x19: {  	s7 =	sld [smem:$0x3F83]  }
0x1a: {  	s8 =	sadd.s32 $0xFFFFE003, lr  }
0x1b: {  	s9 =	sadd.s32 $0xFFFFFEF7, lr;
	s5 =	simm.s32 $0xFFFFFFFF;
	p2 =	slt.u32 s8, $0xFFFFF086  }
0x1c: {  	p1 =	slt.u32 s9, $0xF7A;
	s5 =	simm.s32 @!p2 $0x0  }
0x1d: {  	s5 =	simm.s32 @p1 $0x1;
	p0 =	seq.s32 s7, s2  }
0x1e: {  	s7 =	smul.u32 @!p0 $0xF7A, s2;
	p2 =	seq.s32 @!p0 s5, $0x0  }
0x1f: {  	s9 =	smul.u32 $0xF7A, s1;
	s8 =	simm.s32 @!p0 $0x1BF5;
	p2 =	por !p2, p0  }
0x20: {  	[sflag:s8] =	ssyncset.s32 @!p0 $0xFFFFF086;
	s6 =	sadd.s32 @!p0 s3, s7;
	s7 =	simm.s32 @!p0 $0x108  }
0x21: {  	s3 =	sadd.s32 s3, s9;
	s6 =	sadd.s32 @!p0 $0x88, s6;
	s7 =	simm.s32 @p2 $0x1082  }
0x22: {  	[simem:s7], [sflag:s8] =	dma.local @!p0 [hbm:s6], $0xF7A  }
0x23: {  	s9 =	sor.u32 $0xD0000000, s2;
	s6 =	simm.s32 $0x108;
	_ =	swait.ge @!p0 [sflag:s8], $0x0  }
0x24: {  	s3 =	sadd.s32 $0x88, s3;
	s6 =	simm.s32 @!p1 $0x1082;
	[sflag:s4] =	ssyncset.s32 $0xFFFFF086  }
0x25: {  	[simem:s6], [sflag:s4] =	dma.local [hbm:s3], $0xF7A  }
0x26: {  	[smem:$0x3F83] =	sst s1;
	(tag) =	ssettag s2;
	_ =	strace s9  }
0x27: {  	s1 =	sld [smem:$0x3F93]  }
0x28: {  	s2 =	sld [smem:$0x3F94]  }
0x29: {  	s4 =	sld [smem:$0x3F96]  }
0x2a: {  	p0 =	seq.s32 s5, $0x0;
	s5 =	sld [smem:$0x3F97]  }
0x2b: {  	s6 =	sld [smem:$0x3F98]  }
0x2c: {  	s7 =	sld [smem:$0x3F99]  }
0x2d: {  	s3 =	simm.s32 $0x108;
	s8 =	sld [smem:$0x3F9A]  }
0x2e: {  	s3 =	simm.s32 @!p0 $0x1082;
	s9 =	sld [smem:$0x3F9B]  }
0x2f: {  	lr =	sadd.s32 s0, s3;
	s0 =	sld [smem:$0x3F92]  }
0x30: {  	s3 =	sld [smem:$0x3F95]  }
0x31: {  	[smem:$0x3F9E] =	sst s10  }
0x32: {  	s10 =	sld [smem:$0x3F9C];
	_ =	sdelay $0x3  }
0x33: {  	p0 =	seq.s32 s10, $0x1;
	s10 =	sld [smem:$0x3F9E];
	_ =	sdelay $0x3  }
0x34: {  	[smem:$0x3F9E] =	sst s10  }
0x35: {  	s10 =	sld [smem:$0x3F9D];
	_ =	sdelay $0x3  }
0x36: {  	p1 =	seq.s32 s10, $0x1;
	s10 =	sld [smem:$0x3F9E];
	_ =	sdelay $0x3  }
0x37: {  	[smem:$0x3F9E] =	sst s10  }
0x38: {  	s10 =	sld [smem:$0x3F9F]  }
0x39: {  	_ = 	snop;
	(pc) =	sbr.ind lr, $3  }
0x3a: {  	_ = 	snop  }
0x3b: {  	_ = 	snop  }
0x3c: {  	p2 =	seq.s32 s10, $0x1;
	s10 =	sld [smem:$0x3F9E]  }
0x3d: {  	_ =	shalt  }
0x3e: {  	_ =	shalt  }
0x3f: {  	_ =	shalt  }
0x40: {  	_ =	shalt  }
0x41: {  	_ =	shalt  }
0x42: {  	_ =	shalt  }
0x43: {  	_ =	shalt  }
0x44: {  	_ =	shalt  }
0x45: {  	_ =	shalt  }
0x46: {  	_ =	shalt  }
0x47: {  	_ =	shalt  }
0x48: {  	_ =	shalt  }
0x49: {  	_ =	shalt  }
0x4a: {  	_ =	shalt  }
0x4b: {  	_ =	shalt  }
0x4c: {  	_ =	shalt  }
0x4d: {  	_ =	shalt  }
0x4e: {  	_ =	shalt  }
0x4f: {  	_ =	shalt  }
0x50: {  	_ =	shalt  }
0x51: {  	_ =	shalt  }
0x52: {  	_ =	shalt  }
0x53: {  	_ =	shalt  }
0x54: {  	_ =	shalt  }
0x55: {  	_ =	shalt  }
0x56: {  	_ =	shalt  }
0x57: {  	_ =	shalt  }
0x58: {  	_ =	shalt  }
0x59: {  	_ =	shalt  }
0x5a: {  	_ =	shalt  }
0x5b: {  	_ =	shalt  }
0x5c: {  	_ =	shalt  }
0x5d: {  	_ =	shalt  }
0x5e: {  	_ =	shalt  }
0x5f: {  	_ =	shalt  }
0x60: {  	_ =	shalt  }
0x61: {  	_ =	shalt  }
0x62: {  	_ =	shalt  }
0x63: {  	_ =	shalt  }
0x64: {  	_ =	shalt  }
0x65: {  	_ =	shalt  }
0x66: {  	_ =	shalt  }
0x67: {  	_ =	shalt  }
0x68: {  	_ =	shalt  }
0x69: {  	_ =	shalt  }
0x6a: {  	_ =	shalt  }
0x6b: {  	_ =	shalt  }
0x6c: {  	_ =	shalt  }
0x6d: {  	_ =	shalt  }
0x6e: {  	_ =	shalt  }
0x6f: {  	_ =	shalt  }
0x70: {  	_ =	shalt  }
0x71: {  	_ =	shalt  }
0x72: {  	_ =	shalt  }
0x73: {  	_ =	shalt  }
0x74: {  	_ =	shalt  }
0x75: {  	_ =	shalt  }
0x76: {  	_ =	shalt  }
0x77: {  	_ =	shalt  }
0x78: {  	_ =	shalt  }
0x79: {  	_ =	shalt  }
0x7a: {  	_ =	shalt  }
0x7b: {  	_ =	shalt  }
0x7c: {  	_ =	shalt  }
0x7d: {  	_ =	shalt  }
0x7e: {  	_ =	shalt  }
0x7f: {  	_ =	shalt  }
0x80: {  	_ =	shalt  }
0x81: {  	_ =	shalt  }
0x82: {  	_ =	shalt  }
0x83: {  	_ =	shalt  }
0x84: {  	_ =	shalt  }
0x85: {  	_ =	shalt  }
0x86: {  	_ =	shalt  }
0x87: {  	_ =	shalt  }
.Lfunc_end0:
.L_simem_size_0:
called_computation_lowered:
.L_overlay_start_0:
0x88: {  	s2 =	sld [smem:$0x3FD9]  }
0x89: {  	s3 =	sld [smem:$0x3FFE];
	_ =	sdelay $0x1  }
0x8a: {  	s1 =	srdreg.scid  }
0x8b: {  	s0 =	sand.u32 $0x1, s1  }
0x8c: {  	s15 =	sshll.u32 s0, $0xA;
	s2 =	sadd.s32 s3, s2  }
0x8d: {  	s2 =	sadd.s32 s2, s15  }
0x8e: {  	[smem:$0x3FAA] =	sst s2  }
0x8f: {  	_ = 	snop  }
0x90: {  	s2 =	sld [smem:$0x3FD0];
	_ =	sdelay $0x2  }
0x91: {  	s16 =	simm.s32 $0xB;
	s4 =	simm.s32 $0x10  }
0x92: {  	[smem:s4], [sflag:s16] =	dma.local [hbm:s2], $0x1  }
0x93: {  	_ =	swait.eq [sflag:s16], $0x1  }
0x94: {  	[sflag:s16] =	ssyncset.done $0x0  }
0x95: {  	[sflag:s16] =	ssyncadd.s32 $0xFFFFFFFF  }
0x96: {  	s17 =	sld [smem:$0x10];
	(tm) =	ssettm $0x1  }
0x97: {  	s18 =	sld [smem:$0x3FFB];
	_ =	sdelay $0x3  }
0x98: {  	_ =	strace s18  }
0x99: {  	s2 =	sld [smem:$0x3FFC];
	_ =	sdelay $0x3  }
0x9a: {  	_ =	strace s2  }
0x9b: {  	s2 =	sld [smem:$0x3FFD];
	_ =	sdelay $0x3  }
0x9c: {  	_ =	strace s2  }
0x9d: {  	_ =	strace $0x8FFFFFFF  }
0x9e: {  	s19 =	sld [smem:$0x3FDB];
	_ =	sdelay $0x1  }
0x9f: {  	s20 =	simm.s32 $_scs_section_size  }
0xa0: {  	s5 =	simm.s32 $_size__tile_overlayer_lowered;
	s6 =	simm.s32 $_tile_overlayer_lowered  }
0xa1: {  	s7 =	simm.s32 $0x1BFF;
	s21 =	sshll.u32 s6, $0x1;
	s4 =	sadd.s32 s20, s19  }
0xa2: {  	s22 =	simm.s32 $0x0;
	s5 =	sshll.u32 s5, $0x1;
	s6 =	sadd.s32 s21, s4  }
0xa3: {  	[timem:s22], [sflag:s7] =	dma.local [hbm:s6], s5  }
0xa4: {  	_ =	swait.ge [sflag:s7], s5  }
0xa5: {  	s5 =	ssub.s32 $0x0, s5;
	[sflag:s7] =	ssyncset.done $0x0  }
0xa6: {  	[sflag:s7] =	ssyncadd.s32 s5;
	_ =	sdelay $0x1  }
0xa7: {  	s23 =	simm.s32 $0x1B8B  }
0xa8: {  	_ =	swait.ge [sflag:s23], $0x1  }
0xa9: {  	[sflag:s23] =	ssyncset.done $0x0  }
0xaa: {  	[sflag:s23] =	ssyncadd.s32 $0xFFFFFFFF  }
0xab: {  	s5 =	sld [smem:$0x0]  }
0xac: {  	s6 =	sand.u32 $0xFFFFFFFE, s1  }
0xad: {  	p0 =	sne.s32 s1, s6  }
0xae: {  	s6 =	sshll.u32 @p0 s6, $0xE  }
0xaf: {  	s6 =	sadd.s32 @p0 $0x11B8D, s6;
	s7 =	sshll.u32 @p0 s5, $0x11  }
0xb0: {  	s6 =	sor.u32 @p0 s7, s6  }
0xb1: {  	[sflag:s6] =	ssyncadd.remote.s32 @p0 $0x1;
	_ =	sdelay $0x1  }
0xb2: {  	s6 =	simm.s32 @p0 $0x1B8D  }
0xb3: {  	_ =	swait.eq @p0 [sflag:s6], $0x1  }
0xb4: {  	[sflag:s6] =	ssyncadd.s32 @p0 $0xFFFFFFFF  }
0xb5: {  	s7 =	sshll.u32 @!p0 s1, $0xE  }
0xb6: {  	s7 =	sor.u32 @!p0 $0x4000, s7;
	s6 =	simm.s32 @!p0 $0x1B8D  }
0xb7: {  	s5 =	sshll.u32 @!p0 s5, $0x11;
	s7 =	sadd.s32 @!p0 $0x11B8D, s7;
	_ =	swait.eq @!p0 [sflag:s6], $0x1  }
0xb8: {  	s5 =	sor.u32 @!p0 s5, s7;
	[sflag:s6] =	ssyncadd.s32 @!p0 $0xFFFFFFFF  }
0xb9: {  	s25 =	simm.s32 $0x1B8E;
	s24 =	sld [smem:$0x3FFE];
	[sflag:s5] =	ssyncadd.remote.s32 @!p0 $0x1  }
0xba: {  	s26 =	simm.s32 $execute0_lowered;
	[smem:$0x3FD2] =	sst s25  }
0xbb: {  	s6 =	sshll.u32 s26, $0x1;
	_ =	strace $0x80000049;
	[dreg:$0x1] =	wrdreg $0xFFFFFFFF  }
0xbc: {  	s28 =	simm.s32 $_size_execute0_lowered;
	s4 =	sadd.s32 s4, s6;
	[dreg:$0x0] =	wrdreg $0x0  }
0xbd: {  	s6 =	sshll.u32 s28, $0x1;
	[dreg:$0x2] =	wrdreg s4  }
0xbe: {  	[dreg:$0x3] =	wrdreg s6  }
0xbf: {  	[dreg:$0x4] =	wrdreg $0xC0  }
0xc0: {  	_ =	task [dreg:s22], $0x5FFFF  }
0xc1: {  	[dreg:$0x1] =	wrdreg $0xFFFFFFFF  }
0xc2: {  	[dreg:$0x0] =	wrdreg $0x60  }
0xc3: {  	[dreg:$0x2] =	wrdreg s24  }
0xc4: {  	[dreg:$0x3] =	wrdreg s17  }
0xc5: {  	[dreg:$0x4] =	wrdreg $0x9  }
0xc6: {  	_ =	task.clear_ibuf [dreg:s22], $0x5FFFF;
	_ =	strace $0x90000049  }
0xc7: {  	s29 =	simm.s32 $0x9;
	_ =	strace $0x8000004B  }
0xc8: {  	_ =	swait.ge [sflag:s29], $0x1  }
0xc9: {  	[sflag:s29] =	ssyncadd.s32 $0xFFFFFFFF  }
0xca: {  	_ =	strace $0x9000004B  }
0xcb: {  	_ =	sfence  }
0xcc: {  	s30 =	sld [smem:$0x0];
	_ =	sdelay $0x2  }
0xcd: {  	s31 =	sshll.u32 s1, $0xD;
	s1 =	sshrl.u32 s1, $0x2  }
0xce: {  	s4 =	sand.u32 $0x4000, s31;
	s1 =	sadd.s32 s1, s30  }
0xcf: {  	s0 =	sor.u32 s4, s0;
	s1 =	sshll.u32 s1, $0x11  }
0xd0: {  	s0 =	sor.u32 s1, s0  }
0xd1: {  	s0 =	sadd.s32 $0x8F2B, s0  }
0xd2: {  	[sflag:s0] =	ssyncadd.remote.s32 $0x1  }
0xd3: {  	_ =	sfence.sel $0xFFFF  }
0xd4: {  	[dreg:$0x0] =	wrdreg $0xFFFFFFFF;
	(pc) =	sbr.abs _section_cstart, $3  }
0xd5: {  	[dreg:$0x1] =	wrdreg $0xFFFFFFFF  }
0xd6: {  	_ =	task.clear_ibuf [dreg:s22], $0x2FFFF;
	_ =	strace $0x9FFFFFFF  }
0xd7: {  	(tm) =	ssettm $0x7FFFFFFF  }
tec
execute0_lowered:
.L_overlay_start_1:
0x0: {  	(tag) =	ssettag $0x1  }
0x1: {  	s1 =	srdreg.scid;
	s0 =	stileid.u32  }
0x2: {  	s1 =	sand.u32 $0x1, s1;
	s2 =	smul.u32 $0x2710, s0  }
0x3: {  	s3 =	smul.u32 $0x1388, s1  }
0x4: {  	s5 =	rddreg [dreg:$0x0]  }
0x5: {  	s4 =	rddreg [dreg:$0x1];
	s3 =	sadd.s32 s3, s2;
	s2 =	simm.s32 $0x0  }
0x6: {  	s16 =	simm.s32 $0xA00;
	[smem:$0x7FF] =	sst s2  }
0x7: {  	s17 =	simm.s32 $0x1200;
	_ =	strace $0x8000004A;
	[dreg:$0x5] =	wrdreg s16  }
0x8: {  	s18 =	simm.s32 $0x1A00;
	[dreg:$0x6] =	wrdreg s17  }
0x9: {  	s19 =	simm.s32 $0x2200;
	[dreg:$0x7] =	wrdreg s18  }
0xa: {  	s20 =	simm.s32 $0x2A00;
	[dreg:$0x8] =	wrdreg s19  }
0xb: {  	s21 =	simm.s32 $0x3200;
	[dreg:$0x9] =	wrdreg s20  }
0xc: {  	s22 =	simm.s32 $0x3A00;
	[dreg:$0xa] =	wrdreg s21  }
0xd: {  	s23 =	simm.s32 $0x4200;
	[dreg:$0xb] =	wrdreg s22  }
0xe: {  	s24 =	simm.s32 $0x4A00;
	[dreg:$0xc] =	wrdreg s23  }
0xf: {  	s25 =	simm.s32 $0x5200;
	[dreg:$0xd] =	wrdreg s24  }
0x10: {  	s26 =	simm.s32 $0x5A00;
	[dreg:$0xe] =	wrdreg s25  }
0x11: {  	s30 =	simm.s32 $0x6200;
	[dreg:$0xf] =	wrdreg s26  }
0x12: {  	s31 =	simm.s32 $0x6A00;
	[dreg:$0x10] =	wrdreg s30  }
0x13: {  	s7 =	simm.s32 $0x8200;
	[dreg:$0x11] =	wrdreg s31  }
0x14: {  	s8 =	simm.s32 $0x8A00;
	[dreg:$0x14] =	wrdreg s7  }
0x15: {  	s9 =	simm.s32 $0x9200;
	[dreg:$0x15] =	wrdreg s8  }
0x16: {  	s10 =	simm.s32 $0x9A00;
	[dreg:$0x16] =	wrdreg s9  }
0x17: {  	s11 =	simm.s32 $0xA200;
	[dreg:$0x17] =	wrdreg s10  }
0x18: {  	s12 =	simm.s32 $0xAA00;
	[dreg:$0x18] =	wrdreg s11  }
0x19: {  	s13 =	simm.s32 $0xB200;
	s15 =	simm.s32 $0xC200;
	[dreg:$0x19] =	wrdreg s12  }
0x1a: {  	s28 =	simm.s32 $0x2;
	s3 =	sshrl.u32 s3, $0x3;
	[dreg:$0x1a] =	wrdreg s13  }
0x1b: {  	s6 =	sadd.s32 s3, s5;
	s3 =	sadd.s32 s3, s4;
	[dreg:$0x1c] =	wrdreg s15  }
0x1c: {  	s29 =	simm.s32 $0x0;
	s4 =	simm.s32 $0x7200;
	[dreg:$0x4] =	wrdreg s3  }
0x1d: {  	s14 =	smul.u32 $0x4E200, s0;
	s7 =	simm.s32 $0xBA00;
	[dreg:$0x12] =	wrdreg s4  }
0x1e: {  	s16 =	simm.s32 $0x100;
	s17 =	ssub.s32 $0x2, s1;
	[dreg:$0x1b] =	wrdreg s7  }
0x1f: {  	s18 =	simm.s32 $0xD200;
	s19 =	simm.s32 $0xDA00;
	[dreg:$0x1d] =	wrdreg s16  }
0x20: {  	s20 =	simm.s32 $0xE200;
	s1 =	smul.u32 $0x27100, s1;
	[dreg:$0x1e] =	wrdreg s18  }
0x21: {  	s21 =	simm.s32 $0xEA00;
	s23 =	simm.s32 $0xF200;
	[dreg:$0x1f] =	wrdreg s19  }
0x22: {  	s24 =	simm.s32 $0xFA00;
	s26 =	simm.s32 $0x10200;
	[smem:$0x7F5] =	sst s20  }
0x23: {  	s30 =	simm.s32 $0x10A00;
	s31 =	simm.s32 $0x11200;
	[smem:$0x7F7] =	sst s21  }
0x24: {  	s9 =	simm.s32 $0x200;
	s10 =	simm.s32 $0xCA00;
	[smem:$0x7F8] =	sst s23  }
0x25: {  	s11 =	simm.s32 $0x11A00;
	s12 =	simm.s32 $0x12200;
	[smem:$0x7FA] =	sst s24  }
0x26: {  	s13 =	simm.s32 $0x12A00;
	s15 =	simm.s32 $0x13A00;
	[smem:$0x7FB] =	sst s26  }
0x27: {  	s6 =	sadd.s32 $0xA98A00, s6;
	s3 =	sadd.s32 $0x86800, s5;
	[smem:$0x7FC] =	sst s30  }
0x28: {  	s4 =	sadd.s32 $0x38600, s5;
	s8 =	sshrl.u32 s17, $0x1;
	[smem:$0x7FD] =	sst s31  }
0x29: {  	s16 =	simm.s32 $0x14200;
	s18 =	simm.s32 $0x15200;
	s19 =	simm.s32 $0x15A00  }
0x2a: {  	s20 =	simm.s32 $0x16200;
	s21 =	simm.s32 $0x16A00;
	s23 =	simm.s32 $0x17A00  }
0x2b: {  	s24 =	simm.s32 $0x18200;
	s26 =	simm.s32 $0x1;
	[dreg:$0x3] =	wrdreg s6  }
0x2c: {  	s6 =	simm.s32 $0x7A00;
	s7 =	ssub.s32 s17, s8;
	s8 =	simm.s32 $0x3  }
0x2d: {  	s17 =	simm.s32 $0x14A00;
	[dreg:$0x13] =	wrdreg s6;
	s6 =	sadd.s32 s14, s5  }
0x2e: {  	v2 =	vlaneseq.u32;
	s22 =	smax.u32 s7, $0x1;
	s14 =	simm.s32 $0x13200;
	s1 =	sadd.s32 s1, s6  }
0x2f: {  	vm0 =	vmmov $0xffff;
	v1 =	vshrl.u32 v2, $0x3;
	[smem:$0x7F6] =	sst s22;
	s22 =	simm.s32 $0x17200;
	s25 =	sadd.s32 $0xA9DA00, s1  }
0x30: {  	v0 =	vand.u32 $0x7, v2;
	v2 =	vor.u32 $0x8, v2;
	v1 =	vmul.u32 $0x8, v1;
	s7 =	sadd.s32 $0xF7FA00, s1;
	[smem:$0x7F9] =	sst s25;
	s25 =	simm.s32 $0x18A00  }
.LBB2_1:
0x31: {  	s30 =	smov.u32 s7;
	s31 =	sld [smem:$0x7F9];
	s1 =	simm.s32 $0x0  }
.LBB2_2:
0x32: {  	s0 =	rddreg [dreg:$0x4]  }
0x33: {  	s0 =	sadd.s32 s1, s0  }
0x34: {  	[tilespmem:s2], [sflag:$0x3] =	stream.linear.gather [hbm4b:s0+s2], $0xC8, $0x38;
	[tilespmem:$0x19200] =	vst v63  }
0x35: {  	_ =	swait.ge [sflag:s8], $0xC8  }
0x36: {  	[sflag:s8] =	ssyncset.done $0x0  }
0x37: {  	[sflag:s8] =	ssyncadd.s32 $0xFFFFFF38  }
0x38: {  	v3 =	vld [tilespmem:$0x0];
	_ =	sdelay $0x4  }
0x39: {  	v4 =	vshll.u32 v3, $0x1  }
0x3a: {  	v3 =	vand.u32 $0x7, v3;
	v4 =	vand.u32 $0xFFFFFFF0, v4  }
0x3b: {  	v3 =	vor.u32 v3, v4  }
0x3c: {  	v4 =	vperm.xlane v3, v0;
	_ =	sdelay $0x1  }
0x3d: {  	v3 =	vperm.xlane v3, v2;
	v4 =	vadd.s32 v1, v4;
	_ =	sdelay $0x1  }
0x3e: {  	v3 =	vadd.s32 v1, v3;
	_ =	sdelay $0x2  }
0x3f: {  	[tilespmem:s9], [sflag:$0x1] =	stream.indirect_vreg.gather [hbm4b:s3+s2], $0x80, v4, vm0, $0xb8;
	[tilespmem:$0x19200] =	vst v63  }
0x40: {  	s5 =	rddreg [dreg:$0x5]  }
0x41: {  	[tilespmem:s5], [sflag:$0x1] =	stream.indirect_vreg.gather [hbm4b:s3+s2], $0x80, v3, vm0, $0xb8;
	[tilespmem:$0x19200] =	vst v63  }
0x42: {  	v3 =	vld [tilespmem:$0x10];
	_ =	sdelay $0x4  }
0x43: {  	v39 =	vshll.u32 v3, $0x1  }
0x44: {  	v3 =	vand.u32 $0x7, v3;
	v4 =	vand.u32 $0xFFFFFFF0, v39  }
0x45: {  	v3 =	vor.u32 v3, v4  }
0x46: {  	v4 =	vperm.xlane v3, v0;
	_ =	sdelay $0x1  }
0x47: {  	v3 =	vperm.xlane v3, v2;
	v4 =	vadd.s32 v1, v4;
	_ =	sdelay $0x1  }
0x48: {  	v3 =	vadd.s32 v1, v3;
	_ =	sdelay $0x1  }
0x49: {  	s6 =	rddreg [dreg:$0x6]  }
0x4a: {  	[tilespmem:s6], [sflag:$0x1] =	stream.indirect_vreg.gather [hbm4b:s3+s2], $0x80, v4, vm0, $0xb8;
	[tilespmem:$0x19200] =	vst v63  }
0x4b: {  	s5 =	rddreg [dreg:$0x7]  }
0x4c: {  	[tilespmem:s5], [sflag:$0x1] =	stream.indirect_vreg.gather [hbm4b:s3+s2], $0x80, v3, vm0, $0xb8;
	[tilespmem:$0x19200] =	vst v63  }
0x4d: {  	v3 =	vld [tilespmem:$0x20];
	_ =	sdelay $0x4  }
0x4e: {  	v40 =	vshll.u32 v3, $0x1  }
0x4f: {  	v3 =	vand.u32 $0x7, v3;
	v4 =	vand.u32 $0xFFFFFFF0, v40  }
0x50: {  	v3 =	vor.u32 v3, v4  }
0x51: {  	v4 =	vperm.xlane v3, v0;
	_ =	sdelay $0x1  }
0x52: {  	v3 =	vperm.xlane v3, v2;
	v4 =	vadd.s32 v1, v4;
	_ =	sdelay $0x1  }
0x53: {  	v3 =	vadd.s32 v1, v3;
	_ =	sdelay $0x1  }
0x54: {  	s5 =	rddreg [dreg:$0x8]  }
0x55: {  	[tilespmem:s5], [sflag:$0x1] =	stream.indirect_vreg.gather [hbm4b:s3+s2], $0x80, v4, vm0, $0xb8;
	[tilespmem:$0x19200] =	vst v63  }
0x56: {  	s6 =	rddreg [dreg:$0x9]  }
0x57: {  	[tilespmem:s6], [sflag:$0x1] =	stream.indirect_vreg.gather [hbm4b:s3+s2], $0x80, v3, vm0, $0xb8;
	[tilespmem:$0x19200] =	vst v63  }
0x58: {  	v3 =	vld [tilespmem:$0x30];
	_ =	sdelay $0x4  }
0x59: {  	v41 =	vshll.u32 v3, $0x1  }
0x5a: {  	v3 =	vand.u32 $0x7, v3;
	v4 =	vand.u32 $0xFFFFFFF0, v41  }
0x5b: {  	v3 =	vor.u32 v3, v4  }
0x5c: {  	v4 =	vperm.xlane v3, v0;
	_ =	sdelay $0x1  }
0x5d: {  	v3 =	vperm.xlane v3, v2;
	v4 =	vadd.s32 v1, v4;
	_ =	sdelay $0x1  }
0x5e: {  	v3 =	vadd.s32 v1, v3;
	_ =	sdelay $0x1  }
0x5f: {  	s5 =	rddreg [dreg:$0xa]  }
0x60: {  	[tilespmem:s5], [sflag:$0x1] =	stream.indirect_vreg.gather [hbm4b:s3+s2], $0x80, v4, vm0, $0xb8;
	[tilespmem:$0x19200] =	vst v63  }
0x61: {  	s6 =	rddreg [dreg:$0xb]  }
0x62: {  	[tilespmem:s6], [sflag:$0x1] =	stream.indirect_vreg.gather [hbm4b:s3+s2], $0x80, v3, vm0, $0xb8;
	[tilespmem:$0x19200] =	vst v63  }
0x63: {  	v3 =	vld [tilespmem:$0x40];
	_ =	sdelay $0x4  }
0x64: {  	v42 =	vshll.u32 v3, $0x1  }
0x65: {  	v3 =	vand.u32 $0x7, v3;
	v4 =	vand.u32 $0xFFFFFFF0, v42  }
0x66: {  	v3 =	vor.u32 v3, v4  }
0x67: {  	v4 =	vperm.xlane v3, v0;
	_ =	sdelay $0x1  }
0x68: {  	v3 =	vperm.xlane v3, v2;
	v4 =	vadd.s32 v1, v4;
	_ =	sdelay $0x1  }
0x69: {  	v3 =	vadd.s32 v1, v3;
	_ =	sdelay $0x1  }
0x6a: {  	s5 =	rddreg [dreg:$0xc]  }
0x6b: {  	[tilespmem:s5], [sflag:$0x1] =	stream.indirect_vreg.gather [hbm4b:s3+s2], $0x80, v4, vm0, $0xb8;
	[tilespmem:$0x19200] =	vst v63  }
0x6c: {  	s6 =	rddreg [dreg:$0xd]  }
0x6d: {  	[tilespmem:s6], [sflag:$0x1] =	stream.indirect_vreg.gather [hbm4b:s3+s2], $0x80, v3, vm0, $0xb8;
	[tilespmem:$0x19200] =	vst v63  }
0x6e: {  	v3 =	vld [tilespmem:$0x50];
	_ =	sdelay $0x4  }
0x6f: {  	v43 =	vshll.u32 v3, $0x1  }
0x70: {  	v3 =	vand.u32 $0x7, v3;
	v4 =	vand.u32 $0xFFFFFFF0, v43  }
0x71: {  	v3 =	vor.u32 v3, v4  }
0x72: {  	v4 =	vperm.xlane v3, v0;
	_ =	sdelay $0x1  }
0x73: {  	v3 =	vperm.xlane v3, v2;
	v4 =	vadd.s32 v1, v4;
	_ =	sdelay $0x1  }
0x74: {  	v3 =	vadd.s32 v1, v3;
	_ =	sdelay $0x1  }
0x75: {  	s5 =	rddreg [dreg:$0xe]  }
0x76: {  	[tilespmem:s5], [sflag:$0x1] =	stream.indirect_vreg.gather [hbm4b:s3+s2], $0x80, v4, vm0, $0xb8;
	[tilespmem:$0x19200] =	vst v63  }
0x77: {  	s6 =	rddreg [dreg:$0xf]  }
0x78: {  	[tilespmem:s6], [sflag:$0x1] =	stream.indirect_vreg.gather [hbm4b:s3+s2], $0x80, v3, vm0, $0xb8;
	[tilespmem:$0x19200] =	vst v63  }
0x79: {  	v3 =	vld [tilespmem:$0x60];
	_ =	sdelay $0x4  }
0x7a: {  	v44 =	vshll.u32 v3, $0x1  }
0x7b: {  	v3 =	vand.u32 $0x7, v3;
	v4 =	vand.u32 $0xFFFFFFF0, v44  }
0x7c: {  	v3 =	vor.u32 v3, v4  }
0x7d: {  	v4 =	vperm.xlane v3, v0;
	_ =	sdelay $0x1  }
0x7e: {  	v3 =	vperm.xlane v3, v2;
	v4 =	vadd.s32 v1, v4;
	_ =	sdelay $0x1  }
0x7f: {  	v3 =	vadd.s32 v1, v3;
	_ =	sdelay $0x1  }
0x80: {  	s5 =	rddreg [dreg:$0x10]  }
0x81: {  	[tilespmem:s5], [sflag:$0x1] =	stream.indirect_vreg.gather [hbm4b:s3+s2], $0x80, v4, vm0, $0xb8;
	[tilespmem:$0x19200] =	vst v63  }
0x82: {  	s6 =	rddreg [dreg:$0x11]  }
0x83: {  	[tilespmem:s6], [sflag:$0x1] =	stream.indirect_vreg.gather [hbm4b:s3+s2], $0x80, v3, vm0, $0xb8;
	[tilespmem:$0x19200] =	vst v63  }
0x84: {  	v3 =	vld [tilespmem:$0x70];
	_ =	sdelay $0x4  }
0x85: {  	v45 =	vshll.u32 v3, $0x1  }
0x86: {  	v3 =	vand.u32 $0x7, v3;
	v4 =	vand.u32 $0xFFFFFFF0, v45  }
0x87: {  	v3 =	vor.u32 v3, v4  }
0x88: {  	v4 =	vperm.xlane v3, v0;
	_ =	sdelay $0x1  }
0x89: {  	v3 =	vperm.xlane v3, v2;
	v4 =	vadd.s32 v1, v4;
	_ =	sdelay $0x1  }
0x8a: {  	v3 =	vadd.s32 v1, v3;
	_ =	sdelay $0x1  }
0x8b: {  	s5 =	rddreg [dreg:$0x12]  }
0x8c: {  	[tilespmem:s5], [sflag:$0x1] =	stream.indirect_vreg.gather [hbm4b:s3+s2], $0x80, v4, vm0, $0xb8;
	[tilespmem:$0x19200] =	vst v63  }
0x8d: {  	s6 =	rddreg [dreg:$0x13]  }
0x8e: {  	[tilespmem:s6], [sflag:$0x1] =	stream.indirect_vreg.gather [hbm4b:s3+s2], $0x80, v3, vm0, $0xb8;
	[tilespmem:$0x19200] =	vst v63  }
0x8f: {  	v3 =	vld [tilespmem:$0x80];
	_ =	sdelay $0x4  }
0x90: {  	v46 =	vshll.u32 v3, $0x1  }
0x91: {  	v3 =	vand.u32 $0x7, v3;
	v4 =	vand.u32 $0xFFFFFFF0, v46  }
0x92: {  	v3 =	vor.u32 v3, v4  }
0x93: {  	v4 =	vperm.xlane v3, v0;
	_ =	sdelay $0x1  }
0x94: {  	v3 =	vperm.xlane v3, v2;
	v4 =	vadd.s32 v1, v4;
	_ =	sdelay $0x1  }
0x95: {  	v3 =	vadd.s32 v1, v3;
	_ =	sdelay $0x1  }
0x96: {  	s5 =	rddreg [dreg:$0x14]  }
0x97: {  	[tilespmem:s5], [sflag:$0x1] =	stream.indirect_vreg.gather [hbm4b:s3+s2], $0x80, v4, vm0, $0xb8;
	[tilespmem:$0x19200] =	vst v63  }
0x98: {  	s6 =	rddreg [dreg:$0x15]  }
0x99: {  	[tilespmem:s6], [sflag:$0x1] =	stream.indirect_vreg.gather [hbm4b:s3+s2], $0x80, v3, vm0, $0xb8;
	[tilespmem:$0x19200] =	vst v63  }
0x9a: {  	v3 =	vld [tilespmem:$0x90];
	_ =	sdelay $0x4  }
0x9b: {  	v47 =	vshll.u32 v3, $0x1  }
0x9c: {  	v3 =	vand.u32 $0x7, v3;
	v4 =	vand.u32 $0xFFFFFFF0, v47  }
0x9d: {  	v3 =	vor.u32 v3, v4  }
0x9e: {  	v4 =	vperm.xlane v3, v0;
	_ =	sdelay $0x1  }
0x9f: {  	v3 =	vperm.xlane v3, v2;
	v4 =	vadd.s32 v1, v4;
	_ =	sdelay $0x1  }
0xa0: {  	v3 =	vadd.s32 v1, v3;
	_ =	sdelay $0x1  }
0xa1: {  	s5 =	rddreg [dreg:$0x16]  }
0xa2: {  	[tilespmem:s5], [sflag:$0x1] =	stream.indirect_vreg.gather [hbm4b:s3+s2], $0x80, v4, vm0, $0xb8;
	[tilespmem:$0x19200] =	vst v63  }
0xa3: {  	s6 =	rddreg [dreg:$0x17]  }
0xa4: {  	[tilespmem:s6], [sflag:$0x1] =	stream.indirect_vreg.gather [hbm4b:s3+s2], $0x80, v3, vm0, $0xb8;
	[tilespmem:$0x19200] =	vst v63  }
0xa5: {  	v3 =	vld [tilespmem:$0xA0];
	_ =	sdelay $0x4  }
0xa6: {  	v48 =	vshll.u32 v3, $0x1  }
0xa7: {  	v3 =	vand.u32 $0x7, v3;
	v4 =	vand.u32 $0xFFFFFFF0, v48  }
0xa8: {  	v3 =	vor.u32 v3, v4  }
0xa9: {  	v4 =	vperm.xlane v3, v0;
	_ =	sdelay $0x1  }
0xaa: {  	v3 =	vperm.xlane v3, v2;
	v4 =	vadd.s32 v1, v4;
	_ =	sdelay $0x1  }
0xab: {  	v3 =	vadd.s32 v1, v3;
	_ =	sdelay $0x1  }
0xac: {  	s5 =	rddreg [dreg:$0x18]  }
0xad: {  	[tilespmem:s5], [sflag:$0x1] =	stream.indirect_vreg.gather [hbm4b:s3+s2], $0x80, v4, vm0, $0xb8;
	[tilespmem:$0x19200] =	vst v63  }
0xae: {  	s6 =	rddreg [dreg:$0x19]  }
0xaf: {  	[tilespmem:s6], [sflag:$0x1] =	stream.indirect_vreg.gather [hbm4b:s3+s2], $0x80, v3, vm0, $0xb8;
	[tilespmem:$0x19200] =	vst v63  }
0xb0: {  	v3 =	vld [tilespmem:$0xB0];
	_ =	sdelay $0x4  }
0xb1: {  	v49 =	vshll.u32 v3, $0x1  }
0xb2: {  	v3 =	vand.u32 $0x7, v3;
	v4 =	vand.u32 $0xFFFFFFF0, v49  }
0xb3: {  	v3 =	vor.u32 v3, v4  }
0xb4: {  	v4 =	vperm.xlane v3, v0;
	_ =	sdelay $0x1  }
0xb5: {  	v3 =	vperm.xlane v3, v2;
	v4 =	vadd.s32 v1, v4;
	_ =	sdelay $0x1  }
0xb6: {  	v3 =	vadd.s32 v1, v3;
	_ =	sdelay $0x1  }
0xb7: {  	s5 =	rddreg [dreg:$0x1a]  }
0xb8: {  	[tilespmem:s5], [sflag:$0x1] =	stream.indirect_vreg.gather [hbm4b:s3+s2], $0x80, v4, vm0, $0xb8;
	[tilespmem:$0x19200] =	vst v63  }
0xb9: {  	s6 =	rddreg [dreg:$0x1b]  }
0xba: {  	[tilespmem:s6], [sflag:$0x1] =	stream.indirect_vreg.gather [hbm4b:s3+s2], $0x80, v3, vm0, $0xb8;
	[tilespmem:$0x19200] =	vst v63  }
0xbb: {  	v3 =	vld.msk [tilespmem:$0xC0], $0xff;
	_ =	sdelay $0x4  }
0xbc: {  	v50 =	vshll.u32 v3, $0x1  }
0xbd: {  	v3 =	vand.u32 $0x7, v3;
	v4 =	vand.u32 $0xFFFFFFF0, v50  }
0xbe: {  	v3 =	vor.u32 v3, v4  }
0xbf: {  	v3 =	vperm.xlane v3, v0;
	_ =	sdelay $0x1  }
0xc0: {  	v3 =	vadd.s32 v1, v3;
	_ =	sdelay $0x2  }
0xc1: {  	s0 =	rddreg [dreg:$0x1c]  }
0xc2: {  	s5 =	rddreg [dreg:$0x3]  }
0xc3: {  	[tilespmem:s0], [sflag:$0x1] =	stream.indirect_vreg.gather [hbm4b:s3+s2], $0x80, v3, vm0, $0xb8;
	[tilespmem:$0x19200] =	vst v63  }
0xc4: {  	s5 =	sadd.s32 s1, s5;
	s6 =	rddreg [dreg:$0x1d]  }
0xc5: {  	[tilespmem:s6], [sflag:$0x3] =	stream.linear.gather [hbm4b:s5+s2], $0xC8, $0x38;
	[tilespmem:$0x19200] =	vst v63  }
0xc6: {  	_ =	swait.ge [sflag:s8], $0xC8  }
0xc7: {  	[sflag:s8] =	ssyncset.done $0x0  }
0xc8: {  	[sflag:s8] =	ssyncadd.s32 $0xFFFFFF38  }
0xc9: {  	v3 =	vld [tilespmem:$0x100];
	_ =	sdelay $0x4  }
0xca: {  	v51 =	vshll.u32 v3, $0x1  }
0xcb: {  	v3 =	vand.u32 $0x7, v3;
	v4 =	vand.u32 $0xFFFFFFF0, v51  }
0xcc: {  	v3 =	vor.u32 v3, v4  }
0xcd: {  	v4 =	vperm.xlane v3, v0;
	_ =	sdelay $0x1  }
0xce: {  	v3 =	vperm.xlane v3, v2;
	v4 =	vadd.s32 v1, v4;
	_ =	sdelay $0x1  }
0xcf: {  	v3 =	vadd.s32 v1, v3;
	_ =	sdelay $0x2  }
0xd0: {  	[tilespmem:s10], [sflag:$0x2] =	stream.indirect_vreg.gather [hbm4b:s4+s2], $0x80, v4, vm0, $0xb8;
	[tilespmem:$0x19200] =	vst v63  }
0xd1: {  	s6 =	rddreg [dreg:$0x1e]  }
0xd2: {  	[tilespmem:s6], [sflag:$0x2] =	stream.indirect_vreg.gather [hbm4b:s4+s2], $0x80, v3, vm0, $0xb8;
	[tilespmem:$0x19200] =	vst v63  }
0xd3: {  	v3 =	vld [tilespmem:$0x110];
	_ =	sdelay $0x4  }
0xd4: {  	v52 =	vshll.u32 v3, $0x1  }
0xd5: {  	v3 =	vand.u32 $0x7, v3;
	v4 =	vand.u32 $0xFFFFFFF0, v52  }
0xd6: {  	v3 =	vor.u32 v3, v4  }
0xd7: {  	v4 =	vperm.xlane v3, v0;
	_ =	sdelay $0x1  }
0xd8: {  	v3 =	vperm.xlane v3, v2;
	v4 =	vadd.s32 v1, v4;
	_ =	sdelay $0x1  }
0xd9: {  	v3 =	vadd.s32 v1, v3  }
0xda: {  	s5 =	rddreg [dreg:$0x1f]  }
0xdb: {  	s6 =	sld [smem:$0x7F5]  }
0xdc: {  	[tilespmem:s5], [sflag:$0x2] =	stream.indirect_vreg.gather [hbm4b:s4+s2], $0x80, v4, vm0, $0xb8;
	[tilespmem:$0x19200] =	vst v63  }
0xdd: {  	_ = 	snop  }
0xde: {  	[tilespmem:s6], [sflag:$0x2] =	stream.indirect_vreg.gather [hbm4b:s4+s2], $0x80, v3, vm0, $0xb8;
	[tilespmem:$0x19200] =	vst v63  }
0xdf: {  	v3 =	vld [tilespmem:$0x120];
	_ =	sdelay $0x4  }
0xe0: {  	v53 =	vshll.u32 v3, $0x1  }
0xe1: {  	v3 =	vand.u32 $0x7, v3;
	v4 =	vand.u32 $0xFFFFFFF0, v53  }
0xe2: {  	v3 =	vor.u32 v3, v4  }
0xe3: {  	v4 =	vperm.xlane v3, v0;
	_ =	sdelay $0x1  }
0xe4: {  	v3 =	vperm.xlane v3, v2;
	v4 =	vadd.s32 v1, v4;
	_ =	sdelay $0x1  }
0xe5: {  	s5 =	sld [smem:$0x7F7];
	v3 =	vadd.s32 v1, v3;
	_ =	sdelay $0x1  }
0xe6: {  	s6 =	sld [smem:$0x7F8]  }
0xe7: {  	[tilespmem:s5], [sflag:$0x2] =	stream.indirect_vreg.gather [hbm4b:s4+s2], $0x80, v4, vm0, $0xb8;
	[tilespmem:$0x19200] =	vst v63  }
0xe8: {  	_ = 	snop  }
0xe9: {  	[tilespmem:s6], [sflag:$0x2] =	stream.indirect_vreg.gather [hbm4b:s4+s2], $0x80, v3, vm0, $0xb8;
	[tilespmem:$0x19200] =	vst v63  }
0xea: {  	v3 =	vld [tilespmem:$0x130];
	_ =	sdelay $0x4  }
0xeb: {  	v54 =	vshll.u32 v3, $0x1  }
0xec: {  	v3 =	vand.u32 $0x7, v3;
	v4 =	vand.u32 $0xFFFFFFF0, v54  }
0xed: {  	v3 =	vor.u32 v3, v4  }
0xee: {  	v4 =	vperm.xlane v3, v0;
	_ =	sdelay $0x1  }
0xef: {  	v3 =	vperm.xlane v3, v2;
	v4 =	vadd.s32 v1, v4;
	_ =	sdelay $0x1  }
0xf0: {  	s5 =	sld [smem:$0x7FA];
	v3 =	vadd.s32 v1, v3;
	_ =	sdelay $0x1  }
0xf1: {  	s6 =	sld [smem:$0x7FB]  }
0xf2: {  	[tilespmem:s5], [sflag:$0x2] =	stream.indirect_vreg.gather [hbm4b:s4+s2], $0x80, v4, vm0, $0xb8;
	[tilespmem:$0x19200] =	vst v63  }
0xf3: {  	_ = 	snop  }
0xf4: {  	[tilespmem:s6], [sflag:$0x2] =	stream.indirect_vreg.gather [hbm4b:s4+s2], $0x80, v3, vm0, $0xb8;
	[tilespmem:$0x19200] =	vst v63  }
0xf5: {  	v3 =	vld [tilespmem:$0x140];
	_ =	sdelay $0x4  }
0xf6: {  	v55 =	vshll.u32 v3, $0x1  }
0xf7: {  	v3 =	vand.u32 $0x7, v3;
	v4 =	vand.u32 $0xFFFFFFF0, v55  }
0xf8: {  	v3 =	vor.u32 v3, v4  }
0xf9: {  	v4 =	vperm.xlane v3, v0;
	_ =	sdelay $0x1  }
0xfa: {  	v3 =	vperm.xlane v3, v2;
	v4 =	vadd.s32 v1, v4;
	_ =	sdelay $0x1  }
0xfb: {  	s5 =	sld [smem:$0x7FC];
	v3 =	vadd.s32 v1, v3;
	_ =	sdelay $0x1  }
0xfc: {  	s6 =	sld [smem:$0x7FD]  }
0xfd: {  	[tilespmem:s5], [sflag:$0x2] =	stream.indirect_vreg.gather [hbm4b:s4+s2], $0x80, v4, vm0, $0xb8;
	[tilespmem:$0x19200] =	vst v63  }
0xfe: {  	_ = 	snop  }
0xff: {  	[tilespmem:s6], [sflag:$0x2] =	stream.indirect_vreg.gather [hbm4b:s4+s2], $0x80, v3, vm0, $0xb8;
	[tilespmem:$0x19200] =	vst v63  }
0x100: {  	v3 =	vld [tilespmem:$0x150];
	_ =	sdelay $0x4  }
0x101: {  	v56 =	vshll.u32 v3, $0x1  }
0x102: {  	v3 =	vand.u32 $0x7, v3;
	v4 =	vand.u32 $0xFFFFFFF0, v56  }
0x103: {  	v3 =	vor.u32 v3, v4  }
0x104: {  	v4 =	vperm.xlane v3, v0;
	_ =	sdelay $0x1  }
0x105: {  	v3 =	vperm.xlane v3, v2;
	v4 =	vadd.s32 v1, v4;
	_ =	sdelay $0x1  }
0x106: {  	v3 =	vadd.s32 v1, v3;
	_ =	sdelay $0x2  }
0x107: {  	[tilespmem:s11], [sflag:$0x2] =	stream.indirect_vreg.gather [hbm4b:s4+s2], $0x80, v4, vm0, $0xb8;
	[tilespmem:$0x19200] =	vst v63  }
0x108: {  	_ = 	snop  }
0x109: {  	[tilespmem:s12], [sflag:$0x2] =	stream.indirect_vreg.gather [hbm4b:s4+s2], $0x80, v3, vm0, $0xb8;
	[tilespmem:$0x19200] =	vst v63  }
0x10a: {  	v3 =	vld [tilespmem:$0x160];
	_ =	sdelay $0x4  }
0x10b: {  	v57 =	vshll.u32 v3, $0x1  }
0x10c: {  	v3 =	vand.u32 $0x7, v3;
	v4 =	vand.u32 $0xFFFFFFF0, v57  }
0x10d: {  	v3 =	vor.u32 v3, v4  }
0x10e: {  	v4 =	vperm.xlane v3, v0;
	_ =	sdelay $0x1  }
0x10f: {  	v3 =	vperm.xlane v3, v2;
	v4 =	vadd.s32 v1, v4;
	_ =	sdelay $0x1  }
0x110: {  	v3 =	vadd.s32 v1, v3;
	_ =	sdelay $0x2  }
0x111: {  	[tilespmem:s13], [sflag:$0x2] =	stream.indirect_vreg.gather [hbm4b:s4+s2], $0x80, v4, vm0, $0xb8;
	[tilespmem:$0x19200] =	vst v63  }
0x112: {  	_ = 	snop  }
0x113: {  	[tilespmem:s14], [sflag:$0x2] =	stream.indirect_vreg.gather [hbm4b:s4+s2], $0x80, v3, vm0, $0xb8;
	[tilespmem:$0x19200] =	vst v63  }
0x114: {  	v3 =	vld [tilespmem:$0x170];
	_ =	sdelay $0x4  }
0x115: {  	v58 =	vshll.u32 v3, $0x1  }
0x116: {  	v3 =	vand.u32 $0x7, v3;
	v4 =	vand.u32 $0xFFFFFFF0, v58  }
0x117: {  	v3 =	vor.u32 v3, v4  }
0x118: {  	v4 =	vperm.xlane v3, v0;
	_ =	sdelay $0x1  }
0x119: {  	v3 =	vperm.xlane v3, v2;
	v4 =	vadd.s32 v1, v4;
	_ =	sdelay $0x1  }
0x11a: {  	v3 =	vadd.s32 v1, v3;
	_ =	sdelay $0x2  }
0x11b: {  	[tilespmem:s15], [sflag:$0x2] =	stream.indirect_vreg.gather [hbm4b:s4+s2], $0x80, v4, vm0, $0xb8;
	[tilespmem:$0x19200] =	vst v63  }
0x11c: {  	_ = 	snop  }
0x11d: {  	[tilespmem:s16], [sflag:$0x2] =	stream.indirect_vreg.gather [hbm4b:s4+s2], $0x80, v3, vm0, $0xb8;
	[tilespmem:$0x19200] =	vst v63  }
0x11e: {  	v3 =	vld [tilespmem:$0x180];
	_ =	sdelay $0x4  }
0x11f: {  	v59 =	vshll.u32 v3, $0x1  }
0x120: {  	v3 =	vand.u32 $0x7, v3;
	v4 =	vand.u32 $0xFFFFFFF0, v59  }
0x121: {  	v3 =	vor.u32 v3, v4  }
0x122: {  	v4 =	vperm.xlane v3, v0;
	_ =	sdelay $0x1  }
0x123: {  	v3 =	vperm.xlane v3, v2;
	v4 =	vadd.s32 v1, v4;
	_ =	sdelay $0x1  }
0x124: {  	v3 =	vadd.s32 v1, v3;
	_ =	sdelay $0x2  }
0x125: {  	[tilespmem:s17], [sflag:$0x2] =	stream.indirect_vreg.gather [hbm4b:s4+s2], $0x80, v4, vm0, $0xb8;
	[tilespmem:$0x19200] =	vst v63  }
0x126: {  	_ = 	snop  }
0x127: {  	[tilespmem:s18], [sflag:$0x2] =	stream.indirect_vreg.gather [hbm4b:s4+s2], $0x80, v3, vm0, $0xb8;
	[tilespmem:$0x19200] =	vst v63  }
0x128: {  	v3 =	vld [tilespmem:$0x190];
	_ =	sdelay $0x4  }
0x129: {  	v60 =	vshll.u32 v3, $0x1  }
0x12a: {  	v3 =	vand.u32 $0x7, v3;
	v4 =	vand.u32 $0xFFFFFFF0, v60  }
0x12b: {  	v3 =	vor.u32 v3, v4  }
0x12c: {  	v4 =	vperm.xlane v3, v0;
	_ =	sdelay $0x1  }
0x12d: {  	v3 =	vperm.xlane v3, v2;
	v4 =	vadd.s32 v1, v4;
	_ =	sdelay $0x1  }
0x12e: {  	v3 =	vadd.s32 v1, v3;
	_ =	sdelay $0x2  }
0x12f: {  	[tilespmem:s19], [sflag:$0x2] =	stream.indirect_vreg.gather [hbm4b:s4+s2], $0x80, v4, vm0, $0xb8;
	[tilespmem:$0x19200] =	vst v63  }
0x130: {  	_ = 	snop  }
0x131: {  	[tilespmem:s20], [sflag:$0x2] =	stream.indirect_vreg.gather [hbm4b:s4+s2], $0x80, v3, vm0, $0xb8;
	[tilespmem:$0x19200] =	vst v63  }
0x132: {  	v3 =	vld [tilespmem:$0x1A0];
	_ =	sdelay $0x4  }
0x133: {  	v61 =	vshll.u32 v3, $0x1  }
0x134: {  	v3 =	vand.u32 $0x7, v3;
	v4 =	vand.u32 $0xFFFFFFF0, v61  }
0x135: {  	v3 =	vor.u32 v3, v4  }
0x136: {  	v4 =	vperm.xlane v3, v0;
	_ =	sdelay $0x1  }
0x137: {  	v3 =	vperm.xlane v3, v2;
	v4 =	vadd.s32 v1, v4;
	_ =	sdelay $0x1  }
0x138: {  	v3 =	vadd.s32 v1, v3;
	_ =	sdelay $0x2  }
0x139: {  	[tilespmem:s21], [sflag:$0x2] =	stream.indirect_vreg.gather [hbm4b:s4+s2], $0x80, v4, vm0, $0xb8;
	[tilespmem:$0x19200] =	vst v63  }
0x13a: {  	_ = 	snop  }
0x13b: {  	[tilespmem:s22], [sflag:$0x2] =	stream.indirect_vreg.gather [hbm4b:s4+s2], $0x80, v3, vm0, $0xb8;
	[tilespmem:$0x19200] =	vst v63  }
0x13c: {  	v3 =	vld [tilespmem:$0x1B0];
	_ =	sdelay $0x4  }
0x13d: {  	v62 =	vshll.u32 v3, $0x1  }
0x13e: {  	v3 =	vand.u32 $0x7, v3;
	v4 =	vand.u32 $0xFFFFFFF0, v62  }
0x13f: {  	v3 =	vor.u32 v3, v4  }
0x140: {  	v4 =	vperm.xlane v3, v0;
	_ =	sdelay $0x1  }
0x141: {  	v3 =	vperm.xlane v3, v2;
	v4 =	vadd.s32 v1, v4;
	_ =	sdelay $0x1  }
0x142: {  	v3 =	vadd.s32 v1, v3;
	_ =	sdelay $0x2  }
0x143: {  	[tilespmem:s23], [sflag:$0x2] =	stream.indirect_vreg.gather [hbm4b:s4+s2], $0x80, v4, vm0, $0xb8;
	[tilespmem:$0x19200] =	vst v63  }
0x144: {  	_ = 	snop  }
0x145: {  	[tilespmem:s24], [sflag:$0x2] =	stream.indirect_vreg.gather [hbm4b:s4+s2], $0x80, v3, vm0, $0xb8;
	[tilespmem:$0x19200] =	vst v63  }
0x146: {  	v3 =	vld.msk [tilespmem:$0x1C0], $0xff;
	_ =	sdelay $0x4  }
0x147: {  	v63 =	vshll.u32 v3, $0x1  }
0x148: {  	v3 =	vand.u32 $0x7, v3;
	v4 =	vand.u32 $0xFFFFFFF0, v63  }
0x149: {  	v3 =	vor.u32 v3, v4  }
0x14a: {  	v3 =	vperm.xlane v3, v0;
	_ =	sdelay $0x1  }
0x14b: {  	v3 =	vadd.s32 v1, v3;
	_ =	sdelay $0x4  }
0x14c: {  	[tilespmem:s25], [sflag:$0x2] =	stream.indirect_vreg.gather [hbm4b:s4+s2], $0x80, v3, vm0, $0xb8;
	[tilespmem:$0x19200] =	vst v63  }
0x14d: {  	_ =	swait.ge [sflag:s26], $0xC800  }
0x14e: {  	[sflag:s26] =	ssyncset.done $0x0  }
0x14f: {  	[sflag:s26] =	ssyncadd.s32 $0xFFFF3800  }
0x150: {  	[hbm4b:s31+s2] =	stream.linear.scatter [tilespmem:s9], [sflag:$0x3], $0xC800, $0x38;
	[tilespmem:$0x19200] =	vst v63  }
0x151: {  	_ =	swait.ge [sflag:s8], $0xC800  }
0x152: {  	[sflag:s8] =	ssyncset.done $0x0  }
0x153: {  	[sflag:s8] =	ssyncadd.s32 $0xFFFF3800  }
0x154: {  	_ =	swait.ge [sflag:s28], $0xC800  }
0x155: {  	p0 =	sne.s32 s1, $0x258;
	[sflag:s28] =	ssyncset.done $0x0  }
.Ltmp0:
0x156: {  	[sflag:s28] =	ssyncadd.s32 $0xFFFF3800;
	(pc) =	sbr.rel @p0 .LBB2_2-.Ltmp0, $4  }
0x157: {  	[hbm4b:s30+s2] =	stream.linear.scatter [tilespmem:s10], [sflag:$0x3], $0xC800, $0x38;
	[tilespmem:$0x19200] =	vst v63  }
0x158: {  	_ =	swait.ge [sflag:s8], $0xC800  }
0x159: {  	s1 =	sadd.s32 $0x19, s1;
	[sflag:s8] =	ssyncset.done $0x0  }
0x15a: {  	s31 =	sadd.s32 $0x1900, s31;
	s30 =	sadd.s32 $0x1900, s30;
	[sflag:s8] =	ssyncadd.s32 $0xFFFF3800  }
0x15b: {  	s0 =	sld [smem:$0x7F6];
	_ =	sdelay $0x1  }
0x15c: {  	s29 =	sadd.s32 $0x1, s29  }
0x15d: {  	p0 =	sne.s32 s29, s0  }
.Ltmp1:
0x15e: {  	_ = 	snop;
	(pc) =	sbr.rel @p0 .LBB2_1-.Ltmp1, $1  }
0x15f: {  	_ =	sdelay $0x3  }
0x160: {  	_ =	sfence.sel $0x180000  }
0x161: {  	[bflag:$0x0] =	sbarrier.arrive $0xFFFF  }
0x162: {  	_ =	strace $0x9000004A  }
0x163: {  	s0 =	stileid.u32;
	[bflag:$0x2] =	sbarrier.arrive $0xFFFF  }
0x164: {  	p0 =	sne.s32 s0, $0x0;
	s0 =	rddreg [dreg:$0x2]  }
0x165: {  	s0 =	sadd.s32 @!p0 $0x100000, s0  }
0x166: {  	[sflag:s0] =	ssyncadd.tile.s32 @!p0 $0x1;
	_ =	shalt  }
.Lfunc_end2:
_tile_overlayer_lowered:
.L_overlay_start_2:
0x167: {  	(tag) =	ssettag $0x2  }
0x168: {  	s0 =	rddreg [dreg:$0x0];
	s2 =	stileid.u32  }
0x169: {  	s1 =	rddreg [dreg:$0x1];
	p0 =	sne.s32 s2, $0x0  }
0x16a: {  	s3 =	rddreg [dreg:$0x2];
	[bflag:$0x3] =	sbarrier.arrive $0xFFFF;
	s2 =	simm.s32 @!p0 $0x1C03  }
0x16b: {  	[timem:s3], [sflag:s2] =	dma.local @!p0 [hbm:s0], s1  }
0x16c: {  	s0 =	simm.s32 @!p0 $0x3  }
0x16d: {  	_ =	swait.ge @!p0 [sflag:s0], s1  }
0x16e: {  	s1 =	ssub.s32 @!p0 $0x0, s1;
	[sflag:s0] =	ssyncset.done @!p0 $0x0  }
0x16f: {  	[sflag:s0] =	ssyncadd.s32 @!p0 s1  }
0x170: {  	[bflag:$0x3] =	sbarrier.arrive $0xFFFF  }
0x171: {  	_ =	shalt  }

// kernel: kernel.19.cloned.1.call-start
scs
__scs_entry_jumppad:
0x0: {  	(pc) =	sbr.rel $0x88, $3  }
0x1: {  	(tag) =	ssettag $0x0;
	lr =	simm.s32 $0x1  }
0x2: {  	[smem:$0x3F83] =	sst lr;
	_ =	strace $0xD0000000  }
0x3: {  	_ = 	snop  }
0x4: {  	_ = 	snop  }
0x5: {  	_ = 	snop  }
0x6: {  	_ = 	snop  }
0x7: {  	_ = 	snop  }
__scs_overlays_trampoline_lowered:
0x8: {  	[smem:$0x3F92] =	sst s0  }
0x9: {  	[smem:$0x3F93] =	sst s1  }
0xa: {  	[smem:$0x3F94] =	sst s2  }
0xb: {  	[smem:$0x3F95] =	sst s3  }
0xc: {  	[smem:$0x3F96] =	sst s4  }
0xd: {  	[smem:$0x3F97] =	sst s5  }
0xe: {  	[smem:$0x3F98] =	sst s6  }
0xf: {  	[smem:$0x3F99] =	sst s7  }
0x10: {  	[smem:$0x3F9A] =	sst s8  }
0x11: {  	[smem:$0x3F9B] =	sst s9;
	s0 =	simm.s32 @!p0 $0x0  }
0x12: {  	s1 =	sld [smem:$0x3F81];
	s0 =	simm.s32 @p0 $0x1  }
0x13: {  	[smem:$0x3F9C] =	sst s0;
	s0 =	simm.s32 @!p1 $0x0  }
0x14: {  	s2 =	sld [smem:$0x3F80];
	s0 =	simm.s32 @p1 $0x1  }
0x15: {  	[smem:$0x3F9D] =	sst s0;
	s0 =	simm.s32 @!p2 $0x0  }
0x16: {  	s3 =	sld [smem:$0x3FDB];
	s0 =	simm.s32 @p2 $0x1  }
0x17: {  	s4 =	simm.s32 $0x1BF5;
	[smem:$0x3F9F] =	sst s0  }
0x18: {  	s0 =	sld [smem:$0x3F82];
	_ =	swait.ge [sflag:s4], $0x0  }
0x19: {  	s7 =	sld [smem:$0x3F83]  }
0x1a: {  	s8 =	sadd.s32 $0xFFFFE003, lr  }
0x1b: {  	s9 =	sadd.s32 $0xFFFFFEF7, lr;
	s5 =	simm.s32 $0xFFFFFFFF;
	p2 =	slt.u32 s8, $0xFFFFF086  }
0x1c: {  	p1 =	slt.u32 s9, $0xF7A;
	s5 =	simm.s32 @!p2 $0x0  }
0x1d: {  	s5 =	simm.s32 @p1 $0x1;
	p0 =	seq.s32 s7, s2  }
0x1e: {  	s7 =	smul.u32 @!p0 $0xF7A, s2;
	p2 =	seq.s32 @!p0 s5, $0x0  }
0x1f: {  	s9 =	smul.u32 $0xF7A, s1;
	s8 =	simm.s32 @!p0 $0x1BF5;
	p2 =	por !p2, p0  }
0x20: {  	[sflag:s8] =	ssyncset.s32 @!p0 $0xFFFFF086;
	s6 =	sadd.s32 @!p0 s3, s7;
	s7 =	simm.s32 @!p0 $0x108  }
0x21: {  	s3 =	sadd.s32 s3, s9;
	s6 =	sadd.s32 @!p0 $0x88, s6;
	s7 =	simm.s32 @p2 $0x1082  }
0x22: {  	[simem:s7], [sflag:s8] =	dma.local @!p0 [hbm:s6], $0xF7A  }
0x23: {  	s9 =	sor.u32 $0xD0000000, s2;
	s6 =	simm.s32 $0x108;
	_ =	swait.ge @!p0 [sflag:s8], $0x0  }
0x24: {  	s3 =	sadd.s32 $0x88, s3;
	s6 =	simm.s32 @!p1 $0x1082;
	[sflag:s4] =	ssyncset.s32 $0xFFFFF086  }
0x25: {  	[simem:s6], [sflag:s4] =	dma.local [hbm:s3], $0xF7A  }
0x26: {  	[smem:$0x3F83] =	sst s1;
	(tag) =	ssettag s2;
	_ =	strace s9  }
0x27: {  	s1 =	sld [smem:$0x3F93]  }
0x28: {  	s2 =	sld [smem:$0x3F94]  }
0x29: {  	s4 =	sld [smem:$0x3F96]  }
0x2a: {  	p0 =	seq.s32 s5, $0x0;
	s5 =	sld [smem:$0x3F97]  }
0x2b: {  	s6 =	sld [smem:$0x3F98]  }
0x2c: {  	s7 =	sld [smem:$0x3F99]  }
0x2d: {  	s3 =	simm.s32 $0x108;
	s8 =	sld [smem:$0x3F9A]  }
0x2e: {  	s3 =	simm.s32 @!p0 $0x1082;
	s9 =	sld [smem:$0x3F9B]  }
0x2f: {  	lr =	sadd.s32 s0, s3;
	s0 =	sld [smem:$0x3F92]  }
0x30: {  	s3 =	sld [smem:$0x3F95]  }
0x31: {  	[smem:$0x3F9E] =	sst s10  }
0x32: {  	s10 =	sld [smem:$0x3F9C];
	_ =	sdelay $0x3  }
0x33: {  	p0 =	seq.s32 s10, $0x1;
	s10 =	sld [smem:$0x3F9E];
	_ =	sdelay $0x3  }
0x34: {  	[smem:$0x3F9E] =	sst s10  }
0x35: {  	s10 =	sld [smem:$0x3F9D];
	_ =	sdelay $0x3  }
0x36: {  	p1 =	seq.s32 s10, $0x1;
	s10 =	sld [smem:$0x3F9E];
	_ =	sdelay $0x3  }
0x37: {  	[smem:$0x3F9E] =	sst s10  }
0x38: {  	s10 =	sld [smem:$0x3F9F]  }
0x39: {  	_ = 	snop;
	(pc) =	sbr.ind lr, $3  }
0x3a: {  	_ = 	snop  }
0x3b: {  	_ = 	snop  }
0x3c: {  	p2 =	seq.s32 s10, $0x1;
	s10 =	sld [smem:$0x3F9E]  }
0x3d: {  	_ =	shalt  }
0x3e: {  	_ =	shalt  }
0x3f: {  	_ =	shalt  }
0x40: {  	_ =	shalt  }
0x41: {  	_ =	shalt  }
0x42: {  	_ =	shalt  }
0x43: {  	_ =	shalt  }
0x44: {  	_ =	shalt  }
0x45: {  	_ =	shalt  }
0x46: {  	_ =	shalt  }
0x47: {  	_ =	shalt  }
0x48: {  	_ =	shalt  }
0x49: {  	_ =	shalt  }
0x4a: {  	_ =	shalt  }
0x4b: {  	_ =	shalt  }
0x4c: {  	_ =	shalt  }
0x4d: {  	_ =	shalt  }
0x4e: {  	_ =	shalt  }
0x4f: {  	_ =	shalt  }
0x50: {  	_ =	shalt  }
0x51: {  	_ =	shalt  }
0x52: {  	_ =	shalt  }
0x53: {  	_ =	shalt  }
0x54: {  	_ =	shalt  }
0x55: {  	_ =	shalt  }
0x56: {  	_ =	shalt  }
0x57: {  	_ =	shalt  }
0x58: {  	_ =	shalt  }
0x59: {  	_ =	shalt  }
0x5a: {  	_ =	shalt  }
0x5b: {  	_ =	shalt  }
0x5c: {  	_ =	shalt  }
0x5d: {  	_ =	shalt  }
0x5e: {  	_ =	shalt  }
0x5f: {  	_ =	shalt  }
0x60: {  	_ =	shalt  }
0x61: {  	_ =	shalt  }
0x62: {  	_ =	shalt  }
0x63: {  	_ =	shalt  }
0x64: {  	_ =	shalt  }
0x65: {  	_ =	shalt  }
0x66: {  	_ =	shalt  }
0x67: {  	_ =	shalt  }
0x68: {  	_ =	shalt  }
0x69: {  	_ =	shalt  }
0x6a: {  	_ =	shalt  }
0x6b: {  	_ =	shalt  }
0x6c: {  	_ =	shalt  }
0x6d: {  	_ =	shalt  }
0x6e: {  	_ =	shalt  }
0x6f: {  	_ =	shalt  }
0x70: {  	_ =	shalt  }
0x71: {  	_ =	shalt  }
0x72: {  	_ =	shalt  }
0x73: {  	_ =	shalt  }
0x74: {  	_ =	shalt  }
0x75: {  	_ =	shalt  }
0x76: {  	_ =	shalt  }
0x77: {  	_ =	shalt  }
0x78: {  	_ =	shalt  }
0x79: {  	_ =	shalt  }
0x7a: {  	_ =	shalt  }
0x7b: {  	_ =	shalt  }
0x7c: {  	_ =	shalt  }
0x7d: {  	_ =	shalt  }
0x7e: {  	_ =	shalt  }
0x7f: {  	_ =	shalt  }
0x80: {  	_ =	shalt  }
0x81: {  	_ =	shalt  }
0x82: {  	_ =	shalt  }
0x83: {  	_ =	shalt  }
0x84: {  	_ =	shalt  }
0x85: {  	_ =	shalt  }
0x86: {  	_ =	shalt  }
0x87: {  	_ =	shalt  }
.Lfunc_end0:
.L_simem_size_0:
called_computation.1_lowered:
.L_overlay_start_0:
0x88: {  	s2 =	sld [smem:$0x3FD9]  }
0x89: {  	s3 =	sld [smem:$0x3FFE];
	_ =	sdelay $0x1  }
0x8a: {  	s1 =	srdreg.scid  }
0x8b: {  	s0 =	sand.u32 $0x1, s1  }
0x8c: {  	s16 =	sshll.u32 s0, $0xA;
	s2 =	sadd.s32 s3, s2  }
0x8d: {  	s2 =	sadd.s32 s2, s16  }
0x8e: {  	[smem:$0x3FAA] =	sst s2  }
0x8f: {  	_ = 	snop  }
0x90: {  	(tm) =	ssettm $0x1  }
0x91: {  	s17 =	sld [smem:$0x3FFB];
	_ =	sdelay $0x3  }
0x92: {  	_ =	strace s17  }
0x93: {  	s2 =	sld [smem:$0x3FFC];
	_ =	sdelay $0x3  }
0x94: {  	_ =	strace s2  }
0x95: {  	s2 =	sld [smem:$0x3FFD];
	_ =	sdelay $0x3  }
0x96: {  	_ =	strace s2  }
0x97: {  	_ =	strace $0x8FFFFFFF  }
0x98: {  	s18 =	sld [smem:$0x3FDB];
	_ =	sdelay $0x1  }
0x99: {  	s19 =	simm.s32 $_scs_section_size  }
0x9a: {  	s4 =	simm.s32 $_size__tile_overlayer_lowered;
	s5 =	simm.s32 $_tile_overlayer_lowered  }
0x9b: {  	s22 =	simm.s32 $0x1BFF;
	s21 =	sshll.u32 s5, $0x1;
	s2 =	sadd.s32 s19, s18  }
0x9c: {  	s6 =	simm.s32 $0x0;
	s20 =	sshll.u32 s4, $0x1;
	s4 =	sadd.s32 s21, s2  }
0x9d: {  	[timem:s6], [sflag:s22] =	dma.local [hbm:s4], s20  }
0x9e: {  	_ =	swait.ge [sflag:s22], s20  }
0x9f: {  	s3 =	ssub.s32 $0x0, s20;
	[sflag:s22] =	ssyncset.done $0x0  }
0xa0: {  	[sflag:s22] =	ssyncadd.s32 s3;
	_ =	sdelay $0x1  }
0xa1: {  	s23 =	simm.s32 $0x1B8B  }
0xa2: {  	_ =	swait.ge [sflag:s23], $0x1  }
0xa3: {  	[sflag:s23] =	ssyncset.done $0x0  }
0xa4: {  	s25 =	simm.s32 $0x1B8E;
	s24 =	sld [smem:$0x3FFE];
	[sflag:s23] =	ssyncadd.s32 $0xFFFFFFFF  }
0xa5: {  	s26 =	simm.s32 $execute0_lowered;
	[smem:$0x3FD2] =	sst s25  }
0xa6: {  	s4 =	sshll.u32 s26, $0x1;
	_ =	strace $0x80000046;
	[dreg:$0x1] =	wrdreg $0xFFFFFFFF  }
0xa7: {  	s28 =	simm.s32 $_size_execute0_lowered;
	s2 =	sadd.s32 s2, s4;
	[dreg:$0x0] =	wrdreg $0x0  }
0xa8: {  	s4 =	sshll.u32 s28, $0x1;
	[dreg:$0x2] =	wrdreg s2  }
0xa9: {  	[dreg:$0x3] =	wrdreg s4  }
0xaa: {  	[dreg:$0x4] =	wrdreg $0xC0  }
0xab: {  	_ =	task [dreg:s6], $0x5FFFF  }
0xac: {  	[dreg:$0x1] =	wrdreg $0xFFFFFFFF  }
0xad: {  	[dreg:$0x0] =	wrdreg $0x60  }
0xae: {  	[dreg:$0x2] =	wrdreg s24  }
0xaf: {  	[dreg:$0x3] =	wrdreg $0xA  }
0xb0: {  	_ =	task.clear_ibuf [dreg:s6], $0x4FFFF;
	_ =	strace $0x90000046  }
0xb1: {  	s29 =	simm.s32 $0xA;
	_ =	strace $0x80000048  }
0xb2: {  	_ =	swait.ge [sflag:s29], $0x1  }
0xb3: {  	[sflag:s29] =	ssyncadd.s32 $0xFFFFFFFF  }
0xb4: {  	_ =	strace $0x90000048  }
0xb5: {  	_ =	sfence  }
0xb6: {  	s30 =	sld [smem:$0x0];
	_ =	sdelay $0x2  }
0xb7: {  	s31 =	sshll.u32 s1, $0xD;
	s1 =	sshrl.u32 s1, $0x2  }
0xb8: {  	s3 =	sand.u32 $0x4000, s31;
	s1 =	sadd.s32 s1, s30  }
0xb9: {  	s0 =	sor.u32 s3, s0;
	s1 =	sshll.u32 s1, $0x11  }
0xba: {  	s0 =	sor.u32 s1, s0  }
0xbb: {  	s0 =	sadd.s32 $0x8F2B, s0  }
0xbc: {  	[sflag:s0] =	ssyncadd.remote.s32 $0x1  }
0xbd: {  	_ =	sfence.sel $0xFFFF  }
0xbe: {  	[dreg:$0x0] =	wrdreg $0xFFFFFFFF;
	(pc) =	sbr.abs _section_cstart, $3  }
0xbf: {  	[dreg:$0x1] =	wrdreg $0xFFFFFFFF  }
0xc0: {  	_ =	task.clear_ibuf [dreg:s6], $0x2FFFF;
	_ =	strace $0x9FFFFFFF  }
0xc1: {  	(tm) =	ssettm $0x7FFFFFFF  }
tec
execute0_lowered:
.L_overlay_start_1:
0x0: {  	(tag) =	ssettag $0x1  }
0x1: {  	s1 =	srdreg.scid;
	s0 =	stileid.u32  }
0x2: {  	s1 =	sand.u32 $0x1, s1;
	s2 =	smul.u32 $0x2710, s0  }
0x3: {  	s3 =	smul.u32 $0x1388, s1;
	_ =	sdelay $0x1  }
0x4: {  	s5 =	rddreg [dreg:$0x0];
	s3 =	sadd.s32 s3, s2;
	s2 =	simm.s32 $0x0  }
0x5: {  	s17 =	simm.s32 $0xA00;
	[smem:$0x7FF] =	sst s2  }
0x6: {  	s18 =	simm.s32 $0x1200;
	_ =	strace $0x80000047;
	[dreg:$0x4] =	wrdreg s17  }
0x7: {  	s19 =	simm.s32 $0x1A00;
	[dreg:$0x5] =	wrdreg s18  }
0x8: {  	s20 =	simm.s32 $0x2200;
	[dreg:$0x6] =	wrdreg s19  }
0x9: {  	s21 =	simm.s32 $0x2A00;
	[dreg:$0x7] =	wrdreg s20  }
0xa: {  	s22 =	simm.s32 $0x3200;
	[dreg:$0x8] =	wrdreg s21  }
0xb: {  	s23 =	simm.s32 $0x3A00;
	[dreg:$0x9] =	wrdreg s22  }
0xc: {  	s24 =	simm.s32 $0x4200;
	[dreg:$0xa] =	wrdreg s23  }
0xd: {  	s25 =	simm.s32 $0x4A00;
	[dreg:$0xb] =	wrdreg s24  }
0xe: {  	s26 =	simm.s32 $0x5200;
	[dreg:$0xc] =	wrdreg s25  }
0xf: {  	s30 =	simm.s32 $0x5A00;
	[dreg:$0xd] =	wrdreg s26  }
0x10: {  	s31 =	simm.s32 $0x6200;
	[dreg:$0xe] =	wrdreg s30  }
0x11: {  	s6 =	simm.s32 $0x7200;
	[dreg:$0xf] =	wrdreg s31  }
0x12: {  	s7 =	simm.s32 $0x7A00;
	[dreg:$0x11] =	wrdreg s6  }
0x13: {  	s8 =	simm.s32 $0x8200;
	[dreg:$0x12] =	wrdreg s7  }
0x14: {  	s9 =	simm.s32 $0x8A00;
	[dreg:$0x13] =	wrdreg s8  }
0x15: {  	s10 =	simm.s32 $0x9200;
	s11 =	simm.s32 $0x9A00;
	[dreg:$0x14] =	wrdreg s9  }
0x16: {  	s12 =	simm.s32 $0xA200;
	s13 =	simm.s32 $0xAA00;
	[dreg:$0x15] =	wrdreg s10  }
0x17: {  	s14 =	simm.s32 $0xB200;
	s15 =	simm.s32 $0xC200;
	[dreg:$0x16] =	wrdreg s11  }
0x18: {  	s16 =	simm.s32 $0x100;
	s28 =	simm.s32 $0x2;
	[dreg:$0x17] =	wrdreg s12  }
0x19: {  	s29 =	simm.s32 $0x0;
	s3 =	sshrl.u32 s3, $0x3;
	[dreg:$0x18] =	wrdreg s13  }
0x1a: {  	s3 =	sadd.s32 s3, s5;
	s6 =	smul.u32 $0x4E200, s0;
	[dreg:$0x19] =	wrdreg s14  }
0x1b: {  	s7 =	simm.s32 $0xBA00;
	[dreg:$0x1b] =	wrdreg s15;
	s17 =	ssub.s32 $0x2, s1  }
0x1c: {  	[dreg:$0x1c] =	wrdreg s16;
	s18 =	simm.s32 $0xD200;
	s19 =	simm.s32 $0xDA00  }
0x1d: {  	s20 =	simm.s32 $0xE200;
	s1 =	smul.u32 $0x27100, s1;
	[dreg:$0x1a] =	wrdreg s7  }
0x1e: {  	s21 =	simm.s32 $0xEA00;
	s23 =	simm.s32 $0xF200;
	[dreg:$0x1d] =	wrdreg s18  }
0x1f: {  	s24 =	simm.s32 $0xFA00;
	s26 =	simm.s32 $0x10200;
	[dreg:$0x1e] =	wrdreg s19  }
0x20: {  	s30 =	simm.s32 $0x10A00;
	s31 =	simm.s32 $0x11200;
	[dreg:$0x1f] =	wrdreg s20  }
0x21: {  	s9 =	simm.s32 $0x200;
	s10 =	simm.s32 $0xCA00;
	[smem:$0x7F7] =	sst s21  }
0x22: {  	s11 =	simm.s32 $0x11A00;
	s12 =	simm.s32 $0x12200;
	[smem:$0x7F8] =	sst s23  }
0x23: {  	s13 =	simm.s32 $0x12A00;
	s14 =	simm.s32 $0x13200;
	[smem:$0x7FA] =	sst s24  }
0x24: {  	s15 =	simm.s32 $0x13A00;
	s16 =	simm.s32 $0x14200;
	[smem:$0x7FB] =	sst s26  }
0x25: {  	s4 =	sadd.s32 $0x7400, s3;
	s3 =	sadd.s32 $0x33600, s3;
	[smem:$0x7FC] =	sst s30  }
0x26: {  	s8 =	sshrl.u32 s17, $0x1;
	[smem:$0x7FD] =	sst s31;
	s18 =	simm.s32 $0x15200  }
0x27: {  	s19 =	simm.s32 $0x15A00;
	s20 =	simm.s32 $0x16200;
	s21 =	simm.s32 $0x16A00  }
0x28: {  	s23 =	simm.s32 $0x17A00;
	s24 =	simm.s32 $0x18200;
	[dreg:$0x2] =	wrdreg s4  }
0x29: {  	s26 =	simm.s32 $0x1;
	[dreg:$0x3] =	wrdreg s3;
	s4 =	simm.s32 $0x6A00  }
0x2a: {  	s3 =	sadd.s32 $0x86800, s5;
	s6 =	sadd.s32 s6, s5;
	s7 =	ssub.s32 s17, s8  }
0x2b: {  	s8 =	simm.s32 $0x3;
	s17 =	simm.s32 $0x14A00;
	[dreg:$0x10] =	wrdreg s4  }
0x2c: {  	v2 =	vlaneseq.u32;
	s4 =	sadd.s32 $0x38600, s5;
	s22 =	smax.u32 s7, $0x1;
	s1 =	sadd.s32 s1, s6  }
0x2d: {  	vm0 =	vmmov $0xffff;
	v1 =	vshrl.u32 v2, $0x3;
	[smem:$0x7F6] =	sst s22;
	s25 =	sadd.s32 $0xD4A00, s1;
	s7 =	sadd.s32 $0x5B6A00, s1  }
0x2e: {  	v0 =	vand.u32 $0x7, v2;
	v2 =	vor.u32 $0x8, v2;
	v1 =	vmul.u32 $0x8, v1;
	s22 =	simm.s32 $0x17200;
	[smem:$0x7F9] =	sst s25;
	s25 =	simm.s32 $0x18A00  }
.LBB2_1:
0x2f: {  	s30 =	smov.u32 s7;
	s31 =	sld [smem:$0x7F9];
	s1 =	simm.s32 $0x0  }
.LBB2_2:
0x30: {  	s0 =	rddreg [dreg:$0x3]  }
0x31: {  	s0 =	sadd.s32 s1, s0  }
0x32: {  	[tilespmem:s2], [sflag:$0x3] =	stream.linear.gather [hbm4b:s0+s2], $0xC8, $0x38;
	[tilespmem:$0x19200] =	vst v63  }
0x33: {  	_ =	swait.ge [sflag:s8], $0xC8  }
0x34: {  	[sflag:s8] =	ssyncset.done $0x0  }
0x35: {  	[sflag:s8] =	ssyncadd.s32 $0xFFFFFF38  }
0x36: {  	v3 =	vld [tilespmem:$0x0];
	_ =	sdelay $0x4  }
0x37: {  	v4 =	vshll.u32 v3, $0x1  }
0x38: {  	v3 =	vand.u32 $0x7, v3;
	v4 =	vand.u32 $0xFFFFFFF0, v4  }
0x39: {  	v3 =	vor.u32 v3, v4  }
0x3a: {  	v4 =	vperm.xlane v3, v0;
	_ =	sdelay $0x1  }
0x3b: {  	v3 =	vperm.xlane v3, v2;
	v4 =	vadd.s32 v1, v4;
	_ =	sdelay $0x1  }
0x3c: {  	v3 =	vadd.s32 v1, v3;
	_ =	sdelay $0x2  }
0x3d: {  	[tilespmem:s9], [sflag:$0x1] =	stream.indirect_vreg.gather [hbm4b:s3+s2], $0x80, v4, vm0, $0xb8;
	[tilespmem:$0x19200] =	vst v63  }
0x3e: {  	s5 =	rddreg [dreg:$0x4]  }
0x3f: {  	[tilespmem:s5], [sflag:$0x1] =	stream.indirect_vreg.gather [hbm4b:s3+s2], $0x80, v3, vm0, $0xb8;
	[tilespmem:$0x19200] =	vst v63  }
0x40: {  	v3 =	vld [tilespmem:$0x10];
	_ =	sdelay $0x4  }
0x41: {  	v39 =	vshll.u32 v3, $0x1  }
0x42: {  	v3 =	vand.u32 $0x7, v3;
	v4 =	vand.u32 $0xFFFFFFF0, v39  }
0x43: {  	v3 =	vor.u32 v3, v4  }
0x44: {  	v4 =	vperm.xlane v3, v0;
	_ =	sdelay $0x1  }
0x45: {  	v3 =	vperm.xlane v3, v2;
	v4 =	vadd.s32 v1, v4;
	_ =	sdelay $0x1  }
0x46: {  	v3 =	vadd.s32 v1, v3;
	_ =	sdelay $0x1  }
0x47: {  	s6 =	rddreg [dreg:$0x5]  }
0x48: {  	[tilespmem:s6], [sflag:$0x1] =	stream.indirect_vreg.gather [hbm4b:s3+s2], $0x80, v4, vm0, $0xb8;
	[tilespmem:$0x19200] =	vst v63  }
0x49: {  	s5 =	rddreg [dreg:$0x6]  }
0x4a: {  	[tilespmem:s5], [sflag:$0x1] =	stream.indirect_vreg.gather [hbm4b:s3+s2], $0x80, v3, vm0, $0xb8;
	[tilespmem:$0x19200] =	vst v63  }
0x4b: {  	v3 =	vld [tilespmem:$0x20];
	_ =	sdelay $0x4  }
0x4c: {  	v40 =	vshll.u32 v3, $0x1  }
0x4d: {  	v3 =	vand.u32 $0x7, v3;
	v4 =	vand.u32 $0xFFFFFFF0, v40  }
0x4e: {  	v3 =	vor.u32 v3, v4  }
0x4f: {  	v4 =	vperm.xlane v3, v0;
	_ =	sdelay $0x1  }
0x50: {  	v3 =	vperm.xlane v3, v2;
	v4 =	vadd.s32 v1, v4;
	_ =	sdelay $0x1  }
0x51: {  	v3 =	vadd.s32 v1, v3;
	_ =	sdelay $0x1  }
0x52: {  	s5 =	rddreg [dreg:$0x7]  }
0x53: {  	[tilespmem:s5], [sflag:$0x1] =	stream.indirect_vreg.gather [hbm4b:s3+s2], $0x80, v4, vm0, $0xb8;
	[tilespmem:$0x19200] =	vst v63  }
0x54: {  	s6 =	rddreg [dreg:$0x8]  }
0x55: {  	[tilespmem:s6], [sflag:$0x1] =	stream.indirect_vreg.gather [hbm4b:s3+s2], $0x80, v3, vm0, $0xb8;
	[tilespmem:$0x19200] =	vst v63  }
0x56: {  	v3 =	vld [tilespmem:$0x30];
	_ =	sdelay $0x4  }
0x57: {  	v41 =	vshll.u32 v3, $0x1  }
0x58: {  	v3 =	vand.u32 $0x7, v3;
	v4 =	vand.u32 $0xFFFFFFF0, v41  }
0x59: {  	v3 =	vor.u32 v3, v4  }
0x5a: {  	v4 =	vperm.xlane v3, v0;
	_ =	sdelay $0x1  }
0x5b: {  	v3 =	vperm.xlane v3, v2;
	v4 =	vadd.s32 v1, v4;
	_ =	sdelay $0x1  }
0x5c: {  	v3 =	vadd.s32 v1, v3;
	_ =	sdelay $0x1  }
0x5d: {  	s5 =	rddreg [dreg:$0x9]  }
0x5e: {  	[tilespmem:s5], [sflag:$0x1] =	stream.indirect_vreg.gather [hbm4b:s3+s2], $0x80, v4, vm0, $0xb8;
	[tilespmem:$0x19200] =	vst v63  }
0x5f: {  	s6 =	rddreg [dreg:$0xa]  }
0x60: {  	[tilespmem:s6], [sflag:$0x1] =	stream.indirect_vreg.gather [hbm4b:s3+s2], $0x80, v3, vm0, $0xb8;
	[tilespmem:$0x19200] =	vst v63  }
0x61: {  	v3 =	vld [tilespmem:$0x40];
	_ =	sdelay $0x4  }
0x62: {  	v42 =	vshll.u32 v3, $0x1  }
0x63: {  	v3 =	vand.u32 $0x7, v3;
	v4 =	vand.u32 $0xFFFFFFF0, v42  }
0x64: {  	v3 =	vor.u32 v3, v4  }
0x65: {  	v4 =	vperm.xlane v3, v0;
	_ =	sdelay $0x1  }
0x66: {  	v3 =	vperm.xlane v3, v2;
	v4 =	vadd.s32 v1, v4;
	_ =	sdelay $0x1  }
0x67: {  	v3 =	vadd.s32 v1, v3;
	_ =	sdelay $0x1  }
0x68: {  	s5 =	rddreg [dreg:$0xb]  }
0x69: {  	[tilespmem:s5], [sflag:$0x1] =	stream.indirect_vreg.gather [hbm4b:s3+s2], $0x80, v4, vm0, $0xb8;
	[tilespmem:$0x19200] =	vst v63  }
0x6a: {  	s6 =	rddreg [dreg:$0xc]  }
0x6b: {  	[tilespmem:s6], [sflag:$0x1] =	stream.indirect_vreg.gather [hbm4b:s3+s2], $0x80, v3, vm0, $0xb8;
	[tilespmem:$0x19200] =	vst v63  }
0x6c: {  	v3 =	vld [tilespmem:$0x50];
	_ =	sdelay $0x4  }
0x6d: {  	v43 =	vshll.u32 v3, $0x1  }
0x6e: {  	v3 =	vand.u32 $0x7, v3;
	v4 =	vand.u32 $0xFFFFFFF0, v43  }
0x6f: {  	v3 =	vor.u32 v3, v4  }
0x70: {  	v4 =	vperm.xlane v3, v0;
	_ =	sdelay $0x1  }
0x71: {  	v3 =	vperm.xlane v3, v2;
	v4 =	vadd.s32 v1, v4;
	_ =	sdelay $0x1  }
0x72: {  	v3 =	vadd.s32 v1, v3;
	_ =	sdelay $0x1  }
0x73: {  	s5 =	rddreg [dreg:$0xd]  }
0x74: {  	[tilespmem:s5], [sflag:$0x1] =	stream.indirect_vreg.gather [hbm4b:s3+s2], $0x80, v4, vm0, $0xb8;
	[tilespmem:$0x19200] =	vst v63  }
0x75: {  	s6 =	rddreg [dreg:$0xe]  }
0x76: {  	[tilespmem:s6], [sflag:$0x1] =	stream.indirect_vreg.gather [hbm4b:s3+s2], $0x80, v3, vm0, $0xb8;
	[tilespmem:$0x19200] =	vst v63  }
0x77: {  	v3 =	vld [tilespmem:$0x60];
	_ =	sdelay $0x4  }
0x78: {  	v44 =	vshll.u32 v3, $0x1  }
0x79: {  	v3 =	vand.u32 $0x7, v3;
	v4 =	vand.u32 $0xFFFFFFF0, v44  }
0x7a: {  	v3 =	vor.u32 v3, v4  }
0x7b: {  	v4 =	vperm.xlane v3, v0;
	_ =	sdelay $0x1  }
0x7c: {  	v3 =	vperm.xlane v3, v2;
	v4 =	vadd.s32 v1, v4;
	_ =	sdelay $0x1  }
0x7d: {  	v3 =	vadd.s32 v1, v3;
	_ =	sdelay $0x1  }
0x7e: {  	s5 =	rddreg [dreg:$0xf]  }
0x7f: {  	[tilespmem:s5], [sflag:$0x1] =	stream.indirect_vreg.gather [hbm4b:s3+s2], $0x80, v4, vm0, $0xb8;
	[tilespmem:$0x19200] =	vst v63  }
0x80: {  	s6 =	rddreg [dreg:$0x10]  }
0x81: {  	[tilespmem:s6], [sflag:$0x1] =	stream.indirect_vreg.gather [hbm4b:s3+s2], $0x80, v3, vm0, $0xb8;
	[tilespmem:$0x19200] =	vst v63  }
0x82: {  	v3 =	vld [tilespmem:$0x70];
	_ =	sdelay $0x4  }
0x83: {  	v45 =	vshll.u32 v3, $0x1  }
0x84: {  	v3 =	vand.u32 $0x7, v3;
	v4 =	vand.u32 $0xFFFFFFF0, v45  }
0x85: {  	v3 =	vor.u32 v3, v4  }
0x86: {  	v4 =	vperm.xlane v3, v0;
	_ =	sdelay $0x1  }
0x87: {  	v3 =	vperm.xlane v3, v2;
	v4 =	vadd.s32 v1, v4;
	_ =	sdelay $0x1  }
0x88: {  	v3 =	vadd.s32 v1, v3;
	_ =	sdelay $0x1  }
0x89: {  	s5 =	rddreg [dreg:$0x11]  }
0x8a: {  	[tilespmem:s5], [sflag:$0x1] =	stream.indirect_vreg.gather [hbm4b:s3+s2], $0x80, v4, vm0, $0xb8;
	[tilespmem:$0x19200] =	vst v63  }
0x8b: {  	s6 =	rddreg [dreg:$0x12]  }
0x8c: {  	[tilespmem:s6], [sflag:$0x1] =	stream.indirect_vreg.gather [hbm4b:s3+s2], $0x80, v3, vm0, $0xb8;
	[tilespmem:$0x19200] =	vst v63  }
0x8d: {  	v3 =	vld [tilespmem:$0x80];
	_ =	sdelay $0x4  }
0x8e: {  	v46 =	vshll.u32 v3, $0x1  }
0x8f: {  	v3 =	vand.u32 $0x7, v3;
	v4 =	vand.u32 $0xFFFFFFF0, v46  }
0x90: {  	v3 =	vor.u32 v3, v4  }
0x91: {  	v4 =	vperm.xlane v3, v0;
	_ =	sdelay $0x1  }
0x92: {  	v3 =	vperm.xlane v3, v2;
	v4 =	vadd.s32 v1, v4;
	_ =	sdelay $0x1  }
0x93: {  	v3 =	vadd.s32 v1, v3;
	_ =	sdelay $0x1  }
0x94: {  	s5 =	rddreg [dreg:$0x13]  }
0x95: {  	[tilespmem:s5], [sflag:$0x1] =	stream.indirect_vreg.gather [hbm4b:s3+s2], $0x80, v4, vm0, $0xb8;
	[tilespmem:$0x19200] =	vst v63  }
0x96: {  	s6 =	rddreg [dreg:$0x14]  }
0x97: {  	[tilespmem:s6], [sflag:$0x1] =	stream.indirect_vreg.gather [hbm4b:s3+s2], $0x80, v3, vm0, $0xb8;
	[tilespmem:$0x19200] =	vst v63  }
0x98: {  	v3 =	vld [tilespmem:$0x90];
	_ =	sdelay $0x4  }
0x99: {  	v47 =	vshll.u32 v3, $0x1  }
0x9a: {  	v3 =	vand.u32 $0x7, v3;
	v4 =	vand.u32 $0xFFFFFFF0, v47  }
0x9b: {  	v3 =	vor.u32 v3, v4  }
0x9c: {  	v4 =	vperm.xlane v3, v0;
	_ =	sdelay $0x1  }
0x9d: {  	v3 =	vperm.xlane v3, v2;
	v4 =	vadd.s32 v1, v4;
	_ =	sdelay $0x1  }
0x9e: {  	v3 =	vadd.s32 v1, v3;
	_ =	sdelay $0x1  }
0x9f: {  	s5 =	rddreg [dreg:$0x15]  }
0xa0: {  	[tilespmem:s5], [sflag:$0x1] =	stream.indirect_vreg.gather [hbm4b:s3+s2], $0x80, v4, vm0, $0xb8;
	[tilespmem:$0x19200] =	vst v63  }
0xa1: {  	s6 =	rddreg [dreg:$0x16]  }
0xa2: {  	[tilespmem:s6], [sflag:$0x1] =	stream.indirect_vreg.gather [hbm4b:s3+s2], $0x80, v3, vm0, $0xb8;
	[tilespmem:$0x19200] =	vst v63  }
0xa3: {  	v3 =	vld [tilespmem:$0xA0];
	_ =	sdelay $0x4  }
0xa4: {  	v48 =	vshll.u32 v3, $0x1  }
0xa5: {  	v3 =	vand.u32 $0x7, v3;
	v4 =	vand.u32 $0xFFFFFFF0, v48  }
0xa6: {  	v3 =	vor.u32 v3, v4  }
0xa7: {  	v4 =	vperm.xlane v3, v0;
	_ =	sdelay $0x1  }
0xa8: {  	v3 =	vperm.xlane v3, v2;
	v4 =	vadd.s32 v1, v4;
	_ =	sdelay $0x1  }
0xa9: {  	v3 =	vadd.s32 v1, v3;
	_ =	sdelay $0x1  }
0xaa: {  	s5 =	rddreg [dreg:$0x17]  }
0xab: {  	[tilespmem:s5], [sflag:$0x1] =	stream.indirect_vreg.gather [hbm4b:s3+s2], $0x80, v4, vm0, $0xb8;
	[tilespmem:$0x19200] =	vst v63  }
0xac: {  	s6 =	rddreg [dreg:$0x18]  }
0xad: {  	[tilespmem:s6], [sflag:$0x1] =	stream.indirect_vreg.gather [hbm4b:s3+s2], $0x80, v3, vm0, $0xb8;
	[tilespmem:$0x19200] =	vst v63  }
0xae: {  	v3 =	vld [tilespmem:$0xB0];
	_ =	sdelay $0x4  }
0xaf: {  	v49 =	vshll.u32 v3, $0x1  }
0xb0: {  	v3 =	vand.u32 $0x7, v3;
	v4 =	vand.u32 $0xFFFFFFF0, v49  }
0xb1: {  	v3 =	vor.u32 v3, v4  }
0xb2: {  	v4 =	vperm.xlane v3, v0;
	_ =	sdelay $0x1  }
0xb3: {  	v3 =	vperm.xlane v3, v2;
	v4 =	vadd.s32 v1, v4;
	_ =	sdelay $0x1  }
0xb4: {  	v3 =	vadd.s32 v1, v3;
	_ =	sdelay $0x1  }
0xb5: {  	s5 =	rddreg [dreg:$0x19]  }
0xb6: {  	[tilespmem:s5], [sflag:$0x1] =	stream.indirect_vreg.gather [hbm4b:s3+s2], $0x80, v4, vm0, $0xb8;
	[tilespmem:$0x19200] =	vst v63  }
0xb7: {  	s6 =	rddreg [dreg:$0x1a]  }
0xb8: {  	[tilespmem:s6], [sflag:$0x1] =	stream.indirect_vreg.gather [hbm4b:s3+s2], $0x80, v3, vm0, $0xb8;
	[tilespmem:$0x19200] =	vst v63  }
0xb9: {  	v3 =	vld.msk [tilespmem:$0xC0], $0xff;
	_ =	sdelay $0x4  }
0xba: {  	v50 =	vshll.u32 v3, $0x1  }
0xbb: {  	v3 =	vand.u32 $0x7, v3;
	v4 =	vand.u32 $0xFFFFFFF0, v50  }
0xbc: {  	v3 =	vor.u32 v3, v4  }
0xbd: {  	v3 =	vperm.xlane v3, v0;
	_ =	sdelay $0x1  }
0xbe: {  	v3 =	vadd.s32 v1, v3;
	_ =	sdelay $0x2  }
0xbf: {  	s0 =	rddreg [dreg:$0x1b]  }
0xc0: {  	s5 =	rddreg [dreg:$0x2]  }
0xc1: {  	[tilespmem:s0], [sflag:$0x1] =	stream.indirect_vreg.gather [hbm4b:s3+s2], $0x80, v3, vm0, $0xb8;
	[tilespmem:$0x19200] =	vst v63  }
0xc2: {  	s5 =	sadd.s32 s1, s5;
	s6 =	rddreg [dreg:$0x1c]  }
0xc3: {  	[tilespmem:s6], [sflag:$0x3] =	stream.linear.gather [hbm4b:s5+s2], $0xC8, $0x38;
	[tilespmem:$0x19200] =	vst v63  }
0xc4: {  	_ =	swait.ge [sflag:s8], $0xC8  }
0xc5: {  	[sflag:s8] =	ssyncset.done $0x0  }
0xc6: {  	[sflag:s8] =	ssyncadd.s32 $0xFFFFFF38  }
0xc7: {  	v3 =	vld [tilespmem:$0x100];
	_ =	sdelay $0x4  }
0xc8: {  	v51 =	vshll.u32 v3, $0x1  }
0xc9: {  	v3 =	vand.u32 $0x7, v3;
	v4 =	vand.u32 $0xFFFFFFF0, v51  }
0xca: {  	v3 =	vor.u32 v3, v4  }
0xcb: {  	v4 =	vperm.xlane v3, v0;
	_ =	sdelay $0x1  }
0xcc: {  	v3 =	vperm.xlane v3, v2;
	v4 =	vadd.s32 v1, v4;
	_ =	sdelay $0x1  }
0xcd: {  	v3 =	vadd.s32 v1, v3;
	_ =	sdelay $0x2  }
0xce: {  	[tilespmem:s10], [sflag:$0x2] =	stream.indirect_vreg.gather [hbm4b:s4+s2], $0x80, v4, vm0, $0xb8;
	[tilespmem:$0x19200] =	vst v63  }
0xcf: {  	s6 =	rddreg [dreg:$0x1d]  }
0xd0: {  	[tilespmem:s6], [sflag:$0x2] =	stream.indirect_vreg.gather [hbm4b:s4+s2], $0x80, v3, vm0, $0xb8;
	[tilespmem:$0x19200] =	vst v63  }
0xd1: {  	v3 =	vld [tilespmem:$0x110];
	_ =	sdelay $0x4  }
0xd2: {  	v52 =	vshll.u32 v3, $0x1  }
0xd3: {  	v3 =	vand.u32 $0x7, v3;
	v4 =	vand.u32 $0xFFFFFFF0, v52  }
0xd4: {  	v3 =	vor.u32 v3, v4  }
0xd5: {  	v4 =	vperm.xlane v3, v0;
	_ =	sdelay $0x1  }
0xd6: {  	v3 =	vperm.xlane v3, v2;
	v4 =	vadd.s32 v1, v4;
	_ =	sdelay $0x1  }
0xd7: {  	v3 =	vadd.s32 v1, v3;
	_ =	sdelay $0x1  }
0xd8: {  	s5 =	rddreg [dreg:$0x1e]  }
0xd9: {  	[tilespmem:s5], [sflag:$0x2] =	stream.indirect_vreg.gather [hbm4b:s4+s2], $0x80, v4, vm0, $0xb8;
	[tilespmem:$0x19200] =	vst v63  }
0xda: {  	s6 =	rddreg [dreg:$0x1f]  }
0xdb: {  	[tilespmem:s6], [sflag:$0x2] =	stream.indirect_vreg.gather [hbm4b:s4+s2], $0x80, v3, vm0, $0xb8;
	[tilespmem:$0x19200] =	vst v63  }
0xdc: {  	v3 =	vld [tilespmem:$0x120];
	_ =	sdelay $0x4  }
0xdd: {  	v53 =	vshll.u32 v3, $0x1  }
0xde: {  	v3 =	vand.u32 $0x7, v3;
	v4 =	vand.u32 $0xFFFFFFF0, v53  }
0xdf: {  	v3 =	vor.u32 v3, v4  }
0xe0: {  	v4 =	vperm.xlane v3, v0;
	_ =	sdelay $0x1  }
0xe1: {  	v3 =	vperm.xlane v3, v2;
	v4 =	vadd.s32 v1, v4;
	_ =	sdelay $0x1  }
0xe2: {  	s5 =	sld [smem:$0x7F7];
	v3 =	vadd.s32 v1, v3;
	_ =	sdelay $0x1  }
0xe3: {  	s6 =	sld [smem:$0x7F8]  }
0xe4: {  	[tilespmem:s5], [sflag:$0x2] =	stream.indirect_vreg.gather [hbm4b:s4+s2], $0x80, v4, vm0, $0xb8;
	[tilespmem:$0x19200] =	vst v63  }
0xe5: {  	_ = 	snop  }
0xe6: {  	[tilespmem:s6], [sflag:$0x2] =	stream.indirect_vreg.gather [hbm4b:s4+s2], $0x80, v3, vm0, $0xb8;
	[tilespmem:$0x19200] =	vst v63  }
0xe7: {  	v3 =	vld [tilespmem:$0x130];
	_ =	sdelay $0x4  }
0xe8: {  	v54 =	vshll.u32 v3, $0x1  }
0xe9: {  	v3 =	vand.u32 $0x7, v3;
	v4 =	vand.u32 $0xFFFFFFF0, v54  }
0xea: {  	v3 =	vor.u32 v3, v4  }
0xeb: {  	v4 =	vperm.xlane v3, v0;
	_ =	sdelay $0x1  }
0xec: {  	v3 =	vperm.xlane v3, v2;
	v4 =	vadd.s32 v1, v4;
	_ =	sdelay $0x1  }
0xed: {  	s5 =	sld [smem:$0x7FA];
	v3 =	vadd.s32 v1, v3;
	_ =	sdelay $0x1  }
0xee: {  	s6 =	sld [smem:$0x7FB]  }
0xef: {  	[tilespmem:s5], [sflag:$0x2] =	stream.indirect_vreg.gather [hbm4b:s4+s2], $0x80, v4, vm0, $0xb8;
	[tilespmem:$0x19200] =	vst v63  }
0xf0: {  	_ = 	snop  }
0xf1: {  	[tilespmem:s6], [sflag:$0x2] =	stream.indirect_vreg.gather [hbm4b:s4+s2], $0x80, v3, vm0, $0xb8;
	[tilespmem:$0x19200] =	vst v63  }
0xf2: {  	v3 =	vld [tilespmem:$0x140];
	_ =	sdelay $0x4  }
0xf3: {  	v55 =	vshll.u32 v3, $0x1  }
0xf4: {  	v3 =	vand.u32 $0x7, v3;
	v4 =	vand.u32 $0xFFFFFFF0, v55  }
0xf5: {  	v3 =	vor.u32 v3, v4  }
0xf6: {  	v4 =	vperm.xlane v3, v0;
	_ =	sdelay $0x1  }
0xf7: {  	v3 =	vperm.xlane v3, v2;
	v4 =	vadd.s32 v1, v4;
	_ =	sdelay $0x1  }
0xf8: {  	s5 =	sld [smem:$0x7FC];
	v3 =	vadd.s32 v1, v3;
	_ =	sdelay $0x1  }
0xf9: {  	s6 =	sld [smem:$0x7FD]  }
0xfa: {  	[tilespmem:s5], [sflag:$0x2] =	stream.indirect_vreg.gather [hbm4b:s4+s2], $0x80, v4, vm0, $0xb8;
	[tilespmem:$0x19200] =	vst v63  }
0xfb: {  	_ = 	snop  }
0xfc: {  	[tilespmem:s6], [sflag:$0x2] =	stream.indirect_vreg.gather [hbm4b:s4+s2], $0x80, v3, vm0, $0xb8;
	[tilespmem:$0x19200] =	vst v63  }
0xfd: {  	v3 =	vld [tilespmem:$0x150];
	_ =	sdelay $0x4  }
0xfe: {  	v56 =	vshll.u32 v3, $0x1  }
0xff: {  	v3 =	vand.u32 $0x7, v3;
	v4 =	vand.u32 $0xFFFFFFF0, v56  }
0x100: {  	v3 =	vor.u32 v3, v4  }
0x101: {  	v4 =	vperm.xlane v3, v0;
	_ =	sdelay $0x1  }
0x102: {  	v3 =	vperm.xlane v3, v2;
	v4 =	vadd.s32 v1, v4;
	_ =	sdelay $0x1  }
0x103: {  	v3 =	vadd.s32 v1, v3;
	_ =	sdelay $0x2  }
0x104: {  	[tilespmem:s11], [sflag:$0x2] =	stream.indirect_vreg.gather [hbm4b:s4+s2], $0x80, v4, vm0, $0xb8;
	[tilespmem:$0x19200] =	vst v63  }
0x105: {  	_ = 	snop  }
0x106: {  	[tilespmem:s12], [sflag:$0x2] =	stream.indirect_vreg.gather [hbm4b:s4+s2], $0x80, v3, vm0, $0xb8;
	[tilespmem:$0x19200] =	vst v63  }
0x107: {  	v3 =	vld [tilespmem:$0x160];
	_ =	sdelay $0x4  }
0x108: {  	v57 =	vshll.u32 v3, $0x1  }
0x109: {  	v3 =	vand.u32 $0x7, v3;
	v4 =	vand.u32 $0xFFFFFFF0, v57  }
0x10a: {  	v3 =	vor.u32 v3, v4  }
0x10b: {  	v4 =	vperm.xlane v3, v0;
	_ =	sdelay $0x1  }
0x10c: {  	v3 =	vperm.xlane v3, v2;
	v4 =	vadd.s32 v1, v4;
	_ =	sdelay $0x1  }
0x10d: {  	v3 =	vadd.s32 v1, v3;
	_ =	sdelay $0x2  }
0x10e: {  	[tilespmem:s13], [sflag:$0x2] =	stream.indirect_vreg.gather [hbm4b:s4+s2], $0x80, v4, vm0, $0xb8;
	[tilespmem:$0x19200] =	vst v63  }
0x10f: {  	_ = 	snop  }
0x110: {  	[tilespmem:s14], [sflag:$0x2] =	stream.indirect_vreg.gather [hbm4b:s4+s2], $0x80, v3, vm0, $0xb8;
	[tilespmem:$0x19200] =	vst v63  }
0x111: {  	v3 =	vld [tilespmem:$0x170];
	_ =	sdelay $0x4  }
0x112: {  	v58 =	vshll.u32 v3, $0x1  }
0x113: {  	v3 =	vand.u32 $0x7, v3;
	v4 =	vand.u32 $0xFFFFFFF0, v58  }
0x114: {  	v3 =	vor.u32 v3, v4  }
0x115: {  	v4 =	vperm.xlane v3, v0;
	_ =	sdelay $0x1  }
0x116: {  	v3 =	vperm.xlane v3, v2;
	v4 =	vadd.s32 v1, v4;
	_ =	sdelay $0x1  }
0x117: {  	v3 =	vadd.s32 v1, v3;
	_ =	sdelay $0x2  }
0x118: {  	[tilespmem:s15], [sflag:$0x2] =	stream.indirect_vreg.gather [hbm4b:s4+s2], $0x80, v4, vm0, $0xb8;
	[tilespmem:$0x19200] =	vst v63  }
0x119: {  	_ = 	snop  }
0x11a: {  	[tilespmem:s16], [sflag:$0x2] =	stream.indirect_vreg.gather [hbm4b:s4+s2], $0x80, v3, vm0, $0xb8;
	[tilespmem:$0x19200] =	vst v63  }
0x11b: {  	v3 =	vld [tilespmem:$0x180];
	_ =	sdelay $0x4  }
0x11c: {  	v59 =	vshll.u32 v3, $0x1  }
0x11d: {  	v3 =	vand.u32 $0x7, v3;
	v4 =	vand.u32 $0xFFFFFFF0, v59  }
0x11e: {  	v3 =	vor.u32 v3, v4  }
0x11f: {  	v4 =	vperm.xlane v3, v0;
	_ =	sdelay $0x1  }
0x120: {  	v3 =	vperm.xlane v3, v2;
	v4 =	vadd.s32 v1, v4;
	_ =	sdelay $0x1  }
0x121: {  	v3 =	vadd.s32 v1, v3;
	_ =	sdelay $0x2  }
0x122: {  	[tilespmem:s17], [sflag:$0x2] =	stream.indirect_vreg.gather [hbm4b:s4+s2], $0x80, v4, vm0, $0xb8;
	[tilespmem:$0x19200] =	vst v63  }
0x123: {  	_ = 	snop  }
0x124: {  	[tilespmem:s18], [sflag:$0x2] =	stream.indirect_vreg.gather [hbm4b:s4+s2], $0x80, v3, vm0, $0xb8;
	[tilespmem:$0x19200] =	vst v63  }
0x125: {  	v3 =	vld [tilespmem:$0x190];
	_ =	sdelay $0x4  }
0x126: {  	v60 =	vshll.u32 v3, $0x1  }
0x127: {  	v3 =	vand.u32 $0x7, v3;
	v4 =	vand.u32 $0xFFFFFFF0, v60  }
0x128: {  	v3 =	vor.u32 v3, v4  }
0x129: {  	v4 =	vperm.xlane v3, v0;
	_ =	sdelay $0x1  }
0x12a: {  	v3 =	vperm.xlane v3, v2;
	v4 =	vadd.s32 v1, v4;
	_ =	sdelay $0x1  }
0x12b: {  	v3 =	vadd.s32 v1, v3;
	_ =	sdelay $0x2  }
0x12c: {  	[tilespmem:s19], [sflag:$0x2] =	stream.indirect_vreg.gather [hbm4b:s4+s2], $0x80, v4, vm0, $0xb8;
	[tilespmem:$0x19200] =	vst v63  }
0x12d: {  	_ = 	snop  }
0x12e: {  	[tilespmem:s20], [sflag:$0x2] =	stream.indirect_vreg.gather [hbm4b:s4+s2], $0x80, v3, vm0, $0xb8;
	[tilespmem:$0x19200] =	vst v63  }
0x12f: {  	v3 =	vld [tilespmem:$0x1A0];
	_ =	sdelay $0x4  }
0x130: {  	v61 =	vshll.u32 v3, $0x1  }
0x131: {  	v3 =	vand.u32 $0x7, v3;
	v4 =	vand.u32 $0xFFFFFFF0, v61  }
0x132: {  	v3 =	vor.u32 v3, v4  }
0x133: {  	v4 =	vperm.xlane v3, v0;
	_ =	sdelay $0x1  }
0x134: {  	v3 =	vperm.xlane v3, v2;
	v4 =	vadd.s32 v1, v4;
	_ =	sdelay $0x1  }
0x135: {  	v3 =	vadd.s32 v1, v3;
	_ =	sdelay $0x2  }
0x136: {  	[tilespmem:s21], [sflag:$0x2] =	stream.indirect_vreg.gather [hbm4b:s4+s2], $0x80, v4, vm0, $0xb8;
	[tilespmem:$0x19200] =	vst v63  }
0x137: {  	_ = 	snop  }
0x138: {  	[tilespmem:s22], [sflag:$0x2] =	stream.indirect_vreg.gather [hbm4b:s4+s2], $0x80, v3, vm0, $0xb8;
	[tilespmem:$0x19200] =	vst v63  }
0x139: {  	v3 =	vld [tilespmem:$0x1B0];
	_ =	sdelay $0x4  }
0x13a: {  	v62 =	vshll.u32 v3, $0x1  }
0x13b: {  	v3 =	vand.u32 $0x7, v3;
	v4 =	vand.u32 $0xFFFFFFF0, v62  }
0x13c: {  	v3 =	vor.u32 v3, v4  }
0x13d: {  	v4 =	vperm.xlane v3, v0;
	_ =	sdelay $0x1  }
0x13e: {  	v3 =	vperm.xlane v3, v2;
	v4 =	vadd.s32 v1, v4;
	_ =	sdelay $0x1  }
0x13f: {  	v3 =	vadd.s32 v1, v3;
	_ =	sdelay $0x2  }
0x140: {  	[tilespmem:s23], [sflag:$0x2] =	stream.indirect_vreg.gather [hbm4b:s4+s2], $0x80, v4, vm0, $0xb8;
	[tilespmem:$0x19200] =	vst v63  }
0x141: {  	_ = 	snop  }
0x142: {  	[tilespmem:s24], [sflag:$0x2] =	stream.indirect_vreg.gather [hbm4b:s4+s2], $0x80, v3, vm0, $0xb8;
	[tilespmem:$0x19200] =	vst v63  }
0x143: {  	v3 =	vld.msk [tilespmem:$0x1C0], $0xff;
	_ =	sdelay $0x4  }
0x144: {  	v63 =	vshll.u32 v3, $0x1  }
0x145: {  	v3 =	vand.u32 $0x7, v3;
	v4 =	vand.u32 $0xFFFFFFF0, v63  }
0x146: {  	v3 =	vor.u32 v3, v4  }
0x147: {  	v3 =	vperm.xlane v3, v0;
	_ =	sdelay $0x1  }
0x148: {  	v3 =	vadd.s32 v1, v3;
	_ =	sdelay $0x4  }
0x149: {  	[tilespmem:s25], [sflag:$0x2] =	stream.indirect_vreg.gather [hbm4b:s4+s2], $0x80, v3, vm0, $0xb8;
	[tilespmem:$0x19200] =	vst v63  }
0x14a: {  	_ =	swait.ge [sflag:s26], $0xC800  }
0x14b: {  	[sflag:s26] =	ssyncset.done $0x0  }
0x14c: {  	[sflag:s26] =	ssyncadd.s32 $0xFFFF3800  }
0x14d: {  	[hbm4b:s31+s2] =	stream.linear.scatter [tilespmem:s9], [sflag:$0x3], $0xC800, $0x38;
	[tilespmem:$0x19200] =	vst v63  }
0x14e: {  	_ =	swait.ge [sflag:s8], $0xC800  }
0x14f: {  	[sflag:s8] =	ssyncset.done $0x0  }
0x150: {  	[sflag:s8] =	ssyncadd.s32 $0xFFFF3800  }
0x151: {  	_ =	swait.ge [sflag:s28], $0xC800  }
0x152: {  	p0 =	sne.s32 s1, $0x258;
	[sflag:s28] =	ssyncset.done $0x0  }
.Ltmp0:
0x153: {  	[sflag:s28] =	ssyncadd.s32 $0xFFFF3800;
	(pc) =	sbr.rel @p0 .LBB2_2-.Ltmp0, $4  }
0x154: {  	[hbm4b:s30+s2] =	stream.linear.scatter [tilespmem:s10], [sflag:$0x3], $0xC800, $0x38;
	[tilespmem:$0x19200] =	vst v63  }
0x155: {  	_ =	swait.ge [sflag:s8], $0xC800  }
0x156: {  	s1 =	sadd.s32 $0x19, s1;
	[sflag:s8] =	ssyncset.done $0x0  }
0x157: {  	s31 =	sadd.s32 $0x1900, s31;
	s30 =	sadd.s32 $0x1900, s30;
	[sflag:s8] =	ssyncadd.s32 $0xFFFF3800  }
0x158: {  	s0 =	sld [smem:$0x7F6];
	_ =	sdelay $0x1  }
0x159: {  	s29 =	sadd.s32 $0x1, s29  }
0x15a: {  	p0 =	sne.s32 s29, s0  }
.Ltmp1:
0x15b: {  	_ = 	snop;
	(pc) =	sbr.rel @p0 .LBB2_1-.Ltmp1, $1  }
0x15c: {  	_ =	sdelay $0x3  }
0x15d: {  	_ =	sfence.sel $0x180000  }
0x15e: {  	[bflag:$0x0] =	sbarrier.arrive $0xFFFF  }
0x15f: {  	_ =	strace $0x90000047  }
0x160: {  	s0 =	stileid.u32;
	[bflag:$0x2] =	sbarrier.arrive $0xFFFF  }
0x161: {  	p0 =	sne.s32 s0, $0x0;
	s0 =	rddreg [dreg:$0x1]  }
0x162: {  	s0 =	sadd.s32 @!p0 $0x100000, s0  }
0x163: {  	[sflag:s0] =	ssyncadd.tile.s32 @!p0 $0x1;
	_ =	shalt  }
.Lfunc_end2:
_tile_overlayer_lowered:
.L_overlay_start_2:
0x164: {  	(tag) =	ssettag $0x2  }
0x165: {  	s0 =	rddreg [dreg:$0x0];
	s2 =	stileid.u32  }
0x166: {  	s1 =	rddreg [dreg:$0x1];
	p0 =	sne.s32 s2, $0x0  }
0x167: {  	s3 =	rddreg [dreg:$0x2];
	[bflag:$0x3] =	sbarrier.arrive $0xFFFF;
	s2 =	simm.s32 @!p0 $0x1C03  }
0x168: {  	[timem:s3], [sflag:s2] =	dma.local @!p0 [hbm:s0], s1  }
0x169: {  	s0 =	simm.s32 @!p0 $0x3  }
0x16a: {  	_ =	swait.ge @!p0 [sflag:s0], s1  }
0x16b: {  	s1 =	ssub.s32 @!p0 $0x0, s1;
	[sflag:s0] =	ssyncset.done @!p0 $0x0  }
0x16c: {  	[sflag:s0] =	ssyncadd.s32 @!p0 s1  }
0x16d: {  	[bflag:$0x3] =	sbarrier.arrive $0xFFFF  }
0x16e: {  	_ =	shalt  }

// kernel: kernel.22.cloned.1.call-start
scs
__scs_entry_jumppad:
0x0: {  	(pc) =	sbr.rel $0x88, $3  }
0x1: {  	(tag) =	ssettag $0x0;
	lr =	simm.s32 $0x1  }
0x2: {  	[smem:$0x3F83] =	sst lr;
	_ =	strace $0xD0000000  }
0x3: {  	_ = 	snop  }
0x4: {  	_ = 	snop  }
0x5: {  	_ = 	snop  }
0x6: {  	_ = 	snop  }
0x7: {  	_ = 	snop  }
__scs_overlays_trampoline_lowered:
0x8: {  	[smem:$0x3F92] =	sst s0  }
0x9: {  	[smem:$0x3F93] =	sst s1  }
0xa: {  	[smem:$0x3F94] =	sst s2  }
0xb: {  	[smem:$0x3F95] =	sst s3  }
0xc: {  	[smem:$0x3F96] =	sst s4  }
0xd: {  	[smem:$0x3F97] =	sst s5  }
0xe: {  	[smem:$0x3F98] =	sst s6  }
0xf: {  	[smem:$0x3F99] =	sst s7  }
0x10: {  	[smem:$0x3F9A] =	sst s8  }
0x11: {  	[smem:$0x3F9B] =	sst s9;
	s0 =	simm.s32 @!p0 $0x0  }
0x12: {  	s1 =	sld [smem:$0x3F81];
	s0 =	simm.s32 @p0 $0x1  }
0x13: {  	[smem:$0x3F9C] =	sst s0;
	s0 =	simm.s32 @!p1 $0x0  }
0x14: {  	s2 =	sld [smem:$0x3F80];
	s0 =	simm.s32 @p1 $0x1  }
0x15: {  	[smem:$0x3F9D] =	sst s0;
	s0 =	simm.s32 @!p2 $0x0  }
0x16: {  	s3 =	sld [smem:$0x3FDB];
	s0 =	simm.s32 @p2 $0x1  }
0x17: {  	s4 =	simm.s32 $0x1BF5;
	[smem:$0x3F9F] =	sst s0  }
0x18: {  	s0 =	sld [smem:$0x3F82];
	_ =	swait.ge [sflag:s4], $0x0  }
0x19: {  	s7 =	sld [smem:$0x3F83]  }
0x1a: {  	s8 =	sadd.s32 $0xFFFFE003, lr  }
0x1b: {  	s9 =	sadd.s32 $0xFFFFFEF7, lr;
	s5 =	simm.s32 $0xFFFFFFFF;
	p2 =	slt.u32 s8, $0xFFFFF086  }
0x1c: {  	p1 =	slt.u32 s9, $0xF7A;
	s5 =	simm.s32 @!p2 $0x0  }
0x1d: {  	s5 =	simm.s32 @p1 $0x1;
	p0 =	seq.s32 s7, s2  }
0x1e: {  	s7 =	smul.u32 @!p0 $0xF7A, s2;
	p2 =	seq.s32 @!p0 s5, $0x0  }
0x1f: {  	s9 =	smul.u32 $0xF7A, s1;
	s8 =	simm.s32 @!p0 $0x1BF5;
	p2 =	por !p2, p0  }
0x20: {  	[sflag:s8] =	ssyncset.s32 @!p0 $0xFFFFF086;
	s6 =	sadd.s32 @!p0 s3, s7;
	s7 =	simm.s32 @!p0 $0x108  }
0x21: {  	s3 =	sadd.s32 s3, s9;
	s6 =	sadd.s32 @!p0 $0x88, s6;
	s7 =	simm.s32 @p2 $0x1082  }
0x22: {  	[simem:s7], [sflag:s8] =	dma.local @!p0 [hbm:s6], $0xF7A  }
0x23: {  	s9 =	sor.u32 $0xD0000000, s2;
	s6 =	simm.s32 $0x108;
	_ =	swait.ge @!p0 [sflag:s8], $0x0  }
0x24: {  	s3 =	sadd.s32 $0x88, s3;
	s6 =	simm.s32 @!p1 $0x1082;
	[sflag:s4] =	ssyncset.s32 $0xFFFFF086  }
0x25: {  	[simem:s6], [sflag:s4] =	dma.local [hbm:s3], $0xF7A  }
0x26: {  	[smem:$0x3F83] =	sst s1;
	(tag) =	ssettag s2;
	_ =	strace s9  }
0x27: {  	s1 =	sld [smem:$0x3F93]  }
0x28: {  	s2 =	sld [smem:$0x3F94]  }
0x29: {  	s4 =	sld [smem:$0x3F96]  }
0x2a: {  	p0 =	seq.s32 s5, $0x0;
	s5 =	sld [smem:$0x3F97]  }
0x2b: {  	s6 =	sld [smem:$0x3F98]  }
0x2c: {  	s7 =	sld [smem:$0x3F99]  }
0x2d: {  	s3 =	simm.s32 $0x108;
	s8 =	sld [smem:$0x3F9A]  }
0x2e: {  	s3 =	simm.s32 @!p0 $0x1082;
	s9 =	sld [smem:$0x3F9B]  }
0x2f: {  	lr =	sadd.s32 s0, s3;
	s0 =	sld [smem:$0x3F92]  }
0x30: {  	s3 =	sld [smem:$0x3F95]  }
0x31: {  	[smem:$0x3F9E] =	sst s10  }
0x32: {  	s10 =	sld [smem:$0x3F9C];
	_ =	sdelay $0x3  }
0x33: {  	p0 =	seq.s32 s10, $0x1;
	s10 =	sld [smem:$0x3F9E];
	_ =	sdelay $0x3  }
0x34: {  	[smem:$0x3F9E] =	sst s10  }
0x35: {  	s10 =	sld [smem:$0x3F9D];
	_ =	sdelay $0x3  }
0x36: {  	p1 =	seq.s32 s10, $0x1;
	s10 =	sld [smem:$0x3F9E];
	_ =	sdelay $0x3  }
0x37: {  	[smem:$0x3F9E] =	sst s10  }
0x38: {  	s10 =	sld [smem:$0x3F9F]  }
0x39: {  	_ = 	snop;
	(pc) =	sbr.ind lr, $3  }
0x3a: {  	_ = 	snop  }
0x3b: {  	_ = 	snop  }
0x3c: {  	p2 =	seq.s32 s10, $0x1;
	s10 =	sld [smem:$0x3F9E]  }
0x3d: {  	_ =	shalt  }
0x3e: {  	_ =	shalt  }
0x3f: {  	_ =	shalt  }
0x40: {  	_ =	shalt  }
0x41: {  	_ =	shalt  }
0x42: {  	_ =	shalt  }
0x43: {  	_ =	shalt  }
0x44: {  	_ =	shalt  }
0x45: {  	_ =	shalt  }
0x46: {  	_ =	shalt  }
0x47: {  	_ =	shalt  }
0x48: {  	_ =	shalt  }
0x49: {  	_ =	shalt  }
0x4a: {  	_ =	shalt  }
0x4b: {  	_ =	shalt  }
0x4c: {  	_ =	shalt  }
0x4d: {  	_ =	shalt  }
0x4e: {  	_ =	shalt  }
0x4f: {  	_ =	shalt  }
0x50: {  	_ =	shalt  }
0x51: {  	_ =	shalt  }
0x52: {  	_ =	shalt  }
0x53: {  	_ =	shalt  }
0x54: {  	_ =	shalt  }
0x55: {  	_ =	shalt  }
0x56: {  	_ =	shalt  }
0x57: {  	_ =	shalt  }
0x58: {  	_ =	shalt  }
0x59: {  	_ =	shalt  }
0x5a: {  	_ =	shalt  }
0x5b: {  	_ =	shalt  }
0x5c: {  	_ =	shalt  }
0x5d: {  	_ =	shalt  }
0x5e: {  	_ =	shalt  }
0x5f: {  	_ =	shalt  }
0x60: {  	_ =	shalt  }
0x61: {  	_ =	shalt  }
0x62: {  	_ =	shalt  }
0x63: {  	_ =	shalt  }
0x64: {  	_ =	shalt  }
0x65: {  	_ =	shalt  }
0x66: {  	_ =	shalt  }
0x67: {  	_ =	shalt  }
0x68: {  	_ =	shalt  }
0x69: {  	_ =	shalt  }
0x6a: {  	_ =	shalt  }
0x6b: {  	_ =	shalt  }
0x6c: {  	_ =	shalt  }
0x6d: {  	_ =	shalt  }
0x6e: {  	_ =	shalt  }
0x6f: {  	_ =	shalt  }
0x70: {  	_ =	shalt  }
0x71: {  	_ =	shalt  }
0x72: {  	_ =	shalt  }
0x73: {  	_ =	shalt  }
0x74: {  	_ =	shalt  }
0x75: {  	_ =	shalt  }
0x76: {  	_ =	shalt  }
0x77: {  	_ =	shalt  }
0x78: {  	_ =	shalt  }
0x79: {  	_ =	shalt  }
0x7a: {  	_ =	shalt  }
0x7b: {  	_ =	shalt  }
0x7c: {  	_ =	shalt  }
0x7d: {  	_ =	shalt  }
0x7e: {  	_ =	shalt  }
0x7f: {  	_ =	shalt  }
0x80: {  	_ =	shalt  }
0x81: {  	_ =	shalt  }
0x82: {  	_ =	shalt  }
0x83: {  	_ =	shalt  }
0x84: {  	_ =	shalt  }
0x85: {  	_ =	shalt  }
0x86: {  	_ =	shalt  }
0x87: {  	_ =	shalt  }
.Lfunc_end0:
.L_simem_size_0:
called_computation.2_lowered:
.L_overlay_start_0:
0x88: {  	s2 =	sld [smem:$0x3FD9]  }
0x89: {  	s3 =	sld [smem:$0x3FFE];
	_ =	sdelay $0x1  }
0x8a: {  	s1 =	srdreg.scid  }
0x8b: {  	s0 =	sand.u32 $0x1, s1  }
0x8c: {  	s14 =	sshll.u32 s0, $0xA;
	s2 =	sadd.s32 s3, s2  }
0x8d: {  	s2 =	sadd.s32 s2, s14  }
0x8e: {  	[smem:$0x3FAA] =	sst s2  }
0x8f: {  	_ = 	snop  }
0x90: {  	s2 =	sld [smem:$0x3FD0];
	_ =	sdelay $0x2  }
0x91: {  	s15 =	simm.s32 $0xB;
	s4 =	simm.s32 $0x10  }
0x92: {  	[smem:s4], [sflag:s15] =	dma.local [hbm:s2], $0x1  }
0x93: {  	_ =	swait.eq [sflag:s15], $0x1  }
0x94: {  	[sflag:s15] =	ssyncset.done $0x0  }
0x95: {  	[sflag:s15] =	ssyncadd.s32 $0xFFFFFFFF  }
0x96: {  	s16 =	sld [smem:$0x10];
	(tm) =	ssettm $0x1  }
0x97: {  	s17 =	sld [smem:$0x3FFB];
	_ =	sdelay $0x3  }
0x98: {  	_ =	strace s17  }
0x99: {  	s3 =	sld [smem:$0x3FFC];
	_ =	sdelay $0x3  }
0x9a: {  	_ =	strace s3  }
0x9b: {  	s3 =	sld [smem:$0x3FFD];
	_ =	sdelay $0x3  }
0x9c: {  	_ =	strace s3  }
0x9d: {  	_ =	strace $0x8FFFFFFF  }
0x9e: {  	s18 =	sld [smem:$0x3FDB];
	_ =	sdelay $0x1  }
0x9f: {  	s19 =	simm.s32 $_scs_section_size  }
0xa0: {  	s5 =	simm.s32 $_size__tile_overlayer_lowered;
	s6 =	simm.s32 $_tile_overlayer_lowered  }
0xa1: {  	s22 =	simm.s32 $0x1BFF;
	s21 =	sshll.u32 s6, $0x1;
	s3 =	sadd.s32 s19, s18  }
0xa2: {  	s7 =	simm.s32 $0x0;
	s20 =	sshll.u32 s5, $0x1;
	s5 =	sadd.s32 s21, s3  }
0xa3: {  	[timem:s7], [sflag:s22] =	dma.local [hbm:s5], s20  }
0xa4: {  	_ =	swait.ge [sflag:s22], s20  }
0xa5: {  	s4 =	ssub.s32 $0x0, s20;
	[sflag:s22] =	ssyncset.done $0x0  }
0xa6: {  	[sflag:s22] =	ssyncadd.s32 s4;
	_ =	sdelay $0x1  }
0xa7: {  	s23 =	simm.s32 $0x1B8B  }
0xa8: {  	_ =	swait.ge [sflag:s23], $0x1  }
0xa9: {  	[sflag:s23] =	ssyncset.done $0x0  }
0xaa: {  	s25 =	simm.s32 $0x1B8E;
	s24 =	sld [smem:$0x3FFE];
	[sflag:s23] =	ssyncadd.s32 $0xFFFFFFFF  }
0xab: {  	s26 =	simm.s32 $execute0_lowered;
	[smem:$0x3FD2] =	sst s25  }
0xac: {  	s5 =	sshll.u32 s26, $0x1;
	_ =	strace $0x8000004C;
	[dreg:$0x1] =	wrdreg $0xFFFFFFFF  }
0xad: {  	s28 =	simm.s32 $_size_execute0_lowered;
	s3 =	sadd.s32 s3, s5;
	[dreg:$0x0] =	wrdreg $0x0  }
0xae: {  	s5 =	sshll.u32 s28, $0x1;
	[dreg:$0x2] =	wrdreg s3  }
0xaf: {  	[dreg:$0x3] =	wrdreg s5  }
0xb0: {  	[dreg:$0x4] =	wrdreg $0xC0  }
0xb1: {  	_ =	task [dreg:s7], $0x5FFFF  }
0xb2: {  	[dreg:$0x1] =	wrdreg $0xFFFFFFFF  }
0xb3: {  	[dreg:$0x0] =	wrdreg $0x60  }
0xb4: {  	[dreg:$0x2] =	wrdreg s24  }
0xb5: {  	[dreg:$0x3] =	wrdreg s16  }
0xb6: {  	[dreg:$0x4] =	wrdreg $0xA1000  }
0xb7: {  	[dreg:$0x5] =	wrdreg $0x9  }
0xb8: {  	_ =	task.clear_ibuf [dreg:s7], $0x6FFFF;
	_ =	strace $0x9000004C  }
0xb9: {  	s29 =	simm.s32 $0x9;
	_ =	strace $0x8000004E  }
0xba: {  	_ =	swait.ge [sflag:s29], $0x1  }
0xbb: {  	[sflag:s29] =	ssyncadd.s32 $0xFFFFFFFF  }
0xbc: {  	_ =	strace $0x9000004E  }
0xbd: {  	_ =	sfence  }
0xbe: {  	s30 =	sld [smem:$0x0];
	_ =	sdelay $0x2  }
0xbf: {  	s31 =	sshll.u32 s1, $0xD;
	s1 =	sshrl.u32 s1, $0x2  }
0xc0: {  	s3 =	sand.u32 $0x4000, s31;
	s1 =	sadd.s32 s1, s30  }
0xc1: {  	s0 =	sor.u32 s3, s0;
	s1 =	sshll.u32 s1, $0x11  }
0xc2: {  	s0 =	sor.u32 s1, s0  }
0xc3: {  	s0 =	sadd.s32 $0x8F2B, s0  }
0xc4: {  	[sflag:s0] =	ssyncadd.remote.s32 $0x1  }
0xc5: {  	_ =	sfence.sel $0xFFFF  }
0xc6: {  	[dreg:$0x0] =	wrdreg $0xFFFFFFFF;
	(pc) =	sbr.abs _section_cstart, $3  }
0xc7: {  	[dreg:$0x1] =	wrdreg $0xFFFFFFFF  }
0xc8: {  	_ =	task.clear_ibuf [dreg:s7], $0x2FFFF;
	_ =	strace $0x9FFFFFFF  }
0xc9: {  	(tm) =	ssettm $0x7FFFFFFF  }
tec
execute0_lowered:
.L_overlay_start_1:
0x0: {  	(tag) =	ssettag $0x1  }
0x1: {  	s6 =	stileid.u32  }
0x2: {  	s4 =	rddreg [dreg:$0x0];
	s2 =	smul.u32 $0x27100, s6  }
0x3: {  	s1 =	rddreg [dreg:$0x1];
	s0 =	simm.s32 $0x0;
	s3 =	smul.u32 $0x4E2, s6  }
0x4: {  	s5 =	srdreg.scid;
	s31 =	simm.s32 $0x1;
	s8 =	smul.u32 $0x4E000, s6  }
0x5: {  	[smem:$0x7FF] =	sst s0;
	s7 =	sand.u32 $0x1, s5;
	s9 =	smul.u32 $0x270, s6  }
0x6: {  	p1 =	sne.s32 s6, $0x0;
	s5 =	ssub.s32 $0x2, s7;
	s11 =	smul.u32 $0x138800, s7  }
0x7: {  	p0 =	seq.s32 s7, $0x1;
	s2 =	sadd.s32 s2, s4;
	s3 =	sadd.s32 s3, s4  }
0x8: {  	s4 =	sadd.s32 $0x16D2A00, s4;
	s10 =	sshrl.u32 s5, $0x1;
	s8 =	sshrl.u32 s8, $0x2  }
0x9: {  	s12 =	sadd.s32 $0x68, s9;
	s14 =	sadd.s32 $0xD0, s9;
	s16 =	sadd.s32 $0x138, s9  }
0xa: {  	s18 =	sadd.s32 $0x1A0, s9;
	s20 =	sadd.s32 $0x208, s9;
	s5 =	ssub.s32 s5, s10  }
0xb: {  	s10 =	smul.u32 $0x13800, s6;
	s13 =	sshll.u32 s12, $0x7;
	s15 =	sshll.u32 s14, $0x7  }
0xc: {  	s17 =	sshll.u32 s16, $0x7;
	s19 =	sshll.u32 s18, $0x7;
	s23 =	sshll.u32 s20, $0x7  }
0xd: {  	s6 =	sshll.u32 s6, $0x6;
	s28 =	sadd.s32 $0xA98A00, s3;
	s29 =	sadd.s32 $0x7400, s3  }
0xe: {  	s3 =	simm.s32 $0x0;
	s21 =	sadd.s32 s11, s13;
	s26 =	sadd.s32 s10, s11  }
0xf: {  	s24 =	sadd.s32 s11, s15;
	s22 =	sshrl.u32 s21, $0x3;
	s9 =	sshrl.u32 s26, $0x3  }
0x10: {  	s25 =	sshrl.u32 s24, $0x3;
	s26 =	sadd.s32 s11, s17;
	s7 =	sadd.s32 s4, s9  }
0x11: {  	s21 =	sshrl.u32 s26, $0x3;
	[dreg:$0x4] =	wrdreg s7;
	s7 =	sadd.s32 s4, s22  }
0x12: {  	s26 =	sshrl.u32 s11, $0x3;
	s22 =	sadd.s32 s11, s19;
	[dreg:$0x5] =	wrdreg s7  }
0x13: {  	s7 =	sadd.s32 s4, s25;
	s24 =	sshrl.u32 s22, $0x3;
	s25 =	sadd.s32 s11, s23  }
0x14: {  	s11 =	sshrl.u32 s10, $0x3;
	s22 =	sshll.u32 s14, $0x4;
	[dreg:$0x6] =	wrdreg s7  }
0x15: {  	s7 =	sadd.s32 s4, s21;
	s9 =	sshrl.u32 s25, $0x3;
	s21 =	sshll.u32 s12, $0x4  }
0x16: {  	s25 =	sshll.u32 s18, $0x4;
	[dreg:$0x7] =	wrdreg s7;
	s7 =	sadd.s32 s4, s24  }
0x17: {  	s9 =	sadd.s32 s4, s9;
	s4 =	sadd.s32 s4, s26;
	[dreg:$0x8] =	wrdreg s7  }
0x18: {  	s24 =	sshll.u32 s16, $0x4;
	s26 =	sshll.u32 s20, $0x4;
	s7 =	rddreg [dreg:$0x2]  }
0x19: {  	[dreg:$0x9] =	wrdreg s9;
	s20 =	sadd.s32 s1, s26;
	s26 =	smax.u32 s5, $0x1  }
0x1a: {  	s5 =	simm.s32 $0x100;
	_ =	strace $0x8000004D;
	s9 =	sadd.s32 s8, s7  }
0x1b: {  	s8 =	sadd.s32 s1, s11;
	s11 =	sor.u32 $0x1C01, s6;
	s12 =	sadd.s32 s13, s7  }
0x1c: {  	s6 =	sadd.s32 s1, s21;
	s14 =	sadd.s32 s15, s7;
	s15 =	sadd.s32 s1, s22  }
.Ltmp0:
0x1d: {  	s16 =	sadd.s32 s17, s7;
	s17 =	sadd.s32 s1, s24;
	(pc) =	sbr.rel .LBB2_1-.Ltmp0, $4  }
0x1e: {  	s18 =	sadd.s32 s19, s7;
	s19 =	sadd.s32 s1, s25;
	s21 =	sadd.s32 $0x27000, s1  }
0x1f: {  	s22 =	sadd.s32 $0x27000, s4;
	s23 =	sadd.s32 s23, s7;
	s24 =	sadd.s32 $0x1461A00, s2  }
0x20: {  	s25 =	sadd.s32 $0x1943A00, s2;
	s30 =	sadd.s32 $0x138000, s7;
	[dreg:$0xa] =	wrdreg s8  }
0x21: {  	s1 =	simm.s32 $0xC8;
	s2 =	simm.s32 $0x6500;
	[dreg:$0xb] =	wrdreg s6  }
.LBB2_7:
0x22: {  	s6 =	sadd.s32 s6, s29;
	[sflag:s31] =	ssyncadd.s32 $0xFFFF9C00  }
0x23: {  	[tilespmem:s0], [sflag:$0x1] =	stream.linear.gather [hbm4b:s6+s0], $0xC8, $0x38;
	[tilespmem:$0x1D980] =	vst v63  }
0x24: {  	_ =	swait.ge [sflag:s31], $0xC8  }
0x25: {  	[sflag:s31] =	ssyncset.done $0x0  }
0x26: {  	[sflag:s31] =	ssyncadd.s32 $0xFFFFFF38  }
0x27: {  	[tilespmem:s5], [sflag:$0x1] =	stream.linear.gather [hbm4b:s4+s0], $0x6400, $0x38;
	[tilespmem:$0x1D980] =	vst v63  }
0x28: {  	_ =	swait.ge [sflag:s31], $0x6400  }
0x29: {  	[sflag:s31] =	ssyncset.done $0x0  }
0x2a: {  	[sflag:s31] =	ssyncadd.s32 $0xFFFF9C00  }
0x2b: {  	[spmem:s7] =	stream.indirect.scatter.add.f32 [tilespmem:s5], [sflag:$0x1], $0x80, s0, s1, $0xb8;
	[tilespmem:$0x1D980] =	vst v63  }
0x2c: {  	_ =	swait.ge [sflag:s31], $0x6400  }
0x2d: {  	[sflag:s31] =	ssyncset.done $0x0  }
0x2e: {  	[sflag:s31] =	ssyncadd.s32 $0xFFFF9C00  }
.LBB2_8:
0x2f: {  	[bflag:$0x0] =	sbarrier.arrive $0xFFFF  }
0x30: {  	[tilespmem:s2], [sflag:$0x1] =	stream.linear.gather [spmem:s9], $0x3400, $0x38;
	[tilespmem:$0x1D980] =	vst v63  }
0x31: {  	_ =	swait.ge [sflag:s31], $0x3400  }
0x32: {  	[sflag:s31] =	ssyncset.done $0x0  }
0x33: {  	s4 =	rddreg [dreg:$0x4];
	[sflag:s31] =	ssyncadd.s32 $0xFFFFCC00  }
0x34: {  	[hbm4b:s4+s0] =	stream.linear.scatter [tilespmem:s2], [sflag:$0x1], $0x3400, $0x38;
	[tilespmem:$0x1D980] =	vst v63  }
0x35: {  	_ =	swait.ge [sflag:s31], $0x3400  }
0x36: {  	[sflag:s31] =	ssyncset.done $0x0  }
0x37: {  	[sflag:s31] =	ssyncadd.s32 $0xFFFFCC00  }
0x38: {  	[tilespmem:s2], [sflag:$0x1] =	stream.linear.gather [spmem:s12], $0x3400, $0x38;
	[tilespmem:$0x1D980] =	vst v63  }
0x39: {  	_ =	swait.ge [sflag:s31], $0x3400  }
0x3a: {  	[sflag:s31] =	ssyncset.done $0x0  }
0x3b: {  	s13 =	rddreg [dreg:$0x5];
	[sflag:s31] =	ssyncadd.s32 $0xFFFFCC00  }
0x3c: {  	[hbm4b:s13+s0] =	stream.linear.scatter [tilespmem:s2], [sflag:$0x1], $0x3400, $0x38;
	[tilespmem:$0x1D980] =	vst v63  }
0x3d: {  	_ =	swait.ge [sflag:s31], $0x3400  }
0x3e: {  	[sflag:s31] =	ssyncset.done $0x0  }
0x3f: {  	[sflag:s31] =	ssyncadd.s32 $0xFFFFCC00  }
0x40: {  	[tilespmem:s2], [sflag:$0x1] =	stream.linear.gather [spmem:s14], $0x3400, $0x38;
	[tilespmem:$0x1D980] =	vst v63  }
0x41: {  	_ =	swait.ge [sflag:s31], $0x3400  }
0x42: {  	[sflag:s31] =	ssyncset.done $0x0  }
0x43: {  	s6 =	rddreg [dreg:$0x6];
	[sflag:s31] =	ssyncadd.s32 $0xFFFFCC00  }
0x44: {  	[hbm4b:s6+s0] =	stream.linear.scatter [tilespmem:s2], [sflag:$0x1], $0x3400, $0x38;
	[tilespmem:$0x1D980] =	vst v63  }
0x45: {  	_ =	swait.ge [sflag:s31], $0x3400  }
0x46: {  	[sflag:s31] =	ssyncset.done $0x0  }
0x47: {  	[sflag:s31] =	ssyncadd.s32 $0xFFFFCC00  }
0x48: {  	[tilespmem:s2], [sflag:$0x1] =	stream.linear.gather [spmem:s16], $0x3400, $0x38;
	[tilespmem:$0x1D980] =	vst v63  }
0x49: {  	_ =	swait.ge [sflag:s31], $0x3400  }
0x4a: {  	[sflag:s31] =	ssyncset.done $0x0  }
0x4b: {  	s8 =	rddreg [dreg:$0x7];
	[sflag:s31] =	ssyncadd.s32 $0xFFFFCC00  }
0x4c: {  	[hbm4b:s8+s0] =	stream.linear.scatter [tilespmem:s2], [sflag:$0x1], $0x3400, $0x38;
	[tilespmem:$0x1D980] =	vst v63  }
0x4d: {  	_ =	swait.ge [sflag:s31], $0x3400  }
0x4e: {  	[sflag:s31] =	ssyncset.done $0x0  }
0x4f: {  	[sflag:s31] =	ssyncadd.s32 $0xFFFFCC00  }
0x50: {  	[tilespmem:s2], [sflag:$0x1] =	stream.linear.gather [spmem:s18], $0x3400, $0x38;
	[tilespmem:$0x1D980] =	vst v63  }
0x51: {  	_ =	swait.ge [sflag:s31], $0x3400  }
0x52: {  	[sflag:s31] =	ssyncset.done $0x0  }
0x53: {  	s10 =	rddreg [dreg:$0x8];
	[sflag:s31] =	ssyncadd.s32 $0xFFFFCC00  }
0x54: {  	[hbm4b:s10+s0] =	stream.linear.scatter [tilespmem:s2], [sflag:$0x1], $0x3400, $0x38;
	[tilespmem:$0x1D980] =	vst v63  }
0x55: {  	_ =	swait.ge [sflag:s31], $0x3400  }
0x56: {  	[sflag:s31] =	ssyncset.done $0x0  }
0x57: {  	[sflag:s31] =	ssyncadd.s32 $0xFFFFCC00  }
0x58: {  	[tilespmem:s2], [sflag:$0x1] =	stream.linear.gather [spmem:s23], $0x3400, $0x38;
	[tilespmem:$0x1D980] =	vst v63  }
0x59: {  	_ =	swait.ge [sflag:s31], $0x3400  }
0x5a: {  	[sflag:s31] =	ssyncset.done $0x0  }
0x5b: {  	s13 =	rddreg [dreg:$0x9];
	[sflag:s31] =	ssyncadd.s32 $0xFFFFCC00  }
0x5c: {  	[hbm4b:s13+s0] =	stream.linear.scatter [tilespmem:s2], [sflag:$0x1], $0x3400, $0x38;
	[tilespmem:$0x1D980] =	vst v63  }
0x5d: {  	_ =	swait.ge [sflag:s31], $0x3400  }
0x5e: {  	[sflag:s31] =	ssyncset.done $0x0  }
0x5f: {  	s4 =	simm.s32 @!p1 $0x9900;
	s6 =	simm.s32 @!p1 $0x1;
	[sflag:s31] =	ssyncadd.s32 $0xFFFFCC00  }
0x60: {  	[tilespmem:s4], [sflag:$0x1] =	stream.linear.gather @!p1 [spmem:s30], $0x800, $0x38;
	[tilespmem:$0x1D980] =	vst v63  }
0x61: {  	s3 =	sadd.s32 $0x1, s3;
	_ =	swait.ge @!p1 [sflag:s6], $0x800  }
0x62: {  	p2 =	sne.s32 s3, s26;
	[sflag:s6] =	ssyncset.done @!p1 $0x0  }
.Ltmp1:
0x63: {  	s8 =	simm.s32 @!p1 $0x0;
	[sflag:s6] =	ssyncadd.s32 @!p1 $0xFFFFF800;
	(pc) =	sbr.rel @!p2 .LBB2_9-.Ltmp1, $4  }
0x64: {  	[hbm4b:s22+s8] =	stream.linear.scatter @!p1 [tilespmem:s4], [sflag:$0x1], $0x800, $0x38;
	[tilespmem:$0x1D980] =	vst v63  }
0x65: {  	_ =	swait.ge @!p1 [sflag:s6], $0x800  }
0x66: {  	[sflag:s6] =	ssyncset.done @!p1 $0x0  }
0x67: {  	[sflag:s6] =	ssyncadd.s32 @!p1 $0xFFFFF800  }
.LBB2_1:
0x68: {  	s4 =	sshrl.u32 s9, $0x3;
	s6 =	rddreg [dreg:$0xa]  }
0x69: {  	[spmem:s4], [sflag:s11] =	dma.local [hbm:s6], $0x680  }
0x6a: {  	_ =	swait.ge [sflag:s31], $0x680  }
0x6b: {  	[sflag:s31] =	ssyncset.done $0x0  }
0x6c: {  	s10 =	sshrl.u32 s12, $0x3;
	s13 =	rddreg [dreg:$0xb];
	[sflag:s31] =	ssyncadd.s32 $0xFFFFF980  }
0x6d: {  	[spmem:s10], [sflag:s11] =	dma.local [hbm:s13], $0x680  }
0x6e: {  	_ =	swait.ge [sflag:s31], $0x680  }
0x6f: {  	[sflag:s31] =	ssyncset.done $0x0  }
0x70: {  	s6 =	sshrl.u32 s14, $0x3;
	[sflag:s31] =	ssyncadd.s32 $0xFFFFF980  }
0x71: {  	[spmem:s6], [sflag:s11] =	dma.local [hbm:s15], $0x680  }
0x72: {  	_ =	swait.ge [sflag:s31], $0x680  }
0x73: {  	[sflag:s31] =	ssyncset.done $0x0  }
0x74: {  	s8 =	sshrl.u32 s16, $0x3;
	[sflag:s31] =	ssyncadd.s32 $0xFFFFF980  }
0x75: {  	[spmem:s8], [sflag:s11] =	dma.local [hbm:s17], $0x680  }
0x76: {  	_ =	swait.ge [sflag:s31], $0x680  }
0x77: {  	[sflag:s31] =	ssyncset.done $0x0  }
0x78: {  	s10 =	sshrl.u32 s18, $0x3;
	[sflag:s31] =	ssyncadd.s32 $0xFFFFF980  }
0x79: {  	[spmem:s10], [sflag:s11] =	dma.local [hbm:s19], $0x680  }
0x7a: {  	_ =	swait.ge [sflag:s31], $0x680  }
0x7b: {  	[sflag:s31] =	ssyncset.done $0x0  }
0x7c: {  	s13 =	sshrl.u32 s23, $0x3;
	[sflag:s31] =	ssyncadd.s32 $0xFFFFF980  }
0x7d: {  	[spmem:s13], [sflag:s11] =	dma.local [hbm:s20], $0x680  }
0x7e: {  	_ =	swait.ge [sflag:s31], $0x680  }
0x7f: {  	[sflag:s31] =	ssyncset.done $0x0  }
0x80: {  	s4 =	sshrl.u32 @!p1 s30, $0x3;
	[sflag:s31] =	ssyncadd.s32 $0xFFFFF980  }
0x81: {  	[spmem:s4], [sflag:s11] =	dma.local @!p1 [hbm:s21], $0x100  }
0x82: {  	s4 =	simm.s32 @!p1 $0x1  }
.Ltmp2:
0x83: {  	_ =	swait.ge @!p1 [sflag:s4], $0x100;
	(pc) =	sbr.rel @!p0 .LBB2_2-.Ltmp2, $3  }
0x84: {  	[sflag:s4] =	ssyncset.done @!p1 $0x0  }
0x85: {  	[sflag:s4] =	ssyncadd.s32 @!p1 $0xFFFFFF00  }
0x86: {  	[bflag:$0x0] =	sbarrier.arrive $0xFFFF;
	_ =	sdelay $0x1  }
0x87: {  	s4 =	sadd.s32 $0x0, s29  }
0x88: {  	[tilespmem:s0], [sflag:$0x1] =	stream.linear.gather [hbm4b:s4+s0], $0xC8, $0x38;
	[tilespmem:$0x1D980] =	vst v63  }
0x89: {  	_ =	swait.ge [sflag:s31], $0xC8  }
0x8a: {  	[sflag:s31] =	ssyncset.done $0x0  }
0x8b: {  	[sflag:s31] =	ssyncadd.s32 $0xFFFFFF38  }
0x8c: {  	[tilespmem:s5], [sflag:$0x1] =	stream.linear.gather [hbm4b:s25+s0], $0x6400, $0x38;
	[tilespmem:$0x1D980] =	vst v63  }
0x8d: {  	_ =	swait.ge [sflag:s31], $0x6400  }
0x8e: {  	[sflag:s31] =	ssyncset.done $0x0  }
0x8f: {  	[sflag:s31] =	ssyncadd.s32 $0xFFFF9C00  }
0x90: {  	[spmem:s7] =	stream.indirect.scatter.add.f32 [tilespmem:s5], [sflag:$0x1], $0x80, s0, s1, $0xb8;
	[tilespmem:$0x1D980] =	vst v63  }
0x91: {  	s6 =	simm.s32 $0x19;
	_ =	swait.ge [sflag:s31], $0x6400  }
0x92: {  	s8 =	simm.s32 $0x32;
	s4 =	sadd.s32 $0xC80, s25;
	[sflag:s31] =	ssyncset.done $0x0  }
.LBB2_6:
0x93: {  	s10 =	sadd.s32 s6, s29  }
0x94: {  	[sflag:s31] =	ssyncadd.s32 $0xFFFF9C00;
	s6 =	smov.u32 s8;
	s13 =	sadd.s32 $0x19, s8  }
0x95: {  	[tilespmem:s0], [sflag:$0x1] =	stream.linear.gather [hbm4b:s10+s0], $0xC8, $0x38;
	[tilespmem:$0x1D980] =	vst v63  }
0x96: {  	p2 =	sne.s32 s8, $0x4C9;
	_ =	swait.ge [sflag:s31], $0xC8  }
0x97: {  	[sflag:s31] =	ssyncset.done $0x0  }
0x98: {  	[sflag:s31] =	ssyncadd.s32 $0xFFFFFF38  }
0x99: {  	[tilespmem:s5], [sflag:$0x1] =	stream.linear.gather [hbm4b:s4+s0], $0x6400, $0x38;
	[tilespmem:$0x1D980] =	vst v63  }
0x9a: {  	_ =	swait.ge [sflag:s31], $0x6400  }
.Ltmp3:
0x9b: {  	[sflag:s31] =	ssyncset.done $0x0;
	(pc) =	sbr.rel @p2 .LBB2_6-.Ltmp3, $4  }
0x9c: {  	[sflag:s31] =	ssyncadd.s32 $0xFFFF9C00  }
0x9d: {  	[spmem:s7] =	stream.indirect.scatter.add.f32 [tilespmem:s5], [sflag:$0x1], $0x80, s0, s1, $0xb8;
	[tilespmem:$0x1D980] =	vst v63  }
0x9e: {  	_ =	swait.ge [sflag:s31], $0x6400  }
0x9f: {  	s8 =	smov.u32 s13;
	s4 =	sadd.s32 $0xC80, s4;
	[sflag:s31] =	ssyncset.done $0x0  }
.Ltmp4:
0xa0: {  	_ = 	snop;
	(pc) =	sbr.rel .LBB2_7-.Ltmp4, $1  }
0xa1: {  	_ =	sdelay $0x3  }
.LBB2_2:
0xa2: {  	s4 =	sadd.s32 $0x0, s28  }
0xa3: {  	[tilespmem:s0], [sflag:$0x1] =	stream.linear.gather [hbm4b:s4+s0], $0xC8, $0x38;
	[tilespmem:$0x1D980] =	vst v63  }
0xa4: {  	_ =	swait.ge [sflag:s31], $0xC8  }
0xa5: {  	[sflag:s31] =	ssyncset.done $0x0  }
0xa6: {  	[sflag:s31] =	ssyncadd.s32 $0xFFFFFF38  }
0xa7: {  	[tilespmem:s5], [sflag:$0x1] =	stream.linear.gather [hbm4b:s24+s0], $0x6400, $0x38;
	[tilespmem:$0x1D980] =	vst v63  }
0xa8: {  	_ =	swait.ge [sflag:s31], $0x6400  }
0xa9: {  	[sflag:s31] =	ssyncset.done $0x0  }
0xaa: {  	[sflag:s31] =	ssyncadd.s32 $0xFFFF9C00  }
0xab: {  	[spmem:s7] =	stream.indirect.scatter.add.f32 [tilespmem:s5], [sflag:$0x1], $0x80, s0, s1, $0xb8;
	[tilespmem:$0x1D980] =	vst v63  }
0xac: {  	s6 =	simm.s32 $0x19;
	_ =	swait.ge [sflag:s31], $0x6400  }
0xad: {  	s8 =	simm.s32 $0x32;
	s4 =	sadd.s32 $0xC80, s24;
	[sflag:s31] =	ssyncset.done $0x0  }
.LBB2_3:
0xae: {  	s10 =	sadd.s32 s6, s28  }
0xaf: {  	[sflag:s31] =	ssyncadd.s32 $0xFFFF9C00;
	s6 =	smov.u32 s8;
	s13 =	sadd.s32 $0x19, s8  }
0xb0: {  	[tilespmem:s0], [sflag:$0x1] =	stream.linear.gather [hbm4b:s10+s0], $0xC8, $0x38;
	[tilespmem:$0x1D980] =	vst v63  }
0xb1: {  	p2 =	seq.s32 s8, $0x4C9;
	_ =	swait.ge [sflag:s31], $0xC8  }
0xb2: {  	[sflag:s31] =	ssyncset.done $0x0  }
0xb3: {  	[sflag:s31] =	ssyncadd.s32 $0xFFFFFF38  }
0xb4: {  	[tilespmem:s5], [sflag:$0x1] =	stream.linear.gather [hbm4b:s4+s0], $0x6400, $0x38;
	[tilespmem:$0x1D980] =	vst v63  }
0xb5: {  	_ =	swait.ge [sflag:s31], $0x6400  }
.Ltmp5:
0xb6: {  	[sflag:s31] =	ssyncset.done $0x0;
	(pc) =	sbr.rel @!p2 .LBB2_3-.Ltmp5, $4  }
0xb7: {  	[sflag:s31] =	ssyncadd.s32 $0xFFFF9C00  }
0xb8: {  	[spmem:s7] =	stream.indirect.scatter.add.f32 [tilespmem:s5], [sflag:$0x1], $0x80, s0, s1, $0xb8;
	[tilespmem:$0x1D980] =	vst v63  }
0xb9: {  	_ =	swait.ge [sflag:s31], $0x6400  }
0xba: {  	s8 =	smov.u32 s13;
	s4 =	sadd.s32 $0xC80, s4;
	[sflag:s31] =	ssyncset.done $0x0  }
0xbb: {  	s6 =	sadd.s32 s6, s28;
	[sflag:s31] =	ssyncadd.s32 $0xFFFF9C00  }
0xbc: {  	[tilespmem:s0], [sflag:$0x1] =	stream.linear.gather [hbm4b:s6+s0], $0xC8, $0x38;
	[tilespmem:$0x1D980] =	vst v63  }
0xbd: {  	_ =	swait.ge [sflag:s31], $0xC8  }
0xbe: {  	[sflag:s31] =	ssyncset.done $0x0  }
0xbf: {  	[sflag:s31] =	ssyncadd.s32 $0xFFFFFF38  }
0xc0: {  	[tilespmem:s5], [sflag:$0x1] =	stream.linear.gather [hbm4b:s4+s0], $0x6400, $0x38;
	[tilespmem:$0x1D980] =	vst v63  }
0xc1: {  	_ =	swait.ge [sflag:s31], $0x6400  }
0xc2: {  	[sflag:s31] =	ssyncset.done $0x0  }
.Ltmp6:
0xc3: {  	[sflag:s31] =	ssyncadd.s32 $0xFFFF9C00;
	(pc) =	sbr.rel .LBB2_8-.Ltmp6, $4  }
0xc4: {  	[spmem:s7] =	stream.indirect.scatter.add.f32 [tilespmem:s5], [sflag:$0x1], $0x80, s0, s1, $0xb8;
	[tilespmem:$0x1D980] =	vst v63  }
0xc5: {  	_ =	swait.ge [sflag:s31], $0x6400  }
0xc6: {  	[sflag:s31] =	ssyncset.done $0x0  }
0xc7: {  	[sflag:s31] =	ssyncadd.s32 $0xFFFF9C00  }
.LBB2_9:
0xc8: {  	_ =	sfence.sel $0x180000  }
0xc9: {  	[bflag:$0x0] =	sbarrier.arrive $0xFFFF  }
0xca: {  	_ =	strace $0x9000004D  }
0xcb: {  	[bflag:$0x2] =	sbarrier.arrive $0xFFFF  }
0xcc: {  	s0 =	rddreg [dreg:$0x3]  }
0xcd: {  	s0 =	sadd.s32 @!p1 $0x100000, s0  }
0xce: {  	[sflag:s0] =	ssyncadd.tile.s32 @!p1 $0x1;
	_ =	shalt  }
.Lfunc_end2:
_tile_overlayer_lowered:
.L_overlay_start_2:
0xcf: {  	(tag) =	ssettag $0x2  }
0xd0: {  	s0 =	rddreg [dreg:$0x0];
	s2 =	stileid.u32  }
0xd1: {  	s1 =	rddreg [dreg:$0x1];
	p0 =	sne.s32 s2, $0x0  }
0xd2: {  	s3 =	rddreg [dreg:$0x2];
	[bflag:$0x3] =	sbarrier.arrive $0xFFFF;
	s2 =	simm.s32 @!p0 $0x1C01  }
0xd3: {  	[timem:s3], [sflag:s2] =	dma.local @!p0 [hbm:s0], s1  }
0xd4: {  	s0 =	simm.s32 @!p0 $0x1  }
0xd5: {  	_ =	swait.ge @!p0 [sflag:s0], s1  }
0xd6: {  	s1 =	ssub.s32 @!p0 $0x0, s1;
	[sflag:s0] =	ssyncset.done @!p0 $0x0  }
0xd7: {  	[sflag:s0] =	ssyncadd.s32 @!p0 s1  }
0xd8: {  	[bflag:$0x3] =	sbarrier.arrive $0xFFFF  }
0xd9: {  	_ =	shalt  }

// kernel: kernel.25.cloned.1.call-start
scs
__scs_entry_jumppad:
0x0: {  	(pc) =	sbr.rel $0x88, $3  }
0x1: {  	(tag) =	ssettag $0x0;
	lr =	simm.s32 $0x1  }
0x2: {  	[smem:$0x3F83] =	sst lr;
	_ =	strace $0xD0000000  }
0x3: {  	_ = 	snop  }
0x4: {  	_ = 	snop  }
0x5: {  	_ = 	snop  }
0x6: {  	_ = 	snop  }
0x7: {  	_ = 	snop  }
__scs_overlays_trampoline_lowered:
0x8: {  	[smem:$0x3F92] =	sst s0  }
0x9: {  	[smem:$0x3F93] =	sst s1  }
0xa: {  	[smem:$0x3F94] =	sst s2  }
0xb: {  	[smem:$0x3F95] =	sst s3  }
0xc: {  	[smem:$0x3F96] =	sst s4  }
0xd: {  	[smem:$0x3F97] =	sst s5  }
0xe: {  	[smem:$0x3F98] =	sst s6  }
0xf: {  	[smem:$0x3F99] =	sst s7  }
0x10: {  	[smem:$0x3F9A] =	sst s8  }
0x11: {  	[smem:$0x3F9B] =	sst s9;
	s0 =	simm.s32 @!p0 $0x0  }
0x12: {  	s1 =	sld [smem:$0x3F81];
	s0 =	simm.s32 @p0 $0x1  }
0x13: {  	[smem:$0x3F9C] =	sst s0;
	s0 =	simm.s32 @!p1 $0x0  }
0x14: {  	s2 =	sld [smem:$0x3F80];
	s0 =	simm.s32 @p1 $0x1  }
0x15: {  	[smem:$0x3F9D] =	sst s0;
	s0 =	simm.s32 @!p2 $0x0  }
0x16: {  	s3 =	sld [smem:$0x3FDB];
	s0 =	simm.s32 @p2 $0x1  }
0x17: {  	s4 =	simm.s32 $0x1BF5;
	[smem:$0x3F9F] =	sst s0  }
0x18: {  	s0 =	sld [smem:$0x3F82];
	_ =	swait.ge [sflag:s4], $0x0  }
0x19: {  	s7 =	sld [smem:$0x3F83]  }
0x1a: {  	s8 =	sadd.s32 $0xFFFFE003, lr  }
0x1b: {  	s9 =	sadd.s32 $0xFFFFFEF7, lr;
	s5 =	simm.s32 $0xFFFFFFFF;
	p2 =	slt.u32 s8, $0xFFFFF086  }
0x1c: {  	p1 =	slt.u32 s9, $0xF7A;
	s5 =	simm.s32 @!p2 $0x0  }
0x1d: {  	s5 =	simm.s32 @p1 $0x1;
	p0 =	seq.s32 s7, s2  }
0x1e: {  	s7 =	smul.u32 @!p0 $0xF7A, s2;
	p2 =	seq.s32 @!p0 s5, $0x0  }
0x1f: {  	s9 =	smul.u32 $0xF7A, s1;
	s8 =	simm.s32 @!p0 $0x1BF5;
	p2 =	por !p2, p0  }
0x20: {  	[sflag:s8] =	ssyncset.s32 @!p0 $0xFFFFF086;
	s6 =	sadd.s32 @!p0 s3, s7;
	s7 =	simm.s32 @!p0 $0x108  }
0x21: {  	s3 =	sadd.s32 s3, s9;
	s6 =	sadd.s32 @!p0 $0x88, s6;
	s7 =	simm.s32 @p2 $0x1082  }
0x22: {  	[simem:s7], [sflag:s8] =	dma.local @!p0 [hbm:s6], $0xF7A  }
0x23: {  	s9 =	sor.u32 $0xD0000000, s2;
	s6 =	simm.s32 $0x108;
	_ =	swait.ge @!p0 [sflag:s8], $0x0  }
0x24: {  	s3 =	sadd.s32 $0x88, s3;
	s6 =	simm.s32 @!p1 $0x1082;
	[sflag:s4] =	ssyncset.s32 $0xFFFFF086  }
0x25: {  	[simem:s6], [sflag:s4] =	dma.local [hbm:s3], $0xF7A  }
0x26: {  	[smem:$0x3F83] =	sst s1;
	(tag) =	ssettag s2;
	_ =	strace s9  }
0x27: {  	s1 =	sld [smem:$0x3F93]  }
0x28: {  	s2 =	sld [smem:$0x3F94]  }
0x29: {  	s4 =	sld [smem:$0x3F96]  }
0x2a: {  	p0 =	seq.s32 s5, $0x0;
	s5 =	sld [smem:$0x3F97]  }
0x2b: {  	s6 =	sld [smem:$0x3F98]  }
0x2c: {  	s7 =	sld [smem:$0x3F99]  }
0x2d: {  	s3 =	simm.s32 $0x108;
	s8 =	sld [smem:$0x3F9A]  }
0x2e: {  	s3 =	simm.s32 @!p0 $0x1082;
	s9 =	sld [smem:$0x3F9B]  }
0x2f: {  	lr =	sadd.s32 s0, s3;
	s0 =	sld [smem:$0x3F92]  }
0x30: {  	s3 =	sld [smem:$0x3F95]  }
0x31: {  	[smem:$0x3F9E] =	sst s10  }
0x32: {  	s10 =	sld [smem:$0x3F9C];
	_ =	sdelay $0x3  }
0x33: {  	p0 =	seq.s32 s10, $0x1;
	s10 =	sld [smem:$0x3F9E];
	_ =	sdelay $0x3  }
0x34: {  	[smem:$0x3F9E] =	sst s10  }
0x35: {  	s10 =	sld [smem:$0x3F9D];
	_ =	sdelay $0x3  }
0x36: {  	p1 =	seq.s32 s10, $0x1;
	s10 =	sld [smem:$0x3F9E];
	_ =	sdelay $0x3  }
0x37: {  	[smem:$0x3F9E] =	sst s10  }
0x38: {  	s10 =	sld [smem:$0x3F9F]  }
0x39: {  	_ = 	snop;
	(pc) =	sbr.ind lr, $3  }
0x3a: {  	_ = 	snop  }
0x3b: {  	_ = 	snop  }
0x3c: {  	p2 =	seq.s32 s10, $0x1;
	s10 =	sld [smem:$0x3F9E]  }
0x3d: {  	_ =	shalt  }
0x3e: {  	_ =	shalt  }
0x3f: {  	_ =	shalt  }
0x40: {  	_ =	shalt  }
0x41: {  	_ =	shalt  }
0x42: {  	_ =	shalt  }
0x43: {  	_ =	shalt  }
0x44: {  	_ =	shalt  }
0x45: {  	_ =	shalt  }
0x46: {  	_ =	shalt  }
0x47: {  	_ =	shalt  }
0x48: {  	_ =	shalt  }
0x49: {  	_ =	shalt  }
0x4a: {  	_ =	shalt  }
0x4b: {  	_ =	shalt  }
0x4c: {  	_ =	shalt  }
0x4d: {  	_ =	shalt  }
0x4e: {  	_ =	shalt  }
0x4f: {  	_ =	shalt  }
0x50: {  	_ =	shalt  }
0x51: {  	_ =	shalt  }
0x52: {  	_ =	shalt  }
0x53: {  	_ =	shalt  }
0x54: {  	_ =	shalt  }
0x55: {  	_ =	shalt  }
0x56: {  	_ =	shalt  }
0x57: {  	_ =	shalt  }
0x58: {  	_ =	shalt  }
0x59: {  	_ =	shalt  }
0x5a: {  	_ =	shalt  }
0x5b: {  	_ =	shalt  }
0x5c: {  	_ =	shalt  }
0x5d: {  	_ =	shalt  }
0x5e: {  	_ =	shalt  }
0x5f: {  	_ =	shalt  }
0x60: {  	_ =	shalt  }
0x61: {  	_ =	shalt  }
0x62: {  	_ =	shalt  }
0x63: {  	_ =	shalt  }
0x64: {  	_ =	shalt  }
0x65: {  	_ =	shalt  }
0x66: {  	_ =	shalt  }
0x67: {  	_ =	shalt  }
0x68: {  	_ =	shalt  }
0x69: {  	_ =	shalt  }
0x6a: {  	_ =	shalt  }
0x6b: {  	_ =	shalt  }
0x6c: {  	_ =	shalt  }
0x6d: {  	_ =	shalt  }
0x6e: {  	_ =	shalt  }
0x6f: {  	_ =	shalt  }
0x70: {  	_ =	shalt  }
0x71: {  	_ =	shalt  }
0x72: {  	_ =	shalt  }
0x73: {  	_ =	shalt  }
0x74: {  	_ =	shalt  }
0x75: {  	_ =	shalt  }
0x76: {  	_ =	shalt  }
0x77: {  	_ =	shalt  }
0x78: {  	_ =	shalt  }
0x79: {  	_ =	shalt  }
0x7a: {  	_ =	shalt  }
0x7b: {  	_ =	shalt  }
0x7c: {  	_ =	shalt  }
0x7d: {  	_ =	shalt  }
0x7e: {  	_ =	shalt  }
0x7f: {  	_ =	shalt  }
0x80: {  	_ =	shalt  }
0x81: {  	_ =	shalt  }
0x82: {  	_ =	shalt  }
0x83: {  	_ =	shalt  }
0x84: {  	_ =	shalt  }
0x85: {  	_ =	shalt  }
0x86: {  	_ =	shalt  }
0x87: {  	_ =	shalt  }
.Lfunc_end0:
.L_simem_size_0:
called_computation.3_lowered:
.L_overlay_start_0:
0x88: {  	s2 =	sld [smem:$0x3FD9]  }
0x89: {  	s3 =	sld [smem:$0x3FFE];
	_ =	sdelay $0x1  }
0x8a: {  	s1 =	srdreg.scid  }
0x8b: {  	s0 =	sand.u32 $0x1, s1  }
0x8c: {  	s17 =	sshll.u32 s0, $0xA;
	s2 =	sadd.s32 s3, s2  }
0x8d: {  	s2 =	sadd.s32 s2, s17  }
0x8e: {  	[smem:$0x3FAA] =	sst s2  }
0x8f: {  	_ = 	snop  }
0x90: {  	(tm) =	ssettm $0x1  }
0x91: {  	s18 =	sld [smem:$0x3FFB];
	_ =	sdelay $0x3  }
0x92: {  	_ =	strace s18  }
0x93: {  	s2 =	sld [smem:$0x3FFC];
	_ =	sdelay $0x3  }
0x94: {  	_ =	strace s2  }
0x95: {  	s2 =	sld [smem:$0x3FFD];
	_ =	sdelay $0x3  }
0x96: {  	_ =	strace s2  }
0x97: {  	_ =	strace $0x8FFFFFFF  }
0x98: {  	s19 =	sld [smem:$0x3FDB];
	_ =	sdelay $0x1  }
0x99: {  	s20 =	simm.s32 $_scs_section_size  }
0x9a: {  	s4 =	simm.s32 $_size__tile_overlayer_lowered;
	s5 =	simm.s32 $_tile_overlayer_lowered  }
0x9b: {  	s6 =	simm.s32 $0x1BFF;
	s21 =	sshll.u32 s5, $0x1;
	s3 =	sadd.s32 s20, s19  }
0x9c: {  	s22 =	simm.s32 $0x0;
	s4 =	sshll.u32 s4, $0x1;
	s5 =	sadd.s32 s21, s3  }
0x9d: {  	[timem:s22], [sflag:s6] =	dma.local [hbm:s5], s4  }
0x9e: {  	_ =	swait.ge [sflag:s6], s4  }
0x9f: {  	s4 =	ssub.s32 $0x0, s4;
	[sflag:s6] =	ssyncset.done $0x0  }
0xa0: {  	[sflag:s6] =	ssyncadd.s32 s4;
	_ =	sdelay $0x1  }
0xa1: {  	s23 =	simm.s32 $0x1B8B  }
0xa2: {  	_ =	swait.ge [sflag:s23], $0x1  }
0xa3: {  	[sflag:s23] =	ssyncset.done $0x0  }
0xa4: {  	[sflag:s23] =	ssyncadd.s32 $0xFFFFFFFF  }
0xa5: {  	s4 =	sld [smem:$0x0]  }
0xa6: {  	s5 =	sand.u32 $0xFFFFFFFE, s1  }
0xa7: {  	p0 =	sne.s32 s1, s5  }
0xa8: {  	s5 =	sshll.u32 @p0 s5, $0xE  }
0xa9: {  	s5 =	sadd.s32 @p0 $0x11B8D, s5;
	s6 =	sshll.u32 @p0 s4, $0x11  }
0xaa: {  	s5 =	sor.u32 @p0 s6, s5  }
0xab: {  	[sflag:s5] =	ssyncadd.remote.s32 @p0 $0x1;
	_ =	sdelay $0x1  }
0xac: {  	s5 =	simm.s32 @p0 $0x1B8D  }
0xad: {  	_ =	swait.eq @p0 [sflag:s5], $0x1  }
0xae: {  	[sflag:s5] =	ssyncadd.s32 @p0 $0xFFFFFFFF  }
0xaf: {  	s6 =	sshll.u32 @!p0 s1, $0xE  }
0xb0: {  	s6 =	sor.u32 @!p0 $0x4000, s6;
	s5 =	simm.s32 @!p0 $0x1B8D  }
0xb1: {  	s4 =	sshll.u32 @!p0 s4, $0x11;
	s6 =	sadd.s32 @!p0 $0x11B8D, s6;
	_ =	swait.eq @!p0 [sflag:s5], $0x1  }
0xb2: {  	s4 =	sor.u32 @!p0 s4, s6;
	[sflag:s5] =	ssyncadd.s32 @!p0 $0xFFFFFFFF  }
0xb3: {  	s25 =	simm.s32 $0x1B8E;
	s24 =	sld [smem:$0x3FFE];
	[sflag:s4] =	ssyncadd.remote.s32 @!p0 $0x1  }
0xb4: {  	s26 =	simm.s32 $execute0_lowered;
	[smem:$0x3FD2] =	sst s25  }
0xb5: {  	s5 =	sshll.u32 s26, $0x1;
	_ =	strace $0x80000052;
	[dreg:$0x1] =	wrdreg $0xFFFFFFFF  }
0xb6: {  	s28 =	simm.s32 $_size_execute0_lowered;
	s3 =	sadd.s32 s3, s5;
	[dreg:$0x0] =	wrdreg $0x0  }
0xb7: {  	s5 =	sshll.u32 s28, $0x1;
	[dreg:$0x2] =	wrdreg s3  }
0xb8: {  	[dreg:$0x3] =	wrdreg s5  }
0xb9: {  	[dreg:$0x4] =	wrdreg $0xC0  }
0xba: {  	_ =	task [dreg:s22], $0x5FFFF  }
0xbb: {  	[dreg:$0x1] =	wrdreg $0xFFFFFFFF  }
0xbc: {  	[dreg:$0x0] =	wrdreg $0x60  }
0xbd: {  	[dreg:$0x2] =	wrdreg s24  }
0xbe: {  	[dreg:$0x3] =	wrdreg $0x9  }
0xbf: {  	_ =	task.clear_ibuf [dreg:s22], $0x4FFFF;
	_ =	strace $0x90000052  }
0xc0: {  	s29 =	simm.s32 $0x9;
	_ =	strace $0x80000054  }
0xc1: {  	_ =	swait.ge [sflag:s29], $0x1  }
0xc2: {  	[sflag:s29] =	ssyncadd.s32 $0xFFFFFFFF  }
0xc3: {  	_ =	strace $0x90000054  }
0xc4: {  	_ =	sfence  }
0xc5: {  	s30 =	sld [smem:$0x0];
	_ =	sdelay $0x2  }
0xc6: {  	s31 =	sshll.u32 s1, $0xD;
	s1 =	sshrl.u32 s1, $0x2  }
0xc7: {  	s4 =	sand.u32 $0x4000, s31;
	s1 =	sadd.s32 s1, s30  }
0xc8: {  	s0 =	sor.u32 s4, s0;
	s1 =	sshll.u32 s1, $0x11  }
0xc9: {  	s0 =	sor.u32 s1, s0  }
0xca: {  	s0 =	sadd.s32 $0x8F2B, s0  }
0xcb: {  	[sflag:s0] =	ssyncadd.remote.s32 $0x1  }
0xcc: {  	_ =	sfence.sel $0xFFFF  }
0xcd: {  	[dreg:$0x0] =	wrdreg $0xFFFFFFFF;
	(pc) =	sbr.abs _section_cstart, $3  }
0xce: {  	[dreg:$0x1] =	wrdreg $0xFFFFFFFF  }
0xcf: {  	_ =	task.clear_ibuf [dreg:s22], $0x2FFFF;
	_ =	strace $0x9FFFFFFF  }
0xd0: {  	(tm) =	ssettm $0x7FFFFFFF  }
0xd1: {  	_ =	shalt  }
tec
execute0_lowered:
.L_overlay_start_1:
0x0: {  	(tag) =	ssettag $0x1  }
0x1: {  	s4 =	rddreg [dreg:$0x0]  }
0x2: {  	s0 =	rddreg [dreg:$0x1];
	s2 =	simm.s32 $0x0;
	s3 =	srdreg.scid  }
0x3: {  	s1 =	stileid.u32;
	s13 =	simm.s32 $0x100;
	s14 =	simm.s32 $0x6600  }
0x4: {  	s15 =	simm.s32 $0x1;
	s16 =	simm.s32 $0x2;
	s17 =	simm.s32 $0x0  }
0x5: {  	s7 =	sand.u32 $0x1, s3;
	s3 =	sadd.s32 $0x16D2A00, s4;
	s10 =	smul.u32 $0x2710, s1  }
0x6: {  	[smem:$0x7FF] =	sst s2;
	s9 =	sadd.s32 $0xA98A00, s4;
	s30 =	smul.u32 $0x27100, s1  }
0x7: {  	s26 =	sshll.u32 s1, $0x1;
	s8 =	sadd.s32 $0x515600, s4;
	s12 =	smul.u32 $0x1388, s7  }
0x8: {  	s5 =	sor.u32 s7, s26;
	s6 =	ssub.s32 $0x2, s7;
	s7 =	smul.u32 $0x13880, s7  }
0x9: {  	_ =	strace $0x80000053;
	s5 =	smul.u32 $0x1388, s5;
	s28 =	sshrl.u32 s6, $0x1  }
0xa: {  	s6 =	ssub.s32 s6, s28;
	s10 =	sadd.s32 s12, s10;
	s12 =	simm.s32 $0x200  }
0xb: {  	s29 =	sadd.s32 $0x12C0, s5;
	s6 =	smax.u32 s6, $0x1;
	s31 =	sshrl.u32 s10, $0x3  }
0xc: {  	s10 =	sadd.s32 $0xC8, s10;
	s5 =	sshrl.u32 s29, $0x3;
	s11 =	sshll.u32 s29, $0x4  }
0xd: {  	s4 =	sadd.s32 s9, s5;
	s5 =	sadd.s32 s8, s11;
	s8 =	sadd.s32 s30, s8  }
0xe: {  	s10 =	sshrl.u32 s10, $0x3;
	s11 =	simm.s32 $0xC8;
	s7 =	sadd.s32 s7, s8  }
0xf: {  	s8 =	sadd.s32 s31, s9;
	s9 =	sadd.s32 s10, s9;
	s10 =	simm.s32 $0x3  }
.LBB2_1:
0x10: {  	s18 =	sadd.s32 $0x0, s8  }
0x11: {  	[tilespmem:s2], [sflag:$0x3] =	stream.linear.gather [hbm4b:s18+s2], $0xC8, $0x38;
	[tilespmem:$0xCA00] =	vst v63  }
0x12: {  	_ =	swait.ge [sflag:s10], $0xC8  }
0x13: {  	[sflag:s10] =	ssyncset.done $0x0  }
0x14: {  	[sflag:s10] =	ssyncadd.s32 $0xFFFFFF38  }
0x15: {  	[tilespmem:s12], [sflag:$0x1] =	stream.indirect.gather [hbm4b:s3+s11], $0x80, s2, s11, $0xb8;
	[tilespmem:$0xCA00] =	vst v63  }
0x16: {  	s30 =	sadd.s32 $0x0, s9  }
0x17: {  	[tilespmem:s13], [sflag:$0x3] =	stream.linear.gather [hbm4b:s30+s2], $0xC8, $0x38;
	[tilespmem:$0xCA00] =	vst v63  }
0x18: {  	_ =	swait.ge [sflag:s10], $0xC8  }
0x19: {  	[sflag:s10] =	ssyncset.done $0x0  }
0x1a: {  	[sflag:s10] =	ssyncadd.s32 $0xFFFFFF38  }
0x1b: {  	[tilespmem:s14], [sflag:$0x2] =	stream.indirect.gather [hbm4b:s3+s11], $0x80, s13, s11, $0xb8;
	[tilespmem:$0xCA00] =	vst v63  }
0x1c: {  	_ =	swait.ge [sflag:s15], $0x6400  }
0x1d: {  	[sflag:s15] =	ssyncset.done $0x0  }
0x1e: {  	[sflag:s15] =	ssyncadd.s32 $0xFFFF9C00  }
0x1f: {  	[hbm4b:s7+s2] =	stream.linear.scatter [tilespmem:s12], [sflag:$0x3], $0x6400, $0x38;
	[tilespmem:$0xCA00] =	vst v63  }
0x20: {  	_ =	swait.ge [sflag:s10], $0x6400  }
0x21: {  	[sflag:s10] =	ssyncset.done $0x0  }
0x22: {  	[sflag:s10] =	ssyncadd.s32 $0xFFFF9C00  }
0x23: {  	_ =	swait.ge [sflag:s16], $0x6400  }
0x24: {  	[sflag:s16] =	ssyncset.done $0x0  }
0x25: {  	s31 =	sadd.s32 $0xC80, s7;
	[sflag:s16] =	ssyncadd.s32 $0xFFFF9C00  }
0x26: {  	[hbm4b:s31+s2] =	stream.linear.scatter [tilespmem:s14], [sflag:$0x3], $0x6400, $0x38;
	[tilespmem:$0xCA00] =	vst v63  }
0x27: {  	s19 =	simm.s32 $0x32;
	_ =	swait.ge [sflag:s10], $0x6400  }
0x28: {  	s20 =	simm.s32 $0x64;
	s18 =	sadd.s32 $0x1900, s7;
	[sflag:s10] =	ssyncset.done $0x0  }
.LBB2_2:
0x29: {  	s21 =	sadd.s32 s19, s8  }
0x2a: {  	[sflag:s10] =	ssyncadd.s32 $0xFFFF9C00;
	s22 =	smov.u32 s20;
	s23 =	sadd.s32 $0x32, s20  }
0x2b: {  	[tilespmem:s2], [sflag:$0x3] =	stream.linear.gather [hbm4b:s21+s2], $0xC8, $0x38;
	[tilespmem:$0xCA00] =	vst v63  }
0x2c: {  	p0 =	sne.s32 s20, $0x226;
	_ =	swait.ge [sflag:s10], $0xC8  }
0x2d: {  	[sflag:s10] =	ssyncset.done $0x0  }
0x2e: {  	[sflag:s10] =	ssyncadd.s32 $0xFFFFFF38  }
0x2f: {  	[tilespmem:s12], [sflag:$0x1] =	stream.indirect.gather [hbm4b:s3+s11], $0x80, s2, s11, $0xb8;
	[tilespmem:$0xCA00] =	vst v63  }
0x30: {  	s20 =	sadd.s32 s19, s9;
	s19 =	smov.u32 s22  }
0x31: {  	[tilespmem:s13], [sflag:$0x3] =	stream.linear.gather [hbm4b:s20+s2], $0xC8, $0x38;
	[tilespmem:$0xCA00] =	vst v63  }
0x32: {  	_ =	swait.ge [sflag:s10], $0xC8  }
0x33: {  	[sflag:s10] =	ssyncset.done $0x0  }
0x34: {  	[sflag:s10] =	ssyncadd.s32 $0xFFFFFF38  }
0x35: {  	[tilespmem:s14], [sflag:$0x2] =	stream.indirect.gather [hbm4b:s3+s11], $0x80, s13, s11, $0xb8;
	[tilespmem:$0xCA00] =	vst v63  }
0x36: {  	_ =	swait.ge [sflag:s15], $0x6400  }
0x37: {  	[sflag:s15] =	ssyncset.done $0x0  }
0x38: {  	[sflag:s15] =	ssyncadd.s32 $0xFFFF9C00  }
0x39: {  	[hbm4b:s18+s2] =	stream.linear.scatter [tilespmem:s12], [sflag:$0x3], $0x6400, $0x38;
	[tilespmem:$0xCA00] =	vst v63  }
0x3a: {  	_ =	swait.ge [sflag:s10], $0x6400  }
0x3b: {  	[sflag:s10] =	ssyncset.done $0x0  }
0x3c: {  	[sflag:s10] =	ssyncadd.s32 $0xFFFF9C00  }
0x3d: {  	_ =	swait.ge [sflag:s16], $0x6400  }
.Ltmp0:
0x3e: {  	[sflag:s16] =	ssyncset.done $0x0;
	(pc) =	sbr.rel @p0 .LBB2_2-.Ltmp0, $4  }
0x3f: {  	s20 =	sadd.s32 $0xC80, s18;
	[sflag:s16] =	ssyncadd.s32 $0xFFFF9C00  }
0x40: {  	[hbm4b:s20+s2] =	stream.linear.scatter [tilespmem:s14], [sflag:$0x3], $0x6400, $0x38;
	[tilespmem:$0xCA00] =	vst v63  }
0x41: {  	_ =	swait.ge [sflag:s10], $0x6400  }
0x42: {  	s18 =	sadd.s32 $0x1900, s18;
	s20 =	smov.u32 s23;
	[sflag:s10] =	ssyncset.done $0x0  }
0x43: {  	s20 =	sadd.s32 s19, s8;
	[sflag:s10] =	ssyncadd.s32 $0xFFFF9C00  }
0x44: {  	[tilespmem:s2], [sflag:$0x3] =	stream.linear.gather [hbm4b:s20+s2], $0xC8, $0x38;
	[tilespmem:$0xCA00] =	vst v63  }
0x45: {  	_ =	swait.ge [sflag:s10], $0xC8  }
0x46: {  	[sflag:s10] =	ssyncset.done $0x0  }
0x47: {  	[sflag:s10] =	ssyncadd.s32 $0xFFFFFF38  }
0x48: {  	[tilespmem:s12], [sflag:$0x1] =	stream.indirect.gather [hbm4b:s3+s11], $0x80, s2, s11, $0xb8;
	[tilespmem:$0xCA00] =	vst v63  }
0x49: {  	s30 =	sadd.s32 s19, s9  }
0x4a: {  	[tilespmem:s13], [sflag:$0x3] =	stream.linear.gather [hbm4b:s30+s2], $0xC8, $0x38;
	[tilespmem:$0xCA00] =	vst v63  }
0x4b: {  	_ =	swait.ge [sflag:s10], $0xC8  }
0x4c: {  	[sflag:s10] =	ssyncset.done $0x0  }
0x4d: {  	[sflag:s10] =	ssyncadd.s32 $0xFFFFFF38  }
0x4e: {  	[tilespmem:s14], [sflag:$0x2] =	stream.indirect.gather [hbm4b:s3+s11], $0x80, s13, s11, $0xb8;
	[tilespmem:$0xCA00] =	vst v63  }
0x4f: {  	_ =	swait.ge [sflag:s15], $0x6400  }
0x50: {  	[sflag:s15] =	ssyncset.done $0x0  }
0x51: {  	[sflag:s15] =	ssyncadd.s32 $0xFFFF9C00  }
0x52: {  	[hbm4b:s18+s2] =	stream.linear.scatter [tilespmem:s12], [sflag:$0x3], $0x6400, $0x38;
	[tilespmem:$0xCA00] =	vst v63  }
0x53: {  	_ =	swait.ge [sflag:s10], $0x6400  }
0x54: {  	[sflag:s10] =	ssyncset.done $0x0  }
0x55: {  	[sflag:s10] =	ssyncadd.s32 $0xFFFF9C00  }
0x56: {  	_ =	swait.ge [sflag:s16], $0x6400  }
0x57: {  	[sflag:s16] =	ssyncset.done $0x0  }
0x58: {  	s31 =	sadd.s32 $0xC80, s18;
	[sflag:s16] =	ssyncadd.s32 $0xFFFF9C00  }
0x59: {  	[hbm4b:s31+s2] =	stream.linear.scatter [tilespmem:s14], [sflag:$0x3], $0x6400, $0x38;
	[tilespmem:$0xCA00] =	vst v63  }
0x5a: {  	_ =	swait.ge [sflag:s10], $0x6400  }
0x5b: {  	[sflag:s10] =	ssyncset.done $0x0  }
0x5c: {  	[sflag:s10] =	ssyncadd.s32 $0xFFFF9C00  }
0x5d: {  	[tilespmem:s2], [sflag:$0x3] =	stream.linear.gather [hbm4b:s4+s2], $0xC8, $0x38;
	[tilespmem:$0xCA00] =	vst v63  }
0x5e: {  	_ =	swait.ge [sflag:s10], $0xC8  }
0x5f: {  	[sflag:s10] =	ssyncset.done $0x0  }
0x60: {  	[sflag:s10] =	ssyncadd.s32 $0xFFFFFF38  }
0x61: {  	[tilespmem:s12], [sflag:$0x1] =	stream.indirect.gather [hbm4b:s3+s11], $0x80, s2, s11, $0xb8;
	[tilespmem:$0xCA00] =	vst v63  }
0x62: {  	s17 =	sadd.s32 $0x1, s17;
	_ =	swait.ge [sflag:s15], $0x6400  }
0x63: {  	p0 =	sne.s32 s17, s6;
	[sflag:s15] =	ssyncset.done $0x0  }
.Ltmp1:
0x64: {  	[sflag:s15] =	ssyncadd.s32 $0xFFFF9C00;
	(pc) =	sbr.rel @p0 .LBB2_1-.Ltmp1, $4  }
0x65: {  	[hbm4b:s5+s2] =	stream.linear.scatter [tilespmem:s12], [sflag:$0x3], $0x6400, $0x38;
	[tilespmem:$0xCA00] =	vst v63  }
0x66: {  	_ =	swait.ge [sflag:s10], $0x6400  }
0x67: {  	[sflag:s10] =	ssyncset.done $0x0  }
0x68: {  	[sflag:s10] =	ssyncadd.s32 $0xFFFF9C00  }
0x69: {  	_ =	sfence.sel $0x180000  }
0x6a: {  	[bflag:$0x0] =	sbarrier.arrive $0xFFFF  }
0x6b: {  	p0 =	sne.s32 s1, $0x0;
	_ =	strace $0x90000053  }
0x6c: {  	s0 =	sadd.s32 @!p0 $0x100000, s0;
	[bflag:$0x2] =	sbarrier.arrive $0xFFFF  }
0x6d: {  	[sflag:s0] =	ssyncadd.tile.s32 @!p0 $0x1;
	_ =	shalt  }
.Lfunc_end2:
_tile_overlayer_lowered:
.L_overlay_start_2:
0x6e: {  	(tag) =	ssettag $0x2  }
0x6f: {  	s0 =	rddreg [dreg:$0x0];
	s2 =	stileid.u32  }
0x70: {  	s1 =	rddreg [dreg:$0x1];
	p0 =	sne.s32 s2, $0x0  }
0x71: {  	s3 =	rddreg [dreg:$0x2];
	[bflag:$0x3] =	sbarrier.arrive $0xFFFF;
	s2 =	simm.s32 @!p0 $0x1C03  }
0x72: {  	[timem:s3], [sflag:s2] =	dma.local @!p0 [hbm:s0], s1  }
0x73: {  	s0 =	simm.s32 @!p0 $0x3  }
0x74: {  	_ =	swait.ge @!p0 [sflag:s0], s1  }
0x75: {  	s1 =	ssub.s32 @!p0 $0x0, s1;
	[sflag:s0] =	ssyncset.done @!p0 $0x0  }
0x76: {  	[sflag:s0] =	ssyncadd.s32 @!p0 s1  }
0x77: {  	[bflag:$0x3] =	sbarrier.arrive $0xFFFF  }
0x78: {  	_ =	shalt  }

// kernel: kernel.28.cloned.1.call-start
scs
__scs_entry_jumppad:
0x0: {  	(pc) =	sbr.rel $0x88, $3  }
0x1: {  	(tag) =	ssettag $0x0;
	lr =	simm.s32 $0x1  }
0x2: {  	[smem:$0x3F83] =	sst lr;
	_ =	strace $0xD0000000  }
0x3: {  	_ = 	snop  }
0x4: {  	_ = 	snop  }
0x5: {  	_ = 	snop  }
0x6: {  	_ = 	snop  }
0x7: {  	_ = 	snop  }
__scs_overlays_trampoline_lowered:
0x8: {  	[smem:$0x3F92] =	sst s0  }
0x9: {  	[smem:$0x3F93] =	sst s1  }
0xa: {  	[smem:$0x3F94] =	sst s2  }
0xb: {  	[smem:$0x3F95] =	sst s3  }
0xc: {  	[smem:$0x3F96] =	sst s4  }
0xd: {  	[smem:$0x3F97] =	sst s5  }
0xe: {  	[smem:$0x3F98] =	sst s6  }
0xf: {  	[smem:$0x3F99] =	sst s7  }
0x10: {  	[smem:$0x3F9A] =	sst s8  }
0x11: {  	[smem:$0x3F9B] =	sst s9;
	s0 =	simm.s32 @!p0 $0x0  }
0x12: {  	s1 =	sld [smem:$0x3F81];
	s0 =	simm.s32 @p0 $0x1  }
0x13: {  	[smem:$0x3F9C] =	sst s0;
	s0 =	simm.s32 @!p1 $0x0  }
0x14: {  	s2 =	sld [smem:$0x3F80];
	s0 =	simm.s32 @p1 $0x1  }
0x15: {  	[smem:$0x3F9D] =	sst s0;
	s0 =	simm.s32 @!p2 $0x0  }
0x16: {  	s3 =	sld [smem:$0x3FDB];
	s0 =	simm.s32 @p2 $0x1  }
0x17: {  	s4 =	simm.s32 $0x1BF5;
	[smem:$0x3F9F] =	sst s0  }
0x18: {  	s0 =	sld [smem:$0x3F82];
	_ =	swait.ge [sflag:s4], $0x0  }
0x19: {  	s7 =	sld [smem:$0x3F83]  }
0x1a: {  	s8 =	sadd.s32 $0xFFFFE003, lr  }
0x1b: {  	s9 =	sadd.s32 $0xFFFFFEF7, lr;
	s5 =	simm.s32 $0xFFFFFFFF;
	p2 =	slt.u32 s8, $0xFFFFF086  }
0x1c: {  	p1 =	slt.u32 s9, $0xF7A;
	s5 =	simm.s32 @!p2 $0x0  }
0x1d: {  	s5 =	simm.s32 @p1 $0x1;
	p0 =	seq.s32 s7, s2  }
0x1e: {  	s7 =	smul.u32 @!p0 $0xF7A, s2;
	p2 =	seq.s32 @!p0 s5, $0x0  }
0x1f: {  	s9 =	smul.u32 $0xF7A, s1;
	s8 =	simm.s32 @!p0 $0x1BF5;
	p2 =	por !p2, p0  }
0x20: {  	[sflag:s8] =	ssyncset.s32 @!p0 $0xFFFFF086;
	s6 =	sadd.s32 @!p0 s3, s7;
	s7 =	simm.s32 @!p0 $0x108  }
0x21: {  	s3 =	sadd.s32 s3, s9;
	s6 =	sadd.s32 @!p0 $0x88, s6;
	s7 =	simm.s32 @p2 $0x1082  }
0x22: {  	[simem:s7], [sflag:s8] =	dma.local @!p0 [hbm:s6], $0xF7A  }
0x23: {  	s9 =	sor.u32 $0xD0000000, s2;
	s6 =	simm.s32 $0x108;
	_ =	swait.ge @!p0 [sflag:s8], $0x0  }
0x24: {  	s3 =	sadd.s32 $0x88, s3;
	s6 =	simm.s32 @!p1 $0x1082;
	[sflag:s4] =	ssyncset.s32 $0xFFFFF086  }
0x25: {  	[simem:s6], [sflag:s4] =	dma.local [hbm:s3], $0xF7A  }
0x26: {  	[smem:$0x3F83] =	sst s1;
	(tag) =	ssettag s2;
	_ =	strace s9  }
0x27: {  	s1 =	sld [smem:$0x3F93]  }
0x28: {  	s2 =	sld [smem:$0x3F94]  }
0x29: {  	s4 =	sld [smem:$0x3F96]  }
0x2a: {  	p0 =	seq.s32 s5, $0x0;
	s5 =	sld [smem:$0x3F97]  }
0x2b: {  	s6 =	sld [smem:$0x3F98]  }
0x2c: {  	s7 =	sld [smem:$0x3F99]  }
0x2d: {  	s3 =	simm.s32 $0x108;
	s8 =	sld [smem:$0x3F9A]  }
0x2e: {  	s3 =	simm.s32 @!p0 $0x1082;
	s9 =	sld [smem:$0x3F9B]  }
0x2f: {  	lr =	sadd.s32 s0, s3;
	s0 =	sld [smem:$0x3F92]  }
0x30: {  	s3 =	sld [smem:$0x3F95]  }
0x31: {  	[smem:$0x3F9E] =	sst s10  }
0x32: {  	s10 =	sld [smem:$0x3F9C];
	_ =	sdelay $0x3  }
0x33: {  	p0 =	seq.s32 s10, $0x1;
	s10 =	sld [smem:$0x3F9E];
	_ =	sdelay $0x3  }
0x34: {  	[smem:$0x3F9E] =	sst s10  }
0x35: {  	s10 =	sld [smem:$0x3F9D];
	_ =	sdelay $0x3  }
0x36: {  	p1 =	seq.s32 s10, $0x1;
	s10 =	sld [smem:$0x3F9E];
	_ =	sdelay $0x3  }
0x37: {  	[smem:$0x3F9E] =	sst s10  }
0x38: {  	s10 =	sld [smem:$0x3F9F]  }
0x39: {  	_ = 	snop;
	(pc) =	sbr.ind lr, $3  }
0x3a: {  	_ = 	snop  }
0x3b: {  	_ = 	snop  }
0x3c: {  	p2 =	seq.s32 s10, $0x1;
	s10 =	sld [smem:$0x3F9E]  }
0x3d: {  	_ =	shalt  }
0x3e: {  	_ =	shalt  }
0x3f: {  	_ =	shalt  }
0x40: {  	_ =	shalt  }
0x41: {  	_ =	shalt  }
0x42: {  	_ =	shalt  }
0x43: {  	_ =	shalt  }
0x44: {  	_ =	shalt  }
0x45: {  	_ =	shalt  }
0x46: {  	_ =	shalt  }
0x47: {  	_ =	shalt  }
0x48: {  	_ =	shalt  }
0x49: {  	_ =	shalt  }
0x4a: {  	_ =	shalt  }
0x4b: {  	_ =	shalt  }
0x4c: {  	_ =	shalt  }
0x4d: {  	_ =	shalt  }
0x4e: {  	_ =	shalt  }
0x4f: {  	_ =	shalt  }
0x50: {  	_ =	shalt  }
0x51: {  	_ =	shalt  }
0x52: {  	_ =	shalt  }
0x53: {  	_ =	shalt  }
0x54: {  	_ =	shalt  }
0x55: {  	_ =	shalt  }
0x56: {  	_ =	shalt  }
0x57: {  	_ =	shalt  }
0x58: {  	_ =	shalt  }
0x59: {  	_ =	shalt  }
0x5a: {  	_ =	shalt  }
0x5b: {  	_ =	shalt  }
0x5c: {  	_ =	shalt  }
0x5d: {  	_ =	shalt  }
0x5e: {  	_ =	shalt  }
0x5f: {  	_ =	shalt  }
0x60: {  	_ =	shalt  }
0x61: {  	_ =	shalt  }
0x62: {  	_ =	shalt  }
0x63: {  	_ =	shalt  }
0x64: {  	_ =	shalt  }
0x65: {  	_ =	shalt  }
0x66: {  	_ =	shalt  }
0x67: {  	_ =	shalt  }
0x68: {  	_ =	shalt  }
0x69: {  	_ =	shalt  }
0x6a: {  	_ =	shalt  }
0x6b: {  	_ =	shalt  }
0x6c: {  	_ =	shalt  }
0x6d: {  	_ =	shalt  }
0x6e: {  	_ =	shalt  }
0x6f: {  	_ =	shalt  }
0x70: {  	_ =	shalt  }
0x71: {  	_ =	shalt  }
0x72: {  	_ =	shalt  }
0x73: {  	_ =	shalt  }
0x74: {  	_ =	shalt  }
0x75: {  	_ =	shalt  }
0x76: {  	_ =	shalt  }
0x77: {  	_ =	shalt  }
0x78: {  	_ =	shalt  }
0x79: {  	_ =	shalt  }
0x7a: {  	_ =	shalt  }
0x7b: {  	_ =	shalt  }
0x7c: {  	_ =	shalt  }
0x7d: {  	_ =	shalt  }
0x7e: {  	_ =	shalt  }
0x7f: {  	_ =	shalt  }
0x80: {  	_ =	shalt  }
0x81: {  	_ =	shalt  }
0x82: {  	_ =	shalt  }
0x83: {  	_ =	shalt  }
0x84: {  	_ =	shalt  }
0x85: {  	_ =	shalt  }
0x86: {  	_ =	shalt  }
0x87: {  	_ =	shalt  }
.Lfunc_end0:
.L_simem_size_0:
called_computation.4_lowered:
.L_overlay_start_0:
0x88: {  	s2 =	sld [smem:$0x3FD9]  }
0x89: {  	s3 =	sld [smem:$0x3FFE];
	_ =	sdelay $0x1  }
0x8a: {  	s1 =	srdreg.scid  }
0x8b: {  	s0 =	sand.u32 $0x1, s1  }
0x8c: {  	s16 =	sshll.u32 s0, $0xA;
	s2 =	sadd.s32 s3, s2  }
0x8d: {  	s2 =	sadd.s32 s2, s16  }
0x8e: {  	[smem:$0x3FAA] =	sst s2  }
0x8f: {  	_ = 	snop  }
0x90: {  	(tm) =	ssettm $0x1  }
0x91: {  	s17 =	sld [smem:$0x3FFB];
	_ =	sdelay $0x3  }
0x92: {  	_ =	strace s17  }
0x93: {  	s2 =	sld [smem:$0x3FFC];
	_ =	sdelay $0x3  }
0x94: {  	_ =	strace s2  }
0x95: {  	s2 =	sld [smem:$0x3FFD];
	_ =	sdelay $0x3  }
0x96: {  	_ =	strace s2  }
0x97: {  	_ =	strace $0x8FFFFFFF  }
0x98: {  	s18 =	sld [smem:$0x3FDB];
	_ =	sdelay $0x1  }
0x99: {  	s19 =	simm.s32 $_scs_section_size  }
0x9a: {  	s4 =	simm.s32 $_size__tile_overlayer_lowered;
	s5 =	simm.s32 $_tile_overlayer_lowered  }
0x9b: {  	s22 =	simm.s32 $0x1BFF;
	s21 =	sshll.u32 s5, $0x1;
	s2 =	sadd.s32 s19, s18  }
0x9c: {  	s6 =	simm.s32 $0x0;
	s20 =	sshll.u32 s4, $0x1;
	s4 =	sadd.s32 s21, s2  }
0x9d: {  	[timem:s6], [sflag:s22] =	dma.local [hbm:s4], s20  }
0x9e: {  	_ =	swait.ge [sflag:s22], s20  }
0x9f: {  	s3 =	ssub.s32 $0x0, s20;
	[sflag:s22] =	ssyncset.done $0x0  }
0xa0: {  	[sflag:s22] =	ssyncadd.s32 s3;
	_ =	sdelay $0x1  }
0xa1: {  	s23 =	simm.s32 $0x1B8B  }
0xa2: {  	_ =	swait.ge [sflag:s23], $0x1  }
0xa3: {  	[sflag:s23] =	ssyncset.done $0x0  }
0xa4: {  	s25 =	simm.s32 $0x1B8E;
	s24 =	sld [smem:$0x3FFE];
	[sflag:s23] =	ssyncadd.s32 $0xFFFFFFFF  }
0xa5: {  	s26 =	simm.s32 $execute0_lowered;
	[smem:$0x3FD2] =	sst s25  }
0xa6: {  	s4 =	sshll.u32 s26, $0x1;
	_ =	strace $0x8000004F;
	[dreg:$0x1] =	wrdreg $0xFFFFFFFF  }
0xa7: {  	s28 =	simm.s32 $_size_execute0_lowered;
	s2 =	sadd.s32 s2, s4;
	[dreg:$0x0] =	wrdreg $0x0  }
0xa8: {  	s4 =	sshll.u32 s28, $0x1;
	[dreg:$0x2] =	wrdreg s2  }
0xa9: {  	[dreg:$0x3] =	wrdreg s4  }
0xaa: {  	[dreg:$0x4] =	wrdreg $0xC0  }
0xab: {  	_ =	task [dreg:s6], $0x5FFFF  }
0xac: {  	[dreg:$0x1] =	wrdreg $0xFFFFFFFF  }
0xad: {  	[dreg:$0x0] =	wrdreg $0x60  }
0xae: {  	[dreg:$0x2] =	wrdreg s24  }
0xaf: {  	[dreg:$0x3] =	wrdreg $0xA  }
0xb0: {  	_ =	task.clear_ibuf [dreg:s6], $0x4FFFF;
	_ =	strace $0x9000004F  }
0xb1: {  	s29 =	simm.s32 $0xA;
	_ =	strace $0x80000051  }
0xb2: {  	_ =	swait.ge [sflag:s29], $0x1  }
0xb3: {  	[sflag:s29] =	ssyncadd.s32 $0xFFFFFFFF  }
0xb4: {  	_ =	strace $0x90000051  }
0xb5: {  	_ =	sfence  }
0xb6: {  	s30 =	sld [smem:$0x0];
	_ =	sdelay $0x2  }
0xb7: {  	s31 =	sshll.u32 s1, $0xD;
	s1 =	sshrl.u32 s1, $0x2  }
0xb8: {  	s3 =	sand.u32 $0x4000, s31;
	s1 =	sadd.s32 s1, s30  }
0xb9: {  	s0 =	sor.u32 s3, s0;
	s1 =	sshll.u32 s1, $0x11  }
0xba: {  	s0 =	sor.u32 s1, s0  }
0xbb: {  	s0 =	sadd.s32 $0x8F2B, s0  }
0xbc: {  	[sflag:s0] =	ssyncadd.remote.s32 $0x1  }
0xbd: {  	_ =	sfence.sel $0xFFFF  }
0xbe: {  	[dreg:$0x0] =	wrdreg $0xFFFFFFFF;
	(pc) =	sbr.abs _section_cstart, $3  }
0xbf: {  	[dreg:$0x1] =	wrdreg $0xFFFFFFFF  }
0xc0: {  	_ =	task.clear_ibuf [dreg:s6], $0x2FFFF;
	_ =	strace $0x9FFFFFFF  }
0xc1: {  	(tm) =	ssettm $0x7FFFFFFF  }
tec
execute0_lowered:
.L_overlay_start_1:
0x0: {  	(tag) =	ssettag $0x1  }
0x1: {  	s4 =	rddreg [dreg:$0x0]  }
0x2: {  	s0 =	rddreg [dreg:$0x1];
	s2 =	simm.s32 $0x0;
	s3 =	srdreg.scid  }
0x3: {  	s1 =	stileid.u32;
	s13 =	simm.s32 $0x100;
	s14 =	simm.s32 $0x6600  }
0x4: {  	s15 =	simm.s32 $0x1;
	s16 =	simm.s32 $0x2;
	s17 =	simm.s32 $0x0  }
0x5: {  	[smem:$0x7FF] =	sst s2;
	s7 =	sand.u32 $0x1, s3;
	s10 =	smul.u32 $0x2710, s1  }
0x6: {  	s26 =	sshll.u32 s1, $0x1;
	s3 =	sadd.s32 $0x16D2A00, s4;
	s30 =	smul.u32 $0x27100, s1  }
0x7: {  	s9 =	sadd.s32 $0x7400, s4;
	s8 =	sadd.s32 $0x2A4600, s4;
	s12 =	smul.u32 $0x1388, s7  }
0x8: {  	s5 =	sor.u32 s7, s26;
	s6 =	ssub.s32 $0x2, s7;
	s7 =	smul.u32 $0x13880, s7  }
0x9: {  	_ =	strace $0x80000050;
	s5 =	smul.u32 $0x1388, s5;
	s28 =	sshrl.u32 s6, $0x1  }
0xa: {  	s6 =	ssub.s32 s6, s28;
	s10 =	sadd.s32 s12, s10;
	s12 =	simm.s32 $0x200  }
0xb: {  	s29 =	sadd.s32 $0x12C0, s5;
	s6 =	smax.u32 s6, $0x1;
	s31 =	sshrl.u32 s10, $0x3  }
0xc: {  	s10 =	sadd.s32 $0xC8, s10;
	s5 =	sshrl.u32 s29, $0x3;
	s11 =	sshll.u32 s29, $0x4  }
0xd: {  	s4 =	sadd.s32 s9, s5;
	s5 =	sadd.s32 s8, s11;
	s8 =	sadd.s32 s30, s8  }
0xe: {  	s10 =	sshrl.u32 s10, $0x3;
	s11 =	simm.s32 $0xC8;
	s7 =	sadd.s32 s7, s8  }
0xf: {  	s8 =	sadd.s32 s31, s9;
	s9 =	sadd.s32 s10, s9;
	s10 =	simm.s32 $0x3  }
.LBB2_1:
0x10: {  	s18 =	sadd.s32 $0x0, s8  }
0x11: {  	[tilespmem:s2], [sflag:$0x3] =	stream.linear.gather [hbm4b:s18+s2], $0xC8, $0x38;
	[tilespmem:$0xCA00] =	vst v63  }
0x12: {  	_ =	swait.ge [sflag:s10], $0xC8  }
0x13: {  	[sflag:s10] =	ssyncset.done $0x0  }
0x14: {  	[sflag:s10] =	ssyncadd.s32 $0xFFFFFF38  }
0x15: {  	[tilespmem:s12], [sflag:$0x1] =	stream.indirect.gather [hbm4b:s3+s11], $0x80, s2, s11, $0xb8;
	[tilespmem:$0xCA00] =	vst v63  }
0x16: {  	s30 =	sadd.s32 $0x0, s9  }
0x17: {  	[tilespmem:s13], [sflag:$0x3] =	stream.linear.gather [hbm4b:s30+s2], $0xC8, $0x38;
	[tilespmem:$0xCA00] =	vst v63  }
0x18: {  	_ =	swait.ge [sflag:s10], $0xC8  }
0x19: {  	[sflag:s10] =	ssyncset.done $0x0  }
0x1a: {  	[sflag:s10] =	ssyncadd.s32 $0xFFFFFF38  }
0x1b: {  	[tilespmem:s14], [sflag:$0x2] =	stream.indirect.gather [hbm4b:s3+s11], $0x80, s13, s11, $0xb8;
	[tilespmem:$0xCA00] =	vst v63  }
0x1c: {  	_ =	swait.ge [sflag:s15], $0x6400  }
0x1d: {  	[sflag:s15] =	ssyncset.done $0x0  }
0x1e: {  	[sflag:s15] =	ssyncadd.s32 $0xFFFF9C00  }
0x1f: {  	[hbm4b:s7+s2] =	stream.linear.scatter [tilespmem:s12], [sflag:$0x3], $0x6400, $0x38;
	[tilespmem:$0xCA00] =	vst v63  }
0x20: {  	_ =	swait.ge [sflag:s10], $0x6400  }
0x21: {  	[sflag:s10] =	ssyncset.done $0x0  }
0x22: {  	[sflag:s10] =	ssyncadd.s32 $0xFFFF9C00  }
0x23: {  	_ =	swait.ge [sflag:s16], $0x6400  }
0x24: {  	[sflag:s16] =	ssyncset.done $0x0  }
0x25: {  	s31 =	sadd.s32 $0xC80, s7;
	[sflag:s16] =	ssyncadd.s32 $0xFFFF9C00  }
0x26: {  	[hbm4b:s31+s2] =	stream.linear.scatter [tilespmem:s14], [sflag:$0x3], $0x6400, $0x38;
	[tilespmem:$0xCA00] =	vst v63  }
0x27: {  	s19 =	simm.s32 $0x32;
	_ =	swait.ge [sflag:s10], $0x6400  }
0x28: {  	s20 =	simm.s32 $0x64;
	s18 =	sadd.s32 $0x1900, s7;
	[sflag:s10] =	ssyncset.done $0x0  }
.LBB2_2:
0x29: {  	s21 =	sadd.s32 s19, s8  }
0x2a: {  	[sflag:s10] =	ssyncadd.s32 $0xFFFF9C00;
	s22 =	smov.u32 s20;
	s23 =	sadd.s32 $0x32, s20  }
0x2b: {  	[tilespmem:s2], [sflag:$0x3] =	stream.linear.gather [hbm4b:s21+s2], $0xC8, $0x38;
	[tilespmem:$0xCA00] =	vst v63  }
0x2c: {  	p0 =	sne.s32 s20, $0x226;
	_ =	swait.ge [sflag:s10], $0xC8  }
0x2d: {  	[sflag:s10] =	ssyncset.done $0x0  }
0x2e: {  	[sflag:s10] =	ssyncadd.s32 $0xFFFFFF38  }
0x2f: {  	[tilespmem:s12], [sflag:$0x1] =	stream.indirect.gather [hbm4b:s3+s11], $0x80, s2, s11, $0xb8;
	[tilespmem:$0xCA00] =	vst v63  }
0x30: {  	s20 =	sadd.s32 s19, s9;
	s19 =	smov.u32 s22  }
0x31: {  	[tilespmem:s13], [sflag:$0x3] =	stream.linear.gather [hbm4b:s20+s2], $0xC8, $0x38;
	[tilespmem:$0xCA00] =	vst v63  }
0x32: {  	_ =	swait.ge [sflag:s10], $0xC8  }
0x33: {  	[sflag:s10] =	ssyncset.done $0x0  }
0x34: {  	[sflag:s10] =	ssyncadd.s32 $0xFFFFFF38  }
0x35: {  	[tilespmem:s14], [sflag:$0x2] =	stream.indirect.gather [hbm4b:s3+s11], $0x80, s13, s11, $0xb8;
	[tilespmem:$0xCA00] =	vst v63  }
0x36: {  	_ =	swait.ge [sflag:s15], $0x6400  }
0x37: {  	[sflag:s15] =	ssyncset.done $0x0  }
0x38: {  	[sflag:s15] =	ssyncadd.s32 $0xFFFF9C00  }
0x39: {  	[hbm4b:s18+s2] =	stream.linear.scatter [tilespmem:s12], [sflag:$0x3], $0x6400, $0x38;
	[tilespmem:$0xCA00] =	vst v63  }
0x3a: {  	_ =	swait.ge [sflag:s10], $0x6400  }
0x3b: {  	[sflag:s10] =	ssyncset.done $0x0  }
0x3c: {  	[sflag:s10] =	ssyncadd.s32 $0xFFFF9C00  }
0x3d: {  	_ =	swait.ge [sflag:s16], $0x6400  }
.Ltmp0:
0x3e: {  	[sflag:s16] =	ssyncset.done $0x0;
	(pc) =	sbr.rel @p0 .LBB2_2-.Ltmp0, $4  }
0x3f: {  	s20 =	sadd.s32 $0xC80, s18;
	[sflag:s16] =	ssyncadd.s32 $0xFFFF9C00  }
0x40: {  	[hbm4b:s20+s2] =	stream.linear.scatter [tilespmem:s14], [sflag:$0x3], $0x6400, $0x38;
	[tilespmem:$0xCA00] =	vst v63  }
0x41: {  	_ =	swait.ge [sflag:s10], $0x6400  }
0x42: {  	s18 =	sadd.s32 $0x1900, s18;
	s20 =	smov.u32 s23;
	[sflag:s10] =	ssyncset.done $0x0  }
0x43: {  	s20 =	sadd.s32 s19, s8;
	[sflag:s10] =	ssyncadd.s32 $0xFFFF9C00  }
0x44: {  	[tilespmem:s2], [sflag:$0x3] =	stream.linear.gather [hbm4b:s20+s2], $0xC8, $0x38;
	[tilespmem:$0xCA00] =	vst v63  }
0x45: {  	_ =	swait.ge [sflag:s10], $0xC8  }
0x46: {  	[sflag:s10] =	ssyncset.done $0x0  }
0x47: {  	[sflag:s10] =	ssyncadd.s32 $0xFFFFFF38  }
0x48: {  	[tilespmem:s12], [sflag:$0x1] =	stream.indirect.gather [hbm4b:s3+s11], $0x80, s2, s11, $0xb8;
	[tilespmem:$0xCA00] =	vst v63  }
0x49: {  	s30 =	sadd.s32 s19, s9  }
0x4a: {  	[tilespmem:s13], [sflag:$0x3] =	stream.linear.gather [hbm4b:s30+s2], $0xC8, $0x38;
	[tilespmem:$0xCA00] =	vst v63  }
0x4b: {  	_ =	swait.ge [sflag:s10], $0xC8  }
0x4c: {  	[sflag:s10] =	ssyncset.done $0x0  }
0x4d: {  	[sflag:s10] =	ssyncadd.s32 $0xFFFFFF38  }
0x4e: {  	[tilespmem:s14], [sflag:$0x2] =	stream.indirect.gather [hbm4b:s3+s11], $0x80, s13, s11, $0xb8;
	[tilespmem:$0xCA00] =	vst v63  }
0x4f: {  	_ =	swait.ge [sflag:s15], $0x6400  }
0x50: {  	[sflag:s15] =	ssyncset.done $0x0  }
0x51: {  	[sflag:s15] =	ssyncadd.s32 $0xFFFF9C00  }
0x52: {  	[hbm4b:s18+s2] =	stream.linear.scatter [tilespmem:s12], [sflag:$0x3], $0x6400, $0x38;
	[tilespmem:$0xCA00] =	vst v63  }
0x53: {  	_ =	swait.ge [sflag:s10], $0x6400  }
0x54: {  	[sflag:s10] =	ssyncset.done $0x0  }
0x55: {  	[sflag:s10] =	ssyncadd.s32 $0xFFFF9C00  }
0x56: {  	_ =	swait.ge [sflag:s16], $0x6400  }
0x57: {  	[sflag:s16] =	ssyncset.done $0x0  }
0x58: {  	s31 =	sadd.s32 $0xC80, s18;
	[sflag:s16] =	ssyncadd.s32 $0xFFFF9C00  }
0x59: {  	[hbm4b:s31+s2] =	stream.linear.scatter [tilespmem:s14], [sflag:$0x3], $0x6400, $0x38;
	[tilespmem:$0xCA00] =	vst v63  }
0x5a: {  	_ =	swait.ge [sflag:s10], $0x6400  }
0x5b: {  	[sflag:s10] =	ssyncset.done $0x0  }
0x5c: {  	[sflag:s10] =	ssyncadd.s32 $0xFFFF9C00  }
0x5d: {  	[tilespmem:s2], [sflag:$0x3] =	stream.linear.gather [hbm4b:s4+s2], $0xC8, $0x38;
	[tilespmem:$0xCA00] =	vst v63  }
0x5e: {  	_ =	swait.ge [sflag:s10], $0xC8  }
0x5f: {  	[sflag:s10] =	ssyncset.done $0x0  }
0x60: {  	[sflag:s10] =	ssyncadd.s32 $0xFFFFFF38  }
0x61: {  	[tilespmem:s12], [sflag:$0x1] =	stream.indirect.gather [hbm4b:s3+s11], $0x80, s2, s11, $0xb8;
	[tilespmem:$0xCA00] =	vst v63  }
0x62: {  	s17 =	sadd.s32 $0x1, s17;
	_ =	swait.ge [sflag:s15], $0x6400  }
0x63: {  	p0 =	sne.s32 s17, s6;
	[sflag:s15] =	ssyncset.done $0x0  }
.Ltmp1:
0x64: {  	[sflag:s15] =	ssyncadd.s32 $0xFFFF9C00;
	(pc) =	sbr.rel @p0 .LBB2_1-.Ltmp1, $4  }
0x65: {  	[hbm4b:s5+s2] =	stream.linear.scatter [tilespmem:s12], [sflag:$0x3], $0x6400, $0x38;
	[tilespmem:$0xCA00] =	vst v63  }
0x66: {  	_ =	swait.ge [sflag:s10], $0x6400  }
0x67: {  	[sflag:s10] =	ssyncset.done $0x0  }
0x68: {  	[sflag:s10] =	ssyncadd.s32 $0xFFFF9C00  }
0x69: {  	_ =	sfence.sel $0x180000  }
0x6a: {  	[bflag:$0x0] =	sbarrier.arrive $0xFFFF  }
0x6b: {  	p0 =	sne.s32 s1, $0x0;
	_ =	strace $0x90000050  }
0x6c: {  	s0 =	sadd.s32 @!p0 $0x100000, s0;
	[bflag:$0x2] =	sbarrier.arrive $0xFFFF  }
0x6d: {  	[sflag:s0] =	ssyncadd.tile.s32 @!p0 $0x1;
	_ =	shalt  }
.Lfunc_end2:
_tile_overlayer_lowered:
.L_overlay_start_2:
0x6e: {  	(tag) =	ssettag $0x2  }
0x6f: {  	s0 =	rddreg [dreg:$0x0];
	s2 =	stileid.u32  }
0x70: {  	s1 =	rddreg [dreg:$0x1];
	p0 =	sne.s32 s2, $0x0  }
0x71: {  	s3 =	rddreg [dreg:$0x2];
	[bflag:$0x3] =	sbarrier.arrive $0xFFFF;
	s2 =	simm.s32 @!p0 $0x1C03  }
0x72: {  	[timem:s3], [sflag:s2] =	dma.local @!p0 [hbm:s0], s1  }
0x73: {  	s0 =	simm.s32 @!p0 $0x3  }
0x74: {  	_ =	swait.ge @!p0 [sflag:s0], s1  }
0x75: {  	s1 =	ssub.s32 @!p0 $0x0, s1;
	[sflag:s0] =	ssyncset.done @!p0 $0x0  }
0x76: {  	[sflag:s0] =	ssyncadd.s32 @!p0 s1  }
0x77: {  	[bflag:$0x3] =	sbarrier.arrive $0xFFFF  }
0x78: {  	_ =	shalt  }

// kernel: kernel.31.cloned.1.call-start
scs
__scs_entry_jumppad:
0x0: {  	(pc) =	sbr.rel $0x88, $3  }
0x1: {  	(tag) =	ssettag $0x0;
	lr =	simm.s32 $0x1  }
0x2: {  	[smem:$0x3F83] =	sst lr;
	_ =	strace $0xD0000000  }
0x3: {  	_ = 	snop  }
0x4: {  	_ = 	snop  }
0x5: {  	_ = 	snop  }
0x6: {  	_ = 	snop  }
0x7: {  	_ = 	snop  }
__scs_overlays_trampoline_lowered:
0x8: {  	[smem:$0x3F92] =	sst s0  }
0x9: {  	[smem:$0x3F93] =	sst s1  }
0xa: {  	[smem:$0x3F94] =	sst s2  }
0xb: {  	[smem:$0x3F95] =	sst s3  }
0xc: {  	[smem:$0x3F96] =	sst s4  }
0xd: {  	[smem:$0x3F97] =	sst s5  }
0xe: {  	[smem:$0x3F98] =	sst s6  }
0xf: {  	[smem:$0x3F99] =	sst s7  }
0x10: {  	[smem:$0x3F9A] =	sst s8  }
0x11: {  	[smem:$0x3F9B] =	sst s9;
	s0 =	simm.s32 @!p0 $0x0  }
0x12: {  	s1 =	sld [smem:$0x3F81];
	s0 =	simm.s32 @p0 $0x1  }
0x13: {  	[smem:$0x3F9C] =	sst s0;
	s0 =	simm.s32 @!p1 $0x0  }
0x14: {  	s2 =	sld [smem:$0x3F80];
	s0 =	simm.s32 @p1 $0x1  }
0x15: {  	[smem:$0x3F9D] =	sst s0;
	s0 =	simm.s32 @!p2 $0x0  }
0x16: {  	s3 =	sld [smem:$0x3FDB];
	s0 =	simm.s32 @p2 $0x1  }
0x17: {  	s4 =	simm.s32 $0x1BF5;
	[smem:$0x3F9F] =	sst s0  }
0x18: {  	s0 =	sld [smem:$0x3F82];
	_ =	swait.ge [sflag:s4], $0x0  }
0x19: {  	s7 =	sld [smem:$0x3F83]  }
0x1a: {  	s8 =	sadd.s32 $0xFFFFE003, lr  }
0x1b: {  	s9 =	sadd.s32 $0xFFFFFEF7, lr;
	s5 =	simm.s32 $0xFFFFFFFF;
	p2 =	slt.u32 s8, $0xFFFFF086  }
0x1c: {  	p1 =	slt.u32 s9, $0xF7A;
	s5 =	simm.s32 @!p2 $0x0  }
0x1d: {  	s5 =	simm.s32 @p1 $0x1;
	p0 =	seq.s32 s7, s2  }
0x1e: {  	s7 =	smul.u32 @!p0 $0xF7A, s2;
	p2 =	seq.s32 @!p0 s5, $0x0  }
0x1f: {  	s9 =	smul.u32 $0xF7A, s1;
	s8 =	simm.s32 @!p0 $0x1BF5;
	p2 =	por !p2, p0  }
0x20: {  	[sflag:s8] =	ssyncset.s32 @!p0 $0xFFFFF086;
	s6 =	sadd.s32 @!p0 s3, s7;
	s7 =	simm.s32 @!p0 $0x108  }
0x21: {  	s3 =	sadd.s32 s3, s9;
	s6 =	sadd.s32 @!p0 $0x88, s6;
	s7 =	simm.s32 @p2 $0x1082  }
0x22: {  	[simem:s7], [sflag:s8] =	dma.local @!p0 [hbm:s6], $0xF7A  }
0x23: {  	s9 =	sor.u32 $0xD0000000, s2;
	s6 =	simm.s32 $0x108;
	_ =	swait.ge @!p0 [sflag:s8], $0x0  }
0x24: {  	s3 =	sadd.s32 $0x88, s3;
	s6 =	simm.s32 @!p1 $0x1082;
	[sflag:s4] =	ssyncset.s32 $0xFFFFF086  }
0x25: {  	[simem:s6], [sflag:s4] =	dma.local [hbm:s3], $0xF7A  }
0x26: {  	[smem:$0x3F83] =	sst s1;
	(tag) =	ssettag s2;
	_ =	strace s9  }
0x27: {  	s1 =	sld [smem:$0x3F93]  }
0x28: {  	s2 =	sld [smem:$0x3F94]  }
0x29: {  	s4 =	sld [smem:$0x3F96]  }
0x2a: {  	p0 =	seq.s32 s5, $0x0;
	s5 =	sld [smem:$0x3F97]  }
0x2b: {  	s6 =	sld [smem:$0x3F98]  }
0x2c: {  	s7 =	sld [smem:$0x3F99]  }
0x2d: {  	s3 =	simm.s32 $0x108;
	s8 =	sld [smem:$0x3F9A]  }
0x2e: {  	s3 =	simm.s32 @!p0 $0x1082;
	s9 =	sld [smem:$0x3F9B]  }
0x2f: {  	lr =	sadd.s32 s0, s3;
	s0 =	sld [smem:$0x3F92]  }
0x30: {  	s3 =	sld [smem:$0x3F95]  }
0x31: {  	[smem:$0x3F9E] =	sst s10  }
0x32: {  	s10 =	sld [smem:$0x3F9C];
	_ =	sdelay $0x3  }
0x33: {  	p0 =	seq.s32 s10, $0x1;
	s10 =	sld [smem:$0x3F9E];
	_ =	sdelay $0x3  }
0x34: {  	[smem:$0x3F9E] =	sst s10  }
0x35: {  	s10 =	sld [smem:$0x3F9D];
	_ =	sdelay $0x3  }
0x36: {  	p1 =	seq.s32 s10, $0x1;
	s10 =	sld [smem:$0x3F9E];
	_ =	sdelay $0x3  }
0x37: {  	[smem:$0x3F9E] =	sst s10  }
0x38: {  	s10 =	sld [smem:$0x3F9F]  }
0x39: {  	_ = 	snop;
	(pc) =	sbr.ind lr, $3  }
0x3a: {  	_ = 	snop  }
0x3b: {  	_ = 	snop  }
0x3c: {  	p2 =	seq.s32 s10, $0x1;
	s10 =	sld [smem:$0x3F9E]  }
0x3d: {  	_ =	shalt  }
0x3e: {  	_ =	shalt  }
0x3f: {  	_ =	shalt  }
0x40: {  	_ =	shalt  }
0x41: {  	_ =	shalt  }
0x42: {  	_ =	shalt  }
0x43: {  	_ =	shalt  }
0x44: {  	_ =	shalt  }
0x45: {  	_ =	shalt  }
0x46: {  	_ =	shalt  }
0x47: {  	_ =	shalt  }
0x48: {  	_ =	shalt  }
0x49: {  	_ =	shalt  }
0x4a: {  	_ =	shalt  }
0x4b: {  	_ =	shalt  }
0x4c: {  	_ =	shalt  }
0x4d: {  	_ =	shalt  }
0x4e: {  	_ =	shalt  }
0x4f: {  	_ =	shalt  }
0x50: {  	_ =	shalt  }
0x51: {  	_ =	shalt  }
0x52: {  	_ =	shalt  }
0x53: {  	_ =	shalt  }
0x54: {  	_ =	shalt  }
0x55: {  	_ =	shalt  }
0x56: {  	_ =	shalt  }
0x57: {  	_ =	shalt  }
0x58: {  	_ =	shalt  }
0x59: {  	_ =	shalt  }
0x5a: {  	_ =	shalt  }
0x5b: {  	_ =	shalt  }
0x5c: {  	_ =	shalt  }
0x5d: {  	_ =	shalt  }
0x5e: {  	_ =	shalt  }
0x5f: {  	_ =	shalt  }
0x60: {  	_ =	shalt  }
0x61: {  	_ =	shalt  }
0x62: {  	_ =	shalt  }
0x63: {  	_ =	shalt  }
0x64: {  	_ =	shalt  }
0x65: {  	_ =	shalt  }
0x66: {  	_ =	shalt  }
0x67: {  	_ =	shalt  }
0x68: {  	_ =	shalt  }
0x69: {  	_ =	shalt  }
0x6a: {  	_ =	shalt  }
0x6b: {  	_ =	shalt  }
0x6c: {  	_ =	shalt  }
0x6d: {  	_ =	shalt  }
0x6e: {  	_ =	shalt  }
0x6f: {  	_ =	shalt  }
0x70: {  	_ =	shalt  }
0x71: {  	_ =	shalt  }
0x72: {  	_ =	shalt  }
0x73: {  	_ =	shalt  }
0x74: {  	_ =	shalt  }
0x75: {  	_ =	shalt  }
0x76: {  	_ =	shalt  }
0x77: {  	_ =	shalt  }
0x78: {  	_ =	shalt  }
0x79: {  	_ =	shalt  }
0x7a: {  	_ =	shalt  }
0x7b: {  	_ =	shalt  }
0x7c: {  	_ =	shalt  }
0x7d: {  	_ =	shalt  }
0x7e: {  	_ =	shalt  }
0x7f: {  	_ =	shalt  }
0x80: {  	_ =	shalt  }
0x81: {  	_ =	shalt  }
0x82: {  	_ =	shalt  }
0x83: {  	_ =	shalt  }
0x84: {  	_ =	shalt  }
0x85: {  	_ =	shalt  }
0x86: {  	_ =	shalt  }
0x87: {  	_ =	shalt  }
.Lfunc_end0:
.L_simem_size_0:
called_computation.5_lowered:
.L_overlay_start_0:
0x88: {  	s2 =	sld [smem:$0x3FD9]  }
0x89: {  	s3 =	sld [smem:$0x3FFE];
	_ =	sdelay $0x1  }
0x8a: {  	s1 =	srdreg.scid  }
0x8b: {  	s0 =	sand.u32 $0x1, s1  }
0x8c: {  	s15 =	sshll.u32 s0, $0xA;
	s2 =	sadd.s32 s3, s2  }
0x8d: {  	s2 =	sadd.s32 s2, s15  }
0x8e: {  	[smem:$0x3FAA] =	sst s2  }
0x8f: {  	_ = 	snop  }
0x90: {  	s2 =	sld [smem:$0x3FD0];
	_ =	sdelay $0x2  }
0x91: {  	s16 =	simm.s32 $0xB;
	s4 =	simm.s32 $0x10  }
0x92: {  	[smem:s4], [sflag:s16] =	dma.local [hbm:s2], $0x1  }
0x93: {  	_ =	swait.eq [sflag:s16], $0x1  }
0x94: {  	[sflag:s16] =	ssyncset.done $0x0  }
0x95: {  	[sflag:s16] =	ssyncadd.s32 $0xFFFFFFFF  }
0x96: {  	s17 =	sld [smem:$0x10];
	(tm) =	ssettm $0x1  }
0x97: {  	s18 =	sld [smem:$0x3FFB];
	_ =	sdelay $0x3  }
0x98: {  	_ =	strace s18  }
0x99: {  	s2 =	sld [smem:$0x3FFC];
	_ =	sdelay $0x3  }
0x9a: {  	_ =	strace s2  }
0x9b: {  	s2 =	sld [smem:$0x3FFD];
	_ =	sdelay $0x3  }
0x9c: {  	_ =	strace s2  }
0x9d: {  	_ =	strace $0x8FFFFFFF  }
0x9e: {  	s19 =	sld [smem:$0x3FDB];
	_ =	sdelay $0x1  }
0x9f: {  	s20 =	simm.s32 $_scs_section_size  }
0xa0: {  	s5 =	simm.s32 $_size__tile_overlayer_lowered;
	s6 =	simm.s32 $_tile_overlayer_lowered  }
0xa1: {  	s7 =	simm.s32 $0x1BFF;
	s21 =	sshll.u32 s6, $0x1;
	s4 =	sadd.s32 s20, s19  }
0xa2: {  	s22 =	simm.s32 $0x0;
	s5 =	sshll.u32 s5, $0x1;
	s6 =	sadd.s32 s21, s4  }
0xa3: {  	[timem:s22], [sflag:s7] =	dma.local [hbm:s6], s5  }
0xa4: {  	_ =	swait.ge [sflag:s7], s5  }
0xa5: {  	s5 =	ssub.s32 $0x0, s5;
	[sflag:s7] =	ssyncset.done $0x0  }
0xa6: {  	[sflag:s7] =	ssyncadd.s32 s5;
	_ =	sdelay $0x1  }
0xa7: {  	s23 =	simm.s32 $0x1B8B  }
0xa8: {  	_ =	swait.ge [sflag:s23], $0x1  }
0xa9: {  	[sflag:s23] =	ssyncset.done $0x0  }
0xaa: {  	[sflag:s23] =	ssyncadd.s32 $0xFFFFFFFF  }
0xab: {  	s5 =	sld [smem:$0x0]  }
0xac: {  	s6 =	sand.u32 $0xFFFFFFFE, s1  }
0xad: {  	p0 =	sne.s32 s1, s6  }
0xae: {  	s6 =	sshll.u32 @p0 s6, $0xE  }
0xaf: {  	s6 =	sadd.s32 @p0 $0x11B8D, s6;
	s7 =	sshll.u32 @p0 s5, $0x11  }
0xb0: {  	s6 =	sor.u32 @p0 s7, s6  }
0xb1: {  	[sflag:s6] =	ssyncadd.remote.s32 @p0 $0x1;
	_ =	sdelay $0x1  }
0xb2: {  	s6 =	simm.s32 @p0 $0x1B8D  }
0xb3: {  	_ =	swait.eq @p0 [sflag:s6], $0x1  }
0xb4: {  	[sflag:s6] =	ssyncadd.s32 @p0 $0xFFFFFFFF  }
0xb5: {  	s7 =	sshll.u32 @!p0 s1, $0xE  }
0xb6: {  	s7 =	sor.u32 @!p0 $0x4000, s7;
	s6 =	simm.s32 @!p0 $0x1B8D  }
0xb7: {  	s5 =	sshll.u32 @!p0 s5, $0x11;
	s7 =	sadd.s32 @!p0 $0x11B8D, s7;
	_ =	swait.eq @!p0 [sflag:s6], $0x1  }
0xb8: {  	s5 =	sor.u32 @!p0 s5, s7;
	[sflag:s6] =	ssyncadd.s32 @!p0 $0xFFFFFFFF  }
0xb9: {  	s25 =	simm.s32 $0x1B8E;
	s24 =	sld [smem:$0x3FFE];
	[sflag:s5] =	ssyncadd.remote.s32 @!p0 $0x1  }
0xba: {  	s26 =	simm.s32 $execute0_lowered;
	[smem:$0x3FD2] =	sst s25  }
0xbb: {  	s6 =	sshll.u32 s26, $0x1;
	_ =	strace $0x80000058;
	[dreg:$0x1] =	wrdreg $0xFFFFFFFF  }
0xbc: {  	s28 =	simm.s32 $_size_execute0_lowered;
	s4 =	sadd.s32 s4, s6;
	[dreg:$0x0] =	wrdreg $0x0  }
0xbd: {  	s6 =	sshll.u32 s28, $0x1;
	[dreg:$0x2] =	wrdreg s4  }
0xbe: {  	[dreg:$0x3] =	wrdreg s6  }
0xbf: {  	[dreg:$0x4] =	wrdreg $0xC0  }
0xc0: {  	_ =	task [dreg:s22], $0x5FFFF  }
0xc1: {  	[dreg:$0x1] =	wrdreg $0xFFFFFFFF  }
0xc2: {  	[dreg:$0x0] =	wrdreg $0x60  }
0xc3: {  	[dreg:$0x2] =	wrdreg s24  }
0xc4: {  	[dreg:$0x3] =	wrdreg s17  }
0xc5: {  	[dreg:$0x4] =	wrdreg $0xA1000  }
0xc6: {  	[dreg:$0x5] =	wrdreg $0x9  }
0xc7: {  	_ =	task.clear_ibuf [dreg:s22], $0x6FFFF;
	_ =	strace $0x90000058  }
0xc8: {  	s29 =	simm.s32 $0x9;
	_ =	strace $0x8000005A  }
0xc9: {  	_ =	swait.ge [sflag:s29], $0x1  }
0xca: {  	[sflag:s29] =	ssyncadd.s32 $0xFFFFFFFF  }
0xcb: {  	_ =	strace $0x9000005A  }
0xcc: {  	_ =	sfence  }
0xcd: {  	s30 =	sld [smem:$0x0];
	_ =	sdelay $0x2  }
0xce: {  	s31 =	sshll.u32 s1, $0xD;
	s1 =	sshrl.u32 s1, $0x2  }
0xcf: {  	s4 =	sand.u32 $0x4000, s31;
	s1 =	sadd.s32 s1, s30  }
0xd0: {  	s0 =	sor.u32 s4, s0;
	s1 =	sshll.u32 s1, $0x11  }
0xd1: {  	s0 =	sor.u32 s1, s0  }
0xd2: {  	s0 =	sadd.s32 $0x8F2B, s0  }
0xd3: {  	[sflag:s0] =	ssyncadd.remote.s32 $0x1  }
0xd4: {  	_ =	sfence.sel $0xFFFF  }
0xd5: {  	[dreg:$0x0] =	wrdreg $0xFFFFFFFF;
	(pc) =	sbr.abs _section_cstart, $3  }
0xd6: {  	[dreg:$0x1] =	wrdreg $0xFFFFFFFF  }
0xd7: {  	_ =	task.clear_ibuf [dreg:s22], $0x2FFFF;
	_ =	strace $0x9FFFFFFF  }
0xd8: {  	(tm) =	ssettm $0x7FFFFFFF  }
0xd9: {  	_ =	shalt  }
tec
execute0_lowered:
.L_overlay_start_1:
0x0: {  	(tag) =	ssettag $0x1  }
0x1: {  	s4 =	rddreg [dreg:$0x0]  }
0x2: {  	s2 =	rddreg [dreg:$0x1]  }
0x3: {  	s0 =	rddreg [dreg:$0x2];
	s5 =	stileid.u32  }
0x4: {  	s6 =	srdreg.scid;
	s1 =	simm.s32 $0x0;
	s3 =	smul.u32 $0x27100, s5  }
0x5: {  	s30 =	simm.s32 $0x1;
	s31 =	simm.s32 $0x100;
	s7 =	smul.u32 $0x4E2, s5  }
0x6: {  	s6 =	sand.u32 $0x1, s6;
	s9 =	smul.u32 $0x270, s5;
	[smem:$0x7FF] =	sst s1  }
0x7: {  	p1 =	sne.s32 s5, $0x0;
	s29 =	sadd.s32 $0x138000, s0;
	s8 =	ssub.s32 $0x2, s6  }
0x8: {  	p0 =	seq.s32 s6, $0x1;
	s3 =	sadd.s32 s3, s4;
	s7 =	sadd.s32 s7, s4  }
0x9: {  	s4 =	sadd.s32 $0xA45800, s4;
	s10 =	sshrl.u32 s8, $0x1;
	s11 =	sadd.s32 $0x68, s9  }
0xa: {  	s15 =	sadd.s32 $0xD0, s9;
	s16 =	sadd.s32 $0x138, s9;
	s19 =	sadd.s32 $0x1A0, s9  }
0xb: {  	s20 =	sadd.s32 $0x208, s9;
	s25 =	ssub.s32 s8, s10;
	s10 =	smul.u32 $0x13800, s5  }
0xc: {  	s12 =	sshll.u32 s11, $0x7;
	s14 =	sshll.u32 s15, $0x7;
	s8 =	smul.u32 $0x138800, s6  }
0xd: {  	s17 =	sshll.u32 s16, $0x7;
	s18 =	sshll.u32 s19, $0x7;
	s21 =	sshll.u32 s20, $0x7  }
0xe: {  	s28 =	sadd.s32 $0xD0EA00, s3;
	s25 =	smax.u32 s25, $0x1;
	s26 =	sadd.s32 s10, s8  }
0xf: {  	s13 =	sadd.s32 s8, s12;
	s23 =	sadd.s32 s8, s14;
	s24 =	sadd.s32 s8, s17  }
0x10: {  	s10 =	sshrl.u32 s10, $0x3;
	s12 =	sadd.s32 s12, s0;
	s14 =	sadd.s32 s14, s0  }
0x11: {  	s9 =	sshrl.u32 s26, $0x3;
	s13 =	sshrl.u32 s13, $0x3;
	s26 =	sadd.s32 s8, s18  }
0x12: {  	s10 =	sadd.s32 s2, s10;
	s18 =	sadd.s32 s18, s0;
	s6 =	sadd.s32 s4, s9  }
0x13: {  	s22 =	sadd.s32 s4, s13;
	s9 =	sshrl.u32 s24, $0x3;
	[dreg:$0x4] =	wrdreg s6  }
0x14: {  	s24 =	sadd.s32 s8, s21;
	s13 =	sshll.u32 s11, $0x4;
	[dreg:$0x5] =	wrdreg s22  }
0x15: {  	s6 =	sshrl.u32 s23, $0x3;
	s22 =	sshrl.u32 s26, $0x3;
	s26 =	sshrl.u32 s8, $0x3  }
0x16: {  	s8 =	smul.u32 $0x4E000, s5;
	s5 =	sshll.u32 s5, $0x6;
	s13 =	sadd.s32 s2, s13  }
0x17: {  	s6 =	sadd.s32 s4, s6;
	s23 =	sadd.s32 s4, s22;
	s11 =	sor.u32 $0x1C01, s5  }
0x18: {  	s22 =	sshll.u32 s15, $0x4;
	[dreg:$0x6] =	wrdreg s6;
	s6 =	sadd.s32 s4, s9  }
0x19: {  	[dreg:$0x8] =	wrdreg s23;
	s9 =	sshrl.u32 s8, $0x2;
	s23 =	sshll.u32 s16, $0x4  }
0x1a: {  	s15 =	sadd.s32 s2, s22;
	s16 =	sadd.s32 s17, s0;
	s22 =	sadd.s32 $0x27000, s2  }
0x1b: {  	[dreg:$0x7] =	wrdreg s6;
	s6 =	sshrl.u32 s24, $0x3;
	s9 =	sadd.s32 s9, s0  }
0x1c: {  	s17 =	sadd.s32 s2, s23;
	s24 =	sshll.u32 s19, $0x4;
	s6 =	sadd.s32 s4, s6  }
.Ltmp0:
0x1d: {  	s4 =	sadd.s32 s4, s26;
	s26 =	sshll.u32 s20, $0x4;
	(pc) =	sbr.rel .LBB2_1-.Ltmp0, $4  }
0x1e: {  	s19 =	sadd.s32 s2, s24;
	s20 =	sadd.s32 s21, s0;
	s24 =	sadd.s32 $0xA98A00, s7  }
0x1f: {  	s7 =	simm.s32 $0xC8;
	[dreg:$0x9] =	wrdreg s6;
	s21 =	sadd.s32 s2, s26  }
0x20: {  	s23 =	sadd.s32 $0x27000, s4;
	s26 =	sadd.s32 $0x2A4600, s3;
	s2 =	simm.s32 $0x6500  }
0x21: {  	s3 =	simm.s32 $0x0;
	_ =	strace $0x80000059;
	[dreg:$0xa] =	wrdreg s10  }
.LBB2_7:
0x22: {  	s5 =	sadd.s32 s5, s24;
	[sflag:s30] =	ssyncadd.s32 $0xFFFF9C00  }
0x23: {  	[tilespmem:s1], [sflag:$0x1] =	stream.linear.gather [hbm4b:s5+s1], $0xC8, $0x38;
	[tilespmem:$0x1D980] =	vst v63  }
0x24: {  	_ =	swait.ge [sflag:s30], $0xC8  }
0x25: {  	[sflag:s30] =	ssyncset.done $0x0  }
0x26: {  	[sflag:s30] =	ssyncadd.s32 $0xFFFFFF38  }
0x27: {  	[tilespmem:s31], [sflag:$0x1] =	stream.linear.gather [hbm4b:s4+s1], $0x6400, $0x38;
	[tilespmem:$0x1D980] =	vst v63  }
0x28: {  	_ =	swait.ge [sflag:s30], $0x6400  }
0x29: {  	[sflag:s30] =	ssyncset.done $0x0  }
0x2a: {  	[sflag:s30] =	ssyncadd.s32 $0xFFFF9C00  }
0x2b: {  	[spmem:s0] =	stream.indirect.scatter.add.f32 [tilespmem:s31], [sflag:$0x1], $0x80, s1, s7, $0xb8;
	[tilespmem:$0x1D980] =	vst v63  }
0x2c: {  	_ =	swait.ge [sflag:s30], $0x6400  }
0x2d: {  	[sflag:s30] =	ssyncset.done $0x0  }
0x2e: {  	[sflag:s30] =	ssyncadd.s32 $0xFFFF9C00  }
.LBB2_8:
0x2f: {  	[bflag:$0x0] =	sbarrier.arrive $0xFFFF  }
0x30: {  	[tilespmem:s2], [sflag:$0x1] =	stream.linear.gather [spmem:s9], $0x3400, $0x38;
	[tilespmem:$0x1D980] =	vst v63  }
0x31: {  	_ =	swait.ge [sflag:s30], $0x3400  }
0x32: {  	[sflag:s30] =	ssyncset.done $0x0  }
0x33: {  	s4 =	rddreg [dreg:$0x4];
	[sflag:s30] =	ssyncadd.s32 $0xFFFFCC00  }
0x34: {  	[hbm4b:s4+s1] =	stream.linear.scatter [tilespmem:s2], [sflag:$0x1], $0x3400, $0x38;
	[tilespmem:$0x1D980] =	vst v63  }
0x35: {  	_ =	swait.ge [sflag:s30], $0x3400  }
0x36: {  	[sflag:s30] =	ssyncset.done $0x0  }
0x37: {  	[sflag:s30] =	ssyncadd.s32 $0xFFFFCC00  }
0x38: {  	[tilespmem:s2], [sflag:$0x1] =	stream.linear.gather [spmem:s12], $0x3400, $0x38;
	[tilespmem:$0x1D980] =	vst v63  }
0x39: {  	_ =	swait.ge [sflag:s30], $0x3400  }
0x3a: {  	[sflag:s30] =	ssyncset.done $0x0  }
0x3b: {  	s10 =	rddreg [dreg:$0x5];
	[sflag:s30] =	ssyncadd.s32 $0xFFFFCC00  }
0x3c: {  	[hbm4b:s10+s1] =	stream.linear.scatter [tilespmem:s2], [sflag:$0x1], $0x3400, $0x38;
	[tilespmem:$0x1D980] =	vst v63  }
0x3d: {  	_ =	swait.ge [sflag:s30], $0x3400  }
0x3e: {  	[sflag:s30] =	ssyncset.done $0x0  }
0x3f: {  	[sflag:s30] =	ssyncadd.s32 $0xFFFFCC00  }
0x40: {  	[tilespmem:s2], [sflag:$0x1] =	stream.linear.gather [spmem:s14], $0x3400, $0x38;
	[tilespmem:$0x1D980] =	vst v63  }
0x41: {  	_ =	swait.ge [sflag:s30], $0x3400  }
0x42: {  	[sflag:s30] =	ssyncset.done $0x0  }
0x43: {  	s5 =	rddreg [dreg:$0x6];
	[sflag:s30] =	ssyncadd.s32 $0xFFFFCC00  }
0x44: {  	[hbm4b:s5+s1] =	stream.linear.scatter [tilespmem:s2], [sflag:$0x1], $0x3400, $0x38;
	[tilespmem:$0x1D980] =	vst v63  }
0x45: {  	_ =	swait.ge [sflag:s30], $0x3400  }
0x46: {  	[sflag:s30] =	ssyncset.done $0x0  }
0x47: {  	[sflag:s30] =	ssyncadd.s32 $0xFFFFCC00  }
0x48: {  	[tilespmem:s2], [sflag:$0x1] =	stream.linear.gather [spmem:s16], $0x3400, $0x38;
	[tilespmem:$0x1D980] =	vst v63  }
0x49: {  	_ =	swait.ge [sflag:s30], $0x3400  }
0x4a: {  	[sflag:s30] =	ssyncset.done $0x0  }
0x4b: {  	s6 =	rddreg [dreg:$0x7];
	[sflag:s30] =	ssyncadd.s32 $0xFFFFCC00  }
0x4c: {  	[hbm4b:s6+s1] =	stream.linear.scatter [tilespmem:s2], [sflag:$0x1], $0x3400, $0x38;
	[tilespmem:$0x1D980] =	vst v63  }
0x4d: {  	_ =	swait.ge [sflag:s30], $0x3400  }
0x4e: {  	[sflag:s30] =	ssyncset.done $0x0  }
0x4f: {  	[sflag:s30] =	ssyncadd.s32 $0xFFFFCC00  }
0x50: {  	[tilespmem:s2], [sflag:$0x1] =	stream.linear.gather [spmem:s18], $0x3400, $0x38;
	[tilespmem:$0x1D980] =	vst v63  }
0x51: {  	_ =	swait.ge [sflag:s30], $0x3400  }
0x52: {  	[sflag:s30] =	ssyncset.done $0x0  }
0x53: {  	s8 =	rddreg [dreg:$0x8];
	[sflag:s30] =	ssyncadd.s32 $0xFFFFCC00  }
0x54: {  	[hbm4b:s8+s1] =	stream.linear.scatter [tilespmem:s2], [sflag:$0x1], $0x3400, $0x38;
	[tilespmem:$0x1D980] =	vst v63  }
0x55: {  	_ =	swait.ge [sflag:s30], $0x3400  }
0x56: {  	[sflag:s30] =	ssyncset.done $0x0  }
0x57: {  	[sflag:s30] =	ssyncadd.s32 $0xFFFFCC00  }
0x58: {  	[tilespmem:s2], [sflag:$0x1] =	stream.linear.gather [spmem:s20], $0x3400, $0x38;
	[tilespmem:$0x1D980] =	vst v63  }
0x59: {  	_ =	swait.ge [sflag:s30], $0x3400  }
0x5a: {  	[sflag:s30] =	ssyncset.done $0x0  }
0x5b: {  	s10 =	rddreg [dreg:$0x9];
	[sflag:s30] =	ssyncadd.s32 $0xFFFFCC00  }
0x5c: {  	[hbm4b:s10+s1] =	stream.linear.scatter [tilespmem:s2], [sflag:$0x1], $0x3400, $0x38;
	[tilespmem:$0x1D980] =	vst v63  }
0x5d: {  	_ =	swait.ge [sflag:s30], $0x3400  }
0x5e: {  	[sflag:s30] =	ssyncset.done $0x0  }
0x5f: {  	s4 =	simm.s32 @!p1 $0x9900;
	s5 =	simm.s32 @!p1 $0x1;
	[sflag:s30] =	ssyncadd.s32 $0xFFFFCC00  }
0x60: {  	[tilespmem:s4], [sflag:$0x1] =	stream.linear.gather @!p1 [spmem:s29], $0x800, $0x38;
	[tilespmem:$0x1D980] =	vst v63  }
0x61: {  	s3 =	sadd.s32 $0x1, s3;
	_ =	swait.ge @!p1 [sflag:s5], $0x800  }
0x62: {  	p2 =	sne.s32 s3, s25;
	[sflag:s5] =	ssyncset.done @!p1 $0x0  }
.Ltmp1:
0x63: {  	s6 =	simm.s32 @!p1 $0x0;
	[sflag:s5] =	ssyncadd.s32 @!p1 $0xFFFFF800;
	(pc) =	sbr.rel @!p2 .LBB2_9-.Ltmp1, $4  }
0x64: {  	[hbm4b:s23+s6] =	stream.linear.scatter @!p1 [tilespmem:s4], [sflag:$0x1], $0x800, $0x38;
	[tilespmem:$0x1D980] =	vst v63  }
0x65: {  	_ =	swait.ge @!p1 [sflag:s5], $0x800  }
0x66: {  	[sflag:s5] =	ssyncset.done @!p1 $0x0  }
0x67: {  	[sflag:s5] =	ssyncadd.s32 @!p1 $0xFFFFF800  }
.LBB2_1:
0x68: {  	s4 =	sshrl.u32 s9, $0x3;
	s5 =	rddreg [dreg:$0xa]  }
0x69: {  	[spmem:s4], [sflag:s11] =	dma.local [hbm:s5], $0x680  }
0x6a: {  	_ =	swait.ge [sflag:s30], $0x680  }
0x6b: {  	[sflag:s30] =	ssyncset.done $0x0  }
0x6c: {  	s10 =	sshrl.u32 s12, $0x3;
	[sflag:s30] =	ssyncadd.s32 $0xFFFFF980  }
0x6d: {  	[spmem:s10], [sflag:s11] =	dma.local [hbm:s13], $0x680  }
0x6e: {  	_ =	swait.ge [sflag:s30], $0x680  }
0x6f: {  	[sflag:s30] =	ssyncset.done $0x0  }
0x70: {  	s5 =	sshrl.u32 s14, $0x3;
	[sflag:s30] =	ssyncadd.s32 $0xFFFFF980  }
0x71: {  	[spmem:s5], [sflag:s11] =	dma.local [hbm:s15], $0x680  }
0x72: {  	_ =	swait.ge [sflag:s30], $0x680  }
0x73: {  	[sflag:s30] =	ssyncset.done $0x0  }
0x74: {  	s6 =	sshrl.u32 s16, $0x3;
	[sflag:s30] =	ssyncadd.s32 $0xFFFFF980  }
0x75: {  	[spmem:s6], [sflag:s11] =	dma.local [hbm:s17], $0x680  }
0x76: {  	_ =	swait.ge [sflag:s30], $0x680  }
0x77: {  	[sflag:s30] =	ssyncset.done $0x0  }
0x78: {  	s8 =	sshrl.u32 s18, $0x3;
	[sflag:s30] =	ssyncadd.s32 $0xFFFFF980  }
0x79: {  	[spmem:s8], [sflag:s11] =	dma.local [hbm:s19], $0x680  }
0x7a: {  	_ =	swait.ge [sflag:s30], $0x680  }
0x7b: {  	[sflag:s30] =	ssyncset.done $0x0  }
0x7c: {  	s10 =	sshrl.u32 s20, $0x3;
	[sflag:s30] =	ssyncadd.s32 $0xFFFFF980  }
0x7d: {  	[spmem:s10], [sflag:s11] =	dma.local [hbm:s21], $0x680  }
0x7e: {  	_ =	swait.ge [sflag:s30], $0x680  }
0x7f: {  	[sflag:s30] =	ssyncset.done $0x0  }
0x80: {  	s4 =	sshrl.u32 @!p1 s29, $0x3;
	[sflag:s30] =	ssyncadd.s32 $0xFFFFF980  }
0x81: {  	[spmem:s4], [sflag:s11] =	dma.local @!p1 [hbm:s22], $0x100  }
0x82: {  	s4 =	simm.s32 @!p1 $0x1  }
.Ltmp2:
0x83: {  	_ =	swait.ge @!p1 [sflag:s4], $0x100;
	(pc) =	sbr.rel @!p0 .LBB2_2-.Ltmp2, $4  }
0x84: {  	[sflag:s4] =	ssyncset.done @!p1 $0x0  }
0x85: {  	[sflag:s4] =	ssyncadd.s32 @!p1 $0xFFFFFF00  }
0x86: {  	[bflag:$0x0] =	sbarrier.arrive $0xFFFF  }
0x87: {  	s4 =	sadd.s32 $0x0, s24  }
0x88: {  	[tilespmem:s1], [sflag:$0x1] =	stream.linear.gather [hbm4b:s4+s1], $0xC8, $0x38;
	[tilespmem:$0x1D980] =	vst v63  }
0x89: {  	_ =	swait.ge [sflag:s30], $0xC8  }
0x8a: {  	[sflag:s30] =	ssyncset.done $0x0  }
0x8b: {  	[sflag:s30] =	ssyncadd.s32 $0xFFFFFF38  }
0x8c: {  	[tilespmem:s31], [sflag:$0x1] =	stream.linear.gather [hbm4b:s28+s1], $0x6400, $0x38;
	[tilespmem:$0x1D980] =	vst v63  }
0x8d: {  	_ =	swait.ge [sflag:s30], $0x6400  }
0x8e: {  	[sflag:s30] =	ssyncset.done $0x0  }
0x8f: {  	[sflag:s30] =	ssyncadd.s32 $0xFFFF9C00  }
0x90: {  	[spmem:s0] =	stream.indirect.scatter.add.f32 [tilespmem:s31], [sflag:$0x1], $0x80, s1, s7, $0xb8;
	[tilespmem:$0x1D980] =	vst v63  }
0x91: {  	s5 =	simm.s32 $0x19;
	_ =	swait.ge [sflag:s30], $0x6400  }
0x92: {  	s6 =	simm.s32 $0x32;
	s4 =	sadd.s32 $0xC80, s28;
	[sflag:s30] =	ssyncset.done $0x0  }
.LBB2_6:
0x93: {  	s8 =	sadd.s32 s5, s24  }
0x94: {  	[sflag:s30] =	ssyncadd.s32 $0xFFFF9C00;
	s5 =	smov.u32 s6;
	s10 =	sadd.s32 $0x19, s6  }
0x95: {  	[tilespmem:s1], [sflag:$0x1] =	stream.linear.gather [hbm4b:s8+s1], $0xC8, $0x38;
	[tilespmem:$0x1D980] =	vst v63  }
0x96: {  	p2 =	sne.s32 s6, $0x4C9;
	_ =	swait.ge [sflag:s30], $0xC8  }
0x97: {  	[sflag:s30] =	ssyncset.done $0x0  }
0x98: {  	[sflag:s30] =	ssyncadd.s32 $0xFFFFFF38  }
0x99: {  	[tilespmem:s31], [sflag:$0x1] =	stream.linear.gather [hbm4b:s4+s1], $0x6400, $0x38;
	[tilespmem:$0x1D980] =	vst v63  }
0x9a: {  	_ =	swait.ge [sflag:s30], $0x6400  }
.Ltmp3:
0x9b: {  	[sflag:s30] =	ssyncset.done $0x0;
	(pc) =	sbr.rel @p2 .LBB2_6-.Ltmp3, $4  }
0x9c: {  	[sflag:s30] =	ssyncadd.s32 $0xFFFF9C00  }
0x9d: {  	[spmem:s0] =	stream.indirect.scatter.add.f32 [tilespmem:s31], [sflag:$0x1], $0x80, s1, s7, $0xb8;
	[tilespmem:$0x1D980] =	vst v63  }
0x9e: {  	_ =	swait.ge [sflag:s30], $0x6400  }
0x9f: {  	s6 =	smov.u32 s10;
	s4 =	sadd.s32 $0xC80, s4;
	[sflag:s30] =	ssyncset.done $0x0  }
.Ltmp4:
0xa0: {  	_ = 	snop;
	(pc) =	sbr.rel .LBB2_7-.Ltmp4, $1  }
0xa1: {  	_ =	sdelay $0x3  }
.LBB2_2:
0xa2: {  	[tilespmem:s1], [sflag:$0x1] =	stream.linear.gather [hbm4b:s4+s1], $0xC8, $0x38;
	[tilespmem:$0x1D980] =	vst v63  }
0xa3: {  	_ =	swait.ge [sflag:s30], $0xC8  }
0xa4: {  	[sflag:s30] =	ssyncset.done $0x0  }
0xa5: {  	[sflag:s30] =	ssyncadd.s32 $0xFFFFFF38  }
0xa6: {  	[tilespmem:s31], [sflag:$0x1] =	stream.linear.gather [hbm4b:s26+s1], $0x6400, $0x38;
	[tilespmem:$0x1D980] =	vst v63  }
0xa7: {  	_ =	swait.ge [sflag:s30], $0x6400  }
0xa8: {  	[sflag:s30] =	ssyncset.done $0x0  }
0xa9: {  	[sflag:s30] =	ssyncadd.s32 $0xFFFF9C00  }
0xaa: {  	[spmem:s0] =	stream.indirect.scatter.add.f32 [tilespmem:s31], [sflag:$0x1], $0x80, s1, s7, $0xb8;
	[tilespmem:$0x1D980] =	vst v63  }
0xab: {  	s5 =	simm.s32 $0x19;
	_ =	swait.ge [sflag:s30], $0x6400  }
0xac: {  	s6 =	simm.s32 $0x32;
	s4 =	sadd.s32 $0xC80, s26;
	[sflag:s30] =	ssyncset.done $0x0  }
.LBB2_3:
0xad: {  	s8 =	sadd.s32 s5, s24  }
0xae: {  	[sflag:s30] =	ssyncadd.s32 $0xFFFF9C00;
	s5 =	smov.u32 s6;
	s10 =	sadd.s32 $0x19, s6  }
0xaf: {  	[tilespmem:s1], [sflag:$0x1] =	stream.linear.gather [hbm4b:s8+s1], $0xC8, $0x38;
	[tilespmem:$0x1D980] =	vst v63  }
0xb0: {  	p2 =	seq.s32 s6, $0x4C9;
	_ =	swait.ge [sflag:s30], $0xC8  }
0xb1: {  	[sflag:s30] =	ssyncset.done $0x0  }
0xb2: {  	[sflag:s30] =	ssyncadd.s32 $0xFFFFFF38  }
0xb3: {  	[tilespmem:s31], [sflag:$0x1] =	stream.linear.gather [hbm4b:s4+s1], $0x6400, $0x38;
	[tilespmem:$0x1D980] =	vst v63  }
0xb4: {  	_ =	swait.ge [sflag:s30], $0x6400  }
.Ltmp5:
0xb5: {  	[sflag:s30] =	ssyncset.done $0x0;
	(pc) =	sbr.rel @!p2 .LBB2_3-.Ltmp5, $4  }
0xb6: {  	[sflag:s30] =	ssyncadd.s32 $0xFFFF9C00  }
0xb7: {  	[spmem:s0] =	stream.indirect.scatter.add.f32 [tilespmem:s31], [sflag:$0x1], $0x80, s1, s7, $0xb8;
	[tilespmem:$0x1D980] =	vst v63  }
0xb8: {  	_ =	swait.ge [sflag:s30], $0x6400  }
0xb9: {  	s6 =	smov.u32 s10;
	s4 =	sadd.s32 $0xC80, s4;
	[sflag:s30] =	ssyncset.done $0x0  }
0xba: {  	s5 =	sadd.s32 s5, s24;
	[sflag:s30] =	ssyncadd.s32 $0xFFFF9C00  }
0xbb: {  	[tilespmem:s1], [sflag:$0x1] =	stream.linear.gather [hbm4b:s5+s1], $0xC8, $0x38;
	[tilespmem:$0x1D980] =	vst v63  }
0xbc: {  	_ =	swait.ge [sflag:s30], $0xC8  }
0xbd: {  	[sflag:s30] =	ssyncset.done $0x0  }
0xbe: {  	[sflag:s30] =	ssyncadd.s32 $0xFFFFFF38  }
0xbf: {  	[tilespmem:s31], [sflag:$0x1] =	stream.linear.gather [hbm4b:s4+s1], $0x6400, $0x38;
	[tilespmem:$0x1D980] =	vst v63  }
0xc0: {  	_ =	swait.ge [sflag:s30], $0x6400  }
0xc1: {  	[sflag:s30] =	ssyncset.done $0x0  }
.Ltmp6:
0xc2: {  	[sflag:s30] =	ssyncadd.s32 $0xFFFF9C00;
	(pc) =	sbr.rel .LBB2_8-.Ltmp6, $4  }
0xc3: {  	[spmem:s0] =	stream.indirect.scatter.add.f32 [tilespmem:s31], [sflag:$0x1], $0x80, s1, s7, $0xb8;
	[tilespmem:$0x1D980] =	vst v63  }
0xc4: {  	_ =	swait.ge [sflag:s30], $0x6400  }
0xc5: {  	[sflag:s30] =	ssyncset.done $0x0  }
0xc6: {  	[sflag:s30] =	ssyncadd.s32 $0xFFFF9C00  }
.LBB2_9:
0xc7: {  	_ =	sfence.sel $0x180000  }
0xc8: {  	[bflag:$0x0] =	sbarrier.arrive $0xFFFF  }
0xc9: {  	_ =	strace $0x90000059  }
0xca: {  	[bflag:$0x2] =	sbarrier.arrive $0xFFFF  }
0xcb: {  	s0 =	rddreg [dreg:$0x3]  }
0xcc: {  	s0 =	sadd.s32 @!p1 $0x100000, s0  }
0xcd: {  	[sflag:s0] =	ssyncadd.tile.s32 @!p1 $0x1;
	_ =	shalt  }
.Lfunc_end2:
_tile_overlayer_lowered:
.L_overlay_start_2:
0xce: {  	(tag) =	ssettag $0x2  }
0xcf: {  	s0 =	rddreg [dreg:$0x0];
	s2 =	stileid.u32  }
0xd0: {  	s1 =	rddreg [dreg:$0x1];
	p0 =	sne.s32 s2, $0x0  }
0xd1: {  	s3 =	rddreg [dreg:$0x2];
	[bflag:$0x3] =	sbarrier.arrive $0xFFFF;
	s2 =	simm.s32 @!p0 $0x1C01  }
0xd2: {  	[timem:s3], [sflag:s2] =	dma.local @!p0 [hbm:s0], s1  }
0xd3: {  	s0 =	simm.s32 @!p0 $0x1  }
0xd4: {  	_ =	swait.ge @!p0 [sflag:s0], s1  }
0xd5: {  	s1 =	ssub.s32 @!p0 $0x0, s1;
	[sflag:s0] =	ssyncset.done @!p0 $0x0  }
0xd6: {  	[sflag:s0] =	ssyncadd.s32 @!p0 s1  }
0xd7: {  	[bflag:$0x3] =	sbarrier.arrive $0xFFFF  }
0xd8: {  	_ =	shalt  }

// kernel: kernel.34.cloned.1.call-start
scs
__scs_entry_jumppad:
0x0: {  	(pc) =	sbr.rel $0x88, $3  }
0x1: {  	(tag) =	ssettag $0x0;
	lr =	simm.s32 $0x1  }
0x2: {  	[smem:$0x3F83] =	sst lr;
	_ =	strace $0xD0000000  }
0x3: {  	_ = 	snop  }
0x4: {  	_ = 	snop  }
0x5: {  	_ = 	snop  }
0x6: {  	_ = 	snop  }
0x7: {  	_ = 	snop  }
__scs_overlays_trampoline_lowered:
0x8: {  	[smem:$0x3F92] =	sst s0  }
0x9: {  	[smem:$0x3F93] =	sst s1  }
0xa: {  	[smem:$0x3F94] =	sst s2  }
0xb: {  	[smem:$0x3F95] =	sst s3  }
0xc: {  	[smem:$0x3F96] =	sst s4  }
0xd: {  	[smem:$0x3F97] =	sst s5  }
0xe: {  	[smem:$0x3F98] =	sst s6  }
0xf: {  	[smem:$0x3F99] =	sst s7  }
0x10: {  	[smem:$0x3F9A] =	sst s8  }
0x11: {  	[smem:$0x3F9B] =	sst s9;
	s0 =	simm.s32 @!p0 $0x0  }
0x12: {  	s1 =	sld [smem:$0x3F81];
	s0 =	simm.s32 @p0 $0x1  }
0x13: {  	[smem:$0x3F9C] =	sst s0;
	s0 =	simm.s32 @!p1 $0x0  }
0x14: {  	s2 =	sld [smem:$0x3F80];
	s0 =	simm.s32 @p1 $0x1  }
0x15: {  	[smem:$0x3F9D] =	sst s0;
	s0 =	simm.s32 @!p2 $0x0  }
0x16: {  	s3 =	sld [smem:$0x3FDB];
	s0 =	simm.s32 @p2 $0x1  }
0x17: {  	s4 =	simm.s32 $0x1BF5;
	[smem:$0x3F9F] =	sst s0  }
0x18: {  	s0 =	sld [smem:$0x3F82];
	_ =	swait.ge [sflag:s4], $0x0  }
0x19: {  	s7 =	sld [smem:$0x3F83]  }
0x1a: {  	s8 =	sadd.s32 $0xFFFFE003, lr  }
0x1b: {  	s9 =	sadd.s32 $0xFFFFFEF7, lr;
	s5 =	simm.s32 $0xFFFFFFFF;
	p2 =	slt.u32 s8, $0xFFFFF086  }
0x1c: {  	p1 =	slt.u32 s9, $0xF7A;
	s5 =	simm.s32 @!p2 $0x0  }
0x1d: {  	s5 =	simm.s32 @p1 $0x1;
	p0 =	seq.s32 s7, s2  }
0x1e: {  	s7 =	smul.u32 @!p0 $0xF7A, s2;
	p2 =	seq.s32 @!p0 s5, $0x0  }
0x1f: {  	s9 =	smul.u32 $0xF7A, s1;
	s8 =	simm.s32 @!p0 $0x1BF5;
	p2 =	por !p2, p0  }
0x20: {  	[sflag:s8] =	ssyncset.s32 @!p0 $0xFFFFF086;
	s6 =	sadd.s32 @!p0 s3, s7;
	s7 =	simm.s32 @!p0 $0x108  }
0x21: {  	s3 =	sadd.s32 s3, s9;
	s6 =	sadd.s32 @!p0 $0x88, s6;
	s7 =	simm.s32 @p2 $0x1082  }
0x22: {  	[simem:s7], [sflag:s8] =	dma.local @!p0 [hbm:s6], $0xF7A  }
0x23: {  	s9 =	sor.u32 $0xD0000000, s2;
	s6 =	simm.s32 $0x108;
	_ =	swait.ge @!p0 [sflag:s8], $0x0  }
0x24: {  	s3 =	sadd.s32 $0x88, s3;
	s6 =	simm.s32 @!p1 $0x1082;
	[sflag:s4] =	ssyncset.s32 $0xFFFFF086  }
0x25: {  	[simem:s6], [sflag:s4] =	dma.local [hbm:s3], $0xF7A  }
0x26: {  	[smem:$0x3F83] =	sst s1;
	(tag) =	ssettag s2;
	_ =	strace s9  }
0x27: {  	s1 =	sld [smem:$0x3F93]  }
0x28: {  	s2 =	sld [smem:$0x3F94]  }
0x29: {  	s4 =	sld [smem:$0x3F96]  }
0x2a: {  	p0 =	seq.s32 s5, $0x0;
	s5 =	sld [smem:$0x3F97]  }
0x2b: {  	s6 =	sld [smem:$0x3F98]  }
0x2c: {  	s7 =	sld [smem:$0x3F99]  }
0x2d: {  	s3 =	simm.s32 $0x108;
	s8 =	sld [smem:$0x3F9A]  }
0x2e: {  	s3 =	simm.s32 @!p0 $0x1082;
	s9 =	sld [smem:$0x3F9B]  }
0x2f: {  	lr =	sadd.s32 s0, s3;
	s0 =	sld [smem:$0x3F92]  }
0x30: {  	s3 =	sld [smem:$0x3F95]  }
0x31: {  	[smem:$0x3F9E] =	sst s10  }
0x32: {  	s10 =	sld [smem:$0x3F9C];
	_ =	sdelay $0x3  }
0x33: {  	p0 =	seq.s32 s10, $0x1;
	s10 =	sld [smem:$0x3F9E];
	_ =	sdelay $0x3  }
0x34: {  	[smem:$0x3F9E] =	sst s10  }
0x35: {  	s10 =	sld [smem:$0x3F9D];
	_ =	sdelay $0x3  }
0x36: {  	p1 =	seq.s32 s10, $0x1;
	s10 =	sld [smem:$0x3F9E];
	_ =	sdelay $0x3  }
0x37: {  	[smem:$0x3F9E] =	sst s10  }
0x38: {  	s10 =	sld [smem:$0x3F9F]  }
0x39: {  	_ = 	snop;
	(pc) =	sbr.ind lr, $3  }
0x3a: {  	_ = 	snop  }
0x3b: {  	_ = 	snop  }
0x3c: {  	p2 =	seq.s32 s10, $0x1;
	s10 =	sld [smem:$0x3F9E]  }
0x3d: {  	_ =	shalt  }
0x3e: {  	_ =	shalt  }
0x3f: {  	_ =	shalt  }
0x40: {  	_ =	shalt  }
0x41: {  	_ =	shalt  }
0x42: {  	_ =	shalt  }
0x43: {  	_ =	shalt  }
0x44: {  	_ =	shalt  }
0x45: {  	_ =	shalt  }
0x46: {  	_ =	shalt  }
0x47: {  	_ =	shalt  }
0x48: {  	_ =	shalt  }
0x49: {  	_ =	shalt  }
0x4a: {  	_ =	shalt  }
0x4b: {  	_ =	shalt  }
0x4c: {  	_ =	shalt  }
0x4d: {  	_ =	shalt  }
0x4e: {  	_ =	shalt  }
0x4f: {  	_ =	shalt  }
0x50: {  	_ =	shalt  }
0x51: {  	_ =	shalt  }
0x52: {  	_ =	shalt  }
0x53: {  	_ =	shalt  }
0x54: {  	_ =	shalt  }
0x55: {  	_ =	shalt  }
0x56: {  	_ =	shalt  }
0x57: {  	_ =	shalt  }
0x58: {  	_ =	shalt  }
0x59: {  	_ =	shalt  }
0x5a: {  	_ =	shalt  }
0x5b: {  	_ =	shalt  }
0x5c: {  	_ =	shalt  }
0x5d: {  	_ =	shalt  }
0x5e: {  	_ =	shalt  }
0x5f: {  	_ =	shalt  }
0x60: {  	_ =	shalt  }
0x61: {  	_ =	shalt  }
0x62: {  	_ =	shalt  }
0x63: {  	_ =	shalt  }
0x64: {  	_ =	shalt  }
0x65: {  	_ =	shalt  }
0x66: {  	_ =	shalt  }
0x67: {  	_ =	shalt  }
0x68: {  	_ =	shalt  }
0x69: {  	_ =	shalt  }
0x6a: {  	_ =	shalt  }
0x6b: {  	_ =	shalt  }
0x6c: {  	_ =	shalt  }
0x6d: {  	_ =	shalt  }
0x6e: {  	_ =	shalt  }
0x6f: {  	_ =	shalt  }
0x70: {  	_ =	shalt  }
0x71: {  	_ =	shalt  }
0x72: {  	_ =	shalt  }
0x73: {  	_ =	shalt  }
0x74: {  	_ =	shalt  }
0x75: {  	_ =	shalt  }
0x76: {  	_ =	shalt  }
0x77: {  	_ =	shalt  }
0x78: {  	_ =	shalt  }
0x79: {  	_ =	shalt  }
0x7a: {  	_ =	shalt  }
0x7b: {  	_ =	shalt  }
0x7c: {  	_ =	shalt  }
0x7d: {  	_ =	shalt  }
0x7e: {  	_ =	shalt  }
0x7f: {  	_ =	shalt  }
0x80: {  	_ =	shalt  }
0x81: {  	_ =	shalt  }
0x82: {  	_ =	shalt  }
0x83: {  	_ =	shalt  }
0x84: {  	_ =	shalt  }
0x85: {  	_ =	shalt  }
0x86: {  	_ =	shalt  }
0x87: {  	_ =	shalt  }
.Lfunc_end0:
.L_simem_size_0:
called_computation.6_lowered:
.L_overlay_start_0:
0x88: {  	s2 =	sld [smem:$0x3FD9]  }
0x89: {  	s3 =	sld [smem:$0x3FFE];
	_ =	sdelay $0x1  }
0x8a: {  	s1 =	srdreg.scid  }
0x8b: {  	s0 =	sand.u32 $0x1, s1  }
0x8c: {  	s15 =	sshll.u32 s0, $0xA;
	s2 =	sadd.s32 s3, s2  }
0x8d: {  	s2 =	sadd.s32 s2, s15  }
0x8e: {  	[smem:$0x3FAA] =	sst s2  }
0x8f: {  	_ = 	snop  }
0x90: {  	s2 =	sld [smem:$0x3FD0];
	_ =	sdelay $0x2  }
0x91: {  	s16 =	simm.s32 $0xB;
	s4 =	simm.s32 $0x10  }
0x92: {  	[smem:s4], [sflag:s16] =	dma.local [hbm:s2], $0x1  }
0x93: {  	_ =	swait.eq [sflag:s16], $0x1  }
0x94: {  	[sflag:s16] =	ssyncset.done $0x0  }
0x95: {  	[sflag:s16] =	ssyncadd.s32 $0xFFFFFFFF  }
0x96: {  	s17 =	sld [smem:$0x10];
	(tm) =	ssettm $0x1  }
0x97: {  	s18 =	sld [smem:$0x3FFB];
	_ =	sdelay $0x3  }
0x98: {  	_ =	strace s18  }
0x99: {  	s2 =	sld [smem:$0x3FFC];
	_ =	sdelay $0x3  }
0x9a: {  	_ =	strace s2  }
0x9b: {  	s2 =	sld [smem:$0x3FFD];
	_ =	sdelay $0x3  }
0x9c: {  	_ =	strace s2  }
0x9d: {  	_ =	strace $0x8FFFFFFF  }
0x9e: {  	s19 =	sld [smem:$0x3FDB];
	_ =	sdelay $0x1  }
0x9f: {  	s20 =	simm.s32 $_scs_section_size  }
0xa0: {  	s5 =	simm.s32 $_size__tile_overlayer_lowered;
	s6 =	simm.s32 $_tile_overlayer_lowered  }
0xa1: {  	s7 =	simm.s32 $0x1BFF;
	s21 =	sshll.u32 s6, $0x1;
	s4 =	sadd.s32 s20, s19  }
0xa2: {  	s22 =	simm.s32 $0x0;
	s5 =	sshll.u32 s5, $0x1;
	s6 =	sadd.s32 s21, s4  }
0xa3: {  	[timem:s22], [sflag:s7] =	dma.local [hbm:s6], s5  }
0xa4: {  	_ =	swait.ge [sflag:s7], s5  }
0xa5: {  	s5 =	ssub.s32 $0x0, s5;
	[sflag:s7] =	ssyncset.done $0x0  }
0xa6: {  	[sflag:s7] =	ssyncadd.s32 s5;
	_ =	sdelay $0x1  }
0xa7: {  	s23 =	simm.s32 $0x1B8B  }
0xa8: {  	_ =	swait.ge [sflag:s23], $0x1  }
0xa9: {  	[sflag:s23] =	ssyncset.done $0x0  }
0xaa: {  	[sflag:s23] =	ssyncadd.s32 $0xFFFFFFFF  }
0xab: {  	s5 =	sld [smem:$0x0]  }
0xac: {  	s6 =	sand.u32 $0xFFFFFFFE, s1  }
0xad: {  	p0 =	sne.s32 s1, s6  }
0xae: {  	s6 =	sshll.u32 @p0 s6, $0xE  }
0xaf: {  	s6 =	sadd.s32 @p0 $0x11B8D, s6;
	s7 =	sshll.u32 @p0 s5, $0x11  }
0xb0: {  	s6 =	sor.u32 @p0 s7, s6  }
0xb1: {  	[sflag:s6] =	ssyncadd.remote.s32 @p0 $0x1;
	_ =	sdelay $0x1  }
0xb2: {  	s6 =	simm.s32 @p0 $0x1B8D  }
0xb3: {  	_ =	swait.eq @p0 [sflag:s6], $0x1  }
0xb4: {  	[sflag:s6] =	ssyncadd.s32 @p0 $0xFFFFFFFF  }
0xb5: {  	s7 =	sshll.u32 @!p0 s1, $0xE  }
0xb6: {  	s7 =	sor.u32 @!p0 $0x4000, s7;
	s6 =	simm.s32 @!p0 $0x1B8D  }
0xb7: {  	s5 =	sshll.u32 @!p0 s5, $0x11;
	s7 =	sadd.s32 @!p0 $0x11B8D, s7;
	_ =	swait.eq @!p0 [sflag:s6], $0x1  }
0xb8: {  	s5 =	sor.u32 @!p0 s5, s7;
	[sflag:s6] =	ssyncadd.s32 @!p0 $0xFFFFFFFF  }
0xb9: {  	s25 =	simm.s32 $0x1B8E;
	s24 =	sld [smem:$0x3FFE];
	[sflag:s5] =	ssyncadd.remote.s32 @!p0 $0x1  }
0xba: {  	s26 =	simm.s32 $execute0_lowered;
	[smem:$0x3FD2] =	sst s25  }
0xbb: {  	s6 =	sshll.u32 s26, $0x1;
	_ =	strace $0x80000055;
	[dreg:$0x1] =	wrdreg $0xFFFFFFFF  }
0xbc: {  	s28 =	simm.s32 $_size_execute0_lowered;
	s4 =	sadd.s32 s4, s6;
	[dreg:$0x0] =	wrdreg $0x0  }
0xbd: {  	s6 =	sshll.u32 s28, $0x1;
	[dreg:$0x2] =	wrdreg s4  }
0xbe: {  	[dreg:$0x3] =	wrdreg s6  }
0xbf: {  	[dreg:$0x4] =	wrdreg $0xC0  }
0xc0: {  	_ =	task [dreg:s22], $0x5FFFF  }
0xc1: {  	[dreg:$0x1] =	wrdreg $0xFFFFFFFF  }
0xc2: {  	[dreg:$0x0] =	wrdreg $0x60  }
0xc3: {  	[dreg:$0x2] =	wrdreg s24  }
0xc4: {  	[dreg:$0x3] =	wrdreg s17  }
0xc5: {  	[dreg:$0x4] =	wrdreg $0xA1000  }
0xc6: {  	[dreg:$0x5] =	wrdreg $0xA  }
0xc7: {  	_ =	task.clear_ibuf [dreg:s22], $0x6FFFF;
	_ =	strace $0x90000055  }
0xc8: {  	s29 =	simm.s32 $0xA;
	_ =	strace $0x80000057  }
0xc9: {  	_ =	swait.ge [sflag:s29], $0x1  }
0xca: {  	[sflag:s29] =	ssyncadd.s32 $0xFFFFFFFF  }
0xcb: {  	_ =	strace $0x90000057  }
0xcc: {  	_ =	sfence  }
0xcd: {  	s30 =	sld [smem:$0x0];
	_ =	sdelay $0x2  }
0xce: {  	s31 =	sshll.u32 s1, $0xD;
	s1 =	sshrl.u32 s1, $0x2  }
0xcf: {  	s4 =	sand.u32 $0x4000, s31;
	s1 =	sadd.s32 s1, s30  }
0xd0: {  	s0 =	sor.u32 s4, s0;
	s1 =	sshll.u32 s1, $0x11  }
0xd1: {  	s0 =	sor.u32 s1, s0  }
0xd2: {  	s0 =	sadd.s32 $0x8F2B, s0  }
0xd3: {  	[sflag:s0] =	ssyncadd.remote.s32 $0x1  }
0xd4: {  	_ =	sfence.sel $0xFFFF  }
0xd5: {  	[dreg:$0x0] =	wrdreg $0xFFFFFFFF;
	(pc) =	sbr.abs _section_cstart, $3  }
0xd6: {  	[dreg:$0x1] =	wrdreg $0xFFFFFFFF  }
0xd7: {  	_ =	task.clear_ibuf [dreg:s22], $0x2FFFF;
	_ =	strace $0x9FFFFFFF  }
0xd8: {  	(tm) =	ssettm $0x7FFFFFFF  }
0xd9: {  	_ =	shalt  }
tec
execute0_lowered:
.L_overlay_start_1:
0x0: {  	(tag) =	ssettag $0x1  }
0x1: {  	s4 =	rddreg [dreg:$0x0]  }
0x2: {  	s2 =	rddreg [dreg:$0x1]  }
0x3: {  	s0 =	rddreg [dreg:$0x2];
	s5 =	stileid.u32  }
0x4: {  	s6 =	srdreg.scid;
	s1 =	simm.s32 $0x0;
	s3 =	smul.u32 $0x27100, s5  }
0x5: {  	s30 =	simm.s32 $0x1;
	s31 =	simm.s32 $0x100;
	s7 =	smul.u32 $0x4E2, s5  }
0x6: {  	s6 =	sand.u32 $0x1, s6;
	s9 =	smul.u32 $0x270, s5;
	[smem:$0x7FF] =	sst s1  }
0x7: {  	p1 =	sne.s32 s5, $0x0;
	s29 =	sadd.s32 $0x138000, s0;
	s8 =	ssub.s32 $0x2, s6  }
0x8: {  	p0 =	seq.s32 s6, $0x1;
	s3 =	sadd.s32 s3, s4;
	s7 =	sadd.s32 s7, s4  }
0x9: {  	s4 =	sadd.s32 $0x9F7600, s4;
	s10 =	sshrl.u32 s8, $0x1;
	s11 =	sadd.s32 $0x68, s9  }
0xa: {  	s15 =	sadd.s32 $0xD0, s9;
	s16 =	sadd.s32 $0x138, s9;
	s19 =	sadd.s32 $0x1A0, s9  }
0xb: {  	s20 =	sadd.s32 $0x208, s9;
	s25 =	ssub.s32 s8, s10;
	s10 =	smul.u32 $0x13800, s5  }
0xc: {  	s12 =	sshll.u32 s11, $0x7;
	s14 =	sshll.u32 s15, $0x7;
	s8 =	smul.u32 $0x138800, s6  }
0xd: {  	s17 =	sshll.u32 s16, $0x7;
	s18 =	sshll.u32 s19, $0x7;
	s21 =	sshll.u32 s20, $0x7  }
0xe: {  	s28 =	sadd.s32 $0xA9DA00, s3;
	s25 =	smax.u32 s25, $0x1;
	s26 =	sadd.s32 s10, s8  }
0xf: {  	s13 =	sadd.s32 s8, s12;
	s23 =	sadd.s32 s8, s14;
	s24 =	sadd.s32 s8, s17  }
0x10: {  	s10 =	sshrl.u32 s10, $0x3;
	s12 =	sadd.s32 s12, s0;
	s14 =	sadd.s32 s14, s0  }
0x11: {  	s9 =	sshrl.u32 s26, $0x3;
	s13 =	sshrl.u32 s13, $0x3;
	s26 =	sadd.s32 s8, s18  }
0x12: {  	s10 =	sadd.s32 s2, s10;
	s18 =	sadd.s32 s18, s0;
	s6 =	sadd.s32 s4, s9  }
0x13: {  	s22 =	sadd.s32 s4, s13;
	s9 =	sshrl.u32 s24, $0x3;
	[dreg:$0x4] =	wrdreg s6  }
0x14: {  	s24 =	sadd.s32 s8, s21;
	s13 =	sshll.u32 s11, $0x4;
	[dreg:$0x5] =	wrdreg s22  }
0x15: {  	s6 =	sshrl.u32 s23, $0x3;
	s22 =	sshrl.u32 s26, $0x3;
	s26 =	sshrl.u32 s8, $0x3  }
0x16: {  	s8 =	smul.u32 $0x4E000, s5;
	s5 =	sshll.u32 s5, $0x6;
	s13 =	sadd.s32 s2, s13  }
0x17: {  	s6 =	sadd.s32 s4, s6;
	s23 =	sadd.s32 s4, s22;
	s11 =	sor.u32 $0x1C01, s5  }
0x18: {  	s22 =	sshll.u32 s15, $0x4;
	[dreg:$0x6] =	wrdreg s6;
	s6 =	sadd.s32 s4, s9  }
0x19: {  	[dreg:$0x8] =	wrdreg s23;
	s9 =	sshrl.u32 s8, $0x2;
	s23 =	sshll.u32 s16, $0x4  }
0x1a: {  	s15 =	sadd.s32 s2, s22;
	s16 =	sadd.s32 s17, s0;
	s22 =	sadd.s32 $0x27000, s2  }
0x1b: {  	[dreg:$0x7] =	wrdreg s6;
	s6 =	sshrl.u32 s24, $0x3;
	s9 =	sadd.s32 s9, s0  }
0x1c: {  	s17 =	sadd.s32 s2, s23;
	s24 =	sshll.u32 s19, $0x4;
	s6 =	sadd.s32 s4, s6  }
.Ltmp0:
0x1d: {  	s4 =	sadd.s32 s4, s26;
	s26 =	sshll.u32 s20, $0x4;
	(pc) =	sbr.rel .LBB2_1-.Ltmp0, $4  }
0x1e: {  	s19 =	sadd.s32 s2, s24;
	s20 =	sadd.s32 s21, s0;
	s24 =	sadd.s32 $0x7400, s7  }
0x1f: {  	s7 =	simm.s32 $0xC8;
	[dreg:$0x9] =	wrdreg s6;
	s21 =	sadd.s32 s2, s26  }
0x20: {  	s23 =	sadd.s32 $0x27000, s4;
	s26 =	sadd.s32 $0x786600, s3;
	s2 =	simm.s32 $0x6500  }
0x21: {  	s3 =	simm.s32 $0x0;
	_ =	strace $0x80000056;
	[dreg:$0xa] =	wrdreg s10  }
.LBB2_7:
0x22: {  	s5 =	sadd.s32 s5, s24;
	[sflag:s30] =	ssyncadd.s32 $0xFFFF9C00  }
0x23: {  	[tilespmem:s1], [sflag:$0x1] =	stream.linear.gather [hbm4b:s5+s1], $0xC8, $0x38;
	[tilespmem:$0x1D980] =	vst v63  }
0x24: {  	_ =	swait.ge [sflag:s30], $0xC8  }
0x25: {  	[sflag:s30] =	ssyncset.done $0x0  }
0x26: {  	[sflag:s30] =	ssyncadd.s32 $0xFFFFFF38  }
0x27: {  	[tilespmem:s31], [sflag:$0x1] =	stream.linear.gather [hbm4b:s4+s1], $0x6400, $0x38;
	[tilespmem:$0x1D980] =	vst v63  }
0x28: {  	_ =	swait.ge [sflag:s30], $0x6400  }
0x29: {  	[sflag:s30] =	ssyncset.done $0x0  }
0x2a: {  	[sflag:s30] =	ssyncadd.s32 $0xFFFF9C00  }
0x2b: {  	[spmem:s0] =	stream.indirect.scatter.add.f32 [tilespmem:s31], [sflag:$0x1], $0x80, s1, s7, $0xb8;
	[tilespmem:$0x1D980] =	vst v63  }
0x2c: {  	_ =	swait.ge [sflag:s30], $0x6400  }
0x2d: {  	[sflag:s30] =	ssyncset.done $0x0  }
0x2e: {  	[sflag:s30] =	ssyncadd.s32 $0xFFFF9C00  }
.LBB2_8:
0x2f: {  	[bflag:$0x0] =	sbarrier.arrive $0xFFFF  }
0x30: {  	[tilespmem:s2], [sflag:$0x1] =	stream.linear.gather [spmem:s9], $0x3400, $0x38;
	[tilespmem:$0x1D980] =	vst v63  }
0x31: {  	_ =	swait.ge [sflag:s30], $0x3400  }
0x32: {  	[sflag:s30] =	ssyncset.done $0x0  }
0x33: {  	s4 =	rddreg [dreg:$0x4];
	[sflag:s30] =	ssyncadd.s32 $0xFFFFCC00  }
0x34: {  	[hbm4b:s4+s1] =	stream.linear.scatter [tilespmem:s2], [sflag:$0x1], $0x3400, $0x38;
	[tilespmem:$0x1D980] =	vst v63  }
0x35: {  	_ =	swait.ge [sflag:s30], $0x3400  }
0x36: {  	[sflag:s30] =	ssyncset.done $0x0  }
0x37: {  	[sflag:s30] =	ssyncadd.s32 $0xFFFFCC00  }
0x38: {  	[tilespmem:s2], [sflag:$0x1] =	stream.linear.gather [spmem:s12], $0x3400, $0x38;
	[tilespmem:$0x1D980] =	vst v63  }
0x39: {  	_ =	swait.ge [sflag:s30], $0x3400  }
0x3a: {  	[sflag:s30] =	ssyncset.done $0x0  }
0x3b: {  	s10 =	rddreg [dreg:$0x5];
	[sflag:s30] =	ssyncadd.s32 $0xFFFFCC00  }
0x3c: {  	[hbm4b:s10+s1] =	stream.linear.scatter [tilespmem:s2], [sflag:$0x1], $0x3400, $0x38;
	[tilespmem:$0x1D980] =	vst v63  }
0x3d: {  	_ =	swait.ge [sflag:s30], $0x3400  }
0x3e: {  	[sflag:s30] =	ssyncset.done $0x0  }
0x3f: {  	[sflag:s30] =	ssyncadd.s32 $0xFFFFCC00  }
0x40: {  	[tilespmem:s2], [sflag:$0x1] =	stream.linear.gather [spmem:s14], $0x3400, $0x38;
	[tilespmem:$0x1D980] =	vst v63  }
0x41: {  	_ =	swait.ge [sflag:s30], $0x3400  }
0x42: {  	[sflag:s30] =	ssyncset.done $0x0  }
0x43: {  	s5 =	rddreg [dreg:$0x6];
	[sflag:s30] =	ssyncadd.s32 $0xFFFFCC00  }
0x44: {  	[hbm4b:s5+s1] =	stream.linear.scatter [tilespmem:s2], [sflag:$0x1], $0x3400, $0x38;
	[tilespmem:$0x1D980] =	vst v63  }
0x45: {  	_ =	swait.ge [sflag:s30], $0x3400  }
0x46: {  	[sflag:s30] =	ssyncset.done $0x0  }
0x47: {  	[sflag:s30] =	ssyncadd.s32 $0xFFFFCC00  }
0x48: {  	[tilespmem:s2], [sflag:$0x1] =	stream.linear.gather [spmem:s16], $0x3400, $0x38;
	[tilespmem:$0x1D980] =	vst v63  }
0x49: {  	_ =	swait.ge [sflag:s30], $0x3400  }
0x4a: {  	[sflag:s30] =	ssyncset.done $0x0  }
0x4b: {  	s6 =	rddreg [dreg:$0x7];
	[sflag:s30] =	ssyncadd.s32 $0xFFFFCC00  }
0x4c: {  	[hbm4b:s6+s1] =	stream.linear.scatter [tilespmem:s2], [sflag:$0x1], $0x3400, $0x38;
	[tilespmem:$0x1D980] =	vst v63  }
0x4d: {  	_ =	swait.ge [sflag:s30], $0x3400  }
0x4e: {  	[sflag:s30] =	ssyncset.done $0x0  }
0x4f: {  	[sflag:s30] =	ssyncadd.s32 $0xFFFFCC00  }
0x50: {  	[tilespmem:s2], [sflag:$0x1] =	stream.linear.gather [spmem:s18], $0x3400, $0x38;
	[tilespmem:$0x1D980] =	vst v63  }
0x51: {  	_ =	swait.ge [sflag:s30], $0x3400  }
0x52: {  	[sflag:s30] =	ssyncset.done $0x0  }
0x53: {  	s8 =	rddreg [dreg:$0x8];
	[sflag:s30] =	ssyncadd.s32 $0xFFFFCC00  }
0x54: {  	[hbm4b:s8+s1] =	stream.linear.scatter [tilespmem:s2], [sflag:$0x1], $0x3400, $0x38;
	[tilespmem:$0x1D980] =	vst v63  }
0x55: {  	_ =	swait.ge [sflag:s30], $0x3400  }
0x56: {  	[sflag:s30] =	ssyncset.done $0x0  }
0x57: {  	[sflag:s30] =	ssyncadd.s32 $0xFFFFCC00  }
0x58: {  	[tilespmem:s2], [sflag:$0x1] =	stream.linear.gather [spmem:s20], $0x3400, $0x38;
	[tilespmem:$0x1D980] =	vst v63  }
0x59: {  	_ =	swait.ge [sflag:s30], $0x3400  }
0x5a: {  	[sflag:s30] =	ssyncset.done $0x0  }
0x5b: {  	s10 =	rddreg [dreg:$0x9];
	[sflag:s30] =	ssyncadd.s32 $0xFFFFCC00  }
0x5c: {  	[hbm4b:s10+s1] =	stream.linear.scatter [tilespmem:s2], [sflag:$0x1], $0x3400, $0x38;
	[tilespmem:$0x1D980] =	vst v63  }
0x5d: {  	_ =	swait.ge [sflag:s30], $0x3400  }
0x5e: {  	[sflag:s30] =	ssyncset.done $0x0  }
0x5f: {  	s4 =	simm.s32 @!p1 $0x9900;
	s5 =	simm.s32 @!p1 $0x1;
	[sflag:s30] =	ssyncadd.s32 $0xFFFFCC00  }
0x60: {  	[tilespmem:s4], [sflag:$0x1] =	stream.linear.gather @!p1 [spmem:s29], $0x800, $0x38;
	[tilespmem:$0x1D980] =	vst v63  }
0x61: {  	s3 =	sadd.s32 $0x1, s3;
	_ =	swait.ge @!p1 [sflag:s5], $0x800  }
0x62: {  	p2 =	sne.s32 s3, s25;
	[sflag:s5] =	ssyncset.done @!p1 $0x0  }
.Ltmp1:
0x63: {  	s6 =	simm.s32 @!p1 $0x0;
	[sflag:s5] =	ssyncadd.s32 @!p1 $0xFFFFF800;
	(pc) =	sbr.rel @!p2 .LBB2_9-.Ltmp1, $4  }
0x64: {  	[hbm4b:s23+s6] =	stream.linear.scatter @!p1 [tilespmem:s4], [sflag:$0x1], $0x800, $0x38;
	[tilespmem:$0x1D980] =	vst v63  }
0x65: {  	_ =	swait.ge @!p1 [sflag:s5], $0x800  }
0x66: {  	[sflag:s5] =	ssyncset.done @!p1 $0x0  }
0x67: {  	[sflag:s5] =	ssyncadd.s32 @!p1 $0xFFFFF800  }
.LBB2_1:
0x68: {  	s4 =	sshrl.u32 s9, $0x3;
	s5 =	rddreg [dreg:$0xa]  }
0x69: {  	[spmem:s4], [sflag:s11] =	dma.local [hbm:s5], $0x680  }
0x6a: {  	_ =	swait.ge [sflag:s30], $0x680  }
0x6b: {  	[sflag:s30] =	ssyncset.done $0x0  }
0x6c: {  	s10 =	sshrl.u32 s12, $0x3;
	[sflag:s30] =	ssyncadd.s32 $0xFFFFF980  }
0x6d: {  	[spmem:s10], [sflag:s11] =	dma.local [hbm:s13], $0x680  }
0x6e: {  	_ =	swait.ge [sflag:s30], $0x680  }
0x6f: {  	[sflag:s30] =	ssyncset.done $0x0  }
0x70: {  	s5 =	sshrl.u32 s14, $0x3;
	[sflag:s30] =	ssyncadd.s32 $0xFFFFF980  }
0x71: {  	[spmem:s5], [sflag:s11] =	dma.local [hbm:s15], $0x680  }
0x72: {  	_ =	swait.ge [sflag:s30], $0x680  }
0x73: {  	[sflag:s30] =	ssyncset.done $0x0  }
0x74: {  	s6 =	sshrl.u32 s16, $0x3;
	[sflag:s30] =	ssyncadd.s32 $0xFFFFF980  }
0x75: {  	[spmem:s6], [sflag:s11] =	dma.local [hbm:s17], $0x680  }
0x76: {  	_ =	swait.ge [sflag:s30], $0x680  }
0x77: {  	[sflag:s30] =	ssyncset.done $0x0  }
0x78: {  	s8 =	sshrl.u32 s18, $0x3;
	[sflag:s30] =	ssyncadd.s32 $0xFFFFF980  }
0x79: {  	[spmem:s8], [sflag:s11] =	dma.local [hbm:s19], $0x680  }
0x7a: {  	_ =	swait.ge [sflag:s30], $0x680  }
0x7b: {  	[sflag:s30] =	ssyncset.done $0x0  }
0x7c: {  	s10 =	sshrl.u32 s20, $0x3;
	[sflag:s30] =	ssyncadd.s32 $0xFFFFF980  }
0x7d: {  	[spmem:s10], [sflag:s11] =	dma.local [hbm:s21], $0x680  }
0x7e: {  	_ =	swait.ge [sflag:s30], $0x680  }
0x7f: {  	[sflag:s30] =	ssyncset.done $0x0  }
0x80: {  	s4 =	sshrl.u32 @!p1 s29, $0x3;
	[sflag:s30] =	ssyncadd.s32 $0xFFFFF980  }
0x81: {  	[spmem:s4], [sflag:s11] =	dma.local @!p1 [hbm:s22], $0x100  }
0x82: {  	s4 =	simm.s32 @!p1 $0x1  }
.Ltmp2:
0x83: {  	_ =	swait.ge @!p1 [sflag:s4], $0x100;
	(pc) =	sbr.rel @!p0 .LBB2_2-.Ltmp2, $4  }
0x84: {  	[sflag:s4] =	ssyncset.done @!p1 $0x0  }
0x85: {  	[sflag:s4] =	ssyncadd.s32 @!p1 $0xFFFFFF00  }
0x86: {  	[bflag:$0x0] =	sbarrier.arrive $0xFFFF  }
0x87: {  	s4 =	sadd.s32 $0x0, s24  }
0x88: {  	[tilespmem:s1], [sflag:$0x1] =	stream.linear.gather [hbm4b:s4+s1], $0xC8, $0x38;
	[tilespmem:$0x1D980] =	vst v63  }
0x89: {  	_ =	swait.ge [sflag:s30], $0xC8  }
0x8a: {  	[sflag:s30] =	ssyncset.done $0x0  }
0x8b: {  	[sflag:s30] =	ssyncadd.s32 $0xFFFFFF38  }
0x8c: {  	[tilespmem:s31], [sflag:$0x1] =	stream.linear.gather [hbm4b:s28+s1], $0x6400, $0x38;
	[tilespmem:$0x1D980] =	vst v63  }
0x8d: {  	_ =	swait.ge [sflag:s30], $0x6400  }
0x8e: {  	[sflag:s30] =	ssyncset.done $0x0  }
0x8f: {  	[sflag:s30] =	ssyncadd.s32 $0xFFFF9C00  }
0x90: {  	[spmem:s0] =	stream.indirect.scatter.add.f32 [tilespmem:s31], [sflag:$0x1], $0x80, s1, s7, $0xb8;
	[tilespmem:$0x1D980] =	vst v63  }
0x91: {  	s5 =	simm.s32 $0x19;
	_ =	swait.ge [sflag:s30], $0x6400  }
0x92: {  	s6 =	simm.s32 $0x32;
	s4 =	sadd.s32 $0xC80, s28;
	[sflag:s30] =	ssyncset.done $0x0  }
.LBB2_6:
0x93: {  	s8 =	sadd.s32 s5, s24  }
0x94: {  	[sflag:s30] =	ssyncadd.s32 $0xFFFF9C00;
	s5 =	smov.u32 s6;
	s10 =	sadd.s32 $0x19, s6  }
0x95: {  	[tilespmem:s1], [sflag:$0x1] =	stream.linear.gather [hbm4b:s8+s1], $0xC8, $0x38;
	[tilespmem:$0x1D980] =	vst v63  }
0x96: {  	p2 =	sne.s32 s6, $0x4C9;
	_ =	swait.ge [sflag:s30], $0xC8  }
0x97: {  	[sflag:s30] =	ssyncset.done $0x0  }
0x98: {  	[sflag:s30] =	ssyncadd.s32 $0xFFFFFF38  }
0x99: {  	[tilespmem:s31], [sflag:$0x1] =	stream.linear.gather [hbm4b:s4+s1], $0x6400, $0x38;
	[tilespmem:$0x1D980] =	vst v63  }
0x9a: {  	_ =	swait.ge [sflag:s30], $0x6400  }
.Ltmp3:
0x9b: {  	[sflag:s30] =	ssyncset.done $0x0;
	(pc) =	sbr.rel @p2 .LBB2_6-.Ltmp3, $4  }
0x9c: {  	[sflag:s30] =	ssyncadd.s32 $0xFFFF9C00  }
0x9d: {  	[spmem:s0] =	stream.indirect.scatter.add.f32 [tilespmem:s31], [sflag:$0x1], $0x80, s1, s7, $0xb8;
	[tilespmem:$0x1D980] =	vst v63  }
0x9e: {  	_ =	swait.ge [sflag:s30], $0x6400  }
0x9f: {  	s6 =	smov.u32 s10;
	s4 =	sadd.s32 $0xC80, s4;
	[sflag:s30] =	ssyncset.done $0x0  }
.Ltmp4:
0xa0: {  	_ = 	snop;
	(pc) =	sbr.rel .LBB2_7-.Ltmp4, $1  }
0xa1: {  	_ =	sdelay $0x3  }
.LBB2_2:
0xa2: {  	[tilespmem:s1], [sflag:$0x1] =	stream.linear.gather [hbm4b:s4+s1], $0xC8, $0x38;
	[tilespmem:$0x1D980] =	vst v63  }
0xa3: {  	_ =	swait.ge [sflag:s30], $0xC8  }
0xa4: {  	[sflag:s30] =	ssyncset.done $0x0  }
0xa5: {  	[sflag:s30] =	ssyncadd.s32 $0xFFFFFF38  }
0xa6: {  	[tilespmem:s31], [sflag:$0x1] =	stream.linear.gather [hbm4b:s26+s1], $0x6400, $0x38;
	[tilespmem:$0x1D980] =	vst v63  }
0xa7: {  	_ =	swait.ge [sflag:s30], $0x6400  }
0xa8: {  	[sflag:s30] =	ssyncset.done $0x0  }
0xa9: {  	[sflag:s30] =	ssyncadd.s32 $0xFFFF9C00  }
0xaa: {  	[spmem:s0] =	stream.indirect.scatter.add.f32 [tilespmem:s31], [sflag:$0x1], $0x80, s1, s7, $0xb8;
	[tilespmem:$0x1D980] =	vst v63  }
0xab: {  	s5 =	simm.s32 $0x19;
	_ =	swait.ge [sflag:s30], $0x6400  }
0xac: {  	s6 =	simm.s32 $0x32;
	s4 =	sadd.s32 $0xC80, s26;
	[sflag:s30] =	ssyncset.done $0x0  }
.LBB2_3:
0xad: {  	s8 =	sadd.s32 s5, s24  }
0xae: {  	[sflag:s30] =	ssyncadd.s32 $0xFFFF9C00;
	s5 =	smov.u32 s6;
	s10 =	sadd.s32 $0x19, s6  }
0xaf: {  	[tilespmem:s1], [sflag:$0x1] =	stream.linear.gather [hbm4b:s8+s1], $0xC8, $0x38;
	[tilespmem:$0x1D980] =	vst v63  }
0xb0: {  	p2 =	seq.s32 s6, $0x4C9;
	_ =	swait.ge [sflag:s30], $0xC8  }
0xb1: {  	[sflag:s30] =	ssyncset.done $0x0  }
0xb2: {  	[sflag:s30] =	ssyncadd.s32 $0xFFFFFF38  }
0xb3: {  	[tilespmem:s31], [sflag:$0x1] =	stream.linear.gather [hbm4b:s4+s1], $0x6400, $0x38;
	[tilespmem:$0x1D980] =	vst v63  }
0xb4: {  	_ =	swait.ge [sflag:s30], $0x6400  }
.Ltmp5:
0xb5: {  	[sflag:s30] =	ssyncset.done $0x0;
	(pc) =	sbr.rel @!p2 .LBB2_3-.Ltmp5, $4  }
0xb6: {  	[sflag:s30] =	ssyncadd.s32 $0xFFFF9C00  }
0xb7: {  	[spmem:s0] =	stream.indirect.scatter.add.f32 [tilespmem:s31], [sflag:$0x1], $0x80, s1, s7, $0xb8;
	[tilespmem:$0x1D980] =	vst v63  }
0xb8: {  	_ =	swait.ge [sflag:s30], $0x6400  }
0xb9: {  	s6 =	smov.u32 s10;
	s4 =	sadd.s32 $0xC80, s4;
	[sflag:s30] =	ssyncset.done $0x0  }
0xba: {  	s5 =	sadd.s32 s5, s24;
	[sflag:s30] =	ssyncadd.s32 $0xFFFF9C00  }
0xbb: {  	[tilespmem:s1], [sflag:$0x1] =	stream.linear.gather [hbm4b:s5+s1], $0xC8, $0x38;
	[tilespmem:$0x1D980] =	vst v63  }
0xbc: {  	_ =	swait.ge [sflag:s30], $0xC8  }
0xbd: {  	[sflag:s30] =	ssyncset.done $0x0  }
0xbe: {  	[sflag:s30] =	ssyncadd.s32 $0xFFFFFF38  }
0xbf: {  	[tilespmem:s31], [sflag:$0x1] =	stream.linear.gather [hbm4b:s4+s1], $0x6400, $0x38;
	[tilespmem:$0x1D980] =	vst v63  }
0xc0: {  	_ =	swait.ge [sflag:s30], $0x6400  }
0xc1: {  	[sflag:s30] =	ssyncset.done $0x0  }
.Ltmp6:
0xc2: {  	[sflag:s30] =	ssyncadd.s32 $0xFFFF9C00;
	(pc) =	sbr.rel .LBB2_8-.Ltmp6, $4  }
0xc3: {  	[spmem:s0] =	stream.indirect.scatter.add.f32 [tilespmem:s31], [sflag:$0x1], $0x80, s1, s7, $0xb8;
	[tilespmem:$0x1D980] =	vst v63  }
0xc4: {  	_ =	swait.ge [sflag:s30], $0x6400  }
0xc5: {  	[sflag:s30] =	ssyncset.done $0x0  }
0xc6: {  	[sflag:s30] =	ssyncadd.s32 $0xFFFF9C00  }
.LBB2_9:
0xc7: {  	_ =	sfence.sel $0x180000  }
0xc8: {  	[bflag:$0x0] =	sbarrier.arrive $0xFFFF  }
0xc9: {  	_ =	strace $0x90000056  }
0xca: {  	[bflag:$0x2] =	sbarrier.arrive $0xFFFF  }
0xcb: {  	s0 =	rddreg [dreg:$0x3]  }
0xcc: {  	s0 =	sadd.s32 @!p1 $0x100000, s0  }
0xcd: {  	[sflag:s0] =	ssyncadd.tile.s32 @!p1 $0x1;
	_ =	shalt  }
.Lfunc_end2:
_tile_overlayer_lowered:
.L_overlay_start_2:
0xce: {  	(tag) =	ssettag $0x2  }
0xcf: {  	s0 =	rddreg [dreg:$0x0];
	s2 =	stileid.u32  }
0xd0: {  	s1 =	rddreg [dreg:$0x1];
	p0 =	sne.s32 s2, $0x0  }
0xd1: {  	s3 =	rddreg [dreg:$0x2];
	[bflag:$0x3] =	sbarrier.arrive $0xFFFF;
	s2 =	simm.s32 @!p0 $0x1C01  }
0xd2: {  	[timem:s3], [sflag:s2] =	dma.local @!p0 [hbm:s0], s1  }
0xd3: {  	s0 =	simm.s32 @!p0 $0x1  }
0xd4: {  	_ =	swait.ge @!p0 [sflag:s0], s1  }
0xd5: {  	s1 =	ssub.s32 @!p0 $0x0, s1;
	[sflag:s0] =	ssyncset.done @!p0 $0x0  }
0xd6: {  	[sflag:s0] =	ssyncadd.s32 @!p0 s1  }
0xd7: {  	[bflag:$0x3] =	sbarrier.arrive $0xFFFF  }
0xd8: {  	_ =	shalt  }

</sc_bundles>
